<compile_context>
chip_gen: v7x
topology: tpu7x:2x2x1
jax: 0.10.2.dev20260603
libtpu: 0.0.44.dev20260713+nightly
codegen_flags: <defaults>
</compile_context>

<pallas_src>
import functools
import jax
import jax.numpy as jnp
from jax import lax
from jax.experimental import pallas as pl
from jax.experimental.pallas import tpu as pltpu
from jax.experimental.pallas import tpu_sc as plsc

N = 16
N_S = 64
N_A = 8
N_H = 64
N_FC = 64

_F32 = jnp.float32
_GBASE = (0, 16, 32, 48, 128, 144, 160, 176, 192, 208, 224, 240)


def _sig(x):
    return 1.0 / (1.0 + jnp.exp(-x))


def _tanh(x):
    return 2.0 / (1.0 + jnp.exp(-2.0 * x)) - 1.0


def _sc_kernel(ob_h, fp_h, WxT_h, WpT_h, WihT_h, Whd_h,
               head_o, states_o,
               ob_v, fp_v, WxT_v, WpT_v, WihT_v, Whd_v,
               x_v, p_v, s_v, hv, sv2, sem):
    nc = 2
    wid = lax.axis_index("s") * nc + lax.axis_index("c")

    @pl.when(wid < N)
    def _():
        n = wid
        nm1 = lax.rem(n + N - 1, N)
        np1 = lax.rem(n + 1, N)

        cps = [
            pltpu.make_async_copy(ob_h, ob_v, sem.at[0]),
            pltpu.make_async_copy(fp_h, fp_v.at[pl.ds(0, N * N_A)],
                                  sem.at[1]),
            pltpu.make_async_copy(WxT_h.at[n], WxT_v, sem.at[2]),
            pltpu.make_async_copy(WpT_h.at[n], WpT_v, sem.at[3]),
            pltpu.make_async_copy(WihT_h.at[n], WihT_v, sem.at[4]),
            pltpu.make_async_copy(Whd_h.at[n], Whd_v, sem.at[5]),
        ]
        for cp in cps:
            cp.start()

        riota = lax.iota(jnp.int32, 16)
        zero = jnp.zeros((16,), _F32)

        cps[0].wait()
        cps[1].wait()
        for c in range(4):
            x_v[pl.ds(c * 16, 16)] = ob_v[pl.ds(n * N_S + c * 16, 16)]
            x_v[pl.ds(64 + c * 16, 16)] = ob_v[pl.ds(nm1 * N_S + c * 16, 16)]
            x_v[pl.ds(128 + c * 16, 16)] = ob_v[pl.ds(np1 * N_S + c * 16, 16)]
        p_v[pl.ds(0, 16)] = fp_v[pl.ds(nm1 * N_A, 16)]
        p_v[pl.ds(8, 16)] = fp_v[pl.ds(np1 * N_A, 16)]
        p = p_v[pl.ds(0, 16)]

        cps[2].wait()

        def s_body(c, carry):
            xc = x_v[pl.ds(c * 16, 16)]
            for ll in range(16):
                xj = xc[ll]
                base = (c * 16 + ll) * N_FC
                carry = tuple(
                    carry[k] + WxT_v[pl.ds(base + k * 16, 16)] * xj
                    for k in range(4))
            return carry

        sx = lax.fori_loop(0, 12, s_body, (zero,) * 4)

        cps[3].wait()
        sp = [zero] * 4
        for ll in range(16):
            pj = p[ll]
            base = ll * N_FC
            sp = [sp[k] + WpT_v[pl.ds(base + k * 16, 16)] * pj
                  for k in range(4)]

        for k in range(4):
            s_v[pl.ds(k * 16, 16)] = (jnp.maximum(sx[k], 0.0)
                                      + jnp.maximum(sp[k], 0.0))

        cps[4].wait()

        def g_body(c, carry):
            sc = s_v[pl.ds(c * 16, 16)]
            for ll in range(16):
                sj = sc[ll]
                base = (c * 16 + ll) * (4 * N_H)
                carry = tuple(
                    carry[k] + WihT_v[pl.ds(base + _GBASE[k], 16)] * sj
                    for k in range(12))
            return carry

        g = lax.fori_loop(0, 4, g_body, (zero,) * 12)

        h_ch = []
        for k in range(4):
            c_new = _sig(g[k]) * _tanh(g[4 + k])
            h_new = _sig(g[8 + k]) * _tanh(c_new)
            h_ch.append(h_new)
            sv2[pl.ds(k * 16, 16)] = h_new
            sv2[pl.ds(64 + k * 16, 16)] = c_new

        cps[5].wait()
        head = zero
        for c in range(4):
            for ll in range(16):
                hj = h_ch[c][ll]
                head = head + Whd_v[pl.ds((c * 16 + ll) * 16, 16)] * hj

        ls = [head[a] for a in range(N_A)]
        mx = ls[0]
        for a in range(1, N_A):
            mx = jnp.maximum(mx, ls[a])
        e = jnp.exp(head - mx)
        den = e[0]
        for a in range(1, N_A):
            den = den + e[a]
        prob = e / den
        val = head[N_A]

        hv[pl.ds(0, 16)] = head
        hv[pl.ds(16, 16)] = prob
        for k in range(6):
            hv[pl.ds(32 + k * 16, 16)] = zero

        ocps = [
            pltpu.make_async_copy(hv, head_o.at[n], sem.at[6]),
            pltpu.make_async_copy(sv2, states_o.at[n], sem.at[7]),
        ]
        for cp in ocps:
            cp.start()
        for cp in ocps:
            cp.wait()


def kernel(ob_N_Do, done_N, fp_N_Dfp, states, Wx, bx, Wp, bp, Wm, bm, Wih,
           Whh, bih, bhh, Wa, ba, Wv, bv, neighbor_idx):
    mesh = plsc.VectorSubcoreMesh(core_axis_name="c", subcore_axis_name="s")
    WxT = Wx.transpose(0, 2, 1).reshape(N, 3 * N_S * N_FC)
    WpT = Wp.transpose(0, 2, 1).reshape(N, 2 * N_A * N_FC)
    WihT = Wih.transpose(0, 2, 1).reshape(N, N_FC * 4 * N_H)
    Whd = jnp.concatenate(
        [Wa.transpose(0, 2, 1), Wv.transpose(0, 2, 1),
         jnp.zeros((N, N_H, 16 - N_A - 1), _F32)], axis=2).reshape(N, N_H * 16)
    out_type = (
        jax.ShapeDtypeStruct((N, 128), _F32),
        jax.ShapeDtypeStruct((N, 2 * N_H), _F32),
    )
    fn = functools.partial(
        pl.kernel, mesh=mesh, out_type=out_type,
        scratch_types=[
            pltpu.VMEM((N * N_S,), _F32),
            pltpu.VMEM((N * N_A + 8,), _F32),
            pltpu.VMEM((3 * N_S * N_FC,), _F32),
            pltpu.VMEM((2 * N_A * N_FC,), _F32),
            pltpu.VMEM((N_FC * 4 * N_H,), _F32),
            pltpu.VMEM((N_H * 16,), _F32),
            pltpu.VMEM((3 * N_S,), _F32),
            pltpu.VMEM((24,), _F32),
            pltpu.VMEM((N_FC,), _F32),
            pltpu.VMEM((128,), _F32),
            pltpu.VMEM((128,), _F32),
            pltpu.SemaphoreType.DMA((10,)),
        ])(_sc_kernel)
    head, new_states = fn(
        ob_N_Do.reshape(N * N_S), fp_N_Dfp.reshape(N * N_A),
        WxT, WpT, WihT, Whd)
    return (head[:, 0:N_A], head[:, N_A], head[:, 16:16 + N_A], new_states)

# --- scband reference (transcript-rebuilt; emitter-appended) ---
"""Pipeline reference for scband-ncmulti-agent-policy-22531398434906 (READ-ONLY COPY).

The authoritative reference and input builder live on the scoring server;
editing this copy changes nothing except your own understanding.
"""

import jax, jax.numpy as jnp
import numpy as np

N = 16
N_S = 64
N_A = 8
N_H = 64
N_FC = 64
N_N = 2

def _lin(k, shape, fan_in):
    return (jax.random.uniform(k, shape, minval=-1.0, maxval=1.0) / np.sqrt(fan_in)).astype(jnp.float32)

def setup_inputs(seed: int = 0):
    key = jax.random.key(seed)
    ks = jax.random.split(key, 16)
    inp = {}
    inp['ob_N_Do'] = jax.random.normal(ks[0], (N, N_S), dtype=jnp.float32)
    inp['done_N'] = jnp.zeros((N,), dtype=bool)
    inp['fp_N_Dfp'] = jax.random.uniform(ks[1], (N, N_A), dtype=jnp.float32)
    inp['states'] = jnp.zeros((N, 2 * N_H), dtype=jnp.float32)
    inp['Wx'] = _lin(ks[2], (N, N_FC, N_S * (1 + N_N)), N_S * (1 + N_N))
    inp['bx'] = jnp.zeros((N, N_FC), dtype=jnp.float32)
    inp['Wp'] = _lin(ks[3], (N, N_FC, N_A * N_N), N_A * N_N)
    inp['bp'] = jnp.zeros((N, N_FC), dtype=jnp.float32)
    inp['Wm'] = _lin(ks[4], (N, N_FC, N_H * N_N), N_H * N_N)
    inp['bm'] = jnp.zeros((N, N_FC), dtype=jnp.float32)
    inp['Wih'] = _lin(ks[5], (N, 4 * N_H, N_FC), N_FC)
    inp['Whh'] = _lin(ks[6], (N, 4 * N_H, N_H), N_H)
    inp['bih'] = jnp.zeros((N, 4 * N_H), dtype=jnp.float32)
    inp['bhh'] = jnp.zeros((N, 4 * N_H), dtype=jnp.float32)
    inp['Wa'] = _lin(ks[7], (N, N_A, N_H), N_H)
    inp['ba'] = jnp.zeros((N, N_A), dtype=jnp.float32)
    inp['Wv'] = _lin(ks[8], (N, 1, N_H), N_H)
    inp['bv'] = jnp.zeros((N, 1), dtype=jnp.float32)
    inp['neighbor_idx'] = jnp.array([[(i - 1) % N, (i + 1) % N] for i in range(N)], dtype=jnp.int32)
    return inp

def reference(ob_N_Do, done_N, fp_N_Dfp, states, Wx, bx, Wp, bp, Wm, bm, Wih, Whh, bih, bhh, Wa, ba, Wv, bv, neighbor_idx):
    h = states[:, :N_H]
    c = states[:, N_H:]
    mask = (1.0 - done_N.astype(jnp.float32))[:, None]
    h = h * mask
    c = c * mask
    nx = ob_N_Do[neighbor_idx].reshape(N, N_S * N_N)
    x_cat = jnp.concatenate([ob_N_Do, nx], axis=1)
    p_i = fp_N_Dfp[neighbor_idx].reshape(N, N_A * N_N)
    m_i = h[neighbor_idx].reshape(N, N_H * N_N)
    s = jax.nn.relu(jnp.einsum('nij,nj->ni', Wx, x_cat) + bx)
    s = s + jax.nn.relu(jnp.einsum('nij,nj->ni', Wp, p_i) + bp)
    s = s + jax.nn.relu(jnp.einsum('nij,nj->ni', Wm, m_i) + bm)
    gates = jnp.einsum('nij,nj->ni', Wih, s) + bih + jnp.einsum('nij,nj->ni', Whh, h) + bhh
    i_g, f_g, g_g, o_g = jnp.split(gates, 4, axis=1)
    c_new = jax.nn.sigmoid(f_g) * c + jax.nn.sigmoid(i_g) * jnp.tanh(g_g)
    h_new = jax.nn.sigmoid(o_g) * jnp.tanh(c_new)
    logits = jnp.einsum('naj,nj->na', Wa, h_new) + ba
    values = (jnp.einsum('nij,nj->ni', Wv, h_new) + bv)[:, 0]
    probs = jax.nn.softmax(logits, axis=-1)
    new_states = jnp.concatenate([h_new, c_new], axis=1)
    return (logits, values, probs, new_states)

if __name__ == "__main__":
    import jax
    _d = setup_inputs()
    print(jax.jit(kernel)(*tuple(_d.values())))

</pallas_src>

<mosaic_0001>
#map = affine_map<(d0, d1) -> (0)>
#map1 = affine_map<(d0, d1) -> (0, 0)>
module attributes {stable_mosaic.version = 14 : i64} {
  func.func @_sc_kernel(%arg0: i32, %arg1: i32, %arg2: memref<1024xf32, #tpu.memory_space<hbm>>, %arg3: memref<128xf32, #tpu.memory_space<hbm>>, %arg4: memref<16x12288xf32, #tpu.memory_space<hbm>>, %arg5: memref<16x1024xf32, #tpu.memory_space<hbm>>, %arg6: memref<16x16384xf32, #tpu.memory_space<hbm>>, %arg7: memref<16x1024xf32, #tpu.memory_space<hbm>>, %arg8: memref<16x128xf32, #tpu.memory_space<hbm>>, %arg9: memref<16x128xf32, #tpu.memory_space<hbm>>, %arg10: memref<1024xf32, #tpu.memory_space<vmem>>, %arg11: memref<136xf32, #tpu.memory_space<vmem>>, %arg12: memref<12288xf32, #tpu.memory_space<vmem>>, %arg13: memref<1024xf32, #tpu.memory_space<vmem>>, %arg14: memref<16384xf32, #tpu.memory_space<vmem>>, %arg15: memref<1024xf32, #tpu.memory_space<vmem>>, %arg16: memref<192xf32, #tpu.memory_space<vmem>>, %arg17: memref<24xf32, #tpu.memory_space<vmem>>, %arg18: memref<64xf32, #tpu.memory_space<vmem>>, %arg19: memref<128xf32, #tpu.memory_space<vmem>>, %arg20: memref<128xf32, #tpu.memory_space<vmem>>, %arg21: memref<10x!tpu.dma_semaphore, #tpu.memory_space<semaphore_mem>>) attributes {dimension_semantics = [#tpu.dimension_semantics<core_parallel>, #tpu.dimension_semantics<subcore_parallel>], iteration_bounds = array<i64: 2, 16>, scalar_prefetch = 0 : i64, scratch_operands = 12 : i64, tpu.core_type = #tpu.core_type<sc_vector_subcore>, window_params = [{transform_indices = #map}, {transform_indices = #map}, {transform_indices = #map1}, {transform_indices = #map1}, {transform_indices = #map1}, {transform_indices = #map1}, {transform_indices = #map1}, {transform_indices = #map1}]} {
    %mul3A = arith.constant 2 : i32
    %mul3A_0 = arith.muli %arg1, %mul3A : i32
    %add3A = arith.addi %mul3A_0, %arg0 : i32
    %lt3A = arith.constant 16 : i32
    %lt3A_1 = arith.cmpi slt, %add3A, %lt3A : i32
    %convert_element_type3A = arith.extui %lt3A_1 : i1 to i32
    %cond3A = arith.constant 0 : i32
    %cond3A_2 = arith.cmpi ne, %convert_element_type3A, %cond3A : i32
    scf.if %cond3A_2 {
      %add3A_3 = arith.constant 16 : i32
      %add3A_4 = arith.addi %add3A, %add3A_3 : i32
      %sub3A = arith.constant 1 : i32
      %sub3A_5 = arith.subi %add3A_4, %sub3A : i32
      %rem3A = arith.constant 16 : i32
      %rem3A_6 = arith.remsi %sub3A_5, %rem3A : i32
      %add3A_7 = arith.constant 1 : i32
      %add3A_8 = arith.addi %add3A, %add3A_7 : i32
      %rem3A_9 = arith.constant 16 : i32
      %rem3A_10 = arith.remsi %add3A_8, %rem3A_9 : i32
      %dma_start3A = arith.constant 0 : i32
      %dma_start3A_11 = tpu.memref_slice %arg21[%dma_start3A] : memref<10x!tpu.dma_semaphore, #tpu.memory_space<semaphore_mem>> -> memref<1x!tpu.dma_semaphore, #tpu.memory_space<semaphore_mem>>
      %dma_start3A_12 = tpu.memref_squeeze %dma_start3A_11 : memref<1x!tpu.dma_semaphore, #tpu.memory_space<semaphore_mem>> -> memref<!tpu.dma_semaphore, #tpu.memory_space<semaphore_mem>>
      tpu.enqueue_dma source(%arg2 : memref<1024xf32, #tpu.memory_space<hbm>>) target(%arg10 : memref<1024xf32, #tpu.memory_space<vmem>>) target_semaphore(%dma_start3A_12 : memref<!tpu.dma_semaphore, #tpu.memory_space<semaphore_mem>>)
      %dma_start3A_13 = arith.constant 1 : i32
      %dma_start3A_14 = arith.constant 0 : i32
      %dma_start3A_15 = tpu.memref_slice %arg11[%dma_start3A_14] : memref<136xf32, #tpu.memory_space<vmem>> -> memref<128xf32, #tpu.memory_space<vmem>>
      %dma_start3A_16 = tpu.memref_slice %arg21[%dma_start3A_13] : memref<10x!tpu.dma_semaphore, #tpu.memory_space<semaphore_mem>> -> memref<1x!tpu.dma_semaphore, #tpu.memory_space<semaphore_mem>>
      %dma_start3A_17 = tpu.memref_squeeze %dma_start3A_16 : memref<1x!tpu.dma_semaphore, #tpu.memory_space<semaphore_mem>> -> memref<!tpu.dma_semaphore, #tpu.memory_space<semaphore_mem>>
      %dma_start3A_18 = arith.constant 0 : i32
      %dma_start3A_19 = tpu.memref_slice %arg11[%dma_start3A_18] : memref<136xf32, #tpu.memory_space<vmem>> -> memref<128xf32, #tpu.memory_space<vmem>>
      tpu.enqueue_dma source(%arg3 : memref<128xf32, #tpu.memory_space<hbm>>) target(%dma_start3A_19 : memref<128xf32, #tpu.memory_space<vmem>>) target_semaphore(%dma_start3A_17 : memref<!tpu.dma_semaphore, #tpu.memory_space<semaphore_mem>>)
      %dma_start3A_20 = arith.constant 2 : i32
      %dma_start3A_21 = arith.constant 0 : i32
      %dma_start3A_22 = tpu.memref_slice %arg4[%add3A, %dma_start3A_21] : memref<16x12288xf32, #tpu.memory_space<hbm>> -> memref<1x12288xf32, #tpu.memory_space<hbm>>
      %dma_start3A_23 = tpu.memref_squeeze %dma_start3A_22 : memref<1x12288xf32, #tpu.memory_space<hbm>> -> memref<12288xf32, #tpu.memory_space<hbm>>
      %dma_start3A_24 = tpu.memref_slice %arg21[%dma_start3A_20] : memref<10x!tpu.dma_semaphore, #tpu.memory_space<semaphore_mem>> -> memref<1x!tpu.dma_semaphore, #tpu.memory_space<semaphore_mem>>
      %dma_start3A_25 = tpu.memref_squeeze %dma_start3A_24 : memref<1x!tpu.dma_semaphore, #tpu.memory_space<semaphore_mem>> -> memref<!tpu.dma_semaphore, #tpu.memory_space<semaphore_mem>>
      %dma_start3A_26 = arith.constant 0 : i32
      %dma_start3A_27 = tpu.memref_slice %arg4[%add3A, %dma_start3A_26] : memref<16x12288xf32, #tpu.memory_space<hbm>> -> memref<1x12288xf32, #tpu.memory_space<hbm>>
      %dma_start3A_28 = tpu.memref_squeeze %dma_start3A_27 : memref<1x12288xf32, #tpu.memory_space<hbm>> -> memref<12288xf32, #tpu.memory_space<hbm>>
      tpu.enqueue_dma source(%dma_start3A_28 : memref<12288xf32, #tpu.memory_space<hbm>>) target(%arg12 : memref<12288xf32, #tpu.memory_space<vmem>>) target_semaphore(%dma_start3A_25 : memref<!tpu.dma_semaphore, #tpu.memory_space<semaphore_mem>>)
      %dma_start3A_29 = arith.constant 3 : i32
      %dma_start3A_30 = arith.constant 0 : i32
      %dma_start3A_31 = tpu.memref_slice %arg5[%add3A, %dma_start3A_30] : memref<16x1024xf32, #tpu.memory_space<hbm>> -> memref<1x1024xf32, #tpu.memory_space<hbm>>
      %dma_start3A_32 = tpu.memref_squeeze %dma_start3A_31 : memref<1x1024xf32, #tpu.memory_space<hbm>> -> memref<1024xf32, #tpu.memory_space<hbm>>
      %dma_start3A_33 = tpu.memref_slice %arg21[%dma_start3A_29] : memref<10x!tpu.dma_semaphore, #tpu.memory_space<semaphore_mem>> -> memref<1x!tpu.dma_semaphore, #tpu.memory_space<semaphore_mem>>
      %dma_start3A_34 = tpu.memref_squeeze %dma_start3A_33 : memref<1x!tpu.dma_semaphore, #tpu.memory_space<semaphore_mem>> -> memref<!tpu.dma_semaphore, #tpu.memory_space<semaphore_mem>>
      %dma_start3A_35 = arith.constant 0 : i32
      %dma_start3A_36 = tpu.memref_slice %arg5[%add3A, %dma_start3A_35] : memref<16x1024xf32, #tpu.memory_space<hbm>> -> memref<1x1024xf32, #tpu.memory_space<hbm>>
      %dma_start3A_37 = tpu.memref_squeeze %dma_start3A_36 : memref<1x1024xf32, #tpu.memory_space<hbm>> -> memref<1024xf32, #tpu.memory_space<hbm>>
      tpu.enqueue_dma source(%dma_start3A_37 : memref<1024xf32, #tpu.memory_space<hbm>>) target(%arg13 : memref<1024xf32, #tpu.memory_space<vmem>>) target_semaphore(%dma_start3A_34 : memref<!tpu.dma_semaphore, #tpu.memory_space<semaphore_mem>>)
      %dma_start3A_38 = arith.constant 4 : i32
      %dma_start3A_39 = arith.constant 0 : i32
      %dma_start3A_40 = tpu.memref_slice %arg6[%add3A, %dma_start3A_39] : memref<16x16384xf32, #tpu.memory_space<hbm>> -> memref<1x16384xf32, #tpu.memory_space<hbm>>
      %dma_start3A_41 = tpu.memref_squeeze %dma_start3A_40 : memref<1x16384xf32, #tpu.memory_space<hbm>> -> memref<16384xf32, #tpu.memory_space<hbm>>
      %dma_start3A_42 = tpu.memref_slice %arg21[%dma_start3A_38] : memref<10x!tpu.dma_semaphore, #tpu.memory_space<semaphore_mem>> -> memref<1x!tpu.dma_semaphore, #tpu.memory_space<semaphore_mem>>
      %dma_start3A_43 = tpu.memref_squeeze %dma_start3A_42 : memref<1x!tpu.dma_semaphore, #tpu.memory_space<semaphore_mem>> -> memref<!tpu.dma_semaphore, #tpu.memory_space<semaphore_mem>>
      %dma_start3A_44 = arith.constant 0 : i32
      %dma_start3A_45 = tpu.memref_slice %arg6[%add3A, %dma_start3A_44] : memref<16x16384xf32, #tpu.memory_space<hbm>> -> memref<1x16384xf32, #tpu.memory_space<hbm>>
      %dma_start3A_46 = tpu.memref_squeeze %dma_start3A_45 : memref<1x16384xf32, #tpu.memory_space<hbm>> -> memref<16384xf32, #tpu.memory_space<hbm>>
      tpu.enqueue_dma source(%dma_start3A_46 : memref<16384xf32, #tpu.memory_space<hbm>>) target(%arg14 : memref<16384xf32, #tpu.memory_space<vmem>>) target_semaphore(%dma_start3A_43 : memref<!tpu.dma_semaphore, #tpu.memory_space<semaphore_mem>>)
      %dma_start3A_47 = arith.constant 5 : i32
      %dma_start3A_48 = arith.constant 0 : i32
      %dma_start3A_49 = tpu.memref_slice %arg7[%add3A, %dma_start3A_48] : memref<16x1024xf32, #tpu.memory_space<hbm>> -> memref<1x1024xf32, #tpu.memory_space<hbm>>
      %dma_start3A_50 = tpu.memref_squeeze %dma_start3A_49 : memref<1x1024xf32, #tpu.memory_space<hbm>> -> memref<1024xf32, #tpu.memory_space<hbm>>
      %dma_start3A_51 = tpu.memref_slice %arg21[%dma_start3A_47] : memref<10x!tpu.dma_semaphore, #tpu.memory_space<semaphore_mem>> -> memref<1x!tpu.dma_semaphore, #tpu.memory_space<semaphore_mem>>
      %dma_start3A_52 = tpu.memref_squeeze %dma_start3A_51 : memref<1x!tpu.dma_semaphore, #tpu.memory_space<semaphore_mem>> -> memref<!tpu.dma_semaphore, #tpu.memory_space<semaphore_mem>>
      %dma_start3A_53 = arith.constant 0 : i32
      %dma_start3A_54 = tpu.memref_slice %arg7[%add3A, %dma_start3A_53] : memref<16x1024xf32, #tpu.memory_space<hbm>> -> memref<1x1024xf32, #tpu.memory_space<hbm>>
      %dma_start3A_55 = tpu.memref_squeeze %dma_start3A_54 : memref<1x1024xf32, #tpu.memory_space<hbm>> -> memref<1024xf32, #tpu.memory_space<hbm>>
      tpu.enqueue_dma source(%dma_start3A_55 : memref<1024xf32, #tpu.memory_space<hbm>>) target(%arg15 : memref<1024xf32, #tpu.memory_space<vmem>>) target_semaphore(%dma_start3A_52 : memref<!tpu.dma_semaphore, #tpu.memory_space<semaphore_mem>>)
      %iota3A = tpu.iota {dimensions = array<i32: 0>} : vector<16xi32>
      %broadcast_in_dim3A = arith.constant 0.000000e+00 : f32
      %broadcast_in_dim3A_56 = vector.broadcast %broadcast_in_dim3A : f32 to vector<16xf32>
      %dma_wait3A = arith.constant 0 : i32
      %dma_wait3A_57 = tpu.memref_slice %arg21[%dma_wait3A] : memref<10x!tpu.dma_semaphore, #tpu.memory_space<semaphore_mem>> -> memref<1x!tpu.dma_semaphore, #tpu.memory_space<semaphore_mem>>
      %dma_wait3A_58 = tpu.memref_squeeze %dma_wait3A_57 : memref<1x!tpu.dma_semaphore, #tpu.memory_space<semaphore_mem>> -> memref<!tpu.dma_semaphore, #tpu.memory_space<semaphore_mem>>
      tpu.wait_dma2 semaphore(%dma_wait3A_58 : memref<!tpu.dma_semaphore, #tpu.memory_space<semaphore_mem>>) src(%arg2 : memref<1024xf32, #tpu.memory_space<hbm>>) dst(%arg10 : memref<1024xf32, #tpu.memory_space<vmem>>)
      %dma_wait3A_59 = arith.constant 1 : i32
      %dma_wait3A_60 = arith.constant 0 : i32
      %dma_wait3A_61 = tpu.memref_slice %arg11[%dma_wait3A_60] : memref<136xf32, #tpu.memory_space<vmem>> -> memref<128xf32, #tpu.memory_space<vmem>>
      %dma_wait3A_62 = tpu.memref_slice %arg21[%dma_wait3A_59] : memref<10x!tpu.dma_semaphore, #tpu.memory_space<semaphore_mem>> -> memref<1x!tpu.dma_semaphore, #tpu.memory_space<semaphore_mem>>
      %dma_wait3A_63 = tpu.memref_squeeze %dma_wait3A_62 : memref<1x!tpu.dma_semaphore, #tpu.memory_space<semaphore_mem>> -> memref<!tpu.dma_semaphore, #tpu.memory_space<semaphore_mem>>
      %dma_wait3A_64 = arith.constant 0 : i32
      %dma_wait3A_65 = tpu.memref_slice %arg11[%dma_wait3A_64] : memref<136xf32, #tpu.memory_space<vmem>> -> memref<128xf32, #tpu.memory_space<vmem>>
      tpu.wait_dma2 semaphore(%dma_wait3A_63 : memref<!tpu.dma_semaphore, #tpu.memory_space<semaphore_mem>>) src(%arg3 : memref<128xf32, #tpu.memory_space<hbm>>) dst(%dma_wait3A_65 : memref<128xf32, #tpu.memory_space<vmem>>)
      %mul3A_66 = arith.constant 64 : i32
      %mul3A_67 = arith.muli %add3A, %mul3A_66 : i32
      %add3A_68 = arith.constant 0 : i32
      %add3A_69 = arith.addi %mul3A_67, %add3A_68 : i32
      %get3A = arith.index_cast %add3A_69 : i32 to index
      %get3A_70 = tpu.vector_load %arg10[%get3A] {strides = array<i32>} : memref<1024xf32, #tpu.memory_space<vmem>>, vector<16xf32>,
      %get3A_71 = vector.shape_cast %get3A_70 : vector<16xf32> to vector<16xf32>
      %swap3A = arith.constant 0 : index
      %swap3A_72 = tpu.vector_load %arg16[%swap3A] {strides = array<i32>} : memref<192xf32, #tpu.memory_space<vmem>>, vector<16xf32>,
      %swap3A_73 = vector.shape_cast %swap3A_72 : vector<16xf32> to vector<16xf32>
      %swap3A_74 = vector.shape_cast %get3A_71 : vector<16xf32> to vector<16xf32>
      tpu.vector_store %arg16[%swap3A], %swap3A_74 {strides = array<i32>} : memref<192xf32, #tpu.memory_space<vmem>>, vector<16xf32>,
      %mul3A_75 = arith.constant 64 : i32
      %mul3A_76 = arith.muli %rem3A_6, %mul3A_75 : i32
      %add3A_77 = arith.constant 0 : i32
      %add3A_78 = arith.addi %mul3A_76, %add3A_77 : i32
      %get3A_79 = arith.index_cast %add3A_78 : i32 to index
      %get3A_80 = tpu.vector_load %arg10[%get3A_79] {strides = array<i32>} : memref<1024xf32, #tpu.memory_space<vmem>>, vector<16xf32>,
      %get3A_81 = vector.shape_cast %get3A_80 : vector<16xf32> to vector<16xf32>
      %swap3A_82 = arith.constant 64 : index
      %swap3A_83 = tpu.vector_load %arg16[%swap3A_82] {strides = array<i32>} : memref<192xf32, #tpu.memory_space<vmem>>, vector<16xf32>,
      %swap3A_84 = vector.shape_cast %swap3A_83 : vector<16xf32> to vector<16xf32>
      %swap3A_85 = vector.shape_cast %get3A_81 : vector<16xf32> to vector<16xf32>
      tpu.vector_store %arg16[%swap3A_82], %swap3A_85 {strides = array<i32>} : memref<192xf32, #tpu.memory_space<vmem>>, vector<16xf32>,
      %mul3A_86 = arith.constant 64 : i32
      %mul3A_87 = arith.muli %rem3A_10, %mul3A_86 : i32
      %add3A_88 = arith.constant 0 : i32
      %add3A_89 = arith.addi %mul3A_87, %add3A_88 : i32
      %get3A_90 = arith.index_cast %add3A_89 : i32 to index
      %get3A_91 = tpu.vector_load %arg10[%get3A_90] {strides = array<i32>} : memref<1024xf32, #tpu.memory_space<vmem>>, vector<16xf32>,
      %get3A_92 = vector.shape_cast %get3A_91 : vector<16xf32> to vector<16xf32>
      %swap3A_93 = arith.constant 128 : index
      %swap3A_94 = tpu.vector_load %arg16[%swap3A_93] {strides = array<i32>} : memref<192xf32, #tpu.memory_space<vmem>>, vector<16xf32>,
      %swap3A_95 = vector.shape_cast %swap3A_94 : vector<16xf32> to vector<16xf32>
      %swap3A_96 = vector.shape_cast %get3A_92 : vector<16xf32> to vector<16xf32>
      tpu.vector_store %arg16[%swap3A_93], %swap3A_96 {strides = array<i32>} : memref<192xf32, #tpu.memory_space<vmem>>, vector<16xf32>,
      %mul3A_97 = arith.constant 64 : i32
      %mul3A_98 = arith.muli %add3A, %mul3A_97 : i32
      %add3A_99 = arith.constant 16 : i32
      %add3A_100 = arith.addi %mul3A_98, %add3A_99 : i32
      %get3A_101 = arith.index_cast %add3A_100 : i32 to index
      %get3A_102 = tpu.vector_load %arg10[%get3A_101] {strides = array<i32>} : memref<1024xf32, #tpu.memory_space<vmem>>, vector<16xf32>,
      %get3A_103 = vector.shape_cast %get3A_102 : vector<16xf32> to vector<16xf32>
      %swap3A_104 = arith.constant 16 : index
      %swap3A_105 = tpu.vector_load %arg16[%swap3A_104] {strides = array<i32>} : memref<192xf32, #tpu.memory_space<vmem>>, vector<16xf32>,
      %swap3A_106 = vector.shape_cast %swap3A_105 : vector<16xf32> to vector<16xf32>
      %swap3A_107 = vector.shape_cast %get3A_103 : vector<16xf32> to vector<16xf32>
      tpu.vector_store %arg16[%swap3A_104], %swap3A_107 {strides = array<i32>} : memref<192xf32, #tpu.memory_space<vmem>>, vector<16xf32>,
      %mul3A_108 = arith.constant 64 : i32
      %mul3A_109 = arith.muli %rem3A_6, %mul3A_108 : i32
      %add3A_110 = arith.constant 16 : i32
      %add3A_111 = arith.addi %mul3A_109, %add3A_110 : i32
      %get3A_112 = arith.index_cast %add3A_111 : i32 to index
      %get3A_113 = tpu.vector_load %arg10[%get3A_112] {strides = array<i32>} : memref<1024xf32, #tpu.memory_space<vmem>>, vector<16xf32>,
      %get3A_114 = vector.shape_cast %get3A_113 : vector<16xf32> to vector<16xf32>
      %swap3A_115 = arith.constant 80 : index
      %swap3A_116 = tpu.vector_load %arg16[%swap3A_115] {strides = array<i32>} : memref<192xf32, #tpu.memory_space<vmem>>, vector<16xf32>,
      %swap3A_117 = vector.shape_cast %swap3A_116 : vector<16xf32> to vector<16xf32>
      %swap3A_118 = vector.shape_cast %get3A_114 : vector<16xf32> to vector<16xf32>
      tpu.vector_store %arg16[%swap3A_115], %swap3A_118 {strides = array<i32>} : memref<192xf32, #tpu.memory_space<vmem>>, vector<16xf32>,
      %mul3A_119 = arith.constant 64 : i32
      %mul3A_120 = arith.muli %rem3A_10, %mul3A_119 : i32
      %add3A_121 = arith.constant 16 : i32
      %add3A_122 = arith.addi %mul3A_120, %add3A_121 : i32
      %get3A_123 = arith.index_cast %add3A_122 : i32 to index
      %get3A_124 = tpu.vector_load %arg10[%get3A_123] {strides = array<i32>} : memref<1024xf32, #tpu.memory_space<vmem>>, vector<16xf32>,
      %get3A_125 = vector.shape_cast %get3A_124 : vector<16xf32> to vector<16xf32>
      %swap3A_126 = arith.constant 144 : index
      %swap3A_127 = tpu.vector_load %arg16[%swap3A_126] {strides = array<i32>} : memref<192xf32, #tpu.memory_space<vmem>>, vector<16xf32>,
      %swap3A_128 = vector.shape_cast %swap3A_127 : vector<16xf32> to vector<16xf32>
      %swap3A_129 = vector.shape_cast %get3A_125 : vector<16xf32> to vector<16xf32>
      tpu.vector_store %arg16[%swap3A_126], %swap3A_129 {strides = array<i32>} : memref<192xf32, #tpu.memory_space<vmem>>, vector<16xf32>,
      %mul3A_130 = arith.constant 64 : i32
      %mul3A_131 = arith.muli %add3A, %mul3A_130 : i32
      %add3A_132 = arith.constant 32 : i32
      %add3A_133 = arith.addi %mul3A_131, %add3A_132 : i32
      %get3A_134 = arith.index_cast %add3A_133 : i32 to index
      %get3A_135 = tpu.vector_load %arg10[%get3A_134] {strides = array<i32>} : memref<1024xf32, #tpu.memory_space<vmem>>, vector<16xf32>,
      %get3A_136 = vector.shape_cast %get3A_135 : vector<16xf32> to vector<16xf32>
      %swap3A_137 = arith.constant 32 : index
      %swap3A_138 = tpu.vector_load %arg16[%swap3A_137] {strides = array<i32>} : memref<192xf32, #tpu.memory_space<vmem>>, vector<16xf32>,
      %swap3A_139 = vector.shape_cast %swap3A_138 : vector<16xf32> to vector<16xf32>
      %swap3A_140 = vector.shape_cast %get3A_136 : vector<16xf32> to vector<16xf32>
      tpu.vector_store %arg16[%swap3A_137], %swap3A_140 {strides = array<i32>} : memref<192xf32, #tpu.memory_space<vmem>>, vector<16xf32>,
      %mul3A_141 = arith.constant 64 : i32
      %mul3A_142 = arith.muli %rem3A_6, %mul3A_141 : i32
      %add3A_143 = arith.constant 32 : i32
      %add3A_144 = arith.addi %mul3A_142, %add3A_143 : i32
      %get3A_145 = arith.index_cast %add3A_144 : i32 to index
      %get3A_146 = tpu.vector_load %arg10[%get3A_145] {strides = array<i32>} : memref<1024xf32, #tpu.memory_space<vmem>>, vector<16xf32>,
      %get3A_147 = vector.shape_cast %get3A_146 : vector<16xf32> to vector<16xf32>
      %swap3A_148 = arith.constant 96 : index
      %swap3A_149 = tpu.vector_load %arg16[%swap3A_148] {strides = array<i32>} : memref<192xf32, #tpu.memory_space<vmem>>, vector<16xf32>,
      %swap3A_150 = vector.shape_cast %swap3A_149 : vector<16xf32> to vector<16xf32>
      %swap3A_151 = vector.shape_cast %get3A_147 : vector<16xf32> to vector<16xf32>
      tpu.vector_store %arg16[%swap3A_148], %swap3A_151 {strides = array<i32>} : memref<192xf32, #tpu.memory_space<vmem>>, vector<16xf32>,
      %mul3A_152 = arith.constant 64 : i32
      %mul3A_153 = arith.muli %rem3A_10, %mul3A_152 : i32
      %add3A_154 = arith.constant 32 : i32
      %add3A_155 = arith.addi %mul3A_153, %add3A_154 : i32
      %get3A_156 = arith.index_cast %add3A_155 : i32 to index
      %get3A_157 = tpu.vector_load %arg10[%get3A_156] {strides = array<i32>} : memref<1024xf32, #tpu.memory_space<vmem>>, vector<16xf32>,
      %get3A_158 = vector.shape_cast %get3A_157 : vector<16xf32> to vector<16xf32>
      %swap3A_159 = arith.constant 160 : index
      %swap3A_160 = tpu.vector_load %arg16[%swap3A_159] {strides = array<i32>} : memref<192xf32, #tpu.memory_space<vmem>>, vector<16xf32>,
      %swap3A_161 = vector.shape_cast %swap3A_160 : vector<16xf32> to vector<16xf32>
      %swap3A_162 = vector.shape_cast %get3A_158 : vector<16xf32> to vector<16xf32>
      tpu.vector_store %arg16[%swap3A_159], %swap3A_162 {strides = array<i32>} : memref<192xf32, #tpu.memory_space<vmem>>, vector<16xf32>,
      %mul3A_163 = arith.constant 64 : i32
      %mul3A_164 = arith.muli %add3A, %mul3A_163 : i32
      %add3A_165 = arith.constant 48 : i32
      %add3A_166 = arith.addi %mul3A_164, %add3A_165 : i32
      %get3A_167 = arith.index_cast %add3A_166 : i32 to index
      %get3A_168 = tpu.vector_load %arg10[%get3A_167] {strides = array<i32>} : memref<1024xf32, #tpu.memory_space<vmem>>, vector<16xf32>,
      %get3A_169 = vector.shape_cast %get3A_168 : vector<16xf32> to vector<16xf32>
      %swap3A_170 = arith.constant 48 : index
      %swap3A_171 = tpu.vector_load %arg16[%swap3A_170] {strides = array<i32>} : memref<192xf32, #tpu.memory_space<vmem>>, vector<16xf32>,
      %swap3A_172 = vector.shape_cast %swap3A_171 : vector<16xf32> to vector<16xf32>
      %swap3A_173 = vector.shape_cast %get3A_169 : vector<16xf32> to vector<16xf32>
      tpu.vector_store %arg16[%swap3A_170], %swap3A_173 {strides = array<i32>} : memref<192xf32, #tpu.memory_space<vmem>>, vector<16xf32>,
      %mul3A_174 = arith.constant 64 : i32
      %mul3A_175 = arith.muli %rem3A_6, %mul3A_174 : i32
      %add3A_176 = arith.constant 48 : i32
      %add3A_177 = arith.addi %mul3A_175, %add3A_176 : i32
      %get3A_178 = arith.index_cast %add3A_177 : i32 to index
      %get3A_179 = tpu.vector_load %arg10[%get3A_178] {strides = array<i32>} : memref<1024xf32, #tpu.memory_space<vmem>>, vector<16xf32>,
      %get3A_180 = vector.shape_cast %get3A_179 : vector<16xf32> to vector<16xf32>
      %swap3A_181 = arith.constant 112 : index
      %swap3A_182 = tpu.vector_load %arg16[%swap3A_181] {strides = array<i32>} : memref<192xf32, #tpu.memory_space<vmem>>, vector<16xf32>,
      %swap3A_183 = vector.shape_cast %swap3A_182 : vector<16xf32> to vector<16xf32>
      %swap3A_184 = vector.shape_cast %get3A_180 : vector<16xf32> to vector<16xf32>
      tpu.vector_store %arg16[%swap3A_181], %swap3A_184 {strides = array<i32>} : memref<192xf32, #tpu.memory_space<vmem>>, vector<16xf32>,
      %mul3A_185 = arith.constant 64 : i32
      %mul3A_186 = arith.muli %rem3A_10, %mul3A_185 : i32
      %add3A_187 = arith.constant 48 : i32
      %add3A_188 = arith.addi %mul3A_186, %add3A_187 : i32
      %get3A_189 = arith.index_cast %add3A_188 : i32 to index
      %get3A_190 = tpu.vector_load %arg10[%get3A_189] {strides = array<i32>} : memref<1024xf32, #tpu.memory_space<vmem>>, vector<16xf32>,
      %get3A_191 = vector.shape_cast %get3A_190 : vector<16xf32> to vector<16xf32>
      %swap3A_192 = arith.constant 176 : index
      %swap3A_193 = tpu.vector_load %arg16[%swap3A_192] {strides = array<i32>} : memref<192xf32, #tpu.memory_space<vmem>>, vector<16xf32>,
      %swap3A_194 = vector.shape_cast %swap3A_193 : vector<16xf32> to vector<16xf32>
      %swap3A_195 = vector.shape_cast %get3A_191 : vector<16xf32> to vector<16xf32>
      tpu.vector_store %arg16[%swap3A_192], %swap3A_195 {strides = array<i32>} : memref<192xf32, #tpu.memory_space<vmem>>, vector<16xf32>,
      %mul3A_196 = arith.constant 8 : i32
      %mul3A_197 = arith.muli %rem3A_6, %mul3A_196 : i32
      %get3A_198 = arith.index_cast %mul3A_197 : i32 to index
      %get3A_199 = tpu.vector_load %arg11[%get3A_198] {strides = array<i32>} : memref<136xf32, #tpu.memory_space<vmem>>, vector<16xf32>,
      %get3A_200 = vector.shape_cast %get3A_199 : vector<16xf32> to vector<16xf32>
      %swap3A_201 = arith.constant 0 : index
      %swap3A_202 = tpu.vector_load %arg17[%swap3A_201] {strides = array<i32>} : memref<24xf32, #tpu.memory_space<vmem>>, vector<16xf32>,
      %swap3A_203 = vector.shape_cast %swap3A_202 : vector<16xf32> to vector<16xf32>
      %swap3A_204 = vector.shape_cast %get3A_200 : vector<16xf32> to vector<16xf32>
      tpu.vector_store %arg17[%swap3A_201], %swap3A_204 {strides = array<i32>} : memref<24xf32, #tpu.memory_space<vmem>>, vector<16xf32>,
      %mul3A_205 = arith.constant 8 : i32
      %mul3A_206 = arith.muli %rem3A_10, %mul3A_205 : i32
      %get3A_207 = arith.index_cast %mul3A_206 : i32 to index
      %get3A_208 = tpu.vector_load %arg11[%get3A_207] {strides = array<i32>} : memref<136xf32, #tpu.memory_space<vmem>>, vector<16xf32>,
      %get3A_209 = vector.shape_cast %get3A_208 : vector<16xf32> to vector<16xf32>
      %swap3A_210 = arith.constant 8 : index
      %swap3A_211 = tpu.vector_load %arg17[%swap3A_210] {strides = array<i32>} : memref<24xf32, #tpu.memory_space<vmem>>, vector<16xf32>,
      %swap3A_212 = vector.shape_cast %swap3A_211 : vector<16xf32> to vector<16xf32>
      %swap3A_213 = vector.shape_cast %get3A_209 : vector<16xf32> to vector<16xf32>
      tpu.vector_store %arg17[%swap3A_210], %swap3A_213 {strides = array<i32>} : memref<24xf32, #tpu.memory_space<vmem>>, vector<16xf32>,
      %get3A_214 = arith.constant 0 : index
      %get3A_215 = tpu.vector_load %arg17[%get3A_214] {strides = array<i32>} : memref<24xf32, #tpu.memory_space<vmem>>, vector<16xf32>,
      %get3A_216 = vector.shape_cast %get3A_215 : vector<16xf32> to vector<16xf32>
      %dma_wait3A_217 = arith.constant 2 : i32
      %dma_wait3A_218 = arith.constant 0 : i32
      %dma_wait3A_219 = tpu.memref_slice %arg4[%add3A, %dma_wait3A_218] : memref<16x12288xf32, #tpu.memory_space<hbm>> -> memref<1x12288xf32, #tpu.memory_space<hbm>>
      %dma_wait3A_220 = tpu.memref_squeeze %dma_wait3A_219 : memref<1x12288xf32, #tpu.memory_space<hbm>> -> memref<12288xf32, #tpu.memory_space<hbm>>
      %dma_wait3A_221 = tpu.memref_slice %arg21[%dma_wait3A_217] : memref<10x!tpu.dma_semaphore, #tpu.memory_space<semaphore_mem>> -> memref<1x!tpu.dma_semaphore, #tpu.memory_space<semaphore_mem>>
      %dma_wait3A_222 = tpu.memref_squeeze %dma_wait3A_221 : memref<1x!tpu.dma_semaphore, #tpu.memory_space<semaphore_mem>> -> memref<!tpu.dma_semaphore, #tpu.memory_space<semaphore_mem>>
      %dma_wait3A_223 = arith.constant 0 : i32
      %dma_wait3A_224 = tpu.memref_slice %arg4[%add3A, %dma_wait3A_223] : memref<16x12288xf32, #tpu.memory_space<hbm>> -> memref<1x12288xf32, #tpu.memory_space<hbm>>
      %dma_wait3A_225 = tpu.memref_squeeze %dma_wait3A_224 : memref<1x12288xf32, #tpu.memory_space<hbm>> -> memref<12288xf32, #tpu.memory_space<hbm>>
      tpu.wait_dma2 semaphore(%dma_wait3A_222 : memref<!tpu.dma_semaphore, #tpu.memory_space<semaphore_mem>>) src(%dma_wait3A_225 : memref<12288xf32, #tpu.memory_space<hbm>>) dst(%arg12 : memref<12288xf32, #tpu.memory_space<vmem>>)
      %scan3A = arith.constant 0 : i32
      %scan3A_226 = arith.constant 12 : i32
      %scan3A_227 = arith.addi %scan3A, %scan3A_226 : i32
      %scan3A_228 = arith.constant 1 : i32
      %scan3A_229:4 = scf.for %scan3A_1575 = %scan3A to %scan3A_227 step %scan3A_228 iter_args(%scan3A_1576 = %broadcast_in_dim3A_56, %scan3A_1577 = %broadcast_in_dim3A_56, %scan3A_1578 = %broadcast_in_dim3A_56, %scan3A_1579 = %broadcast_in_dim3A_56) -> (vector<16xf32>, vector<16xf32>, vector<16xf32>, vector<16xf32>)  : i32 {
        %mul3A_1580 = arith.constant 16 : i32
        %mul3A_1581 = arith.muli %scan3A_1575, %mul3A_1580 : i32
        %get3A_1582 = arith.index_cast %mul3A_1581 : i32 to index
        %get3A_1583 = tpu.vector_load %arg16[%get3A_1582] {strides = array<i32>} : memref<192xf32, #tpu.memory_space<vmem>>, vector<16xf32>,
        %get3A_1584 = vector.shape_cast %get3A_1583 : vector<16xf32> to vector<16xf32>
        %slice3A_1585 = vector.extract_strided_slice %get3A_1584 {offsets = [0], sizes = [1], strides = [1]} : vector<16xf32> to vector<1xf32>
        %squeeze3A_1586 = vector.extract %slice3A_1585[0] : f32 from vector<1xf32>
        %mul3A_1587 = arith.constant 16 : i32
        %mul3A_1588 = arith.muli %scan3A_1575, %mul3A_1587 : i32
        %add3A_1589 = arith.constant 0 : i32
        %add3A_1590 = arith.addi %mul3A_1588, %add3A_1589 : i32
        %mul3A_1591 = arith.constant 64 : i32
        %mul3A_1592 = arith.muli %add3A_1590, %mul3A_1591 : i32
        %add3A_1593 = arith.constant 0 : i32
        %add3A_1594 = arith.addi %mul3A_1592, %add3A_1593 : i32
        %get3A_1595 = arith.index_cast %add3A_1594 : i32 to index
        %get3A_1596 = tpu.vector_load %arg12[%get3A_1595] {strides = array<i32>} : memref<12288xf32, #tpu.memory_space<vmem>>, vector<16xf32>,
        %get3A_1597 = vector.shape_cast %get3A_1596 : vector<16xf32> to vector<16xf32>
        %mul3A_1598 = vector.broadcast %squeeze3A_1586 : f32 to vector<16xf32>
        %mul3A_1599 = arith.mulf %get3A_1597, %mul3A_1598 : vector<16xf32>
        %add3A_1600 = arith.addf %scan3A_1576, %mul3A_1599 : vector<16xf32>
        %add3A_1601 = arith.constant 16 : i32
        %add3A_1602 = arith.addi %mul3A_1592, %add3A_1601 : i32
        %get3A_1603 = arith.index_cast %add3A_1602 : i32 to index
        %get3A_1604 = tpu.vector_load %arg12[%get3A_1603] {strides = array<i32>} : memref<12288xf32, #tpu.memory_space<vmem>>, vector<16xf32>,
        %get3A_1605 = vector.shape_cast %get3A_1604 : vector<16xf32> to vector<16xf32>
        %mul3A_1606 = vector.broadcast %squeeze3A_1586 : f32 to vector<16xf32>
        %mul3A_1607 = arith.mulf %get3A_1605, %mul3A_1606 : vector<16xf32>
        %add3A_1608 = arith.addf %scan3A_1577, %mul3A_1607 : vector<16xf32>
        %add3A_1609 = arith.constant 32 : i32
        %add3A_1610 = arith.addi %mul3A_1592, %add3A_1609 : i32
        %get3A_1611 = arith.index_cast %add3A_1610 : i32 to index
        %get3A_1612 = tpu.vector_load %arg12[%get3A_1611] {strides = array<i32>} : memref<12288xf32, #tpu.memory_space<vmem>>, vector<16xf32>,
        %get3A_1613 = vector.shape_cast %get3A_1612 : vector<16xf32> to vector<16xf32>
        %mul3A_1614 = vector.broadcast %squeeze3A_1586 : f32 to vector<16xf32>
        %mul3A_1615 = arith.mulf %get3A_1613, %mul3A_1614 : vector<16xf32>
        %add3A_1616 = arith.addf %scan3A_1578, %mul3A_1615 : vector<16xf32>
        %add3A_1617 = arith.constant 48 : i32
        %add3A_1618 = arith.addi %mul3A_1592, %add3A_1617 : i32
        %get3A_1619 = arith.index_cast %add3A_1618 : i32 to index
        %get3A_1620 = tpu.vector_load %arg12[%get3A_1619] {strides = array<i32>} : memref<12288xf32, #tpu.memory_space<vmem>>, vector<16xf32>,
        %get3A_1621 = vector.shape_cast %get3A_1620 : vector<16xf32> to vector<16xf32>
        %mul3A_1622 = vector.broadcast %squeeze3A_1586 : f32 to vector<16xf32>
        %mul3A_1623 = arith.mulf %get3A_1621, %mul3A_1622 : vector<16xf32>
        %add3A_1624 = arith.addf %scan3A_1579, %mul3A_1623 : vector<16xf32>
        %slice3A_1625 = vector.extract_strided_slice %get3A_1584 {offsets = [1], sizes = [1], strides = [1]} : vector<16xf32> to vector<1xf32>
        %squeeze3A_1626 = vector.extract %slice3A_1625[0] : f32 from vector<1xf32>
        %mul3A_1627 = arith.constant 16 : i32
        %mul3A_1628 = arith.muli %scan3A_1575, %mul3A_1627 : i32
        %add3A_1629 = arith.constant 1 : i32
        %add3A_1630 = arith.addi %mul3A_1628, %add3A_1629 : i32
        %mul3A_1631 = arith.constant 64 : i32
        %mul3A_1632 = arith.muli %add3A_1630, %mul3A_1631 : i32
        %add3A_1633 = arith.constant 0 : i32
        %add3A_1634 = arith.addi %mul3A_1632, %add3A_1633 : i32
        %get3A_1635 = arith.index_cast %add3A_1634 : i32 to index
        %get3A_1636 = tpu.vector_load %arg12[%get3A_1635] {strides = array<i32>} : memref<12288xf32, #tpu.memory_space<vmem>>, vector<16xf32>,
        %get3A_1637 = vector.shape_cast %get3A_1636 : vector<16xf32> to vector<16xf32>
        %mul3A_1638 = vector.broadcast %squeeze3A_1626 : f32 to vector<16xf32>
        %mul3A_1639 = arith.mulf %get3A_1637, %mul3A_1638 : vector<16xf32>
        %add3A_1640 = arith.addf %add3A_1600, %mul3A_1639 : vector<16xf32>
        %add3A_1641 = arith.constant 16 : i32
        %add3A_1642 = arith.addi %mul3A_1632, %add3A_1641 : i32
        %get3A_1643 = arith.index_cast %add3A_1642 : i32 to index
        %get3A_1644 = tpu.vector_load %arg12[%get3A_1643] {strides = array<i32>} : memref<12288xf32, #tpu.memory_space<vmem>>, vector<16xf32>,
        %get3A_1645 = vector.shape_cast %get3A_1644 : vector<16xf32> to vector<16xf32>
        %mul3A_1646 = vector.broadcast %squeeze3A_1626 : f32 to vector<16xf32>
        %mul3A_1647 = arith.mulf %get3A_1645, %mul3A_1646 : vector<16xf32>
        %add3A_1648 = arith.addf %add3A_1608, %mul3A_1647 : vector<16xf32>
        %add3A_1649 = arith.constant 32 : i32
        %add3A_1650 = arith.addi %mul3A_1632, %add3A_1649 : i32
        %get3A_1651 = arith.index_cast %add3A_1650 : i32 to index
        %get3A_1652 = tpu.vector_load %arg12[%get3A_1651] {strides = array<i32>} : memref<12288xf32, #tpu.memory_space<vmem>>, vector<16xf32>,
        %get3A_1653 = vector.shape_cast %get3A_1652 : vector<16xf32> to vector<16xf32>
        %mul3A_1654 = vector.broadcast %squeeze3A_1626 : f32 to vector<16xf32>
        %mul3A_1655 = arith.mulf %get3A_1653, %mul3A_1654 : vector<16xf32>
        %add3A_1656 = arith.addf %add3A_1616, %mul3A_1655 : vector<16xf32>
        %add3A_1657 = arith.constant 48 : i32
        %add3A_1658 = arith.addi %mul3A_1632, %add3A_1657 : i32
        %get3A_1659 = arith.index_cast %add3A_1658 : i32 to index
        %get3A_1660 = tpu.vector_load %arg12[%get3A_1659] {strides = array<i32>} : memref<12288xf32, #tpu.memory_space<vmem>>, vector<16xf32>,
        %get3A_1661 = vector.shape_cast %get3A_1660 : vector<16xf32> to vector<16xf32>
        %mul3A_1662 = vector.broadcast %squeeze3A_1626 : f32 to vector<16xf32>
        %mul3A_1663 = arith.mulf %get3A_1661, %mul3A_1662 : vector<16xf32>
        %add3A_1664 = arith.addf %add3A_1624, %mul3A_1663 : vector<16xf32>
        %slice3A_1665 = vector.extract_strided_slice %get3A_1584 {offsets = [2], sizes = [1], strides = [1]} : vector<16xf32> to vector<1xf32>
        %squeeze3A_1666 = vector.extract %slice3A_1665[0] : f32 from vector<1xf32>
        %mul3A_1667 = arith.constant 16 : i32
        %mul3A_1668 = arith.muli %scan3A_1575, %mul3A_1667 : i32
        %add3A_1669 = arith.constant 2 : i32
        %add3A_1670 = arith.addi %mul3A_1668, %add3A_1669 : i32
        %mul3A_1671 = arith.constant 64 : i32
        %mul3A_1672 = arith.muli %add3A_1670, %mul3A_1671 : i32
        %add3A_1673 = arith.constant 0 : i32
        %add3A_1674 = arith.addi %mul3A_1672, %add3A_1673 : i32
        %get3A_1675 = arith.index_cast %add3A_1674 : i32 to index
        %get3A_1676 = tpu.vector_load %arg12[%get3A_1675] {strides = array<i32>} : memref<12288xf32, #tpu.memory_space<vmem>>, vector<16xf32>,
        %get3A_1677 = vector.shape_cast %get3A_1676 : vector<16xf32> to vector<16xf32>
        %mul3A_1678 = vector.broadcast %squeeze3A_1666 : f32 to vector<16xf32>
        %mul3A_1679 = arith.mulf %get3A_1677, %mul3A_1678 : vector<16xf32>
        %add3A_1680 = arith.addf %add3A_1640, %mul3A_1679 : vector<16xf32>
        %add3A_1681 = arith.constant 16 : i32
        %add3A_1682 = arith.addi %mul3A_1672, %add3A_1681 : i32
        %get3A_1683 = arith.index_cast %add3A_1682 : i32 to index
        %get3A_1684 = tpu.vector_load %arg12[%get3A_1683] {strides = array<i32>} : memref<12288xf32, #tpu.memory_space<vmem>>, vector<16xf32>,
        %get3A_1685 = vector.shape_cast %get3A_1684 : vector<16xf32> to vector<16xf32>
        %mul3A_1686 = vector.broadcast %squeeze3A_1666 : f32 to vector<16xf32>
        %mul3A_1687 = arith.mulf %get3A_1685, %mul3A_1686 : vector<16xf32>
        %add3A_1688 = arith.addf %add3A_1648, %mul3A_1687 : vector<16xf32>
        %add3A_1689 = arith.constant 32 : i32
        %add3A_1690 = arith.addi %mul3A_1672, %add3A_1689 : i32
        %get3A_1691 = arith.index_cast %add3A_1690 : i32 to index
        %get3A_1692 = tpu.vector_load %arg12[%get3A_1691] {strides = array<i32>} : memref<12288xf32, #tpu.memory_space<vmem>>, vector<16xf32>,
        %get3A_1693 = vector.shape_cast %get3A_1692 : vector<16xf32> to vector<16xf32>
        %mul3A_1694 = vector.broadcast %squeeze3A_1666 : f32 to vector<16xf32>
        %mul3A_1695 = arith.mulf %get3A_1693, %mul3A_1694 : vector<16xf32>
        %add3A_1696 = arith.addf %add3A_1656, %mul3A_1695 : vector<16xf32>
        %add3A_1697 = arith.constant 48 : i32
        %add3A_1698 = arith.addi %mul3A_1672, %add3A_1697 : i32
        %get3A_1699 = arith.index_cast %add3A_1698 : i32 to index
        %get3A_1700 = tpu.vector_load %arg12[%get3A_1699] {strides = array<i32>} : memref<12288xf32, #tpu.memory_space<vmem>>, vector<16xf32>,
        %get3A_1701 = vector.shape_cast %get3A_1700 : vector<16xf32> to vector<16xf32>
        %mul3A_1702 = vector.broadcast %squeeze3A_1666 : f32 to vector<16xf32>
        %mul3A_1703 = arith.mulf %get3A_1701, %mul3A_1702 : vector<16xf32>
        %add3A_1704 = arith.addf %add3A_1664, %mul3A_1703 : vector<16xf32>
        %slice3A_1705 = vector.extract_strided_slice %get3A_1584 {offsets = [3], sizes = [1], strides = [1]} : vector<16xf32> to vector<1xf32>
        %squeeze3A_1706 = vector.extract %slice3A_1705[0] : f32 from vector<1xf32>
        %mul3A_1707 = arith.constant 16 : i32
        %mul3A_1708 = arith.muli %scan3A_1575, %mul3A_1707 : i32
        %add3A_1709 = arith.constant 3 : i32
        %add3A_1710 = arith.addi %mul3A_1708, %add3A_1709 : i32
        %mul3A_1711 = arith.constant 64 : i32
        %mul3A_1712 = arith.muli %add3A_1710, %mul3A_1711 : i32
        %add3A_1713 = arith.constant 0 : i32
        %add3A_1714 = arith.addi %mul3A_1712, %add3A_1713 : i32
        %get3A_1715 = arith.index_cast %add3A_1714 : i32 to index
        %get3A_1716 = tpu.vector_load %arg12[%get3A_1715] {strides = array<i32>} : memref<12288xf32, #tpu.memory_space<vmem>>, vector<16xf32>,
        %get3A_1717 = vector.shape_cast %get3A_1716 : vector<16xf32> to vector<16xf32>
        %mul3A_1718 = vector.broadcast %squeeze3A_1706 : f32 to vector<16xf32>
        %mul3A_1719 = arith.mulf %get3A_1717, %mul3A_1718 : vector<16xf32>
        %add3A_1720 = arith.addf %add3A_1680, %mul3A_1719 : vector<16xf32>
        %add3A_1721 = arith.constant 16 : i32
        %add3A_1722 = arith.addi %mul3A_1712, %add3A_1721 : i32
        %get3A_1723 = arith.index_cast %add3A_1722 : i32 to index
        %get3A_1724 = tpu.vector_load %arg12[%get3A_1723] {strides = array<i32>} : memref<12288xf32, #tpu.memory_space<vmem>>, vector<16xf32>,
        %get3A_1725 = vector.shape_cast %get3A_1724 : vector<16xf32> to vector<16xf32>
        %mul3A_1726 = vector.broadcast %squeeze3A_1706 : f32 to vector<16xf32>
        %mul3A_1727 = arith.mulf %get3A_1725, %mul3A_1726 : vector<16xf32>
        %add3A_1728 = arith.addf %add3A_1688, %mul3A_1727 : vector<16xf32>
        %add3A_1729 = arith.constant 32 : i32
        %add3A_1730 = arith.addi %mul3A_1712, %add3A_1729 : i32
        %get3A_1731 = arith.index_cast %add3A_1730 : i32 to index
        %get3A_1732 = tpu.vector_load %arg12[%get3A_1731] {strides = array<i32>} : memref<12288xf32, #tpu.memory_space<vmem>>, vector<16xf32>,
        %get3A_1733 = vector.shape_cast %get3A_1732 : vector<16xf32> to vector<16xf32>
        %mul3A_1734 = vector.broadcast %squeeze3A_1706 : f32 to vector<16xf32>
        %mul3A_1735 = arith.mulf %get3A_1733, %mul3A_1734 : vector<16xf32>
        %add3A_1736 = arith.addf %add3A_1696, %mul3A_1735 : vector<16xf32>
        %add3A_1737 = arith.constant 48 : i32
        %add3A_1738 = arith.addi %mul3A_1712, %add3A_1737 : i32
        %get3A_1739 = arith.index_cast %add3A_1738 : i32 to index
        %get3A_1740 = tpu.vector_load %arg12[%get3A_1739] {strides = array<i32>} : memref<12288xf32, #tpu.memory_space<vmem>>, vector<16xf32>,
        %get3A_1741 = vector.shape_cast %get3A_1740 : vector<16xf32> to vector<16xf32>
        %mul3A_1742 = vector.broadcast %squeeze3A_1706 : f32 to vector<16xf32>
        %mul3A_1743 = arith.mulf %get3A_1741, %mul3A_1742 : vector<16xf32>
        %add3A_1744 = arith.addf %add3A_1704, %mul3A_1743 : vector<16xf32>
        %slice3A_1745 = vector.extract_strided_slice %get3A_1584 {offsets = [4], sizes = [1], strides = [1]} : vector<16xf32> to vector<1xf32>
        %squeeze3A_1746 = vector.extract %slice3A_1745[0] : f32 from vector<1xf32>
        %mul3A_1747 = arith.constant 16 : i32
        %mul3A_1748 = arith.muli %scan3A_1575, %mul3A_1747 : i32
        %add3A_1749 = arith.constant 4 : i32
        %add3A_1750 = arith.addi %mul3A_1748, %add3A_1749 : i32
        %mul3A_1751 = arith.constant 64 : i32
        %mul3A_1752 = arith.muli %add3A_1750, %mul3A_1751 : i32
        %add3A_1753 = arith.constant 0 : i32
        %add3A_1754 = arith.addi %mul3A_1752, %add3A_1753 : i32
        %get3A_1755 = arith.index_cast %add3A_1754 : i32 to index
        %get3A_1756 = tpu.vector_load %arg12[%get3A_1755] {strides = array<i32>} : memref<12288xf32, #tpu.memory_space<vmem>>, vector<16xf32>,
        %get3A_1757 = vector.shape_cast %get3A_1756 : vector<16xf32> to vector<16xf32>
        %mul3A_1758 = vector.broadcast %squeeze3A_1746 : f32 to vector<16xf32>
        %mul3A_1759 = arith.mulf %get3A_1757, %mul3A_1758 : vector<16xf32>
        %add3A_1760 = arith.addf %add3A_1720, %mul3A_1759 : vector<16xf32>
        %add3A_1761 = arith.constant 16 : i32
        %add3A_1762 = arith.addi %mul3A_1752, %add3A_1761 : i32
        %get3A_1763 = arith.index_cast %add3A_1762 : i32 to index
        %get3A_1764 = tpu.vector_load %arg12[%get3A_1763] {strides = array<i32>} : memref<12288xf32, #tpu.memory_space<vmem>>, vector<16xf32>,
        %get3A_1765 = vector.shape_cast %get3A_1764 : vector<16xf32> to vector<16xf32>
        %mul3A_1766 = vector.broadcast %squeeze3A_1746 : f32 to vector<16xf32>
        %mul3A_1767 = arith.mulf %get3A_1765, %mul3A_1766 : vector<16xf32>
        %add3A_1768 = arith.addf %add3A_1728, %mul3A_1767 : vector<16xf32>
        %add3A_1769 = arith.constant 32 : i32
        %add3A_1770 = arith.addi %mul3A_1752, %add3A_1769 : i32
        %get3A_1771 = arith.index_cast %add3A_1770 : i32 to index
        %get3A_1772 = tpu.vector_load %arg12[%get3A_1771] {strides = array<i32>} : memref<12288xf32, #tpu.memory_space<vmem>>, vector<16xf32>,
        %get3A_1773 = vector.shape_cast %get3A_1772 : vector<16xf32> to vector<16xf32>
        %mul3A_1774 = vector.broadcast %squeeze3A_1746 : f32 to vector<16xf32>
        %mul3A_1775 = arith.mulf %get3A_1773, %mul3A_1774 : vector<16xf32>
        %add3A_1776 = arith.addf %add3A_1736, %mul3A_1775 : vector<16xf32>
        %add3A_1777 = arith.constant 48 : i32
        %add3A_1778 = arith.addi %mul3A_1752, %add3A_1777 : i32
        %get3A_1779 = arith.index_cast %add3A_1778 : i32 to index
        %get3A_1780 = tpu.vector_load %arg12[%get3A_1779] {strides = array<i32>} : memref<12288xf32, #tpu.memory_space<vmem>>, vector<16xf32>,
        %get3A_1781 = vector.shape_cast %get3A_1780 : vector<16xf32> to vector<16xf32>
        %mul3A_1782 = vector.broadcast %squeeze3A_1746 : f32 to vector<16xf32>
        %mul3A_1783 = arith.mulf %get3A_1781, %mul3A_1782 : vector<16xf32>
        %add3A_1784 = arith.addf %add3A_1744, %mul3A_1783 : vector<16xf32>
        %slice3A_1785 = vector.extract_strided_slice %get3A_1584 {offsets = [5], sizes = [1], strides = [1]} : vector<16xf32> to vector<1xf32>
        %squeeze3A_1786 = vector.extract %slice3A_1785[0] : f32 from vector<1xf32>
        %mul3A_1787 = arith.constant 16 : i32
        %mul3A_1788 = arith.muli %scan3A_1575, %mul3A_1787 : i32
        %add3A_1789 = arith.constant 5 : i32
        %add3A_1790 = arith.addi %mul3A_1788, %add3A_1789 : i32
        %mul3A_1791 = arith.constant 64 : i32
        %mul3A_1792 = arith.muli %add3A_1790, %mul3A_1791 : i32
        %add3A_1793 = arith.constant 0 : i32
        %add3A_1794 = arith.addi %mul3A_1792, %add3A_1793 : i32
        %get3A_1795 = arith.index_cast %add3A_1794 : i32 to index
        %get3A_1796 = tpu.vector_load %arg12[%get3A_1795] {strides = array<i32>} : memref<12288xf32, #tpu.memory_space<vmem>>, vector<16xf32>,
        %get3A_1797 = vector.shape_cast %get3A_1796 : vector<16xf32> to vector<16xf32>
        %mul3A_1798 = vector.broadcast %squeeze3A_1786 : f32 to vector<16xf32>
        %mul3A_1799 = arith.mulf %get3A_1797, %mul3A_1798 : vector<16xf32>
        %add3A_1800 = arith.addf %add3A_1760, %mul3A_1799 : vector<16xf32>
        %add3A_1801 = arith.constant 16 : i32
        %add3A_1802 = arith.addi %mul3A_1792, %add3A_1801 : i32
        %get3A_1803 = arith.index_cast %add3A_1802 : i32 to index
        %get3A_1804 = tpu.vector_load %arg12[%get3A_1803] {strides = array<i32>} : memref<12288xf32, #tpu.memory_space<vmem>>, vector<16xf32>,
        %get3A_1805 = vector.shape_cast %get3A_1804 : vector<16xf32> to vector<16xf32>
        %mul3A_1806 = vector.broadcast %squeeze3A_1786 : f32 to vector<16xf32>
        %mul3A_1807 = arith.mulf %get3A_1805, %mul3A_1806 : vector<16xf32>
        %add3A_1808 = arith.addf %add3A_1768, %mul3A_1807 : vector<16xf32>
        %add3A_1809 = arith.constant 32 : i32
        %add3A_1810 = arith.addi %mul3A_1792, %add3A_1809 : i32
        %get3A_1811 = arith.index_cast %add3A_1810 : i32 to index
        %get3A_1812 = tpu.vector_load %arg12[%get3A_1811] {strides = array<i32>} : memref<12288xf32, #tpu.memory_space<vmem>>, vector<16xf32>,
        %get3A_1813 = vector.shape_cast %get3A_1812 : vector<16xf32> to vector<16xf32>
        %mul3A_1814 = vector.broadcast %squeeze3A_1786 : f32 to vector<16xf32>
        %mul3A_1815 = arith.mulf %get3A_1813, %mul3A_1814 : vector<16xf32>
        %add3A_1816 = arith.addf %add3A_1776, %mul3A_1815 : vector<16xf32>
        %add3A_1817 = arith.constant 48 : i32
        %add3A_1818 = arith.addi %mul3A_1792, %add3A_1817 : i32
        %get3A_1819 = arith.index_cast %add3A_1818 : i32 to index
        %get3A_1820 = tpu.vector_load %arg12[%get3A_1819] {strides = array<i32>} : memref<12288xf32, #tpu.memory_space<vmem>>, vector<16xf32>,
        %get3A_1821 = vector.shape_cast %get3A_1820 : vector<16xf32> to vector<16xf32>
        %mul3A_1822 = vector.broadcast %squeeze3A_1786 : f32 to vector<16xf32>
        %mul3A_1823 = arith.mulf %get3A_1821, %mul3A_1822 : vector<16xf32>
        %add3A_1824 = arith.addf %add3A_1784, %mul3A_1823 : vector<16xf32>
        %slice3A_1825 = vector.extract_strided_slice %get3A_1584 {offsets = [6], sizes = [1], strides = [1]} : vector<16xf32> to vector<1xf32>
        %squeeze3A_1826 = vector.extract %slice3A_1825[0] : f32 from vector<1xf32>
        %mul3A_1827 = arith.constant 16 : i32
        %mul3A_1828 = arith.muli %scan3A_1575, %mul3A_1827 : i32
        %add3A_1829 = arith.constant 6 : i32
        %add3A_1830 = arith.addi %mul3A_1828, %add3A_1829 : i32
        %mul3A_1831 = arith.constant 64 : i32
        %mul3A_1832 = arith.muli %add3A_1830, %mul3A_1831 : i32
        %add3A_1833 = arith.constant 0 : i32
        %add3A_1834 = arith.addi %mul3A_1832, %add3A_1833 : i32
        %get3A_1835 = arith.index_cast %add3A_1834 : i32 to index
        %get3A_1836 = tpu.vector_load %arg12[%get3A_1835] {strides = array<i32>} : memref<12288xf32, #tpu.memory_space<vmem>>, vector<16xf32>,
        %get3A_1837 = vector.shape_cast %get3A_1836 : vector<16xf32> to vector<16xf32>
        %mul3A_1838 = vector.broadcast %squeeze3A_1826 : f32 to vector<16xf32>
        %mul3A_1839 = arith.mulf %get3A_1837, %mul3A_1838 : vector<16xf32>
        %add3A_1840 = arith.addf %add3A_1800, %mul3A_1839 : vector<16xf32>
        %add3A_1841 = arith.constant 16 : i32
        %add3A_1842 = arith.addi %mul3A_1832, %add3A_1841 : i32
        %get3A_1843 = arith.index_cast %add3A_1842 : i32 to index
        %get3A_1844 = tpu.vector_load %arg12[%get3A_1843] {strides = array<i32>} : memref<12288xf32, #tpu.memory_space<vmem>>, vector<16xf32>,
        %get3A_1845 = vector.shape_cast %get3A_1844 : vector<16xf32> to vector<16xf32>
        %mul3A_1846 = vector.broadcast %squeeze3A_1826 : f32 to vector<16xf32>
        %mul3A_1847 = arith.mulf %get3A_1845, %mul3A_1846 : vector<16xf32>
        %add3A_1848 = arith.addf %add3A_1808, %mul3A_1847 : vector<16xf32>
        %add3A_1849 = arith.constant 32 : i32
        %add3A_1850 = arith.addi %mul3A_1832, %add3A_1849 : i32
        %get3A_1851 = arith.index_cast %add3A_1850 : i32 to index
        %get3A_1852 = tpu.vector_load %arg12[%get3A_1851] {strides = array<i32>} : memref<12288xf32, #tpu.memory_space<vmem>>, vector<16xf32>,
        %get3A_1853 = vector.shape_cast %get3A_1852 : vector<16xf32> to vector<16xf32>
        %mul3A_1854 = vector.broadcast %squeeze3A_1826 : f32 to vector<16xf32>
        %mul3A_1855 = arith.mulf %get3A_1853, %mul3A_1854 : vector<16xf32>
        %add3A_1856 = arith.addf %add3A_1816, %mul3A_1855 : vector<16xf32>
        %add3A_1857 = arith.constant 48 : i32
        %add3A_1858 = arith.addi %mul3A_1832, %add3A_1857 : i32
        %get3A_1859 = arith.index_cast %add3A_1858 : i32 to index
        %get3A_1860 = tpu.vector_load %arg12[%get3A_1859] {strides = array<i32>} : memref<12288xf32, #tpu.memory_space<vmem>>, vector<16xf32>,
        %get3A_1861 = vector.shape_cast %get3A_1860 : vector<16xf32> to vector<16xf32>
        %mul3A_1862 = vector.broadcast %squeeze3A_1826 : f32 to vector<16xf32>
        %mul3A_1863 = arith.mulf %get3A_1861, %mul3A_1862 : vector<16xf32>
        %add3A_1864 = arith.addf %add3A_1824, %mul3A_1863 : vector<16xf32>
        %slice3A_1865 = vector.extract_strided_slice %get3A_1584 {offsets = [7], sizes = [1], strides = [1]} : vector<16xf32> to vector<1xf32>
        %squeeze3A_1866 = vector.extract %slice3A_1865[0] : f32 from vector<1xf32>
        %mul3A_1867 = arith.constant 16 : i32
        %mul3A_1868 = arith.muli %scan3A_1575, %mul3A_1867 : i32
        %add3A_1869 = arith.constant 7 : i32
        %add3A_1870 = arith.addi %mul3A_1868, %add3A_1869 : i32
        %mul3A_1871 = arith.constant 64 : i32
        %mul3A_1872 = arith.muli %add3A_1870, %mul3A_1871 : i32
        %add3A_1873 = arith.constant 0 : i32
        %add3A_1874 = arith.addi %mul3A_1872, %add3A_1873 : i32
        %get3A_1875 = arith.index_cast %add3A_1874 : i32 to index
        %get3A_1876 = tpu.vector_load %arg12[%get3A_1875] {strides = array<i32>} : memref<12288xf32, #tpu.memory_space<vmem>>, vector<16xf32>,
        %get3A_1877 = vector.shape_cast %get3A_1876 : vector<16xf32> to vector<16xf32>
        %mul3A_1878 = vector.broadcast %squeeze3A_1866 : f32 to vector<16xf32>
        %mul3A_1879 = arith.mulf %get3A_1877, %mul3A_1878 : vector<16xf32>
        %add3A_1880 = arith.addf %add3A_1840, %mul3A_1879 : vector<16xf32>
        %add3A_1881 = arith.constant 16 : i32
        %add3A_1882 = arith.addi %mul3A_1872, %add3A_1881 : i32
        %get3A_1883 = arith.index_cast %add3A_1882 : i32 to index
        %get3A_1884 = tpu.vector_load %arg12[%get3A_1883] {strides = array<i32>} : memref<12288xf32, #tpu.memory_space<vmem>>, vector<16xf32>,
        %get3A_1885 = vector.shape_cast %get3A_1884 : vector<16xf32> to vector<16xf32>
        %mul3A_1886 = vector.broadcast %squeeze3A_1866 : f32 to vector<16xf32>
        %mul3A_1887 = arith.mulf %get3A_1885, %mul3A_1886 : vector<16xf32>
        %add3A_1888 = arith.addf %add3A_1848, %mul3A_1887 : vector<16xf32>
        %add3A_1889 = arith.constant 32 : i32
        %add3A_1890 = arith.addi %mul3A_1872, %add3A_1889 : i32
        %get3A_1891 = arith.index_cast %add3A_1890 : i32 to index
        %get3A_1892 = tpu.vector_load %arg12[%get3A_1891] {strides = array<i32>} : memref<12288xf32, #tpu.memory_space<vmem>>, vector<16xf32>,
        %get3A_1893 = vector.shape_cast %get3A_1892 : vector<16xf32> to vector<16xf32>
        %mul3A_1894 = vector.broadcast %squeeze3A_1866 : f32 to vector<16xf32>
        %mul3A_1895 = arith.mulf %get3A_1893, %mul3A_1894 : vector<16xf32>
        %add3A_1896 = arith.addf %add3A_1856, %mul3A_1895 : vector<16xf32>
        %add3A_1897 = arith.constant 48 : i32
        %add3A_1898 = arith.addi %mul3A_1872, %add3A_1897 : i32
        %get3A_1899 = arith.index_cast %add3A_1898 : i32 to index
        %get3A_1900 = tpu.vector_load %arg12[%get3A_1899] {strides = array<i32>} : memref<12288xf32, #tpu.memory_space<vmem>>, vector<16xf32>,
        %get3A_1901 = vector.shape_cast %get3A_1900 : vector<16xf32> to vector<16xf32>
        %mul3A_1902 = vector.broadcast %squeeze3A_1866 : f32 to vector<16xf32>
        %mul3A_1903 = arith.mulf %get3A_1901, %mul3A_1902 : vector<16xf32>
        %add3A_1904 = arith.addf %add3A_1864, %mul3A_1903 : vector<16xf32>
        %slice3A_1905 = vector.extract_strided_slice %get3A_1584 {offsets = [8], sizes = [1], strides = [1]} : vector<16xf32> to vector<1xf32>
        %squeeze3A_1906 = vector.extract %slice3A_1905[0] : f32 from vector<1xf32>
        %mul3A_1907 = arith.constant 16 : i32
        %mul3A_1908 = arith.muli %scan3A_1575, %mul3A_1907 : i32
        %add3A_1909 = arith.constant 8 : i32
        %add3A_1910 = arith.addi %mul3A_1908, %add3A_1909 : i32
        %mul3A_1911 = arith.constant 64 : i32
        %mul3A_1912 = arith.muli %add3A_1910, %mul3A_1911 : i32
        %add3A_1913 = arith.constant 0 : i32
        %add3A_1914 = arith.addi %mul3A_1912, %add3A_1913 : i32
        %get3A_1915 = arith.index_cast %add3A_1914 : i32 to index
        %get3A_1916 = tpu.vector_load %arg12[%get3A_1915] {strides = array<i32>} : memref<12288xf32, #tpu.memory_space<vmem>>, vector<16xf32>,
        %get3A_1917 = vector.shape_cast %get3A_1916 : vector<16xf32> to vector<16xf32>
        %mul3A_1918 = vector.broadcast %squeeze3A_1906 : f32 to vector<16xf32>
        %mul3A_1919 = arith.mulf %get3A_1917, %mul3A_1918 : vector<16xf32>
        %add3A_1920 = arith.addf %add3A_1880, %mul3A_1919 : vector<16xf32>
        %add3A_1921 = arith.constant 16 : i32
        %add3A_1922 = arith.addi %mul3A_1912, %add3A_1921 : i32
        %get3A_1923 = arith.index_cast %add3A_1922 : i32 to index
        %get3A_1924 = tpu.vector_load %arg12[%get3A_1923] {strides = array<i32>} : memref<12288xf32, #tpu.memory_space<vmem>>, vector<16xf32>,
        %get3A_1925 = vector.shape_cast %get3A_1924 : vector<16xf32> to vector<16xf32>
        %mul3A_1926 = vector.broadcast %squeeze3A_1906 : f32 to vector<16xf32>
        %mul3A_1927 = arith.mulf %get3A_1925, %mul3A_1926 : vector<16xf32>
        %add3A_1928 = arith.addf %add3A_1888, %mul3A_1927 : vector<16xf32>
        %add3A_1929 = arith.constant 32 : i32
        %add3A_1930 = arith.addi %mul3A_1912, %add3A_1929 : i32
        %get3A_1931 = arith.index_cast %add3A_1930 : i32 to index
        %get3A_1932 = tpu.vector_load %arg12[%get3A_1931] {strides = array<i32>} : memref<12288xf32, #tpu.memory_space<vmem>>, vector<16xf32>,
        %get3A_1933 = vector.shape_cast %get3A_1932 : vector<16xf32> to vector<16xf32>
        %mul3A_1934 = vector.broadcast %squeeze3A_1906 : f32 to vector<16xf32>
        %mul3A_1935 = arith.mulf %get3A_1933, %mul3A_1934 : vector<16xf32>
        %add3A_1936 = arith.addf %add3A_1896, %mul3A_1935 : vector<16xf32>
        %add3A_1937 = arith.constant 48 : i32
        %add3A_1938 = arith.addi %mul3A_1912, %add3A_1937 : i32
        %get3A_1939 = arith.index_cast %add3A_1938 : i32 to index
        %get3A_1940 = tpu.vector_load %arg12[%get3A_1939] {strides = array<i32>} : memref<12288xf32, #tpu.memory_space<vmem>>, vector<16xf32>,
        %get3A_1941 = vector.shape_cast %get3A_1940 : vector<16xf32> to vector<16xf32>
        %mul3A_1942 = vector.broadcast %squeeze3A_1906 : f32 to vector<16xf32>
        %mul3A_1943 = arith.mulf %get3A_1941, %mul3A_1942 : vector<16xf32>
        %add3A_1944 = arith.addf %add3A_1904, %mul3A_1943 : vector<16xf32>
        %slice3A_1945 = vector.extract_strided_slice %get3A_1584 {offsets = [9], sizes = [1], strides = [1]} : vector<16xf32> to vector<1xf32>
        %squeeze3A_1946 = vector.extract %slice3A_1945[0] : f32 from vector<1xf32>
        %mul3A_1947 = arith.constant 16 : i32
        %mul3A_1948 = arith.muli %scan3A_1575, %mul3A_1947 : i32
        %add3A_1949 = arith.constant 9 : i32
        %add3A_1950 = arith.addi %mul3A_1948, %add3A_1949 : i32
        %mul3A_1951 = arith.constant 64 : i32
        %mul3A_1952 = arith.muli %add3A_1950, %mul3A_1951 : i32
        %add3A_1953 = arith.constant 0 : i32
        %add3A_1954 = arith.addi %mul3A_1952, %add3A_1953 : i32
        %get3A_1955 = arith.index_cast %add3A_1954 : i32 to index
        %get3A_1956 = tpu.vector_load %arg12[%get3A_1955] {strides = array<i32>} : memref<12288xf32, #tpu.memory_space<vmem>>, vector<16xf32>,
        %get3A_1957 = vector.shape_cast %get3A_1956 : vector<16xf32> to vector<16xf32>
        %mul3A_1958 = vector.broadcast %squeeze3A_1946 : f32 to vector<16xf32>
        %mul3A_1959 = arith.mulf %get3A_1957, %mul3A_1958 : vector<16xf32>
        %add3A_1960 = arith.addf %add3A_1920, %mul3A_1959 : vector<16xf32>
        %add3A_1961 = arith.constant 16 : i32
        %add3A_1962 = arith.addi %mul3A_1952, %add3A_1961 : i32
        %get3A_1963 = arith.index_cast %add3A_1962 : i32 to index
        %get3A_1964 = tpu.vector_load %arg12[%get3A_1963] {strides = array<i32>} : memref<12288xf32, #tpu.memory_space<vmem>>, vector<16xf32>,
        %get3A_1965 = vector.shape_cast %get3A_1964 : vector<16xf32> to vector<16xf32>
        %mul3A_1966 = vector.broadcast %squeeze3A_1946 : f32 to vector<16xf32>
        %mul3A_1967 = arith.mulf %get3A_1965, %mul3A_1966 : vector<16xf32>
        %add3A_1968 = arith.addf %add3A_1928, %mul3A_1967 : vector<16xf32>
        %add3A_1969 = arith.constant 32 : i32
        %add3A_1970 = arith.addi %mul3A_1952, %add3A_1969 : i32
        %get3A_1971 = arith.index_cast %add3A_1970 : i32 to index
        %get3A_1972 = tpu.vector_load %arg12[%get3A_1971] {strides = array<i32>} : memref<12288xf32, #tpu.memory_space<vmem>>, vector<16xf32>,
        %get3A_1973 = vector.shape_cast %get3A_1972 : vector<16xf32> to vector<16xf32>
        %mul3A_1974 = vector.broadcast %squeeze3A_1946 : f32 to vector<16xf32>
        %mul3A_1975 = arith.mulf %get3A_1973, %mul3A_1974 : vector<16xf32>
        %add3A_1976 = arith.addf %add3A_1936, %mul3A_1975 : vector<16xf32>
        %add3A_1977 = arith.constant 48 : i32
        %add3A_1978 = arith.addi %mul3A_1952, %add3A_1977 : i32
        %get3A_1979 = arith.index_cast %add3A_1978 : i32 to index
        %get3A_1980 = tpu.vector_load %arg12[%get3A_1979] {strides = array<i32>} : memref<12288xf32, #tpu.memory_space<vmem>>, vector<16xf32>,
        %get3A_1981 = vector.shape_cast %get3A_1980 : vector<16xf32> to vector<16xf32>
        %mul3A_1982 = vector.broadcast %squeeze3A_1946 : f32 to vector<16xf32>
        %mul3A_1983 = arith.mulf %get3A_1981, %mul3A_1982 : vector<16xf32>
        %add3A_1984 = arith.addf %add3A_1944, %mul3A_1983 : vector<16xf32>
        %slice3A_1985 = vector.extract_strided_slice %get3A_1584 {offsets = [10], sizes = [1], strides = [1]} : vector<16xf32> to vector<1xf32>
        %squeeze3A_1986 = vector.extract %slice3A_1985[0] : f32 from vector<1xf32>
        %mul3A_1987 = arith.constant 16 : i32
        %mul3A_1988 = arith.muli %scan3A_1575, %mul3A_1987 : i32
        %add3A_1989 = arith.constant 10 : i32
        %add3A_1990 = arith.addi %mul3A_1988, %add3A_1989 : i32
        %mul3A_1991 = arith.constant 64 : i32
        %mul3A_1992 = arith.muli %add3A_1990, %mul3A_1991 : i32
        %add3A_1993 = arith.constant 0 : i32
        %add3A_1994 = arith.addi %mul3A_1992, %add3A_1993 : i32
        %get3A_1995 = arith.index_cast %add3A_1994 : i32 to index
        %get3A_1996 = tpu.vector_load %arg12[%get3A_1995] {strides = array<i32>} : memref<12288xf32, #tpu.memory_space<vmem>>, vector<16xf32>,
        %get3A_1997 = vector.shape_cast %get3A_1996 : vector<16xf32> to vector<16xf32>
        %mul3A_1998 = vector.broadcast %squeeze3A_1986 : f32 to vector<16xf32>
        %mul3A_1999 = arith.mulf %get3A_1997, %mul3A_1998 : vector<16xf32>
        %add3A_2000 = arith.addf %add3A_1960, %mul3A_1999 : vector<16xf32>
        %add3A_2001 = arith.constant 16 : i32
        %add3A_2002 = arith.addi %mul3A_1992, %add3A_2001 : i32
        %get3A_2003 = arith.index_cast %add3A_2002 : i32 to index
        %get3A_2004 = tpu.vector_load %arg12[%get3A_2003] {strides = array<i32>} : memref<12288xf32, #tpu.memory_space<vmem>>, vector<16xf32>,
        %get3A_2005 = vector.shape_cast %get3A_2004 : vector<16xf32> to vector<16xf32>
        %mul3A_2006 = vector.broadcast %squeeze3A_1986 : f32 to vector<16xf32>
        %mul3A_2007 = arith.mulf %get3A_2005, %mul3A_2006 : vector<16xf32>
        %add3A_2008 = arith.addf %add3A_1968, %mul3A_2007 : vector<16xf32>
        %add3A_2009 = arith.constant 32 : i32
        %add3A_2010 = arith.addi %mul3A_1992, %add3A_2009 : i32
        %get3A_2011 = arith.index_cast %add3A_2010 : i32 to index
        %get3A_2012 = tpu.vector_load %arg12[%get3A_2011] {strides = array<i32>} : memref<12288xf32, #tpu.memory_space<vmem>>, vector<16xf32>,
        %get3A_2013 = vector.shape_cast %get3A_2012 : vector<16xf32> to vector<16xf32>
        %mul3A_2014 = vector.broadcast %squeeze3A_1986 : f32 to vector<16xf32>
        %mul3A_2015 = arith.mulf %get3A_2013, %mul3A_2014 : vector<16xf32>
        %add3A_2016 = arith.addf %add3A_1976, %mul3A_2015 : vector<16xf32>
        %add3A_2017 = arith.constant 48 : i32
        %add3A_2018 = arith.addi %mul3A_1992, %add3A_2017 : i32
        %get3A_2019 = arith.index_cast %add3A_2018 : i32 to index
        %get3A_2020 = tpu.vector_load %arg12[%get3A_2019] {strides = array<i32>} : memref<12288xf32, #tpu.memory_space<vmem>>, vector<16xf32>,
        %get3A_2021 = vector.shape_cast %get3A_2020 : vector<16xf32> to vector<16xf32>
        %mul3A_2022 = vector.broadcast %squeeze3A_1986 : f32 to vector<16xf32>
        %mul3A_2023 = arith.mulf %get3A_2021, %mul3A_2022 : vector<16xf32>
        %add3A_2024 = arith.addf %add3A_1984, %mul3A_2023 : vector<16xf32>
        %slice3A_2025 = vector.extract_strided_slice %get3A_1584 {offsets = [11], sizes = [1], strides = [1]} : vector<16xf32> to vector<1xf32>
        %squeeze3A_2026 = vector.extract %slice3A_2025[0] : f32 from vector<1xf32>
        %mul3A_2027 = arith.constant 16 : i32
        %mul3A_2028 = arith.muli %scan3A_1575, %mul3A_2027 : i32
        %add3A_2029 = arith.constant 11 : i32
        %add3A_2030 = arith.addi %mul3A_2028, %add3A_2029 : i32
        %mul3A_2031 = arith.constant 64 : i32
        %mul3A_2032 = arith.muli %add3A_2030, %mul3A_2031 : i32
        %add3A_2033 = arith.constant 0 : i32
        %add3A_2034 = arith.addi %mul3A_2032, %add3A_2033 : i32
        %get3A_2035 = arith.index_cast %add3A_2034 : i32 to index
        %get3A_2036 = tpu.vector_load %arg12[%get3A_2035] {strides = array<i32>} : memref<12288xf32, #tpu.memory_space<vmem>>, vector<16xf32>,
        %get3A_2037 = vector.shape_cast %get3A_2036 : vector<16xf32> to vector<16xf32>
        %mul3A_2038 = vector.broadcast %squeeze3A_2026 : f32 to vector<16xf32>
        %mul3A_2039 = arith.mulf %get3A_2037, %mul3A_2038 : vector<16xf32>
        %add3A_2040 = arith.addf %add3A_2000, %mul3A_2039 : vector<16xf32>
        %add3A_2041 = arith.constant 16 : i32
        %add3A_2042 = arith.addi %mul3A_2032, %add3A_2041 : i32
        %get3A_2043 = arith.index_cast %add3A_2042 : i32 to index
        %get3A_2044 = tpu.vector_load %arg12[%get3A_2043] {strides = array<i32>} : memref<12288xf32, #tpu.memory_space<vmem>>, vector<16xf32>,
        %get3A_2045 = vector.shape_cast %get3A_2044 : vector<16xf32> to vector<16xf32>
        %mul3A_2046 = vector.broadcast %squeeze3A_2026 : f32 to vector<16xf32>
        %mul3A_2047 = arith.mulf %get3A_2045, %mul3A_2046 : vector<16xf32>
        %add3A_2048 = arith.addf %add3A_2008, %mul3A_2047 : vector<16xf32>
        %add3A_2049 = arith.constant 32 : i32
        %add3A_2050 = arith.addi %mul3A_2032, %add3A_2049 : i32
        %get3A_2051 = arith.index_cast %add3A_2050 : i32 to index
        %get3A_2052 = tpu.vector_load %arg12[%get3A_2051] {strides = array<i32>} : memref<12288xf32, #tpu.memory_space<vmem>>, vector<16xf32>,
        %get3A_2053 = vector.shape_cast %get3A_2052 : vector<16xf32> to vector<16xf32>
        %mul3A_2054 = vector.broadcast %squeeze3A_2026 : f32 to vector<16xf32>
        %mul3A_2055 = arith.mulf %get3A_2053, %mul3A_2054 : vector<16xf32>
        %add3A_2056 = arith.addf %add3A_2016, %mul3A_2055 : vector<16xf32>
        %add3A_2057 = arith.constant 48 : i32
        %add3A_2058 = arith.addi %mul3A_2032, %add3A_2057 : i32
        %get3A_2059 = arith.index_cast %add3A_2058 : i32 to index
        %get3A_2060 = tpu.vector_load %arg12[%get3A_2059] {strides = array<i32>} : memref<12288xf32, #tpu.memory_space<vmem>>, vector<16xf32>,
        %get3A_2061 = vector.shape_cast %get3A_2060 : vector<16xf32> to vector<16xf32>
        %mul3A_2062 = vector.broadcast %squeeze3A_2026 : f32 to vector<16xf32>
        %mul3A_2063 = arith.mulf %get3A_2061, %mul3A_2062 : vector<16xf32>
        %add3A_2064 = arith.addf %add3A_2024, %mul3A_2063 : vector<16xf32>
        %slice3A_2065 = vector.extract_strided_slice %get3A_1584 {offsets = [12], sizes = [1], strides = [1]} : vector<16xf32> to vector<1xf32>
        %squeeze3A_2066 = vector.extract %slice3A_2065[0] : f32 from vector<1xf32>
        %mul3A_2067 = arith.constant 16 : i32
        %mul3A_2068 = arith.muli %scan3A_1575, %mul3A_2067 : i32
        %add3A_2069 = arith.constant 12 : i32
        %add3A_2070 = arith.addi %mul3A_2068, %add3A_2069 : i32
        %mul3A_2071 = arith.constant 64 : i32
        %mul3A_2072 = arith.muli %add3A_2070, %mul3A_2071 : i32
        %add3A_2073 = arith.constant 0 : i32
        %add3A_2074 = arith.addi %mul3A_2072, %add3A_2073 : i32
        %get3A_2075 = arith.index_cast %add3A_2074 : i32 to index
        %get3A_2076 = tpu.vector_load %arg12[%get3A_2075] {strides = array<i32>} : memref<12288xf32, #tpu.memory_space<vmem>>, vector<16xf32>,
        %get3A_2077 = vector.shape_cast %get3A_2076 : vector<16xf32> to vector<16xf32>
        %mul3A_2078 = vector.broadcast %squeeze3A_2066 : f32 to vector<16xf32>
        %mul3A_2079 = arith.mulf %get3A_2077, %mul3A_2078 : vector<16xf32>
        %add3A_2080 = arith.addf %add3A_2040, %mul3A_2079 : vector<16xf32>
        %add3A_2081 = arith.constant 16 : i32
        %add3A_2082 = arith.addi %mul3A_2072, %add3A_2081 : i32
        %get3A_2083 = arith.index_cast %add3A_2082 : i32 to index
        %get3A_2084 = tpu.vector_load %arg12[%get3A_2083] {strides = array<i32>} : memref<12288xf32, #tpu.memory_space<vmem>>, vector<16xf32>,
        %get3A_2085 = vector.shape_cast %get3A_2084 : vector<16xf32> to vector<16xf32>
        %mul3A_2086 = vector.broadcast %squeeze3A_2066 : f32 to vector<16xf32>
        %mul3A_2087 = arith.mulf %get3A_2085, %mul3A_2086 : vector<16xf32>
        %add3A_2088 = arith.addf %add3A_2048, %mul3A_2087 : vector<16xf32>
        %add3A_2089 = arith.constant 32 : i32
        %add3A_2090 = arith.addi %mul3A_2072, %add3A_2089 : i32
        %get3A_2091 = arith.index_cast %add3A_2090 : i32 to index
        %get3A_2092 = tpu.vector_load %arg12[%get3A_2091] {strides = array<i32>} : memref<12288xf32, #tpu.memory_space<vmem>>, vector<16xf32>,
        %get3A_2093 = vector.shape_cast %get3A_2092 : vector<16xf32> to vector<16xf32>
        %mul3A_2094 = vector.broadcast %squeeze3A_2066 : f32 to vector<16xf32>
        %mul3A_2095 = arith.mulf %get3A_2093, %mul3A_2094 : vector<16xf32>
        %add3A_2096 = arith.addf %add3A_2056, %mul3A_2095 : vector<16xf32>
        %add3A_2097 = arith.constant 48 : i32
        %add3A_2098 = arith.addi %mul3A_2072, %add3A_2097 : i32
        %get3A_2099 = arith.index_cast %add3A_2098 : i32 to index
        %get3A_2100 = tpu.vector_load %arg12[%get3A_2099] {strides = array<i32>} : memref<12288xf32, #tpu.memory_space<vmem>>, vector<16xf32>,
        %get3A_2101 = vector.shape_cast %get3A_2100 : vector<16xf32> to vector<16xf32>
        %mul3A_2102 = vector.broadcast %squeeze3A_2066 : f32 to vector<16xf32>
        %mul3A_2103 = arith.mulf %get3A_2101, %mul3A_2102 : vector<16xf32>
        %add3A_2104 = arith.addf %add3A_2064, %mul3A_2103 : vector<16xf32>
        %slice3A_2105 = vector.extract_strided_slice %get3A_1584 {offsets = [13], sizes = [1], strides = [1]} : vector<16xf32> to vector<1xf32>
        %squeeze3A_2106 = vector.extract %slice3A_2105[0] : f32 from vector<1xf32>
        %mul3A_2107 = arith.constant 16 : i32
        %mul3A_2108 = arith.muli %scan3A_1575, %mul3A_2107 : i32
        %add3A_2109 = arith.constant 13 : i32
        %add3A_2110 = arith.addi %mul3A_2108, %add3A_2109 : i32
        %mul3A_2111 = arith.constant 64 : i32
        %mul3A_2112 = arith.muli %add3A_2110, %mul3A_2111 : i32
        %add3A_2113 = arith.constant 0 : i32
        %add3A_2114 = arith.addi %mul3A_2112, %add3A_2113 : i32
        %get3A_2115 = arith.index_cast %add3A_2114 : i32 to index
        %get3A_2116 = tpu.vector_load %arg12[%get3A_2115] {strides = array<i32>} : memref<12288xf32, #tpu.memory_space<vmem>>, vector<16xf32>,
        %get3A_2117 = vector.shape_cast %get3A_2116 : vector<16xf32> to vector<16xf32>
        %mul3A_2118 = vector.broadcast %squeeze3A_2106 : f32 to vector<16xf32>
        %mul3A_2119 = arith.mulf %get3A_2117, %mul3A_2118 : vector<16xf32>
        %add3A_2120 = arith.addf %add3A_2080, %mul3A_2119 : vector<16xf32>
        %add3A_2121 = arith.constant 16 : i32
        %add3A_2122 = arith.addi %mul3A_2112, %add3A_2121 : i32
        %get3A_2123 = arith.index_cast %add3A_2122 : i32 to index
        %get3A_2124 = tpu.vector_load %arg12[%get3A_2123] {strides = array<i32>} : memref<12288xf32, #tpu.memory_space<vmem>>, vector<16xf32>,
        %get3A_2125 = vector.shape_cast %get3A_2124 : vector<16xf32> to vector<16xf32>
        %mul3A_2126 = vector.broadcast %squeeze3A_2106 : f32 to vector<16xf32>
        %mul3A_2127 = arith.mulf %get3A_2125, %mul3A_2126 : vector<16xf32>
        %add3A_2128 = arith.addf %add3A_2088, %mul3A_2127 : vector<16xf32>
        %add3A_2129 = arith.constant 32 : i32
        %add3A_2130 = arith.addi %mul3A_2112, %add3A_2129 : i32
        %get3A_2131 = arith.index_cast %add3A_2130 : i32 to index
        %get3A_2132 = tpu.vector_load %arg12[%get3A_2131] {strides = array<i32>} : memref<12288xf32, #tpu.memory_space<vmem>>, vector<16xf32>,
        %get3A_2133 = vector.shape_cast %get3A_2132 : vector<16xf32> to vector<16xf32>
        %mul3A_2134 = vector.broadcast %squeeze3A_2106 : f32 to vector<16xf32>
        %mul3A_2135 = arith.mulf %get3A_2133, %mul3A_2134 : vector<16xf32>
        %add3A_2136 = arith.addf %add3A_2096, %mul3A_2135 : vector<16xf32>
        %add3A_2137 = arith.constant 48 : i32
        %add3A_2138 = arith.addi %mul3A_2112, %add3A_2137 : i32
        %get3A_2139 = arith.index_cast %add3A_2138 : i32 to index
        %get3A_2140 = tpu.vector_load %arg12[%get3A_2139] {strides = array<i32>} : memref<12288xf32, #tpu.memory_space<vmem>>, vector<16xf32>,
        %get3A_2141 = vector.shape_cast %get3A_2140 : vector<16xf32> to vector<16xf32>
        %mul3A_2142 = vector.broadcast %squeeze3A_2106 : f32 to vector<16xf32>
        %mul3A_2143 = arith.mulf %get3A_2141, %mul3A_2142 : vector<16xf32>
        %add3A_2144 = arith.addf %add3A_2104, %mul3A_2143 : vector<16xf32>
        %slice3A_2145 = vector.extract_strided_slice %get3A_1584 {offsets = [14], sizes = [1], strides = [1]} : vector<16xf32> to vector<1xf32>
        %squeeze3A_2146 = vector.extract %slice3A_2145[0] : f32 from vector<1xf32>
        %mul3A_2147 = arith.constant 16 : i32
        %mul3A_2148 = arith.muli %scan3A_1575, %mul3A_2147 : i32
        %add3A_2149 = arith.constant 14 : i32
        %add3A_2150 = arith.addi %mul3A_2148, %add3A_2149 : i32
        %mul3A_2151 = arith.constant 64 : i32
        %mul3A_2152 = arith.muli %add3A_2150, %mul3A_2151 : i32
        %add3A_2153 = arith.constant 0 : i32
        %add3A_2154 = arith.addi %mul3A_2152, %add3A_2153 : i32
        %get3A_2155 = arith.index_cast %add3A_2154 : i32 to index
        %get3A_2156 = tpu.vector_load %arg12[%get3A_2155] {strides = array<i32>} : memref<12288xf32, #tpu.memory_space<vmem>>, vector<16xf32>,
        %get3A_2157 = vector.shape_cast %get3A_2156 : vector<16xf32> to vector<16xf32>
        %mul3A_2158 = vector.broadcast %squeeze3A_2146 : f32 to vector<16xf32>
        %mul3A_2159 = arith.mulf %get3A_2157, %mul3A_2158 : vector<16xf32>
        %add3A_2160 = arith.addf %add3A_2120, %mul3A_2159 : vector<16xf32>
        %add3A_2161 = arith.constant 16 : i32
        %add3A_2162 = arith.addi %mul3A_2152, %add3A_2161 : i32
        %get3A_2163 = arith.index_cast %add3A_2162 : i32 to index
        %get3A_2164 = tpu.vector_load %arg12[%get3A_2163] {strides = array<i32>} : memref<12288xf32, #tpu.memory_space<vmem>>, vector<16xf32>,
        %get3A_2165 = vector.shape_cast %get3A_2164 : vector<16xf32> to vector<16xf32>
        %mul3A_2166 = vector.broadcast %squeeze3A_2146 : f32 to vector<16xf32>
        %mul3A_2167 = arith.mulf %get3A_2165, %mul3A_2166 : vector<16xf32>
        %add3A_2168 = arith.addf %add3A_2128, %mul3A_2167 : vector<16xf32>
        %add3A_2169 = arith.constant 32 : i32
        %add3A_2170 = arith.addi %mul3A_2152, %add3A_2169 : i32
        %get3A_2171 = arith.index_cast %add3A_2170 : i32 to index
        %get3A_2172 = tpu.vector_load %arg12[%get3A_2171] {strides = array<i32>} : memref<12288xf32, #tpu.memory_space<vmem>>, vector<16xf32>,
        %get3A_2173 = vector.shape_cast %get3A_2172 : vector<16xf32> to vector<16xf32>
        %mul3A_2174 = vector.broadcast %squeeze3A_2146 : f32 to vector<16xf32>
        %mul3A_2175 = arith.mulf %get3A_2173, %mul3A_2174 : vector<16xf32>
        %add3A_2176 = arith.addf %add3A_2136, %mul3A_2175 : vector<16xf32>
        %add3A_2177 = arith.constant 48 : i32
        %add3A_2178 = arith.addi %mul3A_2152, %add3A_2177 : i32
        %get3A_2179 = arith.index_cast %add3A_2178 : i32 to index
        %get3A_2180 = tpu.vector_load %arg12[%get3A_2179] {strides = array<i32>} : memref<12288xf32, #tpu.memory_space<vmem>>, vector<16xf32>,
        %get3A_2181 = vector.shape_cast %get3A_2180 : vector<16xf32> to vector<16xf32>
        %mul3A_2182 = vector.broadcast %squeeze3A_2146 : f32 to vector<16xf32>
        %mul3A_2183 = arith.mulf %get3A_2181, %mul3A_2182 : vector<16xf32>
        %add3A_2184 = arith.addf %add3A_2144, %mul3A_2183 : vector<16xf32>
        %slice3A_2185 = vector.extract_strided_slice %get3A_1584 {offsets = [15], sizes = [1], strides = [1]} : vector<16xf32> to vector<1xf32>
        %squeeze3A_2186 = vector.extract %slice3A_2185[0] : f32 from vector<1xf32>
        %mul3A_2187 = arith.constant 16 : i32
        %mul3A_2188 = arith.muli %scan3A_1575, %mul3A_2187 : i32
        %add3A_2189 = arith.constant 15 : i32
        %add3A_2190 = arith.addi %mul3A_2188, %add3A_2189 : i32
        %mul3A_2191 = arith.constant 64 : i32
        %mul3A_2192 = arith.muli %add3A_2190, %mul3A_2191 : i32
        %add3A_2193 = arith.constant 0 : i32
        %add3A_2194 = arith.addi %mul3A_2192, %add3A_2193 : i32
        %get3A_2195 = arith.index_cast %add3A_2194 : i32 to index
        %get3A_2196 = tpu.vector_load %arg12[%get3A_2195] {strides = array<i32>} : memref<12288xf32, #tpu.memory_space<vmem>>, vector<16xf32>,
        %get3A_2197 = vector.shape_cast %get3A_2196 : vector<16xf32> to vector<16xf32>
        %mul3A_2198 = vector.broadcast %squeeze3A_2186 : f32 to vector<16xf32>
        %mul3A_2199 = arith.mulf %get3A_2197, %mul3A_2198 : vector<16xf32>
        %add3A_2200 = arith.addf %add3A_2160, %mul3A_2199 : vector<16xf32>
        %add3A_2201 = arith.constant 16 : i32
        %add3A_2202 = arith.addi %mul3A_2192, %add3A_2201 : i32
        %get3A_2203 = arith.index_cast %add3A_2202 : i32 to index
        %get3A_2204 = tpu.vector_load %arg12[%get3A_2203] {strides = array<i32>} : memref<12288xf32, #tpu.memory_space<vmem>>, vector<16xf32>,
        %get3A_2205 = vector.shape_cast %get3A_2204 : vector<16xf32> to vector<16xf32>
        %mul3A_2206 = vector.broadcast %squeeze3A_2186 : f32 to vector<16xf32>
        %mul3A_2207 = arith.mulf %get3A_2205, %mul3A_2206 : vector<16xf32>
        %add3A_2208 = arith.addf %add3A_2168, %mul3A_2207 : vector<16xf32>
        %add3A_2209 = arith.constant 32 : i32
        %add3A_2210 = arith.addi %mul3A_2192, %add3A_2209 : i32
        %get3A_2211 = arith.index_cast %add3A_2210 : i32 to index
        %get3A_2212 = tpu.vector_load %arg12[%get3A_2211] {strides = array<i32>} : memref<12288xf32, #tpu.memory_space<vmem>>, vector<16xf32>,
        %get3A_2213 = vector.shape_cast %get3A_2212 : vector<16xf32> to vector<16xf32>
        %mul3A_2214 = vector.broadcast %squeeze3A_2186 : f32 to vector<16xf32>
        %mul3A_2215 = arith.mulf %get3A_2213, %mul3A_2214 : vector<16xf32>
        %add3A_2216 = arith.addf %add3A_2176, %mul3A_2215 : vector<16xf32>
        %add3A_2217 = arith.constant 48 : i32
        %add3A_2218 = arith.addi %mul3A_2192, %add3A_2217 : i32
        %get3A_2219 = arith.index_cast %add3A_2218 : i32 to index
        %get3A_2220 = tpu.vector_load %arg12[%get3A_2219] {strides = array<i32>} : memref<12288xf32, #tpu.memory_space<vmem>>, vector<16xf32>,
        %get3A_2221 = vector.shape_cast %get3A_2220 : vector<16xf32> to vector<16xf32>
        %mul3A_2222 = vector.broadcast %squeeze3A_2186 : f32 to vector<16xf32>
        %mul3A_2223 = arith.mulf %get3A_2221, %mul3A_2222 : vector<16xf32>
        %add3A_2224 = arith.addf %add3A_2184, %mul3A_2223 : vector<16xf32>
        scf.yield %add3A_2200, %add3A_2208, %add3A_2216, %add3A_2224 : vector<16xf32>, vector<16xf32>, vector<16xf32>, vector<16xf32>
      }
      %scan3A_230 = arith.constant 12 : i32
      %dma_wait3A_231 = arith.constant 3 : i32
      %dma_wait3A_232 = arith.constant 0 : i32
      %dma_wait3A_233 = tpu.memref_slice %arg5[%add3A, %dma_wait3A_232] : memref<16x1024xf32, #tpu.memory_space<hbm>> -> memref<1x1024xf32, #tpu.memory_space<hbm>>
      %dma_wait3A_234 = tpu.memref_squeeze %dma_wait3A_233 : memref<1x1024xf32, #tpu.memory_space<hbm>> -> memref<1024xf32, #tpu.memory_space<hbm>>
      %dma_wait3A_235 = tpu.memref_slice %arg21[%dma_wait3A_231] : memref<10x!tpu.dma_semaphore, #tpu.memory_space<semaphore_mem>> -> memref<1x!tpu.dma_semaphore, #tpu.memory_space<semaphore_mem>>
      %dma_wait3A_236 = tpu.memref_squeeze %dma_wait3A_235 : memref<1x!tpu.dma_semaphore, #tpu.memory_space<semaphore_mem>> -> memref<!tpu.dma_semaphore, #tpu.memory_space<semaphore_mem>>
      %dma_wait3A_237 = arith.constant 0 : i32
      %dma_wait3A_238 = tpu.memref_slice %arg5[%add3A, %dma_wait3A_237] : memref<16x1024xf32, #tpu.memory_space<hbm>> -> memref<1x1024xf32, #tpu.memory_space<hbm>>
      %dma_wait3A_239 = tpu.memref_squeeze %dma_wait3A_238 : memref<1x1024xf32, #tpu.memory_space<hbm>> -> memref<1024xf32, #tpu.memory_space<hbm>>
      tpu.wait_dma2 semaphore(%dma_wait3A_236 : memref<!tpu.dma_semaphore, #tpu.memory_space<semaphore_mem>>) src(%dma_wait3A_239 : memref<1024xf32, #tpu.memory_space<hbm>>) dst(%arg13 : memref<1024xf32, #tpu.memory_space<vmem>>)
      %slice3A = vector.extract_strided_slice %get3A_216 {offsets = [0], sizes = [1], strides = [1]} : vector<16xf32> to vector<1xf32>
      %squeeze3A = vector.extract %slice3A[0] : f32 from vector<1xf32>
      %get3A_240 = arith.constant 0 : index
      %get3A_241 = tpu.vector_load %arg13[%get3A_240] {strides = array<i32>} : memref<1024xf32, #tpu.memory_space<vmem>>, vector<16xf32>,
      %get3A_242 = vector.shape_cast %get3A_241 : vector<16xf32> to vector<16xf32>
      %mul3A_243 = vector.broadcast %squeeze3A : f32 to vector<16xf32>
      %mul3A_244 = arith.mulf %get3A_242, %mul3A_243 : vector<16xf32>
      %add3A_245 = arith.addf %broadcast_in_dim3A_56, %mul3A_244 : vector<16xf32>
      %get3A_246 = arith.constant 16 : index
      %get3A_247 = tpu.vector_load %arg13[%get3A_246] {strides = array<i32>} : memref<1024xf32, #tpu.memory_space<vmem>>, vector<16xf32>,
      %get3A_248 = vector.shape_cast %get3A_247 : vector<16xf32> to vector<16xf32>
      %mul3A_249 = vector.broadcast %squeeze3A : f32 to vector<16xf32>
      %mul3A_250 = arith.mulf %get3A_248, %mul3A_249 : vector<16xf32>
      %add3A_251 = arith.addf %broadcast_in_dim3A_56, %mul3A_250 : vector<16xf32>
      %get3A_252 = arith.constant 32 : index
      %get3A_253 = tpu.vector_load %arg13[%get3A_252] {strides = array<i32>} : memref<1024xf32, #tpu.memory_space<vmem>>, vector<16xf32>,
      %get3A_254 = vector.shape_cast %get3A_253 : vector<16xf32> to vector<16xf32>
      %mul3A_255 = vector.broadcast %squeeze3A : f32 to vector<16xf32>
      %mul3A_256 = arith.mulf %get3A_254, %mul3A_255 : vector<16xf32>
      %add3A_257 = arith.addf %broadcast_in_dim3A_56, %mul3A_256 : vector<16xf32>
      %get3A_258 = arith.constant 48 : index
      %get3A_259 = tpu.vector_load %arg13[%get3A_258] {strides = array<i32>} : memref<1024xf32, #tpu.memory_space<vmem>>, vector<16xf32>,
      %get3A_260 = vector.shape_cast %get3A_259 : vector<16xf32> to vector<16xf32>
      %mul3A_261 = vector.broadcast %squeeze3A : f32 to vector<16xf32>
      %mul3A_262 = arith.mulf %get3A_260, %mul3A_261 : vector<16xf32>
      %add3A_263 = arith.addf %broadcast_in_dim3A_56, %mul3A_262 : vector<16xf32>
      %slice3A_264 = vector.extract_strided_slice %get3A_216 {offsets = [1], sizes = [1], strides = [1]} : vector<16xf32> to vector<1xf32>
      %squeeze3A_265 = vector.extract %slice3A_264[0] : f32 from vector<1xf32>
      %get3A_266 = arith.constant 64 : index
      %get3A_267 = tpu.vector_load %arg13[%get3A_266] {strides = array<i32>} : memref<1024xf32, #tpu.memory_space<vmem>>, vector<16xf32>,
      %get3A_268 = vector.shape_cast %get3A_267 : vector<16xf32> to vector<16xf32>
      %mul3A_269 = vector.broadcast %squeeze3A_265 : f32 to vector<16xf32>
      %mul3A_270 = arith.mulf %get3A_268, %mul3A_269 : vector<16xf32>
      %add3A_271 = arith.addf %add3A_245, %mul3A_270 : vector<16xf32>
      %get3A_272 = arith.constant 80 : index
      %get3A_273 = tpu.vector_load %arg13[%get3A_272] {strides = array<i32>} : memref<1024xf32, #tpu.memory_space<vmem>>, vector<16xf32>,
      %get3A_274 = vector.shape_cast %get3A_273 : vector<16xf32> to vector<16xf32>
      %mul3A_275 = vector.broadcast %squeeze3A_265 : f32 to vector<16xf32>
      %mul3A_276 = arith.mulf %get3A_274, %mul3A_275 : vector<16xf32>
      %add3A_277 = arith.addf %add3A_251, %mul3A_276 : vector<16xf32>
      %get3A_278 = arith.constant 96 : index
      %get3A_279 = tpu.vector_load %arg13[%get3A_278] {strides = array<i32>} : memref<1024xf32, #tpu.memory_space<vmem>>, vector<16xf32>,
      %get3A_280 = vector.shape_cast %get3A_279 : vector<16xf32> to vector<16xf32>
      %mul3A_281 = vector.broadcast %squeeze3A_265 : f32 to vector<16xf32>
      %mul3A_282 = arith.mulf %get3A_280, %mul3A_281 : vector<16xf32>
      %add3A_283 = arith.addf %add3A_257, %mul3A_282 : vector<16xf32>
      %get3A_284 = arith.constant 112 : index
      %get3A_285 = tpu.vector_load %arg13[%get3A_284] {strides = array<i32>} : memref<1024xf32, #tpu.memory_space<vmem>>, vector<16xf32>,
      %get3A_286 = vector.shape_cast %get3A_285 : vector<16xf32> to vector<16xf32>
      %mul3A_287 = vector.broadcast %squeeze3A_265 : f32 to vector<16xf32>
      %mul3A_288 = arith.mulf %get3A_286, %mul3A_287 : vector<16xf32>
      %add3A_289 = arith.addf %add3A_263, %mul3A_288 : vector<16xf32>
      %slice3A_290 = vector.extract_strided_slice %get3A_216 {offsets = [2], sizes = [1], strides = [1]} : vector<16xf32> to vector<1xf32>
      %squeeze3A_291 = vector.extract %slice3A_290[0] : f32 from vector<1xf32>
      %get3A_292 = arith.constant 128 : index
      %get3A_293 = tpu.vector_load %arg13[%get3A_292] {strides = array<i32>} : memref<1024xf32, #tpu.memory_space<vmem>>, vector<16xf32>,
      %get3A_294 = vector.shape_cast %get3A_293 : vector<16xf32> to vector<16xf32>
      %mul3A_295 = vector.broadcast %squeeze3A_291 : f32 to vector<16xf32>
      %mul3A_296 = arith.mulf %get3A_294, %mul3A_295 : vector<16xf32>
      %add3A_297 = arith.addf %add3A_271, %mul3A_296 : vector<16xf32>
      %get3A_298 = arith.constant 144 : index
      %get3A_299 = tpu.vector_load %arg13[%get3A_298] {strides = array<i32>} : memref<1024xf32, #tpu.memory_space<vmem>>, vector<16xf32>,
      %get3A_300 = vector.shape_cast %get3A_299 : vector<16xf32> to vector<16xf32>
      %mul3A_301 = vector.broadcast %squeeze3A_291 : f32 to vector<16xf32>
      %mul3A_302 = arith.mulf %get3A_300, %mul3A_301 : vector<16xf32>
      %add3A_303 = arith.addf %add3A_277, %mul3A_302 : vector<16xf32>
      %get3A_304 = arith.constant 160 : index
      %get3A_305 = tpu.vector_load %arg13[%get3A_304] {strides = array<i32>} : memref<1024xf32, #tpu.memory_space<vmem>>, vector<16xf32>,
      %get3A_306 = vector.shape_cast %get3A_305 : vector<16xf32> to vector<16xf32>
      %mul3A_307 = vector.broadcast %squeeze3A_291 : f32 to vector<16xf32>
      %mul3A_308 = arith.mulf %get3A_306, %mul3A_307 : vector<16xf32>
      %add3A_309 = arith.addf %add3A_283, %mul3A_308 : vector<16xf32>
      %get3A_310 = arith.constant 176 : index
      %get3A_311 = tpu.vector_load %arg13[%get3A_310] {strides = array<i32>} : memref<1024xf32, #tpu.memory_space<vmem>>, vector<16xf32>,
      %get3A_312 = vector.shape_cast %get3A_311 : vector<16xf32> to vector<16xf32>
      %mul3A_313 = vector.broadcast %squeeze3A_291 : f32 to vector<16xf32>
      %mul3A_314 = arith.mulf %get3A_312, %mul3A_313 : vector<16xf32>
      %add3A_315 = arith.addf %add3A_289, %mul3A_314 : vector<16xf32>
      %slice3A_316 = vector.extract_strided_slice %get3A_216 {offsets = [3], sizes = [1], strides = [1]} : vector<16xf32> to vector<1xf32>
      %squeeze3A_317 = vector.extract %slice3A_316[0] : f32 from vector<1xf32>
      %get3A_318 = arith.constant 192 : index
      %get3A_319 = tpu.vector_load %arg13[%get3A_318] {strides = array<i32>} : memref<1024xf32, #tpu.memory_space<vmem>>, vector<16xf32>,
      %get3A_320 = vector.shape_cast %get3A_319 : vector<16xf32> to vector<16xf32>
      %mul3A_321 = vector.broadcast %squeeze3A_317 : f32 to vector<16xf32>
      %mul3A_322 = arith.mulf %get3A_320, %mul3A_321 : vector<16xf32>
      %add3A_323 = arith.addf %add3A_297, %mul3A_322 : vector<16xf32>
      %get3A_324 = arith.constant 208 : index
      %get3A_325 = tpu.vector_load %arg13[%get3A_324] {strides = array<i32>} : memref<1024xf32, #tpu.memory_space<vmem>>, vector<16xf32>,
      %get3A_326 = vector.shape_cast %get3A_325 : vector<16xf32> to vector<16xf32>
      %mul3A_327 = vector.broadcast %squeeze3A_317 : f32 to vector<16xf32>
      %mul3A_328 = arith.mulf %get3A_326, %mul3A_327 : vector<16xf32>
      %add3A_329 = arith.addf %add3A_303, %mul3A_328 : vector<16xf32>
      %get3A_330 = arith.constant 224 : index
      %get3A_331 = tpu.vector_load %arg13[%get3A_330] {strides = array<i32>} : memref<1024xf32, #tpu.memory_space<vmem>>, vector<16xf32>,
      %get3A_332 = vector.shape_cast %get3A_331 : vector<16xf32> to vector<16xf32>
      %mul3A_333 = vector.broadcast %squeeze3A_317 : f32 to vector<16xf32>
      %mul3A_334 = arith.mulf %get3A_332, %mul3A_333 : vector<16xf32>
      %add3A_335 = arith.addf %add3A_309, %mul3A_334 : vector<16xf32>
      %get3A_336 = arith.constant 240 : index
      %get3A_337 = tpu.vector_load %arg13[%get3A_336] {strides = array<i32>} : memref<1024xf32, #tpu.memory_space<vmem>>, vector<16xf32>,
      %get3A_338 = vector.shape_cast %get3A_337 : vector<16xf32> to vector<16xf32>
      %mul3A_339 = vector.broadcast %squeeze3A_317 : f32 to vector<16xf32>
      %mul3A_340 = arith.mulf %get3A_338, %mul3A_339 : vector<16xf32>
      %add3A_341 = arith.addf %add3A_315, %mul3A_340 : vector<16xf32>
      %slice3A_342 = vector.extract_strided_slice %get3A_216 {offsets = [4], sizes = [1], strides = [1]} : vector<16xf32> to vector<1xf32>
      %squeeze3A_343 = vector.extract %slice3A_342[0] : f32 from vector<1xf32>
      %get3A_344 = arith.constant 256 : index
      %get3A_345 = tpu.vector_load %arg13[%get3A_344] {strides = array<i32>} : memref<1024xf32, #tpu.memory_space<vmem>>, vector<16xf32>,
      %get3A_346 = vector.shape_cast %get3A_345 : vector<16xf32> to vector<16xf32>
      %mul3A_347 = vector.broadcast %squeeze3A_343 : f32 to vector<16xf32>
      %mul3A_348 = arith.mulf %get3A_346, %mul3A_347 : vector<16xf32>
      %add3A_349 = arith.addf %add3A_323, %mul3A_348 : vector<16xf32>
      %get3A_350 = arith.constant 272 : index
      %get3A_351 = tpu.vector_load %arg13[%get3A_350] {strides = array<i32>} : memref<1024xf32, #tpu.memory_space<vmem>>, vector<16xf32>,
      %get3A_352 = vector.shape_cast %get3A_351 : vector<16xf32> to vector<16xf32>
      %mul3A_353 = vector.broadcast %squeeze3A_343 : f32 to vector<16xf32>
      %mul3A_354 = arith.mulf %get3A_352, %mul3A_353 : vector<16xf32>
      %add3A_355 = arith.addf %add3A_329, %mul3A_354 : vector<16xf32>
      %get3A_356 = arith.constant 288 : index
      %get3A_357 = tpu.vector_load %arg13[%get3A_356] {strides = array<i32>} : memref<1024xf32, #tpu.memory_space<vmem>>, vector<16xf32>,
      %get3A_358 = vector.shape_cast %get3A_357 : vector<16xf32> to vector<16xf32>
      %mul3A_359 = vector.broadcast %squeeze3A_343 : f32 to vector<16xf32>
      %mul3A_360 = arith.mulf %get3A_358, %mul3A_359 : vector<16xf32>
      %add3A_361 = arith.addf %add3A_335, %mul3A_360 : vector<16xf32>
      %get3A_362 = arith.constant 304 : index
      %get3A_363 = tpu.vector_load %arg13[%get3A_362] {strides = array<i32>} : memref<1024xf32, #tpu.memory_space<vmem>>, vector<16xf32>,
      %get3A_364 = vector.shape_cast %get3A_363 : vector<16xf32> to vector<16xf32>
      %mul3A_365 = vector.broadcast %squeeze3A_343 : f32 to vector<16xf32>
      %mul3A_366 = arith.mulf %get3A_364, %mul3A_365 : vector<16xf32>
      %add3A_367 = arith.addf %add3A_341, %mul3A_366 : vector<16xf32>
      %slice3A_368 = vector.extract_strided_slice %get3A_216 {offsets = [5], sizes = [1], strides = [1]} : vector<16xf32> to vector<1xf32>
      %squeeze3A_369 = vector.extract %slice3A_368[0] : f32 from vector<1xf32>
      %get3A_370 = arith.constant 320 : index
      %get3A_371 = tpu.vector_load %arg13[%get3A_370] {strides = array<i32>} : memref<1024xf32, #tpu.memory_space<vmem>>, vector<16xf32>,
      %get3A_372 = vector.shape_cast %get3A_371 : vector<16xf32> to vector<16xf32>
      %mul3A_373 = vector.broadcast %squeeze3A_369 : f32 to vector<16xf32>
      %mul3A_374 = arith.mulf %get3A_372, %mul3A_373 : vector<16xf32>
      %add3A_375 = arith.addf %add3A_349, %mul3A_374 : vector<16xf32>
      %get3A_376 = arith.constant 336 : index
      %get3A_377 = tpu.vector_load %arg13[%get3A_376] {strides = array<i32>} : memref<1024xf32, #tpu.memory_space<vmem>>, vector<16xf32>,
      %get3A_378 = vector.shape_cast %get3A_377 : vector<16xf32> to vector<16xf32>
      %mul3A_379 = vector.broadcast %squeeze3A_369 : f32 to vector<16xf32>
      %mul3A_380 = arith.mulf %get3A_378, %mul3A_379 : vector<16xf32>
      %add3A_381 = arith.addf %add3A_355, %mul3A_380 : vector<16xf32>
      %get3A_382 = arith.constant 352 : index
      %get3A_383 = tpu.vector_load %arg13[%get3A_382] {strides = array<i32>} : memref<1024xf32, #tpu.memory_space<vmem>>, vector<16xf32>,
      %get3A_384 = vector.shape_cast %get3A_383 : vector<16xf32> to vector<16xf32>
      %mul3A_385 = vector.broadcast %squeeze3A_369 : f32 to vector<16xf32>
      %mul3A_386 = arith.mulf %get3A_384, %mul3A_385 : vector<16xf32>
      %add3A_387 = arith.addf %add3A_361, %mul3A_386 : vector<16xf32>
      %get3A_388 = arith.constant 368 : index
      %get3A_389 = tpu.vector_load %arg13[%get3A_388] {strides = array<i32>} : memref<1024xf32, #tpu.memory_space<vmem>>, vector<16xf32>,
      %get3A_390 = vector.shape_cast %get3A_389 : vector<16xf32> to vector<16xf32>
      %mul3A_391 = vector.broadcast %squeeze3A_369 : f32 to vector<16xf32>
      %mul3A_392 = arith.mulf %get3A_390, %mul3A_391 : vector<16xf32>
      %add3A_393 = arith.addf %add3A_367, %mul3A_392 : vector<16xf32>
      %slice3A_394 = vector.extract_strided_slice %get3A_216 {offsets = [6], sizes = [1], strides = [1]} : vector<16xf32> to vector<1xf32>
      %squeeze3A_395 = vector.extract %slice3A_394[0] : f32 from vector<1xf32>
      %get3A_396 = arith.constant 384 : index
      %get3A_397 = tpu.vector_load %arg13[%get3A_396] {strides = array<i32>} : memref<1024xf32, #tpu.memory_space<vmem>>, vector<16xf32>,
      %get3A_398 = vector.shape_cast %get3A_397 : vector<16xf32> to vector<16xf32>
      %mul3A_399 = vector.broadcast %squeeze3A_395 : f32 to vector<16xf32>
      %mul3A_400 = arith.mulf %get3A_398, %mul3A_399 : vector<16xf32>
      %add3A_401 = arith.addf %add3A_375, %mul3A_400 : vector<16xf32>
      %get3A_402 = arith.constant 400 : index
      %get3A_403 = tpu.vector_load %arg13[%get3A_402] {strides = array<i32>} : memref<1024xf32, #tpu.memory_space<vmem>>, vector<16xf32>,
      %get3A_404 = vector.shape_cast %get3A_403 : vector<16xf32> to vector<16xf32>
      %mul3A_405 = vector.broadcast %squeeze3A_395 : f32 to vector<16xf32>
      %mul3A_406 = arith.mulf %get3A_404, %mul3A_405 : vector<16xf32>
      %add3A_407 = arith.addf %add3A_381, %mul3A_406 : vector<16xf32>
      %get3A_408 = arith.constant 416 : index
      %get3A_409 = tpu.vector_load %arg13[%get3A_408] {strides = array<i32>} : memref<1024xf32, #tpu.memory_space<vmem>>, vector<16xf32>,
      %get3A_410 = vector.shape_cast %get3A_409 : vector<16xf32> to vector<16xf32>
      %mul3A_411 = vector.broadcast %squeeze3A_395 : f32 to vector<16xf32>
      %mul3A_412 = arith.mulf %get3A_410, %mul3A_411 : vector<16xf32>
      %add3A_413 = arith.addf %add3A_387, %mul3A_412 : vector<16xf32>
      %get3A_414 = arith.constant 432 : index
      %get3A_415 = tpu.vector_load %arg13[%get3A_414] {strides = array<i32>} : memref<1024xf32, #tpu.memory_space<vmem>>, vector<16xf32>,
      %get3A_416 = vector.shape_cast %get3A_415 : vector<16xf32> to vector<16xf32>
      %mul3A_417 = vector.broadcast %squeeze3A_395 : f32 to vector<16xf32>
      %mul3A_418 = arith.mulf %get3A_416, %mul3A_417 : vector<16xf32>
      %add3A_419 = arith.addf %add3A_393, %mul3A_418 : vector<16xf32>
      %slice3A_420 = vector.extract_strided_slice %get3A_216 {offsets = [7], sizes = [1], strides = [1]} : vector<16xf32> to vector<1xf32>
      %squeeze3A_421 = vector.extract %slice3A_420[0] : f32 from vector<1xf32>
      %get3A_422 = arith.constant 448 : index
      %get3A_423 = tpu.vector_load %arg13[%get3A_422] {strides = array<i32>} : memref<1024xf32, #tpu.memory_space<vmem>>, vector<16xf32>,
      %get3A_424 = vector.shape_cast %get3A_423 : vector<16xf32> to vector<16xf32>
      %mul3A_425 = vector.broadcast %squeeze3A_421 : f32 to vector<16xf32>
      %mul3A_426 = arith.mulf %get3A_424, %mul3A_425 : vector<16xf32>
      %add3A_427 = arith.addf %add3A_401, %mul3A_426 : vector<16xf32>
      %get3A_428 = arith.constant 464 : index
      %get3A_429 = tpu.vector_load %arg13[%get3A_428] {strides = array<i32>} : memref<1024xf32, #tpu.memory_space<vmem>>, vector<16xf32>,
      %get3A_430 = vector.shape_cast %get3A_429 : vector<16xf32> to vector<16xf32>
      %mul3A_431 = vector.broadcast %squeeze3A_421 : f32 to vector<16xf32>
      %mul3A_432 = arith.mulf %get3A_430, %mul3A_431 : vector<16xf32>
      %add3A_433 = arith.addf %add3A_407, %mul3A_432 : vector<16xf32>
      %get3A_434 = arith.constant 480 : index
      %get3A_435 = tpu.vector_load %arg13[%get3A_434] {strides = array<i32>} : memref<1024xf32, #tpu.memory_space<vmem>>, vector<16xf32>,
      %get3A_436 = vector.shape_cast %get3A_435 : vector<16xf32> to vector<16xf32>
      %mul3A_437 = vector.broadcast %squeeze3A_421 : f32 to vector<16xf32>
      %mul3A_438 = arith.mulf %get3A_436, %mul3A_437 : vector<16xf32>
      %add3A_439 = arith.addf %add3A_413, %mul3A_438 : vector<16xf32>
      %get3A_440 = arith.constant 496 : index
      %get3A_441 = tpu.vector_load %arg13[%get3A_440] {strides = array<i32>} : memref<1024xf32, #tpu.memory_space<vmem>>, vector<16xf32>,
      %get3A_442 = vector.shape_cast %get3A_441 : vector<16xf32> to vector<16xf32>
      %mul3A_443 = vector.broadcast %squeeze3A_421 : f32 to vector<16xf32>
      %mul3A_444 = arith.mulf %get3A_442, %mul3A_443 : vector<16xf32>
      %add3A_445 = arith.addf %add3A_419, %mul3A_444 : vector<16xf32>
      %slice3A_446 = vector.extract_strided_slice %get3A_216 {offsets = [8], sizes = [1], strides = [1]} : vector<16xf32> to vector<1xf32>
      %squeeze3A_447 = vector.extract %slice3A_446[0] : f32 from vector<1xf32>
      %get3A_448 = arith.constant 512 : index
      %get3A_449 = tpu.vector_load %arg13[%get3A_448] {strides = array<i32>} : memref<1024xf32, #tpu.memory_space<vmem>>, vector<16xf32>,
      %get3A_450 = vector.shape_cast %get3A_449 : vector<16xf32> to vector<16xf32>
      %mul3A_451 = vector.broadcast %squeeze3A_447 : f32 to vector<16xf32>
      %mul3A_452 = arith.mulf %get3A_450, %mul3A_451 : vector<16xf32>
      %add3A_453 = arith.addf %add3A_427, %mul3A_452 : vector<16xf32>
      %get3A_454 = arith.constant 528 : index
      %get3A_455 = tpu.vector_load %arg13[%get3A_454] {strides = array<i32>} : memref<1024xf32, #tpu.memory_space<vmem>>, vector<16xf32>,
      %get3A_456 = vector.shape_cast %get3A_455 : vector<16xf32> to vector<16xf32>
      %mul3A_457 = vector.broadcast %squeeze3A_447 : f32 to vector<16xf32>
      %mul3A_458 = arith.mulf %get3A_456, %mul3A_457 : vector<16xf32>
      %add3A_459 = arith.addf %add3A_433, %mul3A_458 : vector<16xf32>
      %get3A_460 = arith.constant 544 : index
      %get3A_461 = tpu.vector_load %arg13[%get3A_460] {strides = array<i32>} : memref<1024xf32, #tpu.memory_space<vmem>>, vector<16xf32>,
      %get3A_462 = vector.shape_cast %get3A_461 : vector<16xf32> to vector<16xf32>
      %mul3A_463 = vector.broadcast %squeeze3A_447 : f32 to vector<16xf32>
      %mul3A_464 = arith.mulf %get3A_462, %mul3A_463 : vector<16xf32>
      %add3A_465 = arith.addf %add3A_439, %mul3A_464 : vector<16xf32>
      %get3A_466 = arith.constant 560 : index
      %get3A_467 = tpu.vector_load %arg13[%get3A_466] {strides = array<i32>} : memref<1024xf32, #tpu.memory_space<vmem>>, vector<16xf32>,
      %get3A_468 = vector.shape_cast %get3A_467 : vector<16xf32> to vector<16xf32>
      %mul3A_469 = vector.broadcast %squeeze3A_447 : f32 to vector<16xf32>
      %mul3A_470 = arith.mulf %get3A_468, %mul3A_469 : vector<16xf32>
      %add3A_471 = arith.addf %add3A_445, %mul3A_470 : vector<16xf32>
      %slice3A_472 = vector.extract_strided_slice %get3A_216 {offsets = [9], sizes = [1], strides = [1]} : vector<16xf32> to vector<1xf32>
      %squeeze3A_473 = vector.extract %slice3A_472[0] : f32 from vector<1xf32>
      %get3A_474 = arith.constant 576 : index
      %get3A_475 = tpu.vector_load %arg13[%get3A_474] {strides = array<i32>} : memref<1024xf32, #tpu.memory_space<vmem>>, vector<16xf32>,
      %get3A_476 = vector.shape_cast %get3A_475 : vector<16xf32> to vector<16xf32>
      %mul3A_477 = vector.broadcast %squeeze3A_473 : f32 to vector<16xf32>
      %mul3A_478 = arith.mulf %get3A_476, %mul3A_477 : vector<16xf32>
      %add3A_479 = arith.addf %add3A_453, %mul3A_478 : vector<16xf32>
      %get3A_480 = arith.constant 592 : index
      %get3A_481 = tpu.vector_load %arg13[%get3A_480] {strides = array<i32>} : memref<1024xf32, #tpu.memory_space<vmem>>, vector<16xf32>,
      %get3A_482 = vector.shape_cast %get3A_481 : vector<16xf32> to vector<16xf32>
      %mul3A_483 = vector.broadcast %squeeze3A_473 : f32 to vector<16xf32>
      %mul3A_484 = arith.mulf %get3A_482, %mul3A_483 : vector<16xf32>
      %add3A_485 = arith.addf %add3A_459, %mul3A_484 : vector<16xf32>
      %get3A_486 = arith.constant 608 : index
      %get3A_487 = tpu.vector_load %arg13[%get3A_486] {strides = array<i32>} : memref<1024xf32, #tpu.memory_space<vmem>>, vector<16xf32>,
      %get3A_488 = vector.shape_cast %get3A_487 : vector<16xf32> to vector<16xf32>
      %mul3A_489 = vector.broadcast %squeeze3A_473 : f32 to vector<16xf32>
      %mul3A_490 = arith.mulf %get3A_488, %mul3A_489 : vector<16xf32>
      %add3A_491 = arith.addf %add3A_465, %mul3A_490 : vector<16xf32>
      %get3A_492 = arith.constant 624 : index
      %get3A_493 = tpu.vector_load %arg13[%get3A_492] {strides = array<i32>} : memref<1024xf32, #tpu.memory_space<vmem>>, vector<16xf32>,
      %get3A_494 = vector.shape_cast %get3A_493 : vector<16xf32> to vector<16xf32>
      %mul3A_495 = vector.broadcast %squeeze3A_473 : f32 to vector<16xf32>
      %mul3A_496 = arith.mulf %get3A_494, %mul3A_495 : vector<16xf32>
      %add3A_497 = arith.addf %add3A_471, %mul3A_496 : vector<16xf32>
      %slice3A_498 = vector.extract_strided_slice %get3A_216 {offsets = [10], sizes = [1], strides = [1]} : vector<16xf32> to vector<1xf32>
      %squeeze3A_499 = vector.extract %slice3A_498[0] : f32 from vector<1xf32>
      %get3A_500 = arith.constant 640 : index
      %get3A_501 = tpu.vector_load %arg13[%get3A_500] {strides = array<i32>} : memref<1024xf32, #tpu.memory_space<vmem>>, vector<16xf32>,
      %get3A_502 = vector.shape_cast %get3A_501 : vector<16xf32> to vector<16xf32>
      %mul3A_503 = vector.broadcast %squeeze3A_499 : f32 to vector<16xf32>
      %mul3A_504 = arith.mulf %get3A_502, %mul3A_503 : vector<16xf32>
      %add3A_505 = arith.addf %add3A_479, %mul3A_504 : vector<16xf32>
      %get3A_506 = arith.constant 656 : index
      %get3A_507 = tpu.vector_load %arg13[%get3A_506] {strides = array<i32>} : memref<1024xf32, #tpu.memory_space<vmem>>, vector<16xf32>,
      %get3A_508 = vector.shape_cast %get3A_507 : vector<16xf32> to vector<16xf32>
      %mul3A_509 = vector.broadcast %squeeze3A_499 : f32 to vector<16xf32>
      %mul3A_510 = arith.mulf %get3A_508, %mul3A_509 : vector<16xf32>
      %add3A_511 = arith.addf %add3A_485, %mul3A_510 : vector<16xf32>
      %get3A_512 = arith.constant 672 : index
      %get3A_513 = tpu.vector_load %arg13[%get3A_512] {strides = array<i32>} : memref<1024xf32, #tpu.memory_space<vmem>>, vector<16xf32>,
      %get3A_514 = vector.shape_cast %get3A_513 : vector<16xf32> to vector<16xf32>
      %mul3A_515 = vector.broadcast %squeeze3A_499 : f32 to vector<16xf32>
      %mul3A_516 = arith.mulf %get3A_514, %mul3A_515 : vector<16xf32>
      %add3A_517 = arith.addf %add3A_491, %mul3A_516 : vector<16xf32>
      %get3A_518 = arith.constant 688 : index
      %get3A_519 = tpu.vector_load %arg13[%get3A_518] {strides = array<i32>} : memref<1024xf32, #tpu.memory_space<vmem>>, vector<16xf32>,
      %get3A_520 = vector.shape_cast %get3A_519 : vector<16xf32> to vector<16xf32>
      %mul3A_521 = vector.broadcast %squeeze3A_499 : f32 to vector<16xf32>
      %mul3A_522 = arith.mulf %get3A_520, %mul3A_521 : vector<16xf32>
      %add3A_523 = arith.addf %add3A_497, %mul3A_522 : vector<16xf32>
      %slice3A_524 = vector.extract_strided_slice %get3A_216 {offsets = [11], sizes = [1], strides = [1]} : vector<16xf32> to vector<1xf32>
      %squeeze3A_525 = vector.extract %slice3A_524[0] : f32 from vector<1xf32>
      %get3A_526 = arith.constant 704 : index
      %get3A_527 = tpu.vector_load %arg13[%get3A_526] {strides = array<i32>} : memref<1024xf32, #tpu.memory_space<vmem>>, vector<16xf32>,
      %get3A_528 = vector.shape_cast %get3A_527 : vector<16xf32> to vector<16xf32>
      %mul3A_529 = vector.broadcast %squeeze3A_525 : f32 to vector<16xf32>
      %mul3A_530 = arith.mulf %get3A_528, %mul3A_529 : vector<16xf32>
      %add3A_531 = arith.addf %add3A_505, %mul3A_530 : vector<16xf32>
      %get3A_532 = arith.constant 720 : index
      %get3A_533 = tpu.vector_load %arg13[%get3A_532] {strides = array<i32>} : memref<1024xf32, #tpu.memory_space<vmem>>, vector<16xf32>,
      %get3A_534 = vector.shape_cast %get3A_533 : vector<16xf32> to vector<16xf32>
      %mul3A_535 = vector.broadcast %squeeze3A_525 : f32 to vector<16xf32>
      %mul3A_536 = arith.mulf %get3A_534, %mul3A_535 : vector<16xf32>
      %add3A_537 = arith.addf %add3A_511, %mul3A_536 : vector<16xf32>
      %get3A_538 = arith.constant 736 : index
      %get3A_539 = tpu.vector_load %arg13[%get3A_538] {strides = array<i32>} : memref<1024xf32, #tpu.memory_space<vmem>>, vector<16xf32>,
      %get3A_540 = vector.shape_cast %get3A_539 : vector<16xf32> to vector<16xf32>
      %mul3A_541 = vector.broadcast %squeeze3A_525 : f32 to vector<16xf32>
      %mul3A_542 = arith.mulf %get3A_540, %mul3A_541 : vector<16xf32>
      %add3A_543 = arith.addf %add3A_517, %mul3A_542 : vector<16xf32>
      %get3A_544 = arith.constant 752 : index
      %get3A_545 = tpu.vector_load %arg13[%get3A_544] {strides = array<i32>} : memref<1024xf32, #tpu.memory_space<vmem>>, vector<16xf32>,
      %get3A_546 = vector.shape_cast %get3A_545 : vector<16xf32> to vector<16xf32>
      %mul3A_547 = vector.broadcast %squeeze3A_525 : f32 to vector<16xf32>
      %mul3A_548 = arith.mulf %get3A_546, %mul3A_547 : vector<16xf32>
      %add3A_549 = arith.addf %add3A_523, %mul3A_548 : vector<16xf32>
      %slice3A_550 = vector.extract_strided_slice %get3A_216 {offsets = [12], sizes = [1], strides = [1]} : vector<16xf32> to vector<1xf32>
      %squeeze3A_551 = vector.extract %slice3A_550[0] : f32 from vector<1xf32>
      %get3A_552 = arith.constant 768 : index
      %get3A_553 = tpu.vector_load %arg13[%get3A_552] {strides = array<i32>} : memref<1024xf32, #tpu.memory_space<vmem>>, vector<16xf32>,
      %get3A_554 = vector.shape_cast %get3A_553 : vector<16xf32> to vector<16xf32>
      %mul3A_555 = vector.broadcast %squeeze3A_551 : f32 to vector<16xf32>
      %mul3A_556 = arith.mulf %get3A_554, %mul3A_555 : vector<16xf32>
      %add3A_557 = arith.addf %add3A_531, %mul3A_556 : vector<16xf32>
      %get3A_558 = arith.constant 784 : index
      %get3A_559 = tpu.vector_load %arg13[%get3A_558] {strides = array<i32>} : memref<1024xf32, #tpu.memory_space<vmem>>, vector<16xf32>,
      %get3A_560 = vector.shape_cast %get3A_559 : vector<16xf32> to vector<16xf32>
      %mul3A_561 = vector.broadcast %squeeze3A_551 : f32 to vector<16xf32>
      %mul3A_562 = arith.mulf %get3A_560, %mul3A_561 : vector<16xf32>
      %add3A_563 = arith.addf %add3A_537, %mul3A_562 : vector<16xf32>
      %get3A_564 = arith.constant 800 : index
      %get3A_565 = tpu.vector_load %arg13[%get3A_564] {strides = array<i32>} : memref<1024xf32, #tpu.memory_space<vmem>>, vector<16xf32>,
      %get3A_566 = vector.shape_cast %get3A_565 : vector<16xf32> to vector<16xf32>
      %mul3A_567 = vector.broadcast %squeeze3A_551 : f32 to vector<16xf32>
      %mul3A_568 = arith.mulf %get3A_566, %mul3A_567 : vector<16xf32>
      %add3A_569 = arith.addf %add3A_543, %mul3A_568 : vector<16xf32>
      %get3A_570 = arith.constant 816 : index
      %get3A_571 = tpu.vector_load %arg13[%get3A_570] {strides = array<i32>} : memref<1024xf32, #tpu.memory_space<vmem>>, vector<16xf32>,
      %get3A_572 = vector.shape_cast %get3A_571 : vector<16xf32> to vector<16xf32>
      %mul3A_573 = vector.broadcast %squeeze3A_551 : f32 to vector<16xf32>
      %mul3A_574 = arith.mulf %get3A_572, %mul3A_573 : vector<16xf32>
      %add3A_575 = arith.addf %add3A_549, %mul3A_574 : vector<16xf32>
      %slice3A_576 = vector.extract_strided_slice %get3A_216 {offsets = [13], sizes = [1], strides = [1]} : vector<16xf32> to vector<1xf32>
      %squeeze3A_577 = vector.extract %slice3A_576[0] : f32 from vector<1xf32>
      %get3A_578 = arith.constant 832 : index
      %get3A_579 = tpu.vector_load %arg13[%get3A_578] {strides = array<i32>} : memref<1024xf32, #tpu.memory_space<vmem>>, vector<16xf32>,
      %get3A_580 = vector.shape_cast %get3A_579 : vector<16xf32> to vector<16xf32>
      %mul3A_581 = vector.broadcast %squeeze3A_577 : f32 to vector<16xf32>
      %mul3A_582 = arith.mulf %get3A_580, %mul3A_581 : vector<16xf32>
      %add3A_583 = arith.addf %add3A_557, %mul3A_582 : vector<16xf32>
      %get3A_584 = arith.constant 848 : index
      %get3A_585 = tpu.vector_load %arg13[%get3A_584] {strides = array<i32>} : memref<1024xf32, #tpu.memory_space<vmem>>, vector<16xf32>,
      %get3A_586 = vector.shape_cast %get3A_585 : vector<16xf32> to vector<16xf32>
      %mul3A_587 = vector.broadcast %squeeze3A_577 : f32 to vector<16xf32>
      %mul3A_588 = arith.mulf %get3A_586, %mul3A_587 : vector<16xf32>
      %add3A_589 = arith.addf %add3A_563, %mul3A_588 : vector<16xf32>
      %get3A_590 = arith.constant 864 : index
      %get3A_591 = tpu.vector_load %arg13[%get3A_590] {strides = array<i32>} : memref<1024xf32, #tpu.memory_space<vmem>>, vector<16xf32>,
      %get3A_592 = vector.shape_cast %get3A_591 : vector<16xf32> to vector<16xf32>
      %mul3A_593 = vector.broadcast %squeeze3A_577 : f32 to vector<16xf32>
      %mul3A_594 = arith.mulf %get3A_592, %mul3A_593 : vector<16xf32>
      %add3A_595 = arith.addf %add3A_569, %mul3A_594 : vector<16xf32>
      %get3A_596 = arith.constant 880 : index
      %get3A_597 = tpu.vector_load %arg13[%get3A_596] {strides = array<i32>} : memref<1024xf32, #tpu.memory_space<vmem>>, vector<16xf32>,
      %get3A_598 = vector.shape_cast %get3A_597 : vector<16xf32> to vector<16xf32>
      %mul3A_599 = vector.broadcast %squeeze3A_577 : f32 to vector<16xf32>
      %mul3A_600 = arith.mulf %get3A_598, %mul3A_599 : vector<16xf32>
      %add3A_601 = arith.addf %add3A_575, %mul3A_600 : vector<16xf32>
      %slice3A_602 = vector.extract_strided_slice %get3A_216 {offsets = [14], sizes = [1], strides = [1]} : vector<16xf32> to vector<1xf32>
      %squeeze3A_603 = vector.extract %slice3A_602[0] : f32 from vector<1xf32>
      %get3A_604 = arith.constant 896 : index
      %get3A_605 = tpu.vector_load %arg13[%get3A_604] {strides = array<i32>} : memref<1024xf32, #tpu.memory_space<vmem>>, vector<16xf32>,
      %get3A_606 = vector.shape_cast %get3A_605 : vector<16xf32> to vector<16xf32>
      %mul3A_607 = vector.broadcast %squeeze3A_603 : f32 to vector<16xf32>
      %mul3A_608 = arith.mulf %get3A_606, %mul3A_607 : vector<16xf32>
      %add3A_609 = arith.addf %add3A_583, %mul3A_608 : vector<16xf32>
      %get3A_610 = arith.constant 912 : index
      %get3A_611 = tpu.vector_load %arg13[%get3A_610] {strides = array<i32>} : memref<1024xf32, #tpu.memory_space<vmem>>, vector<16xf32>,
      %get3A_612 = vector.shape_cast %get3A_611 : vector<16xf32> to vector<16xf32>
      %mul3A_613 = vector.broadcast %squeeze3A_603 : f32 to vector<16xf32>
      %mul3A_614 = arith.mulf %get3A_612, %mul3A_613 : vector<16xf32>
      %add3A_615 = arith.addf %add3A_589, %mul3A_614 : vector<16xf32>
      %get3A_616 = arith.constant 928 : index
      %get3A_617 = tpu.vector_load %arg13[%get3A_616] {strides = array<i32>} : memref<1024xf32, #tpu.memory_space<vmem>>, vector<16xf32>,
      %get3A_618 = vector.shape_cast %get3A_617 : vector<16xf32> to vector<16xf32>
      %mul3A_619 = vector.broadcast %squeeze3A_603 : f32 to vector<16xf32>
      %mul3A_620 = arith.mulf %get3A_618, %mul3A_619 : vector<16xf32>
      %add3A_621 = arith.addf %add3A_595, %mul3A_620 : vector<16xf32>
      %get3A_622 = arith.constant 944 : index
      %get3A_623 = tpu.vector_load %arg13[%get3A_622] {strides = array<i32>} : memref<1024xf32, #tpu.memory_space<vmem>>, vector<16xf32>,
      %get3A_624 = vector.shape_cast %get3A_623 : vector<16xf32> to vector<16xf32>
      %mul3A_625 = vector.broadcast %squeeze3A_603 : f32 to vector<16xf32>
      %mul3A_626 = arith.mulf %get3A_624, %mul3A_625 : vector<16xf32>
      %add3A_627 = arith.addf %add3A_601, %mul3A_626 : vector<16xf32>
      %slice3A_628 = vector.extract_strided_slice %get3A_216 {offsets = [15], sizes = [1], strides = [1]} : vector<16xf32> to vector<1xf32>
      %squeeze3A_629 = vector.extract %slice3A_628[0] : f32 from vector<1xf32>
      %get3A_630 = arith.constant 960 : index
      %get3A_631 = tpu.vector_load %arg13[%get3A_630] {strides = array<i32>} : memref<1024xf32, #tpu.memory_space<vmem>>, vector<16xf32>,
      %get3A_632 = vector.shape_cast %get3A_631 : vector<16xf32> to vector<16xf32>
      %mul3A_633 = vector.broadcast %squeeze3A_629 : f32 to vector<16xf32>
      %mul3A_634 = arith.mulf %get3A_632, %mul3A_633 : vector<16xf32>
      %add3A_635 = arith.addf %add3A_609, %mul3A_634 : vector<16xf32>
      %get3A_636 = arith.constant 976 : index
      %get3A_637 = tpu.vector_load %arg13[%get3A_636] {strides = array<i32>} : memref<1024xf32, #tpu.memory_space<vmem>>, vector<16xf32>,
      %get3A_638 = vector.shape_cast %get3A_637 : vector<16xf32> to vector<16xf32>
      %mul3A_639 = vector.broadcast %squeeze3A_629 : f32 to vector<16xf32>
      %mul3A_640 = arith.mulf %get3A_638, %mul3A_639 : vector<16xf32>
      %add3A_641 = arith.addf %add3A_615, %mul3A_640 : vector<16xf32>
      %get3A_642 = arith.constant 992 : index
      %get3A_643 = tpu.vector_load %arg13[%get3A_642] {strides = array<i32>} : memref<1024xf32, #tpu.memory_space<vmem>>, vector<16xf32>,
      %get3A_644 = vector.shape_cast %get3A_643 : vector<16xf32> to vector<16xf32>
      %mul3A_645 = vector.broadcast %squeeze3A_629 : f32 to vector<16xf32>
      %mul3A_646 = arith.mulf %get3A_644, %mul3A_645 : vector<16xf32>
      %add3A_647 = arith.addf %add3A_621, %mul3A_646 : vector<16xf32>
      %get3A_648 = arith.constant 1008 : index
      %get3A_649 = tpu.vector_load %arg13[%get3A_648] {strides = array<i32>} : memref<1024xf32, #tpu.memory_space<vmem>>, vector<16xf32>,
      %get3A_650 = vector.shape_cast %get3A_649 : vector<16xf32> to vector<16xf32>
      %mul3A_651 = vector.broadcast %squeeze3A_629 : f32 to vector<16xf32>
      %mul3A_652 = arith.mulf %get3A_650, %mul3A_651 : vector<16xf32>
      %add3A_653 = arith.addf %add3A_627, %mul3A_652 : vector<16xf32>
      %max3A = arith.constant 0.000000e+00 : f32
      %max3A_654 = vector.broadcast %max3A : f32 to vector<16xf32>
      %max3A_655 = arith.maximumf %scan3A_229#0, %max3A_654 : vector<16xf32>
      %max3A_656 = arith.constant 0.000000e+00 : f32
      %max3A_657 = vector.broadcast %max3A_656 : f32 to vector<16xf32>
      %max3A_658 = arith.maximumf %add3A_635, %max3A_657 : vector<16xf32>
      %add3A_659 = arith.addf %max3A_655, %max3A_658 : vector<16xf32>
      %swap3A_660 = arith.constant 0 : index
      %swap3A_661 = tpu.vector_load %arg18[%swap3A_660] {strides = array<i32>} : memref<64xf32, #tpu.memory_space<vmem>>, vector<16xf32>,
      %swap3A_662 = vector.shape_cast %swap3A_661 : vector<16xf32> to vector<16xf32>
      %swap3A_663 = vector.shape_cast %add3A_659 : vector<16xf32> to vector<16xf32>
      tpu.vector_store %arg18[%swap3A_660], %swap3A_663 {strides = array<i32>} : memref<64xf32, #tpu.memory_space<vmem>>, vector<16xf32>,
      %max3A_664 = arith.constant 0.000000e+00 : f32
      %max3A_665 = vector.broadcast %max3A_664 : f32 to vector<16xf32>
      %max3A_666 = arith.maximumf %scan3A_229#1, %max3A_665 : vector<16xf32>
      %max3A_667 = arith.constant 0.000000e+00 : f32
      %max3A_668 = vector.broadcast %max3A_667 : f32 to vector<16xf32>
      %max3A_669 = arith.maximumf %add3A_641, %max3A_668 : vector<16xf32>
      %add3A_670 = arith.addf %max3A_666, %max3A_669 : vector<16xf32>
      %swap3A_671 = arith.constant 16 : index
      %swap3A_672 = tpu.vector_load %arg18[%swap3A_671] {strides = array<i32>} : memref<64xf32, #tpu.memory_space<vmem>>, vector<16xf32>,
      %swap3A_673 = vector.shape_cast %swap3A_672 : vector<16xf32> to vector<16xf32>
      %swap3A_674 = vector.shape_cast %add3A_670 : vector<16xf32> to vector<16xf32>
      tpu.vector_store %arg18[%swap3A_671], %swap3A_674 {strides = array<i32>} : memref<64xf32, #tpu.memory_space<vmem>>, vector<16xf32>,
      %max3A_675 = arith.constant 0.000000e+00 : f32
      %max3A_676 = vector.broadcast %max3A_675 : f32 to vector<16xf32>
      %max3A_677 = arith.maximumf %scan3A_229#2, %max3A_676 : vector<16xf32>
      %max3A_678 = arith.constant 0.000000e+00 : f32
      %max3A_679 = vector.broadcast %max3A_678 : f32 to vector<16xf32>
      %max3A_680 = arith.maximumf %add3A_647, %max3A_679 : vector<16xf32>
      %add3A_681 = arith.addf %max3A_677, %max3A_680 : vector<16xf32>
      %swap3A_682 = arith.constant 32 : index
      %swap3A_683 = tpu.vector_load %arg18[%swap3A_682] {strides = array<i32>} : memref<64xf32, #tpu.memory_space<vmem>>, vector<16xf32>,
      %swap3A_684 = vector.shape_cast %swap3A_683 : vector<16xf32> to vector<16xf32>
      %swap3A_685 = vector.shape_cast %add3A_681 : vector<16xf32> to vector<16xf32>
      tpu.vector_store %arg18[%swap3A_682], %swap3A_685 {strides = array<i32>} : memref<64xf32, #tpu.memory_space<vmem>>, vector<16xf32>,
      %max3A_686 = arith.constant 0.000000e+00 : f32
      %max3A_687 = vector.broadcast %max3A_686 : f32 to vector<16xf32>
      %max3A_688 = arith.maximumf %scan3A_229#3, %max3A_687 : vector<16xf32>
      %max3A_689 = arith.constant 0.000000e+00 : f32
      %max3A_690 = vector.broadcast %max3A_689 : f32 to vector<16xf32>
      %max3A_691 = arith.maximumf %add3A_653, %max3A_690 : vector<16xf32>
      %add3A_692 = arith.addf %max3A_688, %max3A_691 : vector<16xf32>
      %swap3A_693 = arith.constant 48 : index
      %swap3A_694 = tpu.vector_load %arg18[%swap3A_693] {strides = array<i32>} : memref<64xf32, #tpu.memory_space<vmem>>, vector<16xf32>,
      %swap3A_695 = vector.shape_cast %swap3A_694 : vector<16xf32> to vector<16xf32>
      %swap3A_696 = vector.shape_cast %add3A_692 : vector<16xf32> to vector<16xf32>
      tpu.vector_store %arg18[%swap3A_693], %swap3A_696 {strides = array<i32>} : memref<64xf32, #tpu.memory_space<vmem>>, vector<16xf32>,
      %dma_wait3A_697 = arith.constant 4 : i32
      %dma_wait3A_698 = arith.constant 0 : i32
      %dma_wait3A_699 = tpu.memref_slice %arg6[%add3A, %dma_wait3A_698] : memref<16x16384xf32, #tpu.memory_space<hbm>> -> memref<1x16384xf32, #tpu.memory_space<hbm>>
      %dma_wait3A_700 = tpu.memref_squeeze %dma_wait3A_699 : memref<1x16384xf32, #tpu.memory_space<hbm>> -> memref<16384xf32, #tpu.memory_space<hbm>>
      %dma_wait3A_701 = tpu.memref_slice %arg21[%dma_wait3A_697] : memref<10x!tpu.dma_semaphore, #tpu.memory_space<semaphore_mem>> -> memref<1x!tpu.dma_semaphore, #tpu.memory_space<semaphore_mem>>
      %dma_wait3A_702 = tpu.memref_squeeze %dma_wait3A_701 : memref<1x!tpu.dma_semaphore, #tpu.memory_space<semaphore_mem>> -> memref<!tpu.dma_semaphore, #tpu.memory_space<semaphore_mem>>
      %dma_wait3A_703 = arith.constant 0 : i32
      %dma_wait3A_704 = tpu.memref_slice %arg6[%add3A, %dma_wait3A_703] : memref<16x16384xf32, #tpu.memory_space<hbm>> -> memref<1x16384xf32, #tpu.memory_space<hbm>>
      %dma_wait3A_705 = tpu.memref_squeeze %dma_wait3A_704 : memref<1x16384xf32, #tpu.memory_space<hbm>> -> memref<16384xf32, #tpu.memory_space<hbm>>
      tpu.wait_dma2 semaphore(%dma_wait3A_702 : memref<!tpu.dma_semaphore, #tpu.memory_space<semaphore_mem>>) src(%dma_wait3A_705 : memref<16384xf32, #tpu.memory_space<hbm>>) dst(%arg14 : memref<16384xf32, #tpu.memory_space<vmem>>)
      %scan3A_706 = arith.constant 0 : i32
      %scan3A_707 = arith.constant 4 : i32
      %scan3A_708 = arith.addi %scan3A_706, %scan3A_707 : i32
      %scan3A_709 = arith.constant 1 : i32
      %scan3A_710:12 = scf.for %scan3A_1575 = %scan3A_706 to %scan3A_708 step %scan3A_709 iter_args(%scan3A_1576 = %broadcast_in_dim3A_56, %scan3A_1577 = %broadcast_in_dim3A_56, %scan3A_1578 = %broadcast_in_dim3A_56, %scan3A_1579 = %broadcast_in_dim3A_56, %scan3A_1580 = %broadcast_in_dim3A_56, %scan3A_1581 = %broadcast_in_dim3A_56, %scan3A_1582 = %broadcast_in_dim3A_56, %scan3A_1583 = %broadcast_in_dim3A_56, %scan3A_1584 = %broadcast_in_dim3A_56, %scan3A_1585 = %broadcast_in_dim3A_56, %scan3A_1586 = %broadcast_in_dim3A_56, %scan3A_1587 = %broadcast_in_dim3A_56) -> (vector<16xf32>, vector<16xf32>, vector<16xf32>, vector<16xf32>, vector<16xf32>, vector<16xf32>, vector<16xf32>, vector<16xf32>, vector<16xf32>, vector<16xf32>, vector<16xf32>, vector<16xf32>)  : i32 {
        %mul3A_1588 = arith.constant 16 : i32
        %mul3A_1589 = arith.muli %scan3A_1575, %mul3A_1588 : i32
        %get3A_1590 = arith.index_cast %mul3A_1589 : i32 to index
        %get3A_1591 = tpu.vector_load %arg18[%get3A_1590] {strides = array<i32>} : memref<64xf32, #tpu.memory_space<vmem>>, vector<16xf32>,
        %get3A_1592 = vector.shape_cast %get3A_1591 : vector<16xf32> to vector<16xf32>
        %slice3A_1593 = vector.extract_strided_slice %get3A_1592 {offsets = [0], sizes = [1], strides = [1]} : vector<16xf32> to vector<1xf32>
        %squeeze3A_1594 = vector.extract %slice3A_1593[0] : f32 from vector<1xf32>
        %mul3A_1595 = arith.constant 16 : i32
        %mul3A_1596 = arith.muli %scan3A_1575, %mul3A_1595 : i32
        %add3A_1597 = arith.constant 0 : i32
        %add3A_1598 = arith.addi %mul3A_1596, %add3A_1597 : i32
        %mul3A_1599 = arith.constant 256 : i32
        %mul3A_1600 = arith.muli %add3A_1598, %mul3A_1599 : i32
        %add3A_1601 = arith.constant 0 : i32
        %add3A_1602 = arith.addi %mul3A_1600, %add3A_1601 : i32
        %get3A_1603 = arith.index_cast %add3A_1602 : i32 to index
        %get3A_1604 = tpu.vector_load %arg14[%get3A_1603] {strides = array<i32>} : memref<16384xf32, #tpu.memory_space<vmem>>, vector<16xf32>,
        %get3A_1605 = vector.shape_cast %get3A_1604 : vector<16xf32> to vector<16xf32>
        %mul3A_1606 = vector.broadcast %squeeze3A_1594 : f32 to vector<16xf32>
        %mul3A_1607 = arith.mulf %get3A_1605, %mul3A_1606 : vector<16xf32>
        %add3A_1608 = arith.addf %scan3A_1576, %mul3A_1607 : vector<16xf32>
        %add3A_1609 = arith.constant 16 : i32
        %add3A_1610 = arith.addi %mul3A_1600, %add3A_1609 : i32
        %get3A_1611 = arith.index_cast %add3A_1610 : i32 to index
        %get3A_1612 = tpu.vector_load %arg14[%get3A_1611] {strides = array<i32>} : memref<16384xf32, #tpu.memory_space<vmem>>, vector<16xf32>,
        %get3A_1613 = vector.shape_cast %get3A_1612 : vector<16xf32> to vector<16xf32>
        %mul3A_1614 = vector.broadcast %squeeze3A_1594 : f32 to vector<16xf32>
        %mul3A_1615 = arith.mulf %get3A_1613, %mul3A_1614 : vector<16xf32>
        %add3A_1616 = arith.addf %scan3A_1577, %mul3A_1615 : vector<16xf32>
        %add3A_1617 = arith.constant 32 : i32
        %add3A_1618 = arith.addi %mul3A_1600, %add3A_1617 : i32
        %get3A_1619 = arith.index_cast %add3A_1618 : i32 to index
        %get3A_1620 = tpu.vector_load %arg14[%get3A_1619] {strides = array<i32>} : memref<16384xf32, #tpu.memory_space<vmem>>, vector<16xf32>,
        %get3A_1621 = vector.shape_cast %get3A_1620 : vector<16xf32> to vector<16xf32>
        %mul3A_1622 = vector.broadcast %squeeze3A_1594 : f32 to vector<16xf32>
        %mul3A_1623 = arith.mulf %get3A_1621, %mul3A_1622 : vector<16xf32>
        %add3A_1624 = arith.addf %scan3A_1578, %mul3A_1623 : vector<16xf32>
        %add3A_1625 = arith.constant 48 : i32
        %add3A_1626 = arith.addi %mul3A_1600, %add3A_1625 : i32
        %get3A_1627 = arith.index_cast %add3A_1626 : i32 to index
        %get3A_1628 = tpu.vector_load %arg14[%get3A_1627] {strides = array<i32>} : memref<16384xf32, #tpu.memory_space<vmem>>, vector<16xf32>,
        %get3A_1629 = vector.shape_cast %get3A_1628 : vector<16xf32> to vector<16xf32>
        %mul3A_1630 = vector.broadcast %squeeze3A_1594 : f32 to vector<16xf32>
        %mul3A_1631 = arith.mulf %get3A_1629, %mul3A_1630 : vector<16xf32>
        %add3A_1632 = arith.addf %scan3A_1579, %mul3A_1631 : vector<16xf32>
        %add3A_1633 = arith.constant 128 : i32
        %add3A_1634 = arith.addi %mul3A_1600, %add3A_1633 : i32
        %get3A_1635 = arith.index_cast %add3A_1634 : i32 to index
        %get3A_1636 = tpu.vector_load %arg14[%get3A_1635] {strides = array<i32>} : memref<16384xf32, #tpu.memory_space<vmem>>, vector<16xf32>,
        %get3A_1637 = vector.shape_cast %get3A_1636 : vector<16xf32> to vector<16xf32>
        %mul3A_1638 = vector.broadcast %squeeze3A_1594 : f32 to vector<16xf32>
        %mul3A_1639 = arith.mulf %get3A_1637, %mul3A_1638 : vector<16xf32>
        %add3A_1640 = arith.addf %scan3A_1580, %mul3A_1639 : vector<16xf32>
        %add3A_1641 = arith.constant 144 : i32
        %add3A_1642 = arith.addi %mul3A_1600, %add3A_1641 : i32
        %get3A_1643 = arith.index_cast %add3A_1642 : i32 to index
        %get3A_1644 = tpu.vector_load %arg14[%get3A_1643] {strides = array<i32>} : memref<16384xf32, #tpu.memory_space<vmem>>, vector<16xf32>,
        %get3A_1645 = vector.shape_cast %get3A_1644 : vector<16xf32> to vector<16xf32>
        %mul3A_1646 = vector.broadcast %squeeze3A_1594 : f32 to vector<16xf32>
        %mul3A_1647 = arith.mulf %get3A_1645, %mul3A_1646 : vector<16xf32>
        %add3A_1648 = arith.addf %scan3A_1581, %mul3A_1647 : vector<16xf32>
        %add3A_1649 = arith.constant 160 : i32
        %add3A_1650 = arith.addi %mul3A_1600, %add3A_1649 : i32
        %get3A_1651 = arith.index_cast %add3A_1650 : i32 to index
        %get3A_1652 = tpu.vector_load %arg14[%get3A_1651] {strides = array<i32>} : memref<16384xf32, #tpu.memory_space<vmem>>, vector<16xf32>,
        %get3A_1653 = vector.shape_cast %get3A_1652 : vector<16xf32> to vector<16xf32>
        %mul3A_1654 = vector.broadcast %squeeze3A_1594 : f32 to vector<16xf32>
        %mul3A_1655 = arith.mulf %get3A_1653, %mul3A_1654 : vector<16xf32>
        %add3A_1656 = arith.addf %scan3A_1582, %mul3A_1655 : vector<16xf32>
        %add3A_1657 = arith.constant 176 : i32
        %add3A_1658 = arith.addi %mul3A_1600, %add3A_1657 : i32
        %get3A_1659 = arith.index_cast %add3A_1658 : i32 to index
        %get3A_1660 = tpu.vector_load %arg14[%get3A_1659] {strides = array<i32>} : memref<16384xf32, #tpu.memory_space<vmem>>, vector<16xf32>,
        %get3A_1661 = vector.shape_cast %get3A_1660 : vector<16xf32> to vector<16xf32>
        %mul3A_1662 = vector.broadcast %squeeze3A_1594 : f32 to vector<16xf32>
        %mul3A_1663 = arith.mulf %get3A_1661, %mul3A_1662 : vector<16xf32>
        %add3A_1664 = arith.addf %scan3A_1583, %mul3A_1663 : vector<16xf32>
        %add3A_1665 = arith.constant 192 : i32
        %add3A_1666 = arith.addi %mul3A_1600, %add3A_1665 : i32
        %get3A_1667 = arith.index_cast %add3A_1666 : i32 to index
        %get3A_1668 = tpu.vector_load %arg14[%get3A_1667] {strides = array<i32>} : memref<16384xf32, #tpu.memory_space<vmem>>, vector<16xf32>,
        %get3A_1669 = vector.shape_cast %get3A_1668 : vector<16xf32> to vector<16xf32>
        %mul3A_1670 = vector.broadcast %squeeze3A_1594 : f32 to vector<16xf32>
        %mul3A_1671 = arith.mulf %get3A_1669, %mul3A_1670 : vector<16xf32>
        %add3A_1672 = arith.addf %scan3A_1584, %mul3A_1671 : vector<16xf32>
        %add3A_1673 = arith.constant 208 : i32
        %add3A_1674 = arith.addi %mul3A_1600, %add3A_1673 : i32
        %get3A_1675 = arith.index_cast %add3A_1674 : i32 to index
        %get3A_1676 = tpu.vector_load %arg14[%get3A_1675] {strides = array<i32>} : memref<16384xf32, #tpu.memory_space<vmem>>, vector<16xf32>,
        %get3A_1677 = vector.shape_cast %get3A_1676 : vector<16xf32> to vector<16xf32>
        %mul3A_1678 = vector.broadcast %squeeze3A_1594 : f32 to vector<16xf32>
        %mul3A_1679 = arith.mulf %get3A_1677, %mul3A_1678 : vector<16xf32>
        %add3A_1680 = arith.addf %scan3A_1585, %mul3A_1679 : vector<16xf32>
        %add3A_1681 = arith.constant 224 : i32
        %add3A_1682 = arith.addi %mul3A_1600, %add3A_1681 : i32
        %get3A_1683 = arith.index_cast %add3A_1682 : i32 to index
        %get3A_1684 = tpu.vector_load %arg14[%get3A_1683] {strides = array<i32>} : memref<16384xf32, #tpu.memory_space<vmem>>, vector<16xf32>,
        %get3A_1685 = vector.shape_cast %get3A_1684 : vector<16xf32> to vector<16xf32>
        %mul3A_1686 = vector.broadcast %squeeze3A_1594 : f32 to vector<16xf32>
        %mul3A_1687 = arith.mulf %get3A_1685, %mul3A_1686 : vector<16xf32>
        %add3A_1688 = arith.addf %scan3A_1586, %mul3A_1687 : vector<16xf32>
        %add3A_1689 = arith.constant 240 : i32
        %add3A_1690 = arith.addi %mul3A_1600, %add3A_1689 : i32
        %get3A_1691 = arith.index_cast %add3A_1690 : i32 to index
        %get3A_1692 = tpu.vector_load %arg14[%get3A_1691] {strides = array<i32>} : memref<16384xf32, #tpu.memory_space<vmem>>, vector<16xf32>,
        %get3A_1693 = vector.shape_cast %get3A_1692 : vector<16xf32> to vector<16xf32>
        %mul3A_1694 = vector.broadcast %squeeze3A_1594 : f32 to vector<16xf32>
        %mul3A_1695 = arith.mulf %get3A_1693, %mul3A_1694 : vector<16xf32>
        %add3A_1696 = arith.addf %scan3A_1587, %mul3A_1695 : vector<16xf32>
        %slice3A_1697 = vector.extract_strided_slice %get3A_1592 {offsets = [1], sizes = [1], strides = [1]} : vector<16xf32> to vector<1xf32>
        %squeeze3A_1698 = vector.extract %slice3A_1697[0] : f32 from vector<1xf32>
        %mul3A_1699 = arith.constant 16 : i32
        %mul3A_1700 = arith.muli %scan3A_1575, %mul3A_1699 : i32
        %add3A_1701 = arith.constant 1 : i32
        %add3A_1702 = arith.addi %mul3A_1700, %add3A_1701 : i32
        %mul3A_1703 = arith.constant 256 : i32
        %mul3A_1704 = arith.muli %add3A_1702, %mul3A_1703 : i32
        %add3A_1705 = arith.constant 0 : i32
        %add3A_1706 = arith.addi %mul3A_1704, %add3A_1705 : i32
        %get3A_1707 = arith.index_cast %add3A_1706 : i32 to index
        %get3A_1708 = tpu.vector_load %arg14[%get3A_1707] {strides = array<i32>} : memref<16384xf32, #tpu.memory_space<vmem>>, vector<16xf32>,
        %get3A_1709 = vector.shape_cast %get3A_1708 : vector<16xf32> to vector<16xf32>
        %mul3A_1710 = vector.broadcast %squeeze3A_1698 : f32 to vector<16xf32>
        %mul3A_1711 = arith.mulf %get3A_1709, %mul3A_1710 : vector<16xf32>
        %add3A_1712 = arith.addf %add3A_1608, %mul3A_1711 : vector<16xf32>
        %add3A_1713 = arith.constant 16 : i32
        %add3A_1714 = arith.addi %mul3A_1704, %add3A_1713 : i32
        %get3A_1715 = arith.index_cast %add3A_1714 : i32 to index
        %get3A_1716 = tpu.vector_load %arg14[%get3A_1715] {strides = array<i32>} : memref<16384xf32, #tpu.memory_space<vmem>>, vector<16xf32>,
        %get3A_1717 = vector.shape_cast %get3A_1716 : vector<16xf32> to vector<16xf32>
        %mul3A_1718 = vector.broadcast %squeeze3A_1698 : f32 to vector<16xf32>
        %mul3A_1719 = arith.mulf %get3A_1717, %mul3A_1718 : vector<16xf32>
        %add3A_1720 = arith.addf %add3A_1616, %mul3A_1719 : vector<16xf32>
        %add3A_1721 = arith.constant 32 : i32
        %add3A_1722 = arith.addi %mul3A_1704, %add3A_1721 : i32
        %get3A_1723 = arith.index_cast %add3A_1722 : i32 to index
        %get3A_1724 = tpu.vector_load %arg14[%get3A_1723] {strides = array<i32>} : memref<16384xf32, #tpu.memory_space<vmem>>, vector<16xf32>,
        %get3A_1725 = vector.shape_cast %get3A_1724 : vector<16xf32> to vector<16xf32>
        %mul3A_1726 = vector.broadcast %squeeze3A_1698 : f32 to vector<16xf32>
        %mul3A_1727 = arith.mulf %get3A_1725, %mul3A_1726 : vector<16xf32>
        %add3A_1728 = arith.addf %add3A_1624, %mul3A_1727 : vector<16xf32>
        %add3A_1729 = arith.constant 48 : i32
        %add3A_1730 = arith.addi %mul3A_1704, %add3A_1729 : i32
        %get3A_1731 = arith.index_cast %add3A_1730 : i32 to index
        %get3A_1732 = tpu.vector_load %arg14[%get3A_1731] {strides = array<i32>} : memref<16384xf32, #tpu.memory_space<vmem>>, vector<16xf32>,
        %get3A_1733 = vector.shape_cast %get3A_1732 : vector<16xf32> to vector<16xf32>
        %mul3A_1734 = vector.broadcast %squeeze3A_1698 : f32 to vector<16xf32>
        %mul3A_1735 = arith.mulf %get3A_1733, %mul3A_1734 : vector<16xf32>
        %add3A_1736 = arith.addf %add3A_1632, %mul3A_1735 : vector<16xf32>
        %add3A_1737 = arith.constant 128 : i32
        %add3A_1738 = arith.addi %mul3A_1704, %add3A_1737 : i32
        %get3A_1739 = arith.index_cast %add3A_1738 : i32 to index
        %get3A_1740 = tpu.vector_load %arg14[%get3A_1739] {strides = array<i32>} : memref<16384xf32, #tpu.memory_space<vmem>>, vector<16xf32>,
        %get3A_1741 = vector.shape_cast %get3A_1740 : vector<16xf32> to vector<16xf32>
        %mul3A_1742 = vector.broadcast %squeeze3A_1698 : f32 to vector<16xf32>
        %mul3A_1743 = arith.mulf %get3A_1741, %mul3A_1742 : vector<16xf32>
        %add3A_1744 = arith.addf %add3A_1640, %mul3A_1743 : vector<16xf32>
        %add3A_1745 = arith.constant 144 : i32
        %add3A_1746 = arith.addi %mul3A_1704, %add3A_1745 : i32
        %get3A_1747 = arith.index_cast %add3A_1746 : i32 to index
        %get3A_1748 = tpu.vector_load %arg14[%get3A_1747] {strides = array<i32>} : memref<16384xf32, #tpu.memory_space<vmem>>, vector<16xf32>,
        %get3A_1749 = vector.shape_cast %get3A_1748 : vector<16xf32> to vector<16xf32>
        %mul3A_1750 = vector.broadcast %squeeze3A_1698 : f32 to vector<16xf32>
        %mul3A_1751 = arith.mulf %get3A_1749, %mul3A_1750 : vector<16xf32>
        %add3A_1752 = arith.addf %add3A_1648, %mul3A_1751 : vector<16xf32>
        %add3A_1753 = arith.constant 160 : i32
        %add3A_1754 = arith.addi %mul3A_1704, %add3A_1753 : i32
        %get3A_1755 = arith.index_cast %add3A_1754 : i32 to index
        %get3A_1756 = tpu.vector_load %arg14[%get3A_1755] {strides = array<i32>} : memref<16384xf32, #tpu.memory_space<vmem>>, vector<16xf32>,
        %get3A_1757 = vector.shape_cast %get3A_1756 : vector<16xf32> to vector<16xf32>
        %mul3A_1758 = vector.broadcast %squeeze3A_1698 : f32 to vector<16xf32>
        %mul3A_1759 = arith.mulf %get3A_1757, %mul3A_1758 : vector<16xf32>
        %add3A_1760 = arith.addf %add3A_1656, %mul3A_1759 : vector<16xf32>
        %add3A_1761 = arith.constant 176 : i32
        %add3A_1762 = arith.addi %mul3A_1704, %add3A_1761 : i32
        %get3A_1763 = arith.index_cast %add3A_1762 : i32 to index
        %get3A_1764 = tpu.vector_load %arg14[%get3A_1763] {strides = array<i32>} : memref<16384xf32, #tpu.memory_space<vmem>>, vector<16xf32>,
        %get3A_1765 = vector.shape_cast %get3A_1764 : vector<16xf32> to vector<16xf32>
        %mul3A_1766 = vector.broadcast %squeeze3A_1698 : f32 to vector<16xf32>
        %mul3A_1767 = arith.mulf %get3A_1765, %mul3A_1766 : vector<16xf32>
        %add3A_1768 = arith.addf %add3A_1664, %mul3A_1767 : vector<16xf32>
        %add3A_1769 = arith.constant 192 : i32
        %add3A_1770 = arith.addi %mul3A_1704, %add3A_1769 : i32
        %get3A_1771 = arith.index_cast %add3A_1770 : i32 to index
        %get3A_1772 = tpu.vector_load %arg14[%get3A_1771] {strides = array<i32>} : memref<16384xf32, #tpu.memory_space<vmem>>, vector<16xf32>,
        %get3A_1773 = vector.shape_cast %get3A_1772 : vector<16xf32> to vector<16xf32>
        %mul3A_1774 = vector.broadcast %squeeze3A_1698 : f32 to vector<16xf32>
        %mul3A_1775 = arith.mulf %get3A_1773, %mul3A_1774 : vector<16xf32>
        %add3A_1776 = arith.addf %add3A_1672, %mul3A_1775 : vector<16xf32>
        %add3A_1777 = arith.constant 208 : i32
        %add3A_1778 = arith.addi %mul3A_1704, %add3A_1777 : i32
        %get3A_1779 = arith.index_cast %add3A_1778 : i32 to index
        %get3A_1780 = tpu.vector_load %arg14[%get3A_1779] {strides = array<i32>} : memref<16384xf32, #tpu.memory_space<vmem>>, vector<16xf32>,
        %get3A_1781 = vector.shape_cast %get3A_1780 : vector<16xf32> to vector<16xf32>
        %mul3A_1782 = vector.broadcast %squeeze3A_1698 : f32 to vector<16xf32>
        %mul3A_1783 = arith.mulf %get3A_1781, %mul3A_1782 : vector<16xf32>
        %add3A_1784 = arith.addf %add3A_1680, %mul3A_1783 : vector<16xf32>
        %add3A_1785 = arith.constant 224 : i32
        %add3A_1786 = arith.addi %mul3A_1704, %add3A_1785 : i32
        %get3A_1787 = arith.index_cast %add3A_1786 : i32 to index
        %get3A_1788 = tpu.vector_load %arg14[%get3A_1787] {strides = array<i32>} : memref<16384xf32, #tpu.memory_space<vmem>>, vector<16xf32>,
        %get3A_1789 = vector.shape_cast %get3A_1788 : vector<16xf32> to vector<16xf32>
        %mul3A_1790 = vector.broadcast %squeeze3A_1698 : f32 to vector<16xf32>
        %mul3A_1791 = arith.mulf %get3A_1789, %mul3A_1790 : vector<16xf32>
        %add3A_1792 = arith.addf %add3A_1688, %mul3A_1791 : vector<16xf32>
        %add3A_1793 = arith.constant 240 : i32
        %add3A_1794 = arith.addi %mul3A_1704, %add3A_1793 : i32
        %get3A_1795 = arith.index_cast %add3A_1794 : i32 to index
        %get3A_1796 = tpu.vector_load %arg14[%get3A_1795] {strides = array<i32>} : memref<16384xf32, #tpu.memory_space<vmem>>, vector<16xf32>,
        %get3A_1797 = vector.shape_cast %get3A_1796 : vector<16xf32> to vector<16xf32>
        %mul3A_1798 = vector.broadcast %squeeze3A_1698 : f32 to vector<16xf32>
        %mul3A_1799 = arith.mulf %get3A_1797, %mul3A_1798 : vector<16xf32>
        %add3A_1800 = arith.addf %add3A_1696, %mul3A_1799 : vector<16xf32>
        %slice3A_1801 = vector.extract_strided_slice %get3A_1592 {offsets = [2], sizes = [1], strides = [1]} : vector<16xf32> to vector<1xf32>
        %squeeze3A_1802 = vector.extract %slice3A_1801[0] : f32 from vector<1xf32>
        %mul3A_1803 = arith.constant 16 : i32
        %mul3A_1804 = arith.muli %scan3A_1575, %mul3A_1803 : i32
        %add3A_1805 = arith.constant 2 : i32
        %add3A_1806 = arith.addi %mul3A_1804, %add3A_1805 : i32
        %mul3A_1807 = arith.constant 256 : i32
        %mul3A_1808 = arith.muli %add3A_1806, %mul3A_1807 : i32
        %add3A_1809 = arith.constant 0 : i32
        %add3A_1810 = arith.addi %mul3A_1808, %add3A_1809 : i32
        %get3A_1811 = arith.index_cast %add3A_1810 : i32 to index
        %get3A_1812 = tpu.vector_load %arg14[%get3A_1811] {strides = array<i32>} : memref<16384xf32, #tpu.memory_space<vmem>>, vector<16xf32>,
        %get3A_1813 = vector.shape_cast %get3A_1812 : vector<16xf32> to vector<16xf32>
        %mul3A_1814 = vector.broadcast %squeeze3A_1802 : f32 to vector<16xf32>
        %mul3A_1815 = arith.mulf %get3A_1813, %mul3A_1814 : vector<16xf32>
        %add3A_1816 = arith.addf %add3A_1712, %mul3A_1815 : vector<16xf32>
        %add3A_1817 = arith.constant 16 : i32
        %add3A_1818 = arith.addi %mul3A_1808, %add3A_1817 : i32
        %get3A_1819 = arith.index_cast %add3A_1818 : i32 to index
        %get3A_1820 = tpu.vector_load %arg14[%get3A_1819] {strides = array<i32>} : memref<16384xf32, #tpu.memory_space<vmem>>, vector<16xf32>,
        %get3A_1821 = vector.shape_cast %get3A_1820 : vector<16xf32> to vector<16xf32>
        %mul3A_1822 = vector.broadcast %squeeze3A_1802 : f32 to vector<16xf32>
        %mul3A_1823 = arith.mulf %get3A_1821, %mul3A_1822 : vector<16xf32>
        %add3A_1824 = arith.addf %add3A_1720, %mul3A_1823 : vector<16xf32>
        %add3A_1825 = arith.constant 32 : i32
        %add3A_1826 = arith.addi %mul3A_1808, %add3A_1825 : i32
        %get3A_1827 = arith.index_cast %add3A_1826 : i32 to index
        %get3A_1828 = tpu.vector_load %arg14[%get3A_1827] {strides = array<i32>} : memref<16384xf32, #tpu.memory_space<vmem>>, vector<16xf32>,
        %get3A_1829 = vector.shape_cast %get3A_1828 : vector<16xf32> to vector<16xf32>
        %mul3A_1830 = vector.broadcast %squeeze3A_1802 : f32 to vector<16xf32>
        %mul3A_1831 = arith.mulf %get3A_1829, %mul3A_1830 : vector<16xf32>
        %add3A_1832 = arith.addf %add3A_1728, %mul3A_1831 : vector<16xf32>
        %add3A_1833 = arith.constant 48 : i32
        %add3A_1834 = arith.addi %mul3A_1808, %add3A_1833 : i32
        %get3A_1835 = arith.index_cast %add3A_1834 : i32 to index
        %get3A_1836 = tpu.vector_load %arg14[%get3A_1835] {strides = array<i32>} : memref<16384xf32, #tpu.memory_space<vmem>>, vector<16xf32>,
        %get3A_1837 = vector.shape_cast %get3A_1836 : vector<16xf32> to vector<16xf32>
        %mul3A_1838 = vector.broadcast %squeeze3A_1802 : f32 to vector<16xf32>
        %mul3A_1839 = arith.mulf %get3A_1837, %mul3A_1838 : vector<16xf32>
        %add3A_1840 = arith.addf %add3A_1736, %mul3A_1839 : vector<16xf32>
        %add3A_1841 = arith.constant 128 : i32
        %add3A_1842 = arith.addi %mul3A_1808, %add3A_1841 : i32
        %get3A_1843 = arith.index_cast %add3A_1842 : i32 to index
        %get3A_1844 = tpu.vector_load %arg14[%get3A_1843] {strides = array<i32>} : memref<16384xf32, #tpu.memory_space<vmem>>, vector<16xf32>,
        %get3A_1845 = vector.shape_cast %get3A_1844 : vector<16xf32> to vector<16xf32>
        %mul3A_1846 = vector.broadcast %squeeze3A_1802 : f32 to vector<16xf32>
        %mul3A_1847 = arith.mulf %get3A_1845, %mul3A_1846 : vector<16xf32>
        %add3A_1848 = arith.addf %add3A_1744, %mul3A_1847 : vector<16xf32>
        %add3A_1849 = arith.constant 144 : i32
        %add3A_1850 = arith.addi %mul3A_1808, %add3A_1849 : i32
        %get3A_1851 = arith.index_cast %add3A_1850 : i32 to index
        %get3A_1852 = tpu.vector_load %arg14[%get3A_1851] {strides = array<i32>} : memref<16384xf32, #tpu.memory_space<vmem>>, vector<16xf32>,
        %get3A_1853 = vector.shape_cast %get3A_1852 : vector<16xf32> to vector<16xf32>
        %mul3A_1854 = vector.broadcast %squeeze3A_1802 : f32 to vector<16xf32>
        %mul3A_1855 = arith.mulf %get3A_1853, %mul3A_1854 : vector<16xf32>
        %add3A_1856 = arith.addf %add3A_1752, %mul3A_1855 : vector<16xf32>
        %add3A_1857 = arith.constant 160 : i32
        %add3A_1858 = arith.addi %mul3A_1808, %add3A_1857 : i32
        %get3A_1859 = arith.index_cast %add3A_1858 : i32 to index
        %get3A_1860 = tpu.vector_load %arg14[%get3A_1859] {strides = array<i32>} : memref<16384xf32, #tpu.memory_space<vmem>>, vector<16xf32>,
        %get3A_1861 = vector.shape_cast %get3A_1860 : vector<16xf32> to vector<16xf32>
        %mul3A_1862 = vector.broadcast %squeeze3A_1802 : f32 to vector<16xf32>
        %mul3A_1863 = arith.mulf %get3A_1861, %mul3A_1862 : vector<16xf32>
        %add3A_1864 = arith.addf %add3A_1760, %mul3A_1863 : vector<16xf32>
        %add3A_1865 = arith.constant 176 : i32
        %add3A_1866 = arith.addi %mul3A_1808, %add3A_1865 : i32
        %get3A_1867 = arith.index_cast %add3A_1866 : i32 to index
        %get3A_1868 = tpu.vector_load %arg14[%get3A_1867] {strides = array<i32>} : memref<16384xf32, #tpu.memory_space<vmem>>, vector<16xf32>,
        %get3A_1869 = vector.shape_cast %get3A_1868 : vector<16xf32> to vector<16xf32>
        %mul3A_1870 = vector.broadcast %squeeze3A_1802 : f32 to vector<16xf32>
        %mul3A_1871 = arith.mulf %get3A_1869, %mul3A_1870 : vector<16xf32>
        %add3A_1872 = arith.addf %add3A_1768, %mul3A_1871 : vector<16xf32>
        %add3A_1873 = arith.constant 192 : i32
        %add3A_1874 = arith.addi %mul3A_1808, %add3A_1873 : i32
        %get3A_1875 = arith.index_cast %add3A_1874 : i32 to index
        %get3A_1876 = tpu.vector_load %arg14[%get3A_1875] {strides = array<i32>} : memref<16384xf32, #tpu.memory_space<vmem>>, vector<16xf32>,
        %get3A_1877 = vector.shape_cast %get3A_1876 : vector<16xf32> to vector<16xf32>
        %mul3A_1878 = vector.broadcast %squeeze3A_1802 : f32 to vector<16xf32>
        %mul3A_1879 = arith.mulf %get3A_1877, %mul3A_1878 : vector<16xf32>
        %add3A_1880 = arith.addf %add3A_1776, %mul3A_1879 : vector<16xf32>
        %add3A_1881 = arith.constant 208 : i32
        %add3A_1882 = arith.addi %mul3A_1808, %add3A_1881 : i32
        %get3A_1883 = arith.index_cast %add3A_1882 : i32 to index
        %get3A_1884 = tpu.vector_load %arg14[%get3A_1883] {strides = array<i32>} : memref<16384xf32, #tpu.memory_space<vmem>>, vector<16xf32>,
        %get3A_1885 = vector.shape_cast %get3A_1884 : vector<16xf32> to vector<16xf32>
        %mul3A_1886 = vector.broadcast %squeeze3A_1802 : f32 to vector<16xf32>
        %mul3A_1887 = arith.mulf %get3A_1885, %mul3A_1886 : vector<16xf32>
        %add3A_1888 = arith.addf %add3A_1784, %mul3A_1887 : vector<16xf32>
        %add3A_1889 = arith.constant 224 : i32
        %add3A_1890 = arith.addi %mul3A_1808, %add3A_1889 : i32
        %get3A_1891 = arith.index_cast %add3A_1890 : i32 to index
        %get3A_1892 = tpu.vector_load %arg14[%get3A_1891] {strides = array<i32>} : memref<16384xf32, #tpu.memory_space<vmem>>, vector<16xf32>,
        %get3A_1893 = vector.shape_cast %get3A_1892 : vector<16xf32> to vector<16xf32>
        %mul3A_1894 = vector.broadcast %squeeze3A_1802 : f32 to vector<16xf32>
        %mul3A_1895 = arith.mulf %get3A_1893, %mul3A_1894 : vector<16xf32>
        %add3A_1896 = arith.addf %add3A_1792, %mul3A_1895 : vector<16xf32>
        %add3A_1897 = arith.constant 240 : i32
        %add3A_1898 = arith.addi %mul3A_1808, %add3A_1897 : i32
        %get3A_1899 = arith.index_cast %add3A_1898 : i32 to index
        %get3A_1900 = tpu.vector_load %arg14[%get3A_1899] {strides = array<i32>} : memref<16384xf32, #tpu.memory_space<vmem>>, vector<16xf32>,
        %get3A_1901 = vector.shape_cast %get3A_1900 : vector<16xf32> to vector<16xf32>
        %mul3A_1902 = vector.broadcast %squeeze3A_1802 : f32 to vector<16xf32>
        %mul3A_1903 = arith.mulf %get3A_1901, %mul3A_1902 : vector<16xf32>
        %add3A_1904 = arith.addf %add3A_1800, %mul3A_1903 : vector<16xf32>
        %slice3A_1905 = vector.extract_strided_slice %get3A_1592 {offsets = [3], sizes = [1], strides = [1]} : vector<16xf32> to vector<1xf32>
        %squeeze3A_1906 = vector.extract %slice3A_1905[0] : f32 from vector<1xf32>
        %mul3A_1907 = arith.constant 16 : i32
        %mul3A_1908 = arith.muli %scan3A_1575, %mul3A_1907 : i32
        %add3A_1909 = arith.constant 3 : i32
        %add3A_1910 = arith.addi %mul3A_1908, %add3A_1909 : i32
        %mul3A_1911 = arith.constant 256 : i32
        %mul3A_1912 = arith.muli %add3A_1910, %mul3A_1911 : i32
        %add3A_1913 = arith.constant 0 : i32
        %add3A_1914 = arith.addi %mul3A_1912, %add3A_1913 : i32
        %get3A_1915 = arith.index_cast %add3A_1914 : i32 to index
        %get3A_1916 = tpu.vector_load %arg14[%get3A_1915] {strides = array<i32>} : memref<16384xf32, #tpu.memory_space<vmem>>, vector<16xf32>,
        %get3A_1917 = vector.shape_cast %get3A_1916 : vector<16xf32> to vector<16xf32>
        %mul3A_1918 = vector.broadcast %squeeze3A_1906 : f32 to vector<16xf32>
        %mul3A_1919 = arith.mulf %get3A_1917, %mul3A_1918 : vector<16xf32>
        %add3A_1920 = arith.addf %add3A_1816, %mul3A_1919 : vector<16xf32>
        %add3A_1921 = arith.constant 16 : i32
        %add3A_1922 = arith.addi %mul3A_1912, %add3A_1921 : i32
        %get3A_1923 = arith.index_cast %add3A_1922 : i32 to index
        %get3A_1924 = tpu.vector_load %arg14[%get3A_1923] {strides = array<i32>} : memref<16384xf32, #tpu.memory_space<vmem>>, vector<16xf32>,
        %get3A_1925 = vector.shape_cast %get3A_1924 : vector<16xf32> to vector<16xf32>
        %mul3A_1926 = vector.broadcast %squeeze3A_1906 : f32 to vector<16xf32>
        %mul3A_1927 = arith.mulf %get3A_1925, %mul3A_1926 : vector<16xf32>
        %add3A_1928 = arith.addf %add3A_1824, %mul3A_1927 : vector<16xf32>
        %add3A_1929 = arith.constant 32 : i32
        %add3A_1930 = arith.addi %mul3A_1912, %add3A_1929 : i32
        %get3A_1931 = arith.index_cast %add3A_1930 : i32 to index
        %get3A_1932 = tpu.vector_load %arg14[%get3A_1931] {strides = array<i32>} : memref<16384xf32, #tpu.memory_space<vmem>>, vector<16xf32>,
        %get3A_1933 = vector.shape_cast %get3A_1932 : vector<16xf32> to vector<16xf32>
        %mul3A_1934 = vector.broadcast %squeeze3A_1906 : f32 to vector<16xf32>
        %mul3A_1935 = arith.mulf %get3A_1933, %mul3A_1934 : vector<16xf32>
        %add3A_1936 = arith.addf %add3A_1832, %mul3A_1935 : vector<16xf32>
        %add3A_1937 = arith.constant 48 : i32
        %add3A_1938 = arith.addi %mul3A_1912, %add3A_1937 : i32
        %get3A_1939 = arith.index_cast %add3A_1938 : i32 to index
        %get3A_1940 = tpu.vector_load %arg14[%get3A_1939] {strides = array<i32>} : memref<16384xf32, #tpu.memory_space<vmem>>, vector<16xf32>,
        %get3A_1941 = vector.shape_cast %get3A_1940 : vector<16xf32> to vector<16xf32>
        %mul3A_1942 = vector.broadcast %squeeze3A_1906 : f32 to vector<16xf32>
        %mul3A_1943 = arith.mulf %get3A_1941, %mul3A_1942 : vector<16xf32>
        %add3A_1944 = arith.addf %add3A_1840, %mul3A_1943 : vector<16xf32>
        %add3A_1945 = arith.constant 128 : i32
        %add3A_1946 = arith.addi %mul3A_1912, %add3A_1945 : i32
        %get3A_1947 = arith.index_cast %add3A_1946 : i32 to index
        %get3A_1948 = tpu.vector_load %arg14[%get3A_1947] {strides = array<i32>} : memref<16384xf32, #tpu.memory_space<vmem>>, vector<16xf32>,
        %get3A_1949 = vector.shape_cast %get3A_1948 : vector<16xf32> to vector<16xf32>
        %mul3A_1950 = vector.broadcast %squeeze3A_1906 : f32 to vector<16xf32>
        %mul3A_1951 = arith.mulf %get3A_1949, %mul3A_1950 : vector<16xf32>
        %add3A_1952 = arith.addf %add3A_1848, %mul3A_1951 : vector<16xf32>
        %add3A_1953 = arith.constant 144 : i32
        %add3A_1954 = arith.addi %mul3A_1912, %add3A_1953 : i32
        %get3A_1955 = arith.index_cast %add3A_1954 : i32 to index
        %get3A_1956 = tpu.vector_load %arg14[%get3A_1955] {strides = array<i32>} : memref<16384xf32, #tpu.memory_space<vmem>>, vector<16xf32>,
        %get3A_1957 = vector.shape_cast %get3A_1956 : vector<16xf32> to vector<16xf32>
        %mul3A_1958 = vector.broadcast %squeeze3A_1906 : f32 to vector<16xf32>
        %mul3A_1959 = arith.mulf %get3A_1957, %mul3A_1958 : vector<16xf32>
        %add3A_1960 = arith.addf %add3A_1856, %mul3A_1959 : vector<16xf32>
        %add3A_1961 = arith.constant 160 : i32
        %add3A_1962 = arith.addi %mul3A_1912, %add3A_1961 : i32
        %get3A_1963 = arith.index_cast %add3A_1962 : i32 to index
        %get3A_1964 = tpu.vector_load %arg14[%get3A_1963] {strides = array<i32>} : memref<16384xf32, #tpu.memory_space<vmem>>, vector<16xf32>,
        %get3A_1965 = vector.shape_cast %get3A_1964 : vector<16xf32> to vector<16xf32>
        %mul3A_1966 = vector.broadcast %squeeze3A_1906 : f32 to vector<16xf32>
        %mul3A_1967 = arith.mulf %get3A_1965, %mul3A_1966 : vector<16xf32>
        %add3A_1968 = arith.addf %add3A_1864, %mul3A_1967 : vector<16xf32>
        %add3A_1969 = arith.constant 176 : i32
        %add3A_1970 = arith.addi %mul3A_1912, %add3A_1969 : i32
        %get3A_1971 = arith.index_cast %add3A_1970 : i32 to index
        %get3A_1972 = tpu.vector_load %arg14[%get3A_1971] {strides = array<i32>} : memref<16384xf32, #tpu.memory_space<vmem>>, vector<16xf32>,
        %get3A_1973 = vector.shape_cast %get3A_1972 : vector<16xf32> to vector<16xf32>
        %mul3A_1974 = vector.broadcast %squeeze3A_1906 : f32 to vector<16xf32>
        %mul3A_1975 = arith.mulf %get3A_1973, %mul3A_1974 : vector<16xf32>
        %add3A_1976 = arith.addf %add3A_1872, %mul3A_1975 : vector<16xf32>
        %add3A_1977 = arith.constant 192 : i32
        %add3A_1978 = arith.addi %mul3A_1912, %add3A_1977 : i32
        %get3A_1979 = arith.index_cast %add3A_1978 : i32 to index
        %get3A_1980 = tpu.vector_load %arg14[%get3A_1979] {strides = array<i32>} : memref<16384xf32, #tpu.memory_space<vmem>>, vector<16xf32>,
        %get3A_1981 = vector.shape_cast %get3A_1980 : vector<16xf32> to vector<16xf32>
        %mul3A_1982 = vector.broadcast %squeeze3A_1906 : f32 to vector<16xf32>
        %mul3A_1983 = arith.mulf %get3A_1981, %mul3A_1982 : vector<16xf32>
        %add3A_1984 = arith.addf %add3A_1880, %mul3A_1983 : vector<16xf32>
        %add3A_1985 = arith.constant 208 : i32
        %add3A_1986 = arith.addi %mul3A_1912, %add3A_1985 : i32
        %get3A_1987 = arith.index_cast %add3A_1986 : i32 to index
        %get3A_1988 = tpu.vector_load %arg14[%get3A_1987] {strides = array<i32>} : memref<16384xf32, #tpu.memory_space<vmem>>, vector<16xf32>,
        %get3A_1989 = vector.shape_cast %get3A_1988 : vector<16xf32> to vector<16xf32>
        %mul3A_1990 = vector.broadcast %squeeze3A_1906 : f32 to vector<16xf32>
        %mul3A_1991 = arith.mulf %get3A_1989, %mul3A_1990 : vector<16xf32>
        %add3A_1992 = arith.addf %add3A_1888, %mul3A_1991 : vector<16xf32>
        %add3A_1993 = arith.constant 224 : i32
        %add3A_1994 = arith.addi %mul3A_1912, %add3A_1993 : i32
        %get3A_1995 = arith.index_cast %add3A_1994 : i32 to index
        %get3A_1996 = tpu.vector_load %arg14[%get3A_1995] {strides = array<i32>} : memref<16384xf32, #tpu.memory_space<vmem>>, vector<16xf32>,
        %get3A_1997 = vector.shape_cast %get3A_1996 : vector<16xf32> to vector<16xf32>
        %mul3A_1998 = vector.broadcast %squeeze3A_1906 : f32 to vector<16xf32>
        %mul3A_1999 = arith.mulf %get3A_1997, %mul3A_1998 : vector<16xf32>
        %add3A_2000 = arith.addf %add3A_1896, %mul3A_1999 : vector<16xf32>
        %add3A_2001 = arith.constant 240 : i32
        %add3A_2002 = arith.addi %mul3A_1912, %add3A_2001 : i32
        %get3A_2003 = arith.index_cast %add3A_2002 : i32 to index
        %get3A_2004 = tpu.vector_load %arg14[%get3A_2003] {strides = array<i32>} : memref<16384xf32, #tpu.memory_space<vmem>>, vector<16xf32>,
        %get3A_2005 = vector.shape_cast %get3A_2004 : vector<16xf32> to vector<16xf32>
        %mul3A_2006 = vector.broadcast %squeeze3A_1906 : f32 to vector<16xf32>
        %mul3A_2007 = arith.mulf %get3A_2005, %mul3A_2006 : vector<16xf32>
        %add3A_2008 = arith.addf %add3A_1904, %mul3A_2007 : vector<16xf32>
        %slice3A_2009 = vector.extract_strided_slice %get3A_1592 {offsets = [4], sizes = [1], strides = [1]} : vector<16xf32> to vector<1xf32>
        %squeeze3A_2010 = vector.extract %slice3A_2009[0] : f32 from vector<1xf32>
        %mul3A_2011 = arith.constant 16 : i32
        %mul3A_2012 = arith.muli %scan3A_1575, %mul3A_2011 : i32
        %add3A_2013 = arith.constant 4 : i32
        %add3A_2014 = arith.addi %mul3A_2012, %add3A_2013 : i32
        %mul3A_2015 = arith.constant 256 : i32
        %mul3A_2016 = arith.muli %add3A_2014, %mul3A_2015 : i32
        %add3A_2017 = arith.constant 0 : i32
        %add3A_2018 = arith.addi %mul3A_2016, %add3A_2017 : i32
        %get3A_2019 = arith.index_cast %add3A_2018 : i32 to index
        %get3A_2020 = tpu.vector_load %arg14[%get3A_2019] {strides = array<i32>} : memref<16384xf32, #tpu.memory_space<vmem>>, vector<16xf32>,
        %get3A_2021 = vector.shape_cast %get3A_2020 : vector<16xf32> to vector<16xf32>
        %mul3A_2022 = vector.broadcast %squeeze3A_2010 : f32 to vector<16xf32>
        %mul3A_2023 = arith.mulf %get3A_2021, %mul3A_2022 : vector<16xf32>
        %add3A_2024 = arith.addf %add3A_1920, %mul3A_2023 : vector<16xf32>
        %add3A_2025 = arith.constant 16 : i32
        %add3A_2026 = arith.addi %mul3A_2016, %add3A_2025 : i32
        %get3A_2027 = arith.index_cast %add3A_2026 : i32 to index
        %get3A_2028 = tpu.vector_load %arg14[%get3A_2027] {strides = array<i32>} : memref<16384xf32, #tpu.memory_space<vmem>>, vector<16xf32>,
        %get3A_2029 = vector.shape_cast %get3A_2028 : vector<16xf32> to vector<16xf32>
        %mul3A_2030 = vector.broadcast %squeeze3A_2010 : f32 to vector<16xf32>
        %mul3A_2031 = arith.mulf %get3A_2029, %mul3A_2030 : vector<16xf32>
        %add3A_2032 = arith.addf %add3A_1928, %mul3A_2031 : vector<16xf32>
        %add3A_2033 = arith.constant 32 : i32
        %add3A_2034 = arith.addi %mul3A_2016, %add3A_2033 : i32
        %get3A_2035 = arith.index_cast %add3A_2034 : i32 to index
        %get3A_2036 = tpu.vector_load %arg14[%get3A_2035] {strides = array<i32>} : memref<16384xf32, #tpu.memory_space<vmem>>, vector<16xf32>,
        %get3A_2037 = vector.shape_cast %get3A_2036 : vector<16xf32> to vector<16xf32>
        %mul3A_2038 = vector.broadcast %squeeze3A_2010 : f32 to vector<16xf32>
        %mul3A_2039 = arith.mulf %get3A_2037, %mul3A_2038 : vector<16xf32>
        %add3A_2040 = arith.addf %add3A_1936, %mul3A_2039 : vector<16xf32>
        %add3A_2041 = arith.constant 48 : i32
        %add3A_2042 = arith.addi %mul3A_2016, %add3A_2041 : i32
        %get3A_2043 = arith.index_cast %add3A_2042 : i32 to index
        %get3A_2044 = tpu.vector_load %arg14[%get3A_2043] {strides = array<i32>} : memref<16384xf32, #tpu.memory_space<vmem>>, vector<16xf32>,
        %get3A_2045 = vector.shape_cast %get3A_2044 : vector<16xf32> to vector<16xf32>
        %mul3A_2046 = vector.broadcast %squeeze3A_2010 : f32 to vector<16xf32>
        %mul3A_2047 = arith.mulf %get3A_2045, %mul3A_2046 : vector<16xf32>
        %add3A_2048 = arith.addf %add3A_1944, %mul3A_2047 : vector<16xf32>
        %add3A_2049 = arith.constant 128 : i32
        %add3A_2050 = arith.addi %mul3A_2016, %add3A_2049 : i32
        %get3A_2051 = arith.index_cast %add3A_2050 : i32 to index
        %get3A_2052 = tpu.vector_load %arg14[%get3A_2051] {strides = array<i32>} : memref<16384xf32, #tpu.memory_space<vmem>>, vector<16xf32>,
        %get3A_2053 = vector.shape_cast %get3A_2052 : vector<16xf32> to vector<16xf32>
        %mul3A_2054 = vector.broadcast %squeeze3A_2010 : f32 to vector<16xf32>
        %mul3A_2055 = arith.mulf %get3A_2053, %mul3A_2054 : vector<16xf32>
        %add3A_2056 = arith.addf %add3A_1952, %mul3A_2055 : vector<16xf32>
        %add3A_2057 = arith.constant 144 : i32
        %add3A_2058 = arith.addi %mul3A_2016, %add3A_2057 : i32
        %get3A_2059 = arith.index_cast %add3A_2058 : i32 to index
        %get3A_2060 = tpu.vector_load %arg14[%get3A_2059] {strides = array<i32>} : memref<16384xf32, #tpu.memory_space<vmem>>, vector<16xf32>,
        %get3A_2061 = vector.shape_cast %get3A_2060 : vector<16xf32> to vector<16xf32>
        %mul3A_2062 = vector.broadcast %squeeze3A_2010 : f32 to vector<16xf32>
        %mul3A_2063 = arith.mulf %get3A_2061, %mul3A_2062 : vector<16xf32>
        %add3A_2064 = arith.addf %add3A_1960, %mul3A_2063 : vector<16xf32>
        %add3A_2065 = arith.constant 160 : i32
        %add3A_2066 = arith.addi %mul3A_2016, %add3A_2065 : i32
        %get3A_2067 = arith.index_cast %add3A_2066 : i32 to index
        %get3A_2068 = tpu.vector_load %arg14[%get3A_2067] {strides = array<i32>} : memref<16384xf32, #tpu.memory_space<vmem>>, vector<16xf32>,
        %get3A_2069 = vector.shape_cast %get3A_2068 : vector<16xf32> to vector<16xf32>
        %mul3A_2070 = vector.broadcast %squeeze3A_2010 : f32 to vector<16xf32>
        %mul3A_2071 = arith.mulf %get3A_2069, %mul3A_2070 : vector<16xf32>
        %add3A_2072 = arith.addf %add3A_1968, %mul3A_2071 : vector<16xf32>
        %add3A_2073 = arith.constant 176 : i32
        %add3A_2074 = arith.addi %mul3A_2016, %add3A_2073 : i32
        %get3A_2075 = arith.index_cast %add3A_2074 : i32 to index
        %get3A_2076 = tpu.vector_load %arg14[%get3A_2075] {strides = array<i32>} : memref<16384xf32, #tpu.memory_space<vmem>>, vector<16xf32>,
        %get3A_2077 = vector.shape_cast %get3A_2076 : vector<16xf32> to vector<16xf32>
        %mul3A_2078 = vector.broadcast %squeeze3A_2010 : f32 to vector<16xf32>
        %mul3A_2079 = arith.mulf %get3A_2077, %mul3A_2078 : vector<16xf32>
        %add3A_2080 = arith.addf %add3A_1976, %mul3A_2079 : vector<16xf32>
        %add3A_2081 = arith.constant 192 : i32
        %add3A_2082 = arith.addi %mul3A_2016, %add3A_2081 : i32
        %get3A_2083 = arith.index_cast %add3A_2082 : i32 to index
        %get3A_2084 = tpu.vector_load %arg14[%get3A_2083] {strides = array<i32>} : memref<16384xf32, #tpu.memory_space<vmem>>, vector<16xf32>,
        %get3A_2085 = vector.shape_cast %get3A_2084 : vector<16xf32> to vector<16xf32>
        %mul3A_2086 = vector.broadcast %squeeze3A_2010 : f32 to vector<16xf32>
        %mul3A_2087 = arith.mulf %get3A_2085, %mul3A_2086 : vector<16xf32>
        %add3A_2088 = arith.addf %add3A_1984, %mul3A_2087 : vector<16xf32>
        %add3A_2089 = arith.constant 208 : i32
        %add3A_2090 = arith.addi %mul3A_2016, %add3A_2089 : i32
        %get3A_2091 = arith.index_cast %add3A_2090 : i32 to index
        %get3A_2092 = tpu.vector_load %arg14[%get3A_2091] {strides = array<i32>} : memref<16384xf32, #tpu.memory_space<vmem>>, vector<16xf32>,
        %get3A_2093 = vector.shape_cast %get3A_2092 : vector<16xf32> to vector<16xf32>
        %mul3A_2094 = vector.broadcast %squeeze3A_2010 : f32 to vector<16xf32>
        %mul3A_2095 = arith.mulf %get3A_2093, %mul3A_2094 : vector<16xf32>
        %add3A_2096 = arith.addf %add3A_1992, %mul3A_2095 : vector<16xf32>
        %add3A_2097 = arith.constant 224 : i32
        %add3A_2098 = arith.addi %mul3A_2016, %add3A_2097 : i32
        %get3A_2099 = arith.index_cast %add3A_2098 : i32 to index
        %get3A_2100 = tpu.vector_load %arg14[%get3A_2099] {strides = array<i32>} : memref<16384xf32, #tpu.memory_space<vmem>>, vector<16xf32>,
        %get3A_2101 = vector.shape_cast %get3A_2100 : vector<16xf32> to vector<16xf32>
        %mul3A_2102 = vector.broadcast %squeeze3A_2010 : f32 to vector<16xf32>
        %mul3A_2103 = arith.mulf %get3A_2101, %mul3A_2102 : vector<16xf32>
        %add3A_2104 = arith.addf %add3A_2000, %mul3A_2103 : vector<16xf32>
        %add3A_2105 = arith.constant 240 : i32
        %add3A_2106 = arith.addi %mul3A_2016, %add3A_2105 : i32
        %get3A_2107 = arith.index_cast %add3A_2106 : i32 to index
        %get3A_2108 = tpu.vector_load %arg14[%get3A_2107] {strides = array<i32>} : memref<16384xf32, #tpu.memory_space<vmem>>, vector<16xf32>,
        %get3A_2109 = vector.shape_cast %get3A_2108 : vector<16xf32> to vector<16xf32>
        %mul3A_2110 = vector.broadcast %squeeze3A_2010 : f32 to vector<16xf32>
        %mul3A_2111 = arith.mulf %get3A_2109, %mul3A_2110 : vector<16xf32>
        %add3A_2112 = arith.addf %add3A_2008, %mul3A_2111 : vector<16xf32>
        %slice3A_2113 = vector.extract_strided_slice %get3A_1592 {offsets = [5], sizes = [1], strides = [1]} : vector<16xf32> to vector<1xf32>
        %squeeze3A_2114 = vector.extract %slice3A_2113[0] : f32 from vector<1xf32>
        %mul3A_2115 = arith.constant 16 : i32
        %mul3A_2116 = arith.muli %scan3A_1575, %mul3A_2115 : i32
        %add3A_2117 = arith.constant 5 : i32
        %add3A_2118 = arith.addi %mul3A_2116, %add3A_2117 : i32
        %mul3A_2119 = arith.constant 256 : i32
        %mul3A_2120 = arith.muli %add3A_2118, %mul3A_2119 : i32
        %add3A_2121 = arith.constant 0 : i32
        %add3A_2122 = arith.addi %mul3A_2120, %add3A_2121 : i32
        %get3A_2123 = arith.index_cast %add3A_2122 : i32 to index
        %get3A_2124 = tpu.vector_load %arg14[%get3A_2123] {strides = array<i32>} : memref<16384xf32, #tpu.memory_space<vmem>>, vector<16xf32>,
        %get3A_2125 = vector.shape_cast %get3A_2124 : vector<16xf32> to vector<16xf32>
        %mul3A_2126 = vector.broadcast %squeeze3A_2114 : f32 to vector<16xf32>
        %mul3A_2127 = arith.mulf %get3A_2125, %mul3A_2126 : vector<16xf32>
        %add3A_2128 = arith.addf %add3A_2024, %mul3A_2127 : vector<16xf32>
        %add3A_2129 = arith.constant 16 : i32
        %add3A_2130 = arith.addi %mul3A_2120, %add3A_2129 : i32
        %get3A_2131 = arith.index_cast %add3A_2130 : i32 to index
        %get3A_2132 = tpu.vector_load %arg14[%get3A_2131] {strides = array<i32>} : memref<16384xf32, #tpu.memory_space<vmem>>, vector<16xf32>,
        %get3A_2133 = vector.shape_cast %get3A_2132 : vector<16xf32> to vector<16xf32>
        %mul3A_2134 = vector.broadcast %squeeze3A_2114 : f32 to vector<16xf32>
        %mul3A_2135 = arith.mulf %get3A_2133, %mul3A_2134 : vector<16xf32>
        %add3A_2136 = arith.addf %add3A_2032, %mul3A_2135 : vector<16xf32>
        %add3A_2137 = arith.constant 32 : i32
        %add3A_2138 = arith.addi %mul3A_2120, %add3A_2137 : i32
        %get3A_2139 = arith.index_cast %add3A_2138 : i32 to index
        %get3A_2140 = tpu.vector_load %arg14[%get3A_2139] {strides = array<i32>} : memref<16384xf32, #tpu.memory_space<vmem>>, vector<16xf32>,
        %get3A_2141 = vector.shape_cast %get3A_2140 : vector<16xf32> to vector<16xf32>
        %mul3A_2142 = vector.broadcast %squeeze3A_2114 : f32 to vector<16xf32>
        %mul3A_2143 = arith.mulf %get3A_2141, %mul3A_2142 : vector<16xf32>
        %add3A_2144 = arith.addf %add3A_2040, %mul3A_2143 : vector<16xf32>
        %add3A_2145 = arith.constant 48 : i32
        %add3A_2146 = arith.addi %mul3A_2120, %add3A_2145 : i32
        %get3A_2147 = arith.index_cast %add3A_2146 : i32 to index
        %get3A_2148 = tpu.vector_load %arg14[%get3A_2147] {strides = array<i32>} : memref<16384xf32, #tpu.memory_space<vmem>>, vector<16xf32>,
        %get3A_2149 = vector.shape_cast %get3A_2148 : vector<16xf32> to vector<16xf32>
        %mul3A_2150 = vector.broadcast %squeeze3A_2114 : f32 to vector<16xf32>
        %mul3A_2151 = arith.mulf %get3A_2149, %mul3A_2150 : vector<16xf32>
        %add3A_2152 = arith.addf %add3A_2048, %mul3A_2151 : vector<16xf32>
        %add3A_2153 = arith.constant 128 : i32
        %add3A_2154 = arith.addi %mul3A_2120, %add3A_2153 : i32
        %get3A_2155 = arith.index_cast %add3A_2154 : i32 to index
        %get3A_2156 = tpu.vector_load %arg14[%get3A_2155] {strides = array<i32>} : memref<16384xf32, #tpu.memory_space<vmem>>, vector<16xf32>,
        %get3A_2157 = vector.shape_cast %get3A_2156 : vector<16xf32> to vector<16xf32>
        %mul3A_2158 = vector.broadcast %squeeze3A_2114 : f32 to vector<16xf32>
        %mul3A_2159 = arith.mulf %get3A_2157, %mul3A_2158 : vector<16xf32>
        %add3A_2160 = arith.addf %add3A_2056, %mul3A_2159 : vector<16xf32>
        %add3A_2161 = arith.constant 144 : i32
        %add3A_2162 = arith.addi %mul3A_2120, %add3A_2161 : i32
        %get3A_2163 = arith.index_cast %add3A_2162 : i32 to index
        %get3A_2164 = tpu.vector_load %arg14[%get3A_2163] {strides = array<i32>} : memref<16384xf32, #tpu.memory_space<vmem>>, vector<16xf32>,
        %get3A_2165 = vector.shape_cast %get3A_2164 : vector<16xf32> to vector<16xf32>
        %mul3A_2166 = vector.broadcast %squeeze3A_2114 : f32 to vector<16xf32>
        %mul3A_2167 = arith.mulf %get3A_2165, %mul3A_2166 : vector<16xf32>
        %add3A_2168 = arith.addf %add3A_2064, %mul3A_2167 : vector<16xf32>
        %add3A_2169 = arith.constant 160 : i32
        %add3A_2170 = arith.addi %mul3A_2120, %add3A_2169 : i32
        %get3A_2171 = arith.index_cast %add3A_2170 : i32 to index
        %get3A_2172 = tpu.vector_load %arg14[%get3A_2171] {strides = array<i32>} : memref<16384xf32, #tpu.memory_space<vmem>>, vector<16xf32>,
        %get3A_2173 = vector.shape_cast %get3A_2172 : vector<16xf32> to vector<16xf32>
        %mul3A_2174 = vector.broadcast %squeeze3A_2114 : f32 to vector<16xf32>
        %mul3A_2175 = arith.mulf %get3A_2173, %mul3A_2174 : vector<16xf32>
        %add3A_2176 = arith.addf %add3A_2072, %mul3A_2175 : vector<16xf32>
        %add3A_2177 = arith.constant 176 : i32
        %add3A_2178 = arith.addi %mul3A_2120, %add3A_2177 : i32
        %get3A_2179 = arith.index_cast %add3A_2178 : i32 to index
        %get3A_2180 = tpu.vector_load %arg14[%get3A_2179] {strides = array<i32>} : memref<16384xf32, #tpu.memory_space<vmem>>, vector<16xf32>,
        %get3A_2181 = vector.shape_cast %get3A_2180 : vector<16xf32> to vector<16xf32>
        %mul3A_2182 = vector.broadcast %squeeze3A_2114 : f32 to vector<16xf32>
        %mul3A_2183 = arith.mulf %get3A_2181, %mul3A_2182 : vector<16xf32>
        %add3A_2184 = arith.addf %add3A_2080, %mul3A_2183 : vector<16xf32>
        %add3A_2185 = arith.constant 192 : i32
        %add3A_2186 = arith.addi %mul3A_2120, %add3A_2185 : i32
        %get3A_2187 = arith.index_cast %add3A_2186 : i32 to index
        %get3A_2188 = tpu.vector_load %arg14[%get3A_2187] {strides = array<i32>} : memref<16384xf32, #tpu.memory_space<vmem>>, vector<16xf32>,
        %get3A_2189 = vector.shape_cast %get3A_2188 : vector<16xf32> to vector<16xf32>
        %mul3A_2190 = vector.broadcast %squeeze3A_2114 : f32 to vector<16xf32>
        %mul3A_2191 = arith.mulf %get3A_2189, %mul3A_2190 : vector<16xf32>
        %add3A_2192 = arith.addf %add3A_2088, %mul3A_2191 : vector<16xf32>
        %add3A_2193 = arith.constant 208 : i32
        %add3A_2194 = arith.addi %mul3A_2120, %add3A_2193 : i32
        %get3A_2195 = arith.index_cast %add3A_2194 : i32 to index
        %get3A_2196 = tpu.vector_load %arg14[%get3A_2195] {strides = array<i32>} : memref<16384xf32, #tpu.memory_space<vmem>>, vector<16xf32>,
        %get3A_2197 = vector.shape_cast %get3A_2196 : vector<16xf32> to vector<16xf32>
        %mul3A_2198 = vector.broadcast %squeeze3A_2114 : f32 to vector<16xf32>
        %mul3A_2199 = arith.mulf %get3A_2197, %mul3A_2198 : vector<16xf32>
        %add3A_2200 = arith.addf %add3A_2096, %mul3A_2199 : vector<16xf32>
        %add3A_2201 = arith.constant 224 : i32
        %add3A_2202 = arith.addi %mul3A_2120, %add3A_2201 : i32
        %get3A_2203 = arith.index_cast %add3A_2202 : i32 to index
        %get3A_2204 = tpu.vector_load %arg14[%get3A_2203] {strides = array<i32>} : memref<16384xf32, #tpu.memory_space<vmem>>, vector<16xf32>,
        %get3A_2205 = vector.shape_cast %get3A_2204 : vector<16xf32> to vector<16xf32>
        %mul3A_2206 = vector.broadcast %squeeze3A_2114 : f32 to vector<16xf32>
        %mul3A_2207 = arith.mulf %get3A_2205, %mul3A_2206 : vector<16xf32>
        %add3A_2208 = arith.addf %add3A_2104, %mul3A_2207 : vector<16xf32>
        %add3A_2209 = arith.constant 240 : i32
        %add3A_2210 = arith.addi %mul3A_2120, %add3A_2209 : i32
        %get3A_2211 = arith.index_cast %add3A_2210 : i32 to index
        %get3A_2212 = tpu.vector_load %arg14[%get3A_2211] {strides = array<i32>} : memref<16384xf32, #tpu.memory_space<vmem>>, vector<16xf32>,
        %get3A_2213 = vector.shape_cast %get3A_2212 : vector<16xf32> to vector<16xf32>
        %mul3A_2214 = vector.broadcast %squeeze3A_2114 : f32 to vector<16xf32>
        %mul3A_2215 = arith.mulf %get3A_2213, %mul3A_2214 : vector<16xf32>
        %add3A_2216 = arith.addf %add3A_2112, %mul3A_2215 : vector<16xf32>
        %slice3A_2217 = vector.extract_strided_slice %get3A_1592 {offsets = [6], sizes = [1], strides = [1]} : vector<16xf32> to vector<1xf32>
        %squeeze3A_2218 = vector.extract %slice3A_2217[0] : f32 from vector<1xf32>
        %mul3A_2219 = arith.constant 16 : i32
        %mul3A_2220 = arith.muli %scan3A_1575, %mul3A_2219 : i32
        %add3A_2221 = arith.constant 6 : i32
        %add3A_2222 = arith.addi %mul3A_2220, %add3A_2221 : i32
        %mul3A_2223 = arith.constant 256 : i32
        %mul3A_2224 = arith.muli %add3A_2222, %mul3A_2223 : i32
        %add3A_2225 = arith.constant 0 : i32
        %add3A_2226 = arith.addi %mul3A_2224, %add3A_2225 : i32
        %get3A_2227 = arith.index_cast %add3A_2226 : i32 to index
        %get3A_2228 = tpu.vector_load %arg14[%get3A_2227] {strides = array<i32>} : memref<16384xf32, #tpu.memory_space<vmem>>, vector<16xf32>,
        %get3A_2229 = vector.shape_cast %get3A_2228 : vector<16xf32> to vector<16xf32>
        %mul3A_2230 = vector.broadcast %squeeze3A_2218 : f32 to vector<16xf32>
        %mul3A_2231 = arith.mulf %get3A_2229, %mul3A_2230 : vector<16xf32>
        %add3A_2232 = arith.addf %add3A_2128, %mul3A_2231 : vector<16xf32>
        %add3A_2233 = arith.constant 16 : i32
        %add3A_2234 = arith.addi %mul3A_2224, %add3A_2233 : i32
        %get3A_2235 = arith.index_cast %add3A_2234 : i32 to index
        %get3A_2236 = tpu.vector_load %arg14[%get3A_2235] {strides = array<i32>} : memref<16384xf32, #tpu.memory_space<vmem>>, vector<16xf32>,
        %get3A_2237 = vector.shape_cast %get3A_2236 : vector<16xf32> to vector<16xf32>
        %mul3A_2238 = vector.broadcast %squeeze3A_2218 : f32 to vector<16xf32>
        %mul3A_2239 = arith.mulf %get3A_2237, %mul3A_2238 : vector<16xf32>
        %add3A_2240 = arith.addf %add3A_2136, %mul3A_2239 : vector<16xf32>
        %add3A_2241 = arith.constant 32 : i32
        %add3A_2242 = arith.addi %mul3A_2224, %add3A_2241 : i32
        %get3A_2243 = arith.index_cast %add3A_2242 : i32 to index
        %get3A_2244 = tpu.vector_load %arg14[%get3A_2243] {strides = array<i32>} : memref<16384xf32, #tpu.memory_space<vmem>>, vector<16xf32>,
        %get3A_2245 = vector.shape_cast %get3A_2244 : vector<16xf32> to vector<16xf32>
        %mul3A_2246 = vector.broadcast %squeeze3A_2218 : f32 to vector<16xf32>
        %mul3A_2247 = arith.mulf %get3A_2245, %mul3A_2246 : vector<16xf32>
        %add3A_2248 = arith.addf %add3A_2144, %mul3A_2247 : vector<16xf32>
        %add3A_2249 = arith.constant 48 : i32
        %add3A_2250 = arith.addi %mul3A_2224, %add3A_2249 : i32
        %get3A_2251 = arith.index_cast %add3A_2250 : i32 to index
        %get3A_2252 = tpu.vector_load %arg14[%get3A_2251] {strides = array<i32>} : memref<16384xf32, #tpu.memory_space<vmem>>, vector<16xf32>,
        %get3A_2253 = vector.shape_cast %get3A_2252 : vector<16xf32> to vector<16xf32>
        %mul3A_2254 = vector.broadcast %squeeze3A_2218 : f32 to vector<16xf32>
        %mul3A_2255 = arith.mulf %get3A_2253, %mul3A_2254 : vector<16xf32>
        %add3A_2256 = arith.addf %add3A_2152, %mul3A_2255 : vector<16xf32>
        %add3A_2257 = arith.constant 128 : i32
        %add3A_2258 = arith.addi %mul3A_2224, %add3A_2257 : i32
        %get3A_2259 = arith.index_cast %add3A_2258 : i32 to index
        %get3A_2260 = tpu.vector_load %arg14[%get3A_2259] {strides = array<i32>} : memref<16384xf32, #tpu.memory_space<vmem>>, vector<16xf32>,
        %get3A_2261 = vector.shape_cast %get3A_2260 : vector<16xf32> to vector<16xf32>
        %mul3A_2262 = vector.broadcast %squeeze3A_2218 : f32 to vector<16xf32>
        %mul3A_2263 = arith.mulf %get3A_2261, %mul3A_2262 : vector<16xf32>
        %add3A_2264 = arith.addf %add3A_2160, %mul3A_2263 : vector<16xf32>
        %add3A_2265 = arith.constant 144 : i32
        %add3A_2266 = arith.addi %mul3A_2224, %add3A_2265 : i32
        %get3A_2267 = arith.index_cast %add3A_2266 : i32 to index
        %get3A_2268 = tpu.vector_load %arg14[%get3A_2267] {strides = array<i32>} : memref<16384xf32, #tpu.memory_space<vmem>>, vector<16xf32>,
        %get3A_2269 = vector.shape_cast %get3A_2268 : vector<16xf32> to vector<16xf32>
        %mul3A_2270 = vector.broadcast %squeeze3A_2218 : f32 to vector<16xf32>
        %mul3A_2271 = arith.mulf %get3A_2269, %mul3A_2270 : vector<16xf32>
        %add3A_2272 = arith.addf %add3A_2168, %mul3A_2271 : vector<16xf32>
        %add3A_2273 = arith.constant 160 : i32
        %add3A_2274 = arith.addi %mul3A_2224, %add3A_2273 : i32
        %get3A_2275 = arith.index_cast %add3A_2274 : i32 to index
        %get3A_2276 = tpu.vector_load %arg14[%get3A_2275] {strides = array<i32>} : memref<16384xf32, #tpu.memory_space<vmem>>, vector<16xf32>,
        %get3A_2277 = vector.shape_cast %get3A_2276 : vector<16xf32> to vector<16xf32>
        %mul3A_2278 = vector.broadcast %squeeze3A_2218 : f32 to vector<16xf32>
        %mul3A_2279 = arith.mulf %get3A_2277, %mul3A_2278 : vector<16xf32>
        %add3A_2280 = arith.addf %add3A_2176, %mul3A_2279 : vector<16xf32>
        %add3A_2281 = arith.constant 176 : i32
        %add3A_2282 = arith.addi %mul3A_2224, %add3A_2281 : i32
        %get3A_2283 = arith.index_cast %add3A_2282 : i32 to index
        %get3A_2284 = tpu.vector_load %arg14[%get3A_2283] {strides = array<i32>} : memref<16384xf32, #tpu.memory_space<vmem>>, vector<16xf32>,
        %get3A_2285 = vector.shape_cast %get3A_2284 : vector<16xf32> to vector<16xf32>
        %mul3A_2286 = vector.broadcast %squeeze3A_2218 : f32 to vector<16xf32>
        %mul3A_2287 = arith.mulf %get3A_2285, %mul3A_2286 : vector<16xf32>
        %add3A_2288 = arith.addf %add3A_2184, %mul3A_2287 : vector<16xf32>
        %add3A_2289 = arith.constant 192 : i32
        %add3A_2290 = arith.addi %mul3A_2224, %add3A_2289 : i32
        %get3A_2291 = arith.index_cast %add3A_2290 : i32 to index
        %get3A_2292 = tpu.vector_load %arg14[%get3A_2291] {strides = array<i32>} : memref<16384xf32, #tpu.memory_space<vmem>>, vector<16xf32>,
        %get3A_2293 = vector.shape_cast %get3A_2292 : vector<16xf32> to vector<16xf32>
        %mul3A_2294 = vector.broadcast %squeeze3A_2218 : f32 to vector<16xf32>
        %mul3A_2295 = arith.mulf %get3A_2293, %mul3A_2294 : vector<16xf32>
        %add3A_2296 = arith.addf %add3A_2192, %mul3A_2295 : vector<16xf32>
        %add3A_2297 = arith.constant 208 : i32
        %add3A_2298 = arith.addi %mul3A_2224, %add3A_2297 : i32
        %get3A_2299 = arith.index_cast %add3A_2298 : i32 to index
        %get3A_2300 = tpu.vector_load %arg14[%get3A_2299] {strides = array<i32>} : memref<16384xf32, #tpu.memory_space<vmem>>, vector<16xf32>,
        %get3A_2301 = vector.shape_cast %get3A_2300 : vector<16xf32> to vector<16xf32>
        %mul3A_2302 = vector.broadcast %squeeze3A_2218 : f32 to vector<16xf32>
        %mul3A_2303 = arith.mulf %get3A_2301, %mul3A_2302 : vector<16xf32>
        %add3A_2304 = arith.addf %add3A_2200, %mul3A_2303 : vector<16xf32>
        %add3A_2305 = arith.constant 224 : i32
        %add3A_2306 = arith.addi %mul3A_2224, %add3A_2305 : i32
        %get3A_2307 = arith.index_cast %add3A_2306 : i32 to index
        %get3A_2308 = tpu.vector_load %arg14[%get3A_2307] {strides = array<i32>} : memref<16384xf32, #tpu.memory_space<vmem>>, vector<16xf32>,
        %get3A_2309 = vector.shape_cast %get3A_2308 : vector<16xf32> to vector<16xf32>
        %mul3A_2310 = vector.broadcast %squeeze3A_2218 : f32 to vector<16xf32>
        %mul3A_2311 = arith.mulf %get3A_2309, %mul3A_2310 : vector<16xf32>
        %add3A_2312 = arith.addf %add3A_2208, %mul3A_2311 : vector<16xf32>
        %add3A_2313 = arith.constant 240 : i32
        %add3A_2314 = arith.addi %mul3A_2224, %add3A_2313 : i32
        %get3A_2315 = arith.index_cast %add3A_2314 : i32 to index
        %get3A_2316 = tpu.vector_load %arg14[%get3A_2315] {strides = array<i32>} : memref<16384xf32, #tpu.memory_space<vmem>>, vector<16xf32>,
        %get3A_2317 = vector.shape_cast %get3A_2316 : vector<16xf32> to vector<16xf32>
        %mul3A_2318 = vector.broadcast %squeeze3A_2218 : f32 to vector<16xf32>
        %mul3A_2319 = arith.mulf %get3A_2317, %mul3A_2318 : vector<16xf32>
        %add3A_2320 = arith.addf %add3A_2216, %mul3A_2319 : vector<16xf32>
        %slice3A_2321 = vector.extract_strided_slice %get3A_1592 {offsets = [7], sizes = [1], strides = [1]} : vector<16xf32> to vector<1xf32>
        %squeeze3A_2322 = vector.extract %slice3A_2321[0] : f32 from vector<1xf32>
        %mul3A_2323 = arith.constant 16 : i32
        %mul3A_2324 = arith.muli %scan3A_1575, %mul3A_2323 : i32
        %add3A_2325 = arith.constant 7 : i32
        %add3A_2326 = arith.addi %mul3A_2324, %add3A_2325 : i32
        %mul3A_2327 = arith.constant 256 : i32
        %mul3A_2328 = arith.muli %add3A_2326, %mul3A_2327 : i32
        %add3A_2329 = arith.constant 0 : i32
        %add3A_2330 = arith.addi %mul3A_2328, %add3A_2329 : i32
        %get3A_2331 = arith.index_cast %add3A_2330 : i32 to index
        %get3A_2332 = tpu.vector_load %arg14[%get3A_2331] {strides = array<i32>} : memref<16384xf32, #tpu.memory_space<vmem>>, vector<16xf32>,
        %get3A_2333 = vector.shape_cast %get3A_2332 : vector<16xf32> to vector<16xf32>
        %mul3A_2334 = vector.broadcast %squeeze3A_2322 : f32 to vector<16xf32>
        %mul3A_2335 = arith.mulf %get3A_2333, %mul3A_2334 : vector<16xf32>
        %add3A_2336 = arith.addf %add3A_2232, %mul3A_2335 : vector<16xf32>
        %add3A_2337 = arith.constant 16 : i32
        %add3A_2338 = arith.addi %mul3A_2328, %add3A_2337 : i32
        %get3A_2339 = arith.index_cast %add3A_2338 : i32 to index
        %get3A_2340 = tpu.vector_load %arg14[%get3A_2339] {strides = array<i32>} : memref<16384xf32, #tpu.memory_space<vmem>>, vector<16xf32>,
        %get3A_2341 = vector.shape_cast %get3A_2340 : vector<16xf32> to vector<16xf32>
        %mul3A_2342 = vector.broadcast %squeeze3A_2322 : f32 to vector<16xf32>
        %mul3A_2343 = arith.mulf %get3A_2341, %mul3A_2342 : vector<16xf32>
        %add3A_2344 = arith.addf %add3A_2240, %mul3A_2343 : vector<16xf32>
        %add3A_2345 = arith.constant 32 : i32
        %add3A_2346 = arith.addi %mul3A_2328, %add3A_2345 : i32
        %get3A_2347 = arith.index_cast %add3A_2346 : i32 to index
        %get3A_2348 = tpu.vector_load %arg14[%get3A_2347] {strides = array<i32>} : memref<16384xf32, #tpu.memory_space<vmem>>, vector<16xf32>,
        %get3A_2349 = vector.shape_cast %get3A_2348 : vector<16xf32> to vector<16xf32>
        %mul3A_2350 = vector.broadcast %squeeze3A_2322 : f32 to vector<16xf32>
        %mul3A_2351 = arith.mulf %get3A_2349, %mul3A_2350 : vector<16xf32>
        %add3A_2352 = arith.addf %add3A_2248, %mul3A_2351 : vector<16xf32>
        %add3A_2353 = arith.constant 48 : i32
        %add3A_2354 = arith.addi %mul3A_2328, %add3A_2353 : i32
        %get3A_2355 = arith.index_cast %add3A_2354 : i32 to index
        %get3A_2356 = tpu.vector_load %arg14[%get3A_2355] {strides = array<i32>} : memref<16384xf32, #tpu.memory_space<vmem>>, vector<16xf32>,
        %get3A_2357 = vector.shape_cast %get3A_2356 : vector<16xf32> to vector<16xf32>
        %mul3A_2358 = vector.broadcast %squeeze3A_2322 : f32 to vector<16xf32>
        %mul3A_2359 = arith.mulf %get3A_2357, %mul3A_2358 : vector<16xf32>
        %add3A_2360 = arith.addf %add3A_2256, %mul3A_2359 : vector<16xf32>
        %add3A_2361 = arith.constant 128 : i32
        %add3A_2362 = arith.addi %mul3A_2328, %add3A_2361 : i32
        %get3A_2363 = arith.index_cast %add3A_2362 : i32 to index
        %get3A_2364 = tpu.vector_load %arg14[%get3A_2363] {strides = array<i32>} : memref<16384xf32, #tpu.memory_space<vmem>>, vector<16xf32>,
        %get3A_2365 = vector.shape_cast %get3A_2364 : vector<16xf32> to vector<16xf32>
        %mul3A_2366 = vector.broadcast %squeeze3A_2322 : f32 to vector<16xf32>
        %mul3A_2367 = arith.mulf %get3A_2365, %mul3A_2366 : vector<16xf32>
        %add3A_2368 = arith.addf %add3A_2264, %mul3A_2367 : vector<16xf32>
        %add3A_2369 = arith.constant 144 : i32
        %add3A_2370 = arith.addi %mul3A_2328, %add3A_2369 : i32
        %get3A_2371 = arith.index_cast %add3A_2370 : i32 to index
        %get3A_2372 = tpu.vector_load %arg14[%get3A_2371] {strides = array<i32>} : memref<16384xf32, #tpu.memory_space<vmem>>, vector<16xf32>,
        %get3A_2373 = vector.shape_cast %get3A_2372 : vector<16xf32> to vector<16xf32>
        %mul3A_2374 = vector.broadcast %squeeze3A_2322 : f32 to vector<16xf32>
        %mul3A_2375 = arith.mulf %get3A_2373, %mul3A_2374 : vector<16xf32>
        %add3A_2376 = arith.addf %add3A_2272, %mul3A_2375 : vector<16xf32>
        %add3A_2377 = arith.constant 160 : i32
        %add3A_2378 = arith.addi %mul3A_2328, %add3A_2377 : i32
        %get3A_2379 = arith.index_cast %add3A_2378 : i32 to index
        %get3A_2380 = tpu.vector_load %arg14[%get3A_2379] {strides = array<i32>} : memref<16384xf32, #tpu.memory_space<vmem>>, vector<16xf32>,
        %get3A_2381 = vector.shape_cast %get3A_2380 : vector<16xf32> to vector<16xf32>
        %mul3A_2382 = vector.broadcast %squeeze3A_2322 : f32 to vector<16xf32>
        %mul3A_2383 = arith.mulf %get3A_2381, %mul3A_2382 : vector<16xf32>
        %add3A_2384 = arith.addf %add3A_2280, %mul3A_2383 : vector<16xf32>
        %add3A_2385 = arith.constant 176 : i32
        %add3A_2386 = arith.addi %mul3A_2328, %add3A_2385 : i32
        %get3A_2387 = arith.index_cast %add3A_2386 : i32 to index
        %get3A_2388 = tpu.vector_load %arg14[%get3A_2387] {strides = array<i32>} : memref<16384xf32, #tpu.memory_space<vmem>>, vector<16xf32>,
        %get3A_2389 = vector.shape_cast %get3A_2388 : vector<16xf32> to vector<16xf32>
        %mul3A_2390 = vector.broadcast %squeeze3A_2322 : f32 to vector<16xf32>
        %mul3A_2391 = arith.mulf %get3A_2389, %mul3A_2390 : vector<16xf32>
        %add3A_2392 = arith.addf %add3A_2288, %mul3A_2391 : vector<16xf32>
        %add3A_2393 = arith.constant 192 : i32
        %add3A_2394 = arith.addi %mul3A_2328, %add3A_2393 : i32
        %get3A_2395 = arith.index_cast %add3A_2394 : i32 to index
        %get3A_2396 = tpu.vector_load %arg14[%get3A_2395] {strides = array<i32>} : memref<16384xf32, #tpu.memory_space<vmem>>, vector<16xf32>,
        %get3A_2397 = vector.shape_cast %get3A_2396 : vector<16xf32> to vector<16xf32>
        %mul3A_2398 = vector.broadcast %squeeze3A_2322 : f32 to vector<16xf32>
        %mul3A_2399 = arith.mulf %get3A_2397, %mul3A_2398 : vector<16xf32>
        %add3A_2400 = arith.addf %add3A_2296, %mul3A_2399 : vector<16xf32>
        %add3A_2401 = arith.constant 208 : i32
        %add3A_2402 = arith.addi %mul3A_2328, %add3A_2401 : i32
        %get3A_2403 = arith.index_cast %add3A_2402 : i32 to index
        %get3A_2404 = tpu.vector_load %arg14[%get3A_2403] {strides = array<i32>} : memref<16384xf32, #tpu.memory_space<vmem>>, vector<16xf32>,
        %get3A_2405 = vector.shape_cast %get3A_2404 : vector<16xf32> to vector<16xf32>
        %mul3A_2406 = vector.broadcast %squeeze3A_2322 : f32 to vector<16xf32>
        %mul3A_2407 = arith.mulf %get3A_2405, %mul3A_2406 : vector<16xf32>
        %add3A_2408 = arith.addf %add3A_2304, %mul3A_2407 : vector<16xf32>
        %add3A_2409 = arith.constant 224 : i32
        %add3A_2410 = arith.addi %mul3A_2328, %add3A_2409 : i32
        %get3A_2411 = arith.index_cast %add3A_2410 : i32 to index
        %get3A_2412 = tpu.vector_load %arg14[%get3A_2411] {strides = array<i32>} : memref<16384xf32, #tpu.memory_space<vmem>>, vector<16xf32>,
        %get3A_2413 = vector.shape_cast %get3A_2412 : vector<16xf32> to vector<16xf32>
        %mul3A_2414 = vector.broadcast %squeeze3A_2322 : f32 to vector<16xf32>
        %mul3A_2415 = arith.mulf %get3A_2413, %mul3A_2414 : vector<16xf32>
        %add3A_2416 = arith.addf %add3A_2312, %mul3A_2415 : vector<16xf32>
        %add3A_2417 = arith.constant 240 : i32
        %add3A_2418 = arith.addi %mul3A_2328, %add3A_2417 : i32
        %get3A_2419 = arith.index_cast %add3A_2418 : i32 to index
        %get3A_2420 = tpu.vector_load %arg14[%get3A_2419] {strides = array<i32>} : memref<16384xf32, #tpu.memory_space<vmem>>, vector<16xf32>,
        %get3A_2421 = vector.shape_cast %get3A_2420 : vector<16xf32> to vector<16xf32>
        %mul3A_2422 = vector.broadcast %squeeze3A_2322 : f32 to vector<16xf32>
        %mul3A_2423 = arith.mulf %get3A_2421, %mul3A_2422 : vector<16xf32>
        %add3A_2424 = arith.addf %add3A_2320, %mul3A_2423 : vector<16xf32>
        %slice3A_2425 = vector.extract_strided_slice %get3A_1592 {offsets = [8], sizes = [1], strides = [1]} : vector<16xf32> to vector<1xf32>
        %squeeze3A_2426 = vector.extract %slice3A_2425[0] : f32 from vector<1xf32>
        %mul3A_2427 = arith.constant 16 : i32
        %mul3A_2428 = arith.muli %scan3A_1575, %mul3A_2427 : i32
        %add3A_2429 = arith.constant 8 : i32
        %add3A_2430 = arith.addi %mul3A_2428, %add3A_2429 : i32
        %mul3A_2431 = arith.constant 256 : i32
        %mul3A_2432 = arith.muli %add3A_2430, %mul3A_2431 : i32
        %add3A_2433 = arith.constant 0 : i32
        %add3A_2434 = arith.addi %mul3A_2432, %add3A_2433 : i32
        %get3A_2435 = arith.index_cast %add3A_2434 : i32 to index
        %get3A_2436 = tpu.vector_load %arg14[%get3A_2435] {strides = array<i32>} : memref<16384xf32, #tpu.memory_space<vmem>>, vector<16xf32>,
        %get3A_2437 = vector.shape_cast %get3A_2436 : vector<16xf32> to vector<16xf32>
        %mul3A_2438 = vector.broadcast %squeeze3A_2426 : f32 to vector<16xf32>
        %mul3A_2439 = arith.mulf %get3A_2437, %mul3A_2438 : vector<16xf32>
        %add3A_2440 = arith.addf %add3A_2336, %mul3A_2439 : vector<16xf32>
        %add3A_2441 = arith.constant 16 : i32
        %add3A_2442 = arith.addi %mul3A_2432, %add3A_2441 : i32
        %get3A_2443 = arith.index_cast %add3A_2442 : i32 to index
        %get3A_2444 = tpu.vector_load %arg14[%get3A_2443] {strides = array<i32>} : memref<16384xf32, #tpu.memory_space<vmem>>, vector<16xf32>,
        %get3A_2445 = vector.shape_cast %get3A_2444 : vector<16xf32> to vector<16xf32>
        %mul3A_2446 = vector.broadcast %squeeze3A_2426 : f32 to vector<16xf32>
        %mul3A_2447 = arith.mulf %get3A_2445, %mul3A_2446 : vector<16xf32>
        %add3A_2448 = arith.addf %add3A_2344, %mul3A_2447 : vector<16xf32>
        %add3A_2449 = arith.constant 32 : i32
        %add3A_2450 = arith.addi %mul3A_2432, %add3A_2449 : i32
        %get3A_2451 = arith.index_cast %add3A_2450 : i32 to index
        %get3A_2452 = tpu.vector_load %arg14[%get3A_2451] {strides = array<i32>} : memref<16384xf32, #tpu.memory_space<vmem>>, vector<16xf32>,
        %get3A_2453 = vector.shape_cast %get3A_2452 : vector<16xf32> to vector<16xf32>
        %mul3A_2454 = vector.broadcast %squeeze3A_2426 : f32 to vector<16xf32>
        %mul3A_2455 = arith.mulf %get3A_2453, %mul3A_2454 : vector<16xf32>
        %add3A_2456 = arith.addf %add3A_2352, %mul3A_2455 : vector<16xf32>
        %add3A_2457 = arith.constant 48 : i32
        %add3A_2458 = arith.addi %mul3A_2432, %add3A_2457 : i32
        %get3A_2459 = arith.index_cast %add3A_2458 : i32 to index
        %get3A_2460 = tpu.vector_load %arg14[%get3A_2459] {strides = array<i32>} : memref<16384xf32, #tpu.memory_space<vmem>>, vector<16xf32>,
        %get3A_2461 = vector.shape_cast %get3A_2460 : vector<16xf32> to vector<16xf32>
        %mul3A_2462 = vector.broadcast %squeeze3A_2426 : f32 to vector<16xf32>
        %mul3A_2463 = arith.mulf %get3A_2461, %mul3A_2462 : vector<16xf32>
        %add3A_2464 = arith.addf %add3A_2360, %mul3A_2463 : vector<16xf32>
        %add3A_2465 = arith.constant 128 : i32
        %add3A_2466 = arith.addi %mul3A_2432, %add3A_2465 : i32
        %get3A_2467 = arith.index_cast %add3A_2466 : i32 to index
        %get3A_2468 = tpu.vector_load %arg14[%get3A_2467] {strides = array<i32>} : memref<16384xf32, #tpu.memory_space<vmem>>, vector<16xf32>,
        %get3A_2469 = vector.shape_cast %get3A_2468 : vector<16xf32> to vector<16xf32>
        %mul3A_2470 = vector.broadcast %squeeze3A_2426 : f32 to vector<16xf32>
        %mul3A_2471 = arith.mulf %get3A_2469, %mul3A_2470 : vector<16xf32>
        %add3A_2472 = arith.addf %add3A_2368, %mul3A_2471 : vector<16xf32>
        %add3A_2473 = arith.constant 144 : i32
        %add3A_2474 = arith.addi %mul3A_2432, %add3A_2473 : i32
        %get3A_2475 = arith.index_cast %add3A_2474 : i32 to index
        %get3A_2476 = tpu.vector_load %arg14[%get3A_2475] {strides = array<i32>} : memref<16384xf32, #tpu.memory_space<vmem>>, vector<16xf32>,
        %get3A_2477 = vector.shape_cast %get3A_2476 : vector<16xf32> to vector<16xf32>
        %mul3A_2478 = vector.broadcast %squeeze3A_2426 : f32 to vector<16xf32>
        %mul3A_2479 = arith.mulf %get3A_2477, %mul3A_2478 : vector<16xf32>
        %add3A_2480 = arith.addf %add3A_2376, %mul3A_2479 : vector<16xf32>
        %add3A_2481 = arith.constant 160 : i32
        %add3A_2482 = arith.addi %mul3A_2432, %add3A_2481 : i32
        %get3A_2483 = arith.index_cast %add3A_2482 : i32 to index
        %get3A_2484 = tpu.vector_load %arg14[%get3A_2483] {strides = array<i32>} : memref<16384xf32, #tpu.memory_space<vmem>>, vector<16xf32>,
        %get3A_2485 = vector.shape_cast %get3A_2484 : vector<16xf32> to vector<16xf32>
        %mul3A_2486 = vector.broadcast %squeeze3A_2426 : f32 to vector<16xf32>
        %mul3A_2487 = arith.mulf %get3A_2485, %mul3A_2486 : vector<16xf32>
        %add3A_2488 = arith.addf %add3A_2384, %mul3A_2487 : vector<16xf32>
        %add3A_2489 = arith.constant 176 : i32
        %add3A_2490 = arith.addi %mul3A_2432, %add3A_2489 : i32
        %get3A_2491 = arith.index_cast %add3A_2490 : i32 to index
        %get3A_2492 = tpu.vector_load %arg14[%get3A_2491] {strides = array<i32>} : memref<16384xf32, #tpu.memory_space<vmem>>, vector<16xf32>,
        %get3A_2493 = vector.shape_cast %get3A_2492 : vector<16xf32> to vector<16xf32>
        %mul3A_2494 = vector.broadcast %squeeze3A_2426 : f32 to vector<16xf32>
        %mul3A_2495 = arith.mulf %get3A_2493, %mul3A_2494 : vector<16xf32>
        %add3A_2496 = arith.addf %add3A_2392, %mul3A_2495 : vector<16xf32>
        %add3A_2497 = arith.constant 192 : i32
        %add3A_2498 = arith.addi %mul3A_2432, %add3A_2497 : i32
        %get3A_2499 = arith.index_cast %add3A_2498 : i32 to index
        %get3A_2500 = tpu.vector_load %arg14[%get3A_2499] {strides = array<i32>} : memref<16384xf32, #tpu.memory_space<vmem>>, vector<16xf32>,
        %get3A_2501 = vector.shape_cast %get3A_2500 : vector<16xf32> to vector<16xf32>
        %mul3A_2502 = vector.broadcast %squeeze3A_2426 : f32 to vector<16xf32>
        %mul3A_2503 = arith.mulf %get3A_2501, %mul3A_2502 : vector<16xf32>
        %add3A_2504 = arith.addf %add3A_2400, %mul3A_2503 : vector<16xf32>
        %add3A_2505 = arith.constant 208 : i32
        %add3A_2506 = arith.addi %mul3A_2432, %add3A_2505 : i32
        %get3A_2507 = arith.index_cast %add3A_2506 : i32 to index
        %get3A_2508 = tpu.vector_load %arg14[%get3A_2507] {strides = array<i32>} : memref<16384xf32, #tpu.memory_space<vmem>>, vector<16xf32>,
        %get3A_2509 = vector.shape_cast %get3A_2508 : vector<16xf32> to vector<16xf32>
        %mul3A_2510 = vector.broadcast %squeeze3A_2426 : f32 to vector<16xf32>
        %mul3A_2511 = arith.mulf %get3A_2509, %mul3A_2510 : vector<16xf32>
        %add3A_2512 = arith.addf %add3A_2408, %mul3A_2511 : vector<16xf32>
        %add3A_2513 = arith.constant 224 : i32
        %add3A_2514 = arith.addi %mul3A_2432, %add3A_2513 : i32
        %get3A_2515 = arith.index_cast %add3A_2514 : i32 to index
        %get3A_2516 = tpu.vector_load %arg14[%get3A_2515] {strides = array<i32>} : memref<16384xf32, #tpu.memory_space<vmem>>, vector<16xf32>,
        %get3A_2517 = vector.shape_cast %get3A_2516 : vector<16xf32> to vector<16xf32>
        %mul3A_2518 = vector.broadcast %squeeze3A_2426 : f32 to vector<16xf32>
        %mul3A_2519 = arith.mulf %get3A_2517, %mul3A_2518 : vector<16xf32>
        %add3A_2520 = arith.addf %add3A_2416, %mul3A_2519 : vector<16xf32>
        %add3A_2521 = arith.constant 240 : i32
        %add3A_2522 = arith.addi %mul3A_2432, %add3A_2521 : i32
        %get3A_2523 = arith.index_cast %add3A_2522 : i32 to index
        %get3A_2524 = tpu.vector_load %arg14[%get3A_2523] {strides = array<i32>} : memref<16384xf32, #tpu.memory_space<vmem>>, vector<16xf32>,
        %get3A_2525 = vector.shape_cast %get3A_2524 : vector<16xf32> to vector<16xf32>
        %mul3A_2526 = vector.broadcast %squeeze3A_2426 : f32 to vector<16xf32>
        %mul3A_2527 = arith.mulf %get3A_2525, %mul3A_2526 : vector<16xf32>
        %add3A_2528 = arith.addf %add3A_2424, %mul3A_2527 : vector<16xf32>
        %slice3A_2529 = vector.extract_strided_slice %get3A_1592 {offsets = [9], sizes = [1], strides = [1]} : vector<16xf32> to vector<1xf32>
        %squeeze3A_2530 = vector.extract %slice3A_2529[0] : f32 from vector<1xf32>
        %mul3A_2531 = arith.constant 16 : i32
        %mul3A_2532 = arith.muli %scan3A_1575, %mul3A_2531 : i32
        %add3A_2533 = arith.constant 9 : i32
        %add3A_2534 = arith.addi %mul3A_2532, %add3A_2533 : i32
        %mul3A_2535 = arith.constant 256 : i32
        %mul3A_2536 = arith.muli %add3A_2534, %mul3A_2535 : i32
        %add3A_2537 = arith.constant 0 : i32
        %add3A_2538 = arith.addi %mul3A_2536, %add3A_2537 : i32
        %get3A_2539 = arith.index_cast %add3A_2538 : i32 to index
        %get3A_2540 = tpu.vector_load %arg14[%get3A_2539] {strides = array<i32>} : memref<16384xf32, #tpu.memory_space<vmem>>, vector<16xf32>,
        %get3A_2541 = vector.shape_cast %get3A_2540 : vector<16xf32> to vector<16xf32>
        %mul3A_2542 = vector.broadcast %squeeze3A_2530 : f32 to vector<16xf32>
        %mul3A_2543 = arith.mulf %get3A_2541, %mul3A_2542 : vector<16xf32>
        %add3A_2544 = arith.addf %add3A_2440, %mul3A_2543 : vector<16xf32>
        %add3A_2545 = arith.constant 16 : i32
        %add3A_2546 = arith.addi %mul3A_2536, %add3A_2545 : i32
        %get3A_2547 = arith.index_cast %add3A_2546 : i32 to index
        %get3A_2548 = tpu.vector_load %arg14[%get3A_2547] {strides = array<i32>} : memref<16384xf32, #tpu.memory_space<vmem>>, vector<16xf32>,
        %get3A_2549 = vector.shape_cast %get3A_2548 : vector<16xf32> to vector<16xf32>
        %mul3A_2550 = vector.broadcast %squeeze3A_2530 : f32 to vector<16xf32>
        %mul3A_2551 = arith.mulf %get3A_2549, %mul3A_2550 : vector<16xf32>
        %add3A_2552 = arith.addf %add3A_2448, %mul3A_2551 : vector<16xf32>
        %add3A_2553 = arith.constant 32 : i32
        %add3A_2554 = arith.addi %mul3A_2536, %add3A_2553 : i32
        %get3A_2555 = arith.index_cast %add3A_2554 : i32 to index
        %get3A_2556 = tpu.vector_load %arg14[%get3A_2555] {strides = array<i32>} : memref<16384xf32, #tpu.memory_space<vmem>>, vector<16xf32>,
        %get3A_2557 = vector.shape_cast %get3A_2556 : vector<16xf32> to vector<16xf32>
        %mul3A_2558 = vector.broadcast %squeeze3A_2530 : f32 to vector<16xf32>
        %mul3A_2559 = arith.mulf %get3A_2557, %mul3A_2558 : vector<16xf32>
        %add3A_2560 = arith.addf %add3A_2456, %mul3A_2559 : vector<16xf32>
        %add3A_2561 = arith.constant 48 : i32
        %add3A_2562 = arith.addi %mul3A_2536, %add3A_2561 : i32
        %get3A_2563 = arith.index_cast %add3A_2562 : i32 to index
        %get3A_2564 = tpu.vector_load %arg14[%get3A_2563] {strides = array<i32>} : memref<16384xf32, #tpu.memory_space<vmem>>, vector<16xf32>,
        %get3A_2565 = vector.shape_cast %get3A_2564 : vector<16xf32> to vector<16xf32>
        %mul3A_2566 = vector.broadcast %squeeze3A_2530 : f32 to vector<16xf32>
        %mul3A_2567 = arith.mulf %get3A_2565, %mul3A_2566 : vector<16xf32>
        %add3A_2568 = arith.addf %add3A_2464, %mul3A_2567 : vector<16xf32>
        %add3A_2569 = arith.constant 128 : i32
        %add3A_2570 = arith.addi %mul3A_2536, %add3A_2569 : i32
        %get3A_2571 = arith.index_cast %add3A_2570 : i32 to index
        %get3A_2572 = tpu.vector_load %arg14[%get3A_2571] {strides = array<i32>} : memref<16384xf32, #tpu.memory_space<vmem>>, vector<16xf32>,
        %get3A_2573 = vector.shape_cast %get3A_2572 : vector<16xf32> to vector<16xf32>
        %mul3A_2574 = vector.broadcast %squeeze3A_2530 : f32 to vector<16xf32>
        %mul3A_2575 = arith.mulf %get3A_2573, %mul3A_2574 : vector<16xf32>
        %add3A_2576 = arith.addf %add3A_2472, %mul3A_2575 : vector<16xf32>
        %add3A_2577 = arith.constant 144 : i32
        %add3A_2578 = arith.addi %mul3A_2536, %add3A_2577 : i32
        %get3A_2579 = arith.index_cast %add3A_2578 : i32 to index
        %get3A_2580 = tpu.vector_load %arg14[%get3A_2579] {strides = array<i32>} : memref<16384xf32, #tpu.memory_space<vmem>>, vector<16xf32>,
        %get3A_2581 = vector.shape_cast %get3A_2580 : vector<16xf32> to vector<16xf32>
        %mul3A_2582 = vector.broadcast %squeeze3A_2530 : f32 to vector<16xf32>
        %mul3A_2583 = arith.mulf %get3A_2581, %mul3A_2582 : vector<16xf32>
        %add3A_2584 = arith.addf %add3A_2480, %mul3A_2583 : vector<16xf32>
        %add3A_2585 = arith.constant 160 : i32
        %add3A_2586 = arith.addi %mul3A_2536, %add3A_2585 : i32
        %get3A_2587 = arith.index_cast %add3A_2586 : i32 to index
        %get3A_2588 = tpu.vector_load %arg14[%get3A_2587] {strides = array<i32>} : memref<16384xf32, #tpu.memory_space<vmem>>, vector<16xf32>,
        %get3A_2589 = vector.shape_cast %get3A_2588 : vector<16xf32> to vector<16xf32>
        %mul3A_2590 = vector.broadcast %squeeze3A_2530 : f32 to vector<16xf32>
        %mul3A_2591 = arith.mulf %get3A_2589, %mul3A_2590 : vector<16xf32>
        %add3A_2592 = arith.addf %add3A_2488, %mul3A_2591 : vector<16xf32>
        %add3A_2593 = arith.constant 176 : i32
        %add3A_2594 = arith.addi %mul3A_2536, %add3A_2593 : i32
        %get3A_2595 = arith.index_cast %add3A_2594 : i32 to index
        %get3A_2596 = tpu.vector_load %arg14[%get3A_2595] {strides = array<i32>} : memref<16384xf32, #tpu.memory_space<vmem>>, vector<16xf32>,
        %get3A_2597 = vector.shape_cast %get3A_2596 : vector<16xf32> to vector<16xf32>
        %mul3A_2598 = vector.broadcast %squeeze3A_2530 : f32 to vector<16xf32>
        %mul3A_2599 = arith.mulf %get3A_2597, %mul3A_2598 : vector<16xf32>
        %add3A_2600 = arith.addf %add3A_2496, %mul3A_2599 : vector<16xf32>
        %add3A_2601 = arith.constant 192 : i32
        %add3A_2602 = arith.addi %mul3A_2536, %add3A_2601 : i32
        %get3A_2603 = arith.index_cast %add3A_2602 : i32 to index
        %get3A_2604 = tpu.vector_load %arg14[%get3A_2603] {strides = array<i32>} : memref<16384xf32, #tpu.memory_space<vmem>>, vector<16xf32>,
        %get3A_2605 = vector.shape_cast %get3A_2604 : vector<16xf32> to vector<16xf32>
        %mul3A_2606 = vector.broadcast %squeeze3A_2530 : f32 to vector<16xf32>
        %mul3A_2607 = arith.mulf %get3A_2605, %mul3A_2606 : vector<16xf32>
        %add3A_2608 = arith.addf %add3A_2504, %mul3A_2607 : vector<16xf32>
        %add3A_2609 = arith.constant 208 : i32
        %add3A_2610 = arith.addi %mul3A_2536, %add3A_2609 : i32
        %get3A_2611 = arith.index_cast %add3A_2610 : i32 to index
        %get3A_2612 = tpu.vector_load %arg14[%get3A_2611] {strides = array<i32>} : memref<16384xf32, #tpu.memory_space<vmem>>, vector<16xf32>,
        %get3A_2613 = vector.shape_cast %get3A_2612 : vector<16xf32> to vector<16xf32>
        %mul3A_2614 = vector.broadcast %squeeze3A_2530 : f32 to vector<16xf32>
        %mul3A_2615 = arith.mulf %get3A_2613, %mul3A_2614 : vector<16xf32>
        %add3A_2616 = arith.addf %add3A_2512, %mul3A_2615 : vector<16xf32>
        %add3A_2617 = arith.constant 224 : i32
        %add3A_2618 = arith.addi %mul3A_2536, %add3A_2617 : i32
        %get3A_2619 = arith.index_cast %add3A_2618 : i32 to index
        %get3A_2620 = tpu.vector_load %arg14[%get3A_2619] {strides = array<i32>} : memref<16384xf32, #tpu.memory_space<vmem>>, vector<16xf32>,
        %get3A_2621 = vector.shape_cast %get3A_2620 : vector<16xf32> to vector<16xf32>
        %mul3A_2622 = vector.broadcast %squeeze3A_2530 : f32 to vector<16xf32>
        %mul3A_2623 = arith.mulf %get3A_2621, %mul3A_2622 : vector<16xf32>
        %add3A_2624 = arith.addf %add3A_2520, %mul3A_2623 : vector<16xf32>
        %add3A_2625 = arith.constant 240 : i32
        %add3A_2626 = arith.addi %mul3A_2536, %add3A_2625 : i32
        %get3A_2627 = arith.index_cast %add3A_2626 : i32 to index
        %get3A_2628 = tpu.vector_load %arg14[%get3A_2627] {strides = array<i32>} : memref<16384xf32, #tpu.memory_space<vmem>>, vector<16xf32>,
        %get3A_2629 = vector.shape_cast %get3A_2628 : vector<16xf32> to vector<16xf32>
        %mul3A_2630 = vector.broadcast %squeeze3A_2530 : f32 to vector<16xf32>
        %mul3A_2631 = arith.mulf %get3A_2629, %mul3A_2630 : vector<16xf32>
        %add3A_2632 = arith.addf %add3A_2528, %mul3A_2631 : vector<16xf32>
        %slice3A_2633 = vector.extract_strided_slice %get3A_1592 {offsets = [10], sizes = [1], strides = [1]} : vector<16xf32> to vector<1xf32>
        %squeeze3A_2634 = vector.extract %slice3A_2633[0] : f32 from vector<1xf32>
        %mul3A_2635 = arith.constant 16 : i32
        %mul3A_2636 = arith.muli %scan3A_1575, %mul3A_2635 : i32
        %add3A_2637 = arith.constant 10 : i32
        %add3A_2638 = arith.addi %mul3A_2636, %add3A_2637 : i32
        %mul3A_2639 = arith.constant 256 : i32
        %mul3A_2640 = arith.muli %add3A_2638, %mul3A_2639 : i32
        %add3A_2641 = arith.constant 0 : i32
        %add3A_2642 = arith.addi %mul3A_2640, %add3A_2641 : i32
        %get3A_2643 = arith.index_cast %add3A_2642 : i32 to index
        %get3A_2644 = tpu.vector_load %arg14[%get3A_2643] {strides = array<i32>} : memref<16384xf32, #tpu.memory_space<vmem>>, vector<16xf32>,
        %get3A_2645 = vector.shape_cast %get3A_2644 : vector<16xf32> to vector<16xf32>
        %mul3A_2646 = vector.broadcast %squeeze3A_2634 : f32 to vector<16xf32>
        %mul3A_2647 = arith.mulf %get3A_2645, %mul3A_2646 : vector<16xf32>
        %add3A_2648 = arith.addf %add3A_2544, %mul3A_2647 : vector<16xf32>
        %add3A_2649 = arith.constant 16 : i32
        %add3A_2650 = arith.addi %mul3A_2640, %add3A_2649 : i32
        %get3A_2651 = arith.index_cast %add3A_2650 : i32 to index
        %get3A_2652 = tpu.vector_load %arg14[%get3A_2651] {strides = array<i32>} : memref<16384xf32, #tpu.memory_space<vmem>>, vector<16xf32>,
        %get3A_2653 = vector.shape_cast %get3A_2652 : vector<16xf32> to vector<16xf32>
        %mul3A_2654 = vector.broadcast %squeeze3A_2634 : f32 to vector<16xf32>
        %mul3A_2655 = arith.mulf %get3A_2653, %mul3A_2654 : vector<16xf32>
        %add3A_2656 = arith.addf %add3A_2552, %mul3A_2655 : vector<16xf32>
        %add3A_2657 = arith.constant 32 : i32
        %add3A_2658 = arith.addi %mul3A_2640, %add3A_2657 : i32
        %get3A_2659 = arith.index_cast %add3A_2658 : i32 to index
        %get3A_2660 = tpu.vector_load %arg14[%get3A_2659] {strides = array<i32>} : memref<16384xf32, #tpu.memory_space<vmem>>, vector<16xf32>,
        %get3A_2661 = vector.shape_cast %get3A_2660 : vector<16xf32> to vector<16xf32>
        %mul3A_2662 = vector.broadcast %squeeze3A_2634 : f32 to vector<16xf32>
        %mul3A_2663 = arith.mulf %get3A_2661, %mul3A_2662 : vector<16xf32>
        %add3A_2664 = arith.addf %add3A_2560, %mul3A_2663 : vector<16xf32>
        %add3A_2665 = arith.constant 48 : i32
        %add3A_2666 = arith.addi %mul3A_2640, %add3A_2665 : i32
        %get3A_2667 = arith.index_cast %add3A_2666 : i32 to index
        %get3A_2668 = tpu.vector_load %arg14[%get3A_2667] {strides = array<i32>} : memref<16384xf32, #tpu.memory_space<vmem>>, vector<16xf32>,
        %get3A_2669 = vector.shape_cast %get3A_2668 : vector<16xf32> to vector<16xf32>
        %mul3A_2670 = vector.broadcast %squeeze3A_2634 : f32 to vector<16xf32>
        %mul3A_2671 = arith.mulf %get3A_2669, %mul3A_2670 : vector<16xf32>
        %add3A_2672 = arith.addf %add3A_2568, %mul3A_2671 : vector<16xf32>
        %add3A_2673 = arith.constant 128 : i32
        %add3A_2674 = arith.addi %mul3A_2640, %add3A_2673 : i32
        %get3A_2675 = arith.index_cast %add3A_2674 : i32 to index
        %get3A_2676 = tpu.vector_load %arg14[%get3A_2675] {strides = array<i32>} : memref<16384xf32, #tpu.memory_space<vmem>>, vector<16xf32>,
        %get3A_2677 = vector.shape_cast %get3A_2676 : vector<16xf32> to vector<16xf32>
        %mul3A_2678 = vector.broadcast %squeeze3A_2634 : f32 to vector<16xf32>
        %mul3A_2679 = arith.mulf %get3A_2677, %mul3A_2678 : vector<16xf32>
        %add3A_2680 = arith.addf %add3A_2576, %mul3A_2679 : vector<16xf32>
        %add3A_2681 = arith.constant 144 : i32
        %add3A_2682 = arith.addi %mul3A_2640, %add3A_2681 : i32
        %get3A_2683 = arith.index_cast %add3A_2682 : i32 to index
        %get3A_2684 = tpu.vector_load %arg14[%get3A_2683] {strides = array<i32>} : memref<16384xf32, #tpu.memory_space<vmem>>, vector<16xf32>,
        %get3A_2685 = vector.shape_cast %get3A_2684 : vector<16xf32> to vector<16xf32>
        %mul3A_2686 = vector.broadcast %squeeze3A_2634 : f32 to vector<16xf32>
        %mul3A_2687 = arith.mulf %get3A_2685, %mul3A_2686 : vector<16xf32>
        %add3A_2688 = arith.addf %add3A_2584, %mul3A_2687 : vector<16xf32>
        %add3A_2689 = arith.constant 160 : i32
        %add3A_2690 = arith.addi %mul3A_2640, %add3A_2689 : i32
        %get3A_2691 = arith.index_cast %add3A_2690 : i32 to index
        %get3A_2692 = tpu.vector_load %arg14[%get3A_2691] {strides = array<i32>} : memref<16384xf32, #tpu.memory_space<vmem>>, vector<16xf32>,
        %get3A_2693 = vector.shape_cast %get3A_2692 : vector<16xf32> to vector<16xf32>
        %mul3A_2694 = vector.broadcast %squeeze3A_2634 : f32 to vector<16xf32>
        %mul3A_2695 = arith.mulf %get3A_2693, %mul3A_2694 : vector<16xf32>
        %add3A_2696 = arith.addf %add3A_2592, %mul3A_2695 : vector<16xf32>
        %add3A_2697 = arith.constant 176 : i32
        %add3A_2698 = arith.addi %mul3A_2640, %add3A_2697 : i32
        %get3A_2699 = arith.index_cast %add3A_2698 : i32 to index
        %get3A_2700 = tpu.vector_load %arg14[%get3A_2699] {strides = array<i32>} : memref<16384xf32, #tpu.memory_space<vmem>>, vector<16xf32>,
        %get3A_2701 = vector.shape_cast %get3A_2700 : vector<16xf32> to vector<16xf32>
        %mul3A_2702 = vector.broadcast %squeeze3A_2634 : f32 to vector<16xf32>
        %mul3A_2703 = arith.mulf %get3A_2701, %mul3A_2702 : vector<16xf32>
        %add3A_2704 = arith.addf %add3A_2600, %mul3A_2703 : vector<16xf32>
        %add3A_2705 = arith.constant 192 : i32
        %add3A_2706 = arith.addi %mul3A_2640, %add3A_2705 : i32
        %get3A_2707 = arith.index_cast %add3A_2706 : i32 to index
        %get3A_2708 = tpu.vector_load %arg14[%get3A_2707] {strides = array<i32>} : memref<16384xf32, #tpu.memory_space<vmem>>, vector<16xf32>,
        %get3A_2709 = vector.shape_cast %get3A_2708 : vector<16xf32> to vector<16xf32>
        %mul3A_2710 = vector.broadcast %squeeze3A_2634 : f32 to vector<16xf32>
        %mul3A_2711 = arith.mulf %get3A_2709, %mul3A_2710 : vector<16xf32>
        %add3A_2712 = arith.addf %add3A_2608, %mul3A_2711 : vector<16xf32>
        %add3A_2713 = arith.constant 208 : i32
        %add3A_2714 = arith.addi %mul3A_2640, %add3A_2713 : i32
        %get3A_2715 = arith.index_cast %add3A_2714 : i32 to index
        %get3A_2716 = tpu.vector_load %arg14[%get3A_2715] {strides = array<i32>} : memref<16384xf32, #tpu.memory_space<vmem>>, vector<16xf32>,
        %get3A_2717 = vector.shape_cast %get3A_2716 : vector<16xf32> to vector<16xf32>
        %mul3A_2718 = vector.broadcast %squeeze3A_2634 : f32 to vector<16xf32>
        %mul3A_2719 = arith.mulf %get3A_2717, %mul3A_2718 : vector<16xf32>
        %add3A_2720 = arith.addf %add3A_2616, %mul3A_2719 : vector<16xf32>
        %add3A_2721 = arith.constant 224 : i32
        %add3A_2722 = arith.addi %mul3A_2640, %add3A_2721 : i32
        %get3A_2723 = arith.index_cast %add3A_2722 : i32 to index
        %get3A_2724 = tpu.vector_load %arg14[%get3A_2723] {strides = array<i32>} : memref<16384xf32, #tpu.memory_space<vmem>>, vector<16xf32>,
        %get3A_2725 = vector.shape_cast %get3A_2724 : vector<16xf32> to vector<16xf32>
        %mul3A_2726 = vector.broadcast %squeeze3A_2634 : f32 to vector<16xf32>
        %mul3A_2727 = arith.mulf %get3A_2725, %mul3A_2726 : vector<16xf32>
        %add3A_2728 = arith.addf %add3A_2624, %mul3A_2727 : vector<16xf32>
        %add3A_2729 = arith.constant 240 : i32
        %add3A_2730 = arith.addi %mul3A_2640, %add3A_2729 : i32
        %get3A_2731 = arith.index_cast %add3A_2730 : i32 to index
        %get3A_2732 = tpu.vector_load %arg14[%get3A_2731] {strides = array<i32>} : memref<16384xf32, #tpu.memory_space<vmem>>, vector<16xf32>,
        %get3A_2733 = vector.shape_cast %get3A_2732 : vector<16xf32> to vector<16xf32>
        %mul3A_2734 = vector.broadcast %squeeze3A_2634 : f32 to vector<16xf32>
        %mul3A_2735 = arith.mulf %get3A_2733, %mul3A_2734 : vector<16xf32>
        %add3A_2736 = arith.addf %add3A_2632, %mul3A_2735 : vector<16xf32>
        %slice3A_2737 = vector.extract_strided_slice %get3A_1592 {offsets = [11], sizes = [1], strides = [1]} : vector<16xf32> to vector<1xf32>
        %squeeze3A_2738 = vector.extract %slice3A_2737[0] : f32 from vector<1xf32>
        %mul3A_2739 = arith.constant 16 : i32
        %mul3A_2740 = arith.muli %scan3A_1575, %mul3A_2739 : i32
        %add3A_2741 = arith.constant 11 : i32
        %add3A_2742 = arith.addi %mul3A_2740, %add3A_2741 : i32
        %mul3A_2743 = arith.constant 256 : i32
        %mul3A_2744 = arith.muli %add3A_2742, %mul3A_2743 : i32
        %add3A_2745 = arith.constant 0 : i32
        %add3A_2746 = arith.addi %mul3A_2744, %add3A_2745 : i32
        %get3A_2747 = arith.index_cast %add3A_2746 : i32 to index
        %get3A_2748 = tpu.vector_load %arg14[%get3A_2747] {strides = array<i32>} : memref<16384xf32, #tpu.memory_space<vmem>>, vector<16xf32>,
        %get3A_2749 = vector.shape_cast %get3A_2748 : vector<16xf32> to vector<16xf32>
        %mul3A_2750 = vector.broadcast %squeeze3A_2738 : f32 to vector<16xf32>
        %mul3A_2751 = arith.mulf %get3A_2749, %mul3A_2750 : vector<16xf32>
        %add3A_2752 = arith.addf %add3A_2648, %mul3A_2751 : vector<16xf32>
        %add3A_2753 = arith.constant 16 : i32
        %add3A_2754 = arith.addi %mul3A_2744, %add3A_2753 : i32
        %get3A_2755 = arith.index_cast %add3A_2754 : i32 to index
        %get3A_2756 = tpu.vector_load %arg14[%get3A_2755] {strides = array<i32>} : memref<16384xf32, #tpu.memory_space<vmem>>, vector<16xf32>,
        %get3A_2757 = vector.shape_cast %get3A_2756 : vector<16xf32> to vector<16xf32>
        %mul3A_2758 = vector.broadcast %squeeze3A_2738 : f32 to vector<16xf32>
        %mul3A_2759 = arith.mulf %get3A_2757, %mul3A_2758 : vector<16xf32>
        %add3A_2760 = arith.addf %add3A_2656, %mul3A_2759 : vector<16xf32>
        %add3A_2761 = arith.constant 32 : i32
        %add3A_2762 = arith.addi %mul3A_2744, %add3A_2761 : i32
        %get3A_2763 = arith.index_cast %add3A_2762 : i32 to index
        %get3A_2764 = tpu.vector_load %arg14[%get3A_2763] {strides = array<i32>} : memref<16384xf32, #tpu.memory_space<vmem>>, vector<16xf32>,
        %get3A_2765 = vector.shape_cast %get3A_2764 : vector<16xf32> to vector<16xf32>
        %mul3A_2766 = vector.broadcast %squeeze3A_2738 : f32 to vector<16xf32>
        %mul3A_2767 = arith.mulf %get3A_2765, %mul3A_2766 : vector<16xf32>
        %add3A_2768 = arith.addf %add3A_2664, %mul3A_2767 : vector<16xf32>
        %add3A_2769 = arith.constant 48 : i32
        %add3A_2770 = arith.addi %mul3A_2744, %add3A_2769 : i32
        %get3A_2771 = arith.index_cast %add3A_2770 : i32 to index
        %get3A_2772 = tpu.vector_load %arg14[%get3A_2771] {strides = array<i32>} : memref<16384xf32, #tpu.memory_space<vmem>>, vector<16xf32>,
        %get3A_2773 = vector.shape_cast %get3A_2772 : vector<16xf32> to vector<16xf32>
        %mul3A_2774 = vector.broadcast %squeeze3A_2738 : f32 to vector<16xf32>
        %mul3A_2775 = arith.mulf %get3A_2773, %mul3A_2774 : vector<16xf32>
        %add3A_2776 = arith.addf %add3A_2672, %mul3A_2775 : vector<16xf32>
        %add3A_2777 = arith.constant 128 : i32
        %add3A_2778 = arith.addi %mul3A_2744, %add3A_2777 : i32
        %get3A_2779 = arith.index_cast %add3A_2778 : i32 to index
        %get3A_2780 = tpu.vector_load %arg14[%get3A_2779] {strides = array<i32>} : memref<16384xf32, #tpu.memory_space<vmem>>, vector<16xf32>,
        %get3A_2781 = vector.shape_cast %get3A_2780 : vector<16xf32> to vector<16xf32>
        %mul3A_2782 = vector.broadcast %squeeze3A_2738 : f32 to vector<16xf32>
        %mul3A_2783 = arith.mulf %get3A_2781, %mul3A_2782 : vector<16xf32>
        %add3A_2784 = arith.addf %add3A_2680, %mul3A_2783 : vector<16xf32>
        %add3A_2785 = arith.constant 144 : i32
        %add3A_2786 = arith.addi %mul3A_2744, %add3A_2785 : i32
        %get3A_2787 = arith.index_cast %add3A_2786 : i32 to index
        %get3A_2788 = tpu.vector_load %arg14[%get3A_2787] {strides = array<i32>} : memref<16384xf32, #tpu.memory_space<vmem>>, vector<16xf32>,
        %get3A_2789 = vector.shape_cast %get3A_2788 : vector<16xf32> to vector<16xf32>
        %mul3A_2790 = vector.broadcast %squeeze3A_2738 : f32 to vector<16xf32>
        %mul3A_2791 = arith.mulf %get3A_2789, %mul3A_2790 : vector<16xf32>
        %add3A_2792 = arith.addf %add3A_2688, %mul3A_2791 : vector<16xf32>
        %add3A_2793 = arith.constant 160 : i32
        %add3A_2794 = arith.addi %mul3A_2744, %add3A_2793 : i32
        %get3A_2795 = arith.index_cast %add3A_2794 : i32 to index
        %get3A_2796 = tpu.vector_load %arg14[%get3A_2795] {strides = array<i32>} : memref<16384xf32, #tpu.memory_space<vmem>>, vector<16xf32>,
        %get3A_2797 = vector.shape_cast %get3A_2796 : vector<16xf32> to vector<16xf32>
        %mul3A_2798 = vector.broadcast %squeeze3A_2738 : f32 to vector<16xf32>
        %mul3A_2799 = arith.mulf %get3A_2797, %mul3A_2798 : vector<16xf32>
        %add3A_2800 = arith.addf %add3A_2696, %mul3A_2799 : vector<16xf32>
        %add3A_2801 = arith.constant 176 : i32
        %add3A_2802 = arith.addi %mul3A_2744, %add3A_2801 : i32
        %get3A_2803 = arith.index_cast %add3A_2802 : i32 to index
        %get3A_2804 = tpu.vector_load %arg14[%get3A_2803] {strides = array<i32>} : memref<16384xf32, #tpu.memory_space<vmem>>, vector<16xf32>,
        %get3A_2805 = vector.shape_cast %get3A_2804 : vector<16xf32> to vector<16xf32>
        %mul3A_2806 = vector.broadcast %squeeze3A_2738 : f32 to vector<16xf32>
        %mul3A_2807 = arith.mulf %get3A_2805, %mul3A_2806 : vector<16xf32>
        %add3A_2808 = arith.addf %add3A_2704, %mul3A_2807 : vector<16xf32>
        %add3A_2809 = arith.constant 192 : i32
        %add3A_2810 = arith.addi %mul3A_2744, %add3A_2809 : i32
        %get3A_2811 = arith.index_cast %add3A_2810 : i32 to index
        %get3A_2812 = tpu.vector_load %arg14[%get3A_2811] {strides = array<i32>} : memref<16384xf32, #tpu.memory_space<vmem>>, vector<16xf32>,
        %get3A_2813 = vector.shape_cast %get3A_2812 : vector<16xf32> to vector<16xf32>
        %mul3A_2814 = vector.broadcast %squeeze3A_2738 : f32 to vector<16xf32>
        %mul3A_2815 = arith.mulf %get3A_2813, %mul3A_2814 : vector<16xf32>
        %add3A_2816 = arith.addf %add3A_2712, %mul3A_2815 : vector<16xf32>
        %add3A_2817 = arith.constant 208 : i32
        %add3A_2818 = arith.addi %mul3A_2744, %add3A_2817 : i32
        %get3A_2819 = arith.index_cast %add3A_2818 : i32 to index
        %get3A_2820 = tpu.vector_load %arg14[%get3A_2819] {strides = array<i32>} : memref<16384xf32, #tpu.memory_space<vmem>>, vector<16xf32>,
        %get3A_2821 = vector.shape_cast %get3A_2820 : vector<16xf32> to vector<16xf32>
        %mul3A_2822 = vector.broadcast %squeeze3A_2738 : f32 to vector<16xf32>
        %mul3A_2823 = arith.mulf %get3A_2821, %mul3A_2822 : vector<16xf32>
        %add3A_2824 = arith.addf %add3A_2720, %mul3A_2823 : vector<16xf32>
        %add3A_2825 = arith.constant 224 : i32
        %add3A_2826 = arith.addi %mul3A_2744, %add3A_2825 : i32
        %get3A_2827 = arith.index_cast %add3A_2826 : i32 to index
        %get3A_2828 = tpu.vector_load %arg14[%get3A_2827] {strides = array<i32>} : memref<16384xf32, #tpu.memory_space<vmem>>, vector<16xf32>,
        %get3A_2829 = vector.shape_cast %get3A_2828 : vector<16xf32> to vector<16xf32>
        %mul3A_2830 = vector.broadcast %squeeze3A_2738 : f32 to vector<16xf32>
        %mul3A_2831 = arith.mulf %get3A_2829, %mul3A_2830 : vector<16xf32>
        %add3A_2832 = arith.addf %add3A_2728, %mul3A_2831 : vector<16xf32>
        %add3A_2833 = arith.constant 240 : i32
        %add3A_2834 = arith.addi %mul3A_2744, %add3A_2833 : i32
        %get3A_2835 = arith.index_cast %add3A_2834 : i32 to index
        %get3A_2836 = tpu.vector_load %arg14[%get3A_2835] {strides = array<i32>} : memref<16384xf32, #tpu.memory_space<vmem>>, vector<16xf32>,
        %get3A_2837 = vector.shape_cast %get3A_2836 : vector<16xf32> to vector<16xf32>
        %mul3A_2838 = vector.broadcast %squeeze3A_2738 : f32 to vector<16xf32>
        %mul3A_2839 = arith.mulf %get3A_2837, %mul3A_2838 : vector<16xf32>
        %add3A_2840 = arith.addf %add3A_2736, %mul3A_2839 : vector<16xf32>
        %slice3A_2841 = vector.extract_strided_slice %get3A_1592 {offsets = [12], sizes = [1], strides = [1]} : vector<16xf32> to vector<1xf32>
        %squeeze3A_2842 = vector.extract %slice3A_2841[0] : f32 from vector<1xf32>
        %mul3A_2843 = arith.constant 16 : i32
        %mul3A_2844 = arith.muli %scan3A_1575, %mul3A_2843 : i32
        %add3A_2845 = arith.constant 12 : i32
        %add3A_2846 = arith.addi %mul3A_2844, %add3A_2845 : i32
        %mul3A_2847 = arith.constant 256 : i32
        %mul3A_2848 = arith.muli %add3A_2846, %mul3A_2847 : i32
        %add3A_2849 = arith.constant 0 : i32
        %add3A_2850 = arith.addi %mul3A_2848, %add3A_2849 : i32
        %get3A_2851 = arith.index_cast %add3A_2850 : i32 to index
        %get3A_2852 = tpu.vector_load %arg14[%get3A_2851] {strides = array<i32>} : memref<16384xf32, #tpu.memory_space<vmem>>, vector<16xf32>,
        %get3A_2853 = vector.shape_cast %get3A_2852 : vector<16xf32> to vector<16xf32>
        %mul3A_2854 = vector.broadcast %squeeze3A_2842 : f32 to vector<16xf32>
        %mul3A_2855 = arith.mulf %get3A_2853, %mul3A_2854 : vector<16xf32>
        %add3A_2856 = arith.addf %add3A_2752, %mul3A_2855 : vector<16xf32>
        %add3A_2857 = arith.constant 16 : i32
        %add3A_2858 = arith.addi %mul3A_2848, %add3A_2857 : i32
        %get3A_2859 = arith.index_cast %add3A_2858 : i32 to index
        %get3A_2860 = tpu.vector_load %arg14[%get3A_2859] {strides = array<i32>} : memref<16384xf32, #tpu.memory_space<vmem>>, vector<16xf32>,
        %get3A_2861 = vector.shape_cast %get3A_2860 : vector<16xf32> to vector<16xf32>
        %mul3A_2862 = vector.broadcast %squeeze3A_2842 : f32 to vector<16xf32>
        %mul3A_2863 = arith.mulf %get3A_2861, %mul3A_2862 : vector<16xf32>
        %add3A_2864 = arith.addf %add3A_2760, %mul3A_2863 : vector<16xf32>
        %add3A_2865 = arith.constant 32 : i32
        %add3A_2866 = arith.addi %mul3A_2848, %add3A_2865 : i32
        %get3A_2867 = arith.index_cast %add3A_2866 : i32 to index
        %get3A_2868 = tpu.vector_load %arg14[%get3A_2867] {strides = array<i32>} : memref<16384xf32, #tpu.memory_space<vmem>>, vector<16xf32>,
        %get3A_2869 = vector.shape_cast %get3A_2868 : vector<16xf32> to vector<16xf32>
        %mul3A_2870 = vector.broadcast %squeeze3A_2842 : f32 to vector<16xf32>
        %mul3A_2871 = arith.mulf %get3A_2869, %mul3A_2870 : vector<16xf32>
        %add3A_2872 = arith.addf %add3A_2768, %mul3A_2871 : vector<16xf32>
        %add3A_2873 = arith.constant 48 : i32
        %add3A_2874 = arith.addi %mul3A_2848, %add3A_2873 : i32
        %get3A_2875 = arith.index_cast %add3A_2874 : i32 to index
        %get3A_2876 = tpu.vector_load %arg14[%get3A_2875] {strides = array<i32>} : memref<16384xf32, #tpu.memory_space<vmem>>, vector<16xf32>,
        %get3A_2877 = vector.shape_cast %get3A_2876 : vector<16xf32> to vector<16xf32>
        %mul3A_2878 = vector.broadcast %squeeze3A_2842 : f32 to vector<16xf32>
        %mul3A_2879 = arith.mulf %get3A_2877, %mul3A_2878 : vector<16xf32>
        %add3A_2880 = arith.addf %add3A_2776, %mul3A_2879 : vector<16xf32>
        %add3A_2881 = arith.constant 128 : i32
        %add3A_2882 = arith.addi %mul3A_2848, %add3A_2881 : i32
        %get3A_2883 = arith.index_cast %add3A_2882 : i32 to index
        %get3A_2884 = tpu.vector_load %arg14[%get3A_2883] {strides = array<i32>} : memref<16384xf32, #tpu.memory_space<vmem>>, vector<16xf32>,
        %get3A_2885 = vector.shape_cast %get3A_2884 : vector<16xf32> to vector<16xf32>
        %mul3A_2886 = vector.broadcast %squeeze3A_2842 : f32 to vector<16xf32>
        %mul3A_2887 = arith.mulf %get3A_2885, %mul3A_2886 : vector<16xf32>
        %add3A_2888 = arith.addf %add3A_2784, %mul3A_2887 : vector<16xf32>
        %add3A_2889 = arith.constant 144 : i32
        %add3A_2890 = arith.addi %mul3A_2848, %add3A_2889 : i32
        %get3A_2891 = arith.index_cast %add3A_2890 : i32 to index
        %get3A_2892 = tpu.vector_load %arg14[%get3A_2891] {strides = array<i32>} : memref<16384xf32, #tpu.memory_space<vmem>>, vector<16xf32>,
        %get3A_2893 = vector.shape_cast %get3A_2892 : vector<16xf32> to vector<16xf32>
        %mul3A_2894 = vector.broadcast %squeeze3A_2842 : f32 to vector<16xf32>
        %mul3A_2895 = arith.mulf %get3A_2893, %mul3A_2894 : vector<16xf32>
        %add3A_2896 = arith.addf %add3A_2792, %mul3A_2895 : vector<16xf32>
        %add3A_2897 = arith.constant 160 : i32
        %add3A_2898 = arith.addi %mul3A_2848, %add3A_2897 : i32
        %get3A_2899 = arith.index_cast %add3A_2898 : i32 to index
        %get3A_2900 = tpu.vector_load %arg14[%get3A_2899] {strides = array<i32>} : memref<16384xf32, #tpu.memory_space<vmem>>, vector<16xf32>,
        %get3A_2901 = vector.shape_cast %get3A_2900 : vector<16xf32> to vector<16xf32>
        %mul3A_2902 = vector.broadcast %squeeze3A_2842 : f32 to vector<16xf32>
        %mul3A_2903 = arith.mulf %get3A_2901, %mul3A_2902 : vector<16xf32>
        %add3A_2904 = arith.addf %add3A_2800, %mul3A_2903 : vector<16xf32>
        %add3A_2905 = arith.constant 176 : i32
        %add3A_2906 = arith.addi %mul3A_2848, %add3A_2905 : i32
        %get3A_2907 = arith.index_cast %add3A_2906 : i32 to index
        %get3A_2908 = tpu.vector_load %arg14[%get3A_2907] {strides = array<i32>} : memref<16384xf32, #tpu.memory_space<vmem>>, vector<16xf32>,
        %get3A_2909 = vector.shape_cast %get3A_2908 : vector<16xf32> to vector<16xf32>
        %mul3A_2910 = vector.broadcast %squeeze3A_2842 : f32 to vector<16xf32>
        %mul3A_2911 = arith.mulf %get3A_2909, %mul3A_2910 : vector<16xf32>
        %add3A_2912 = arith.addf %add3A_2808, %mul3A_2911 : vector<16xf32>
        %add3A_2913 = arith.constant 192 : i32
        %add3A_2914 = arith.addi %mul3A_2848, %add3A_2913 : i32
        %get3A_2915 = arith.index_cast %add3A_2914 : i32 to index
        %get3A_2916 = tpu.vector_load %arg14[%get3A_2915] {strides = array<i32>} : memref<16384xf32, #tpu.memory_space<vmem>>, vector<16xf32>,
        %get3A_2917 = vector.shape_cast %get3A_2916 : vector<16xf32> to vector<16xf32>
        %mul3A_2918 = vector.broadcast %squeeze3A_2842 : f32 to vector<16xf32>
        %mul3A_2919 = arith.mulf %get3A_2917, %mul3A_2918 : vector<16xf32>
        %add3A_2920 = arith.addf %add3A_2816, %mul3A_2919 : vector<16xf32>
        %add3A_2921 = arith.constant 208 : i32
        %add3A_2922 = arith.addi %mul3A_2848, %add3A_2921 : i32
        %get3A_2923 = arith.index_cast %add3A_2922 : i32 to index
        %get3A_2924 = tpu.vector_load %arg14[%get3A_2923] {strides = array<i32>} : memref<16384xf32, #tpu.memory_space<vmem>>, vector<16xf32>,
        %get3A_2925 = vector.shape_cast %get3A_2924 : vector<16xf32> to vector<16xf32>
        %mul3A_2926 = vector.broadcast %squeeze3A_2842 : f32 to vector<16xf32>
        %mul3A_2927 = arith.mulf %get3A_2925, %mul3A_2926 : vector<16xf32>
        %add3A_2928 = arith.addf %add3A_2824, %mul3A_2927 : vector<16xf32>
        %add3A_2929 = arith.constant 224 : i32
        %add3A_2930 = arith.addi %mul3A_2848, %add3A_2929 : i32
        %get3A_2931 = arith.index_cast %add3A_2930 : i32 to index
        %get3A_2932 = tpu.vector_load %arg14[%get3A_2931] {strides = array<i32>} : memref<16384xf32, #tpu.memory_space<vmem>>, vector<16xf32>,
        %get3A_2933 = vector.shape_cast %get3A_2932 : vector<16xf32> to vector<16xf32>
        %mul3A_2934 = vector.broadcast %squeeze3A_2842 : f32 to vector<16xf32>
        %mul3A_2935 = arith.mulf %get3A_2933, %mul3A_2934 : vector<16xf32>
        %add3A_2936 = arith.addf %add3A_2832, %mul3A_2935 : vector<16xf32>
        %add3A_2937 = arith.constant 240 : i32
        %add3A_2938 = arith.addi %mul3A_2848, %add3A_2937 : i32
        %get3A_2939 = arith.index_cast %add3A_2938 : i32 to index
        %get3A_2940 = tpu.vector_load %arg14[%get3A_2939] {strides = array<i32>} : memref<16384xf32, #tpu.memory_space<vmem>>, vector<16xf32>,
        %get3A_2941 = vector.shape_cast %get3A_2940 : vector<16xf32> to vector<16xf32>
        %mul3A_2942 = vector.broadcast %squeeze3A_2842 : f32 to vector<16xf32>
        %mul3A_2943 = arith.mulf %get3A_2941, %mul3A_2942 : vector<16xf32>
        %add3A_2944 = arith.addf %add3A_2840, %mul3A_2943 : vector<16xf32>
        %slice3A_2945 = vector.extract_strided_slice %get3A_1592 {offsets = [13], sizes = [1], strides = [1]} : vector<16xf32> to vector<1xf32>
        %squeeze3A_2946 = vector.extract %slice3A_2945[0] : f32 from vector<1xf32>
        %mul3A_2947 = arith.constant 16 : i32
        %mul3A_2948 = arith.muli %scan3A_1575, %mul3A_2947 : i32
        %add3A_2949 = arith.constant 13 : i32
        %add3A_2950 = arith.addi %mul3A_2948, %add3A_2949 : i32
        %mul3A_2951 = arith.constant 256 : i32
        %mul3A_2952 = arith.muli %add3A_2950, %mul3A_2951 : i32
        %add3A_2953 = arith.constant 0 : i32
        %add3A_2954 = arith.addi %mul3A_2952, %add3A_2953 : i32
        %get3A_2955 = arith.index_cast %add3A_2954 : i32 to index
        %get3A_2956 = tpu.vector_load %arg14[%get3A_2955] {strides = array<i32>} : memref<16384xf32, #tpu.memory_space<vmem>>, vector<16xf32>,
        %get3A_2957 = vector.shape_cast %get3A_2956 : vector<16xf32> to vector<16xf32>
        %mul3A_2958 = vector.broadcast %squeeze3A_2946 : f32 to vector<16xf32>
        %mul3A_2959 = arith.mulf %get3A_2957, %mul3A_2958 : vector<16xf32>
        %add3A_2960 = arith.addf %add3A_2856, %mul3A_2959 : vector<16xf32>
        %add3A_2961 = arith.constant 16 : i32
        %add3A_2962 = arith.addi %mul3A_2952, %add3A_2961 : i32
        %get3A_2963 = arith.index_cast %add3A_2962 : i32 to index
        %get3A_2964 = tpu.vector_load %arg14[%get3A_2963] {strides = array<i32>} : memref<16384xf32, #tpu.memory_space<vmem>>, vector<16xf32>,
        %get3A_2965 = vector.shape_cast %get3A_2964 : vector<16xf32> to vector<16xf32>
        %mul3A_2966 = vector.broadcast %squeeze3A_2946 : f32 to vector<16xf32>
        %mul3A_2967 = arith.mulf %get3A_2965, %mul3A_2966 : vector<16xf32>
        %add3A_2968 = arith.addf %add3A_2864, %mul3A_2967 : vector<16xf32>
        %add3A_2969 = arith.constant 32 : i32
        %add3A_2970 = arith.addi %mul3A_2952, %add3A_2969 : i32
        %get3A_2971 = arith.index_cast %add3A_2970 : i32 to index
        %get3A_2972 = tpu.vector_load %arg14[%get3A_2971] {strides = array<i32>} : memref<16384xf32, #tpu.memory_space<vmem>>, vector<16xf32>,
        %get3A_2973 = vector.shape_cast %get3A_2972 : vector<16xf32> to vector<16xf32>
        %mul3A_2974 = vector.broadcast %squeeze3A_2946 : f32 to vector<16xf32>
        %mul3A_2975 = arith.mulf %get3A_2973, %mul3A_2974 : vector<16xf32>
        %add3A_2976 = arith.addf %add3A_2872, %mul3A_2975 : vector<16xf32>
        %add3A_2977 = arith.constant 48 : i32
        %add3A_2978 = arith.addi %mul3A_2952, %add3A_2977 : i32
        %get3A_2979 = arith.index_cast %add3A_2978 : i32 to index
        %get3A_2980 = tpu.vector_load %arg14[%get3A_2979] {strides = array<i32>} : memref<16384xf32, #tpu.memory_space<vmem>>, vector<16xf32>,
        %get3A_2981 = vector.shape_cast %get3A_2980 : vector<16xf32> to vector<16xf32>
        %mul3A_2982 = vector.broadcast %squeeze3A_2946 : f32 to vector<16xf32>
        %mul3A_2983 = arith.mulf %get3A_2981, %mul3A_2982 : vector<16xf32>
        %add3A_2984 = arith.addf %add3A_2880, %mul3A_2983 : vector<16xf32>
        %add3A_2985 = arith.constant 128 : i32
        %add3A_2986 = arith.addi %mul3A_2952, %add3A_2985 : i32
        %get3A_2987 = arith.index_cast %add3A_2986 : i32 to index
        %get3A_2988 = tpu.vector_load %arg14[%get3A_2987] {strides = array<i32>} : memref<16384xf32, #tpu.memory_space<vmem>>, vector<16xf32>,
        %get3A_2989 = vector.shape_cast %get3A_2988 : vector<16xf32> to vector<16xf32>
        %mul3A_2990 = vector.broadcast %squeeze3A_2946 : f32 to vector<16xf32>
        %mul3A_2991 = arith.mulf %get3A_2989, %mul3A_2990 : vector<16xf32>
        %add3A_2992 = arith.addf %add3A_2888, %mul3A_2991 : vector<16xf32>
        %add3A_2993 = arith.constant 144 : i32
        %add3A_2994 = arith.addi %mul3A_2952, %add3A_2993 : i32
        %get3A_2995 = arith.index_cast %add3A_2994 : i32 to index
        %get3A_2996 = tpu.vector_load %arg14[%get3A_2995] {strides = array<i32>} : memref<16384xf32, #tpu.memory_space<vmem>>, vector<16xf32>,
        %get3A_2997 = vector.shape_cast %get3A_2996 : vector<16xf32> to vector<16xf32>
        %mul3A_2998 = vector.broadcast %squeeze3A_2946 : f32 to vector<16xf32>
        %mul3A_2999 = arith.mulf %get3A_2997, %mul3A_2998 : vector<16xf32>
        %add3A_3000 = arith.addf %add3A_2896, %mul3A_2999 : vector<16xf32>
        %add3A_3001 = arith.constant 160 : i32
        %add3A_3002 = arith.addi %mul3A_2952, %add3A_3001 : i32
        %get3A_3003 = arith.index_cast %add3A_3002 : i32 to index
        %get3A_3004 = tpu.vector_load %arg14[%get3A_3003] {strides = array<i32>} : memref<16384xf32, #tpu.memory_space<vmem>>, vector<16xf32>,
        %get3A_3005 = vector.shape_cast %get3A_3004 : vector<16xf32> to vector<16xf32>
        %mul3A_3006 = vector.broadcast %squeeze3A_2946 : f32 to vector<16xf32>
        %mul3A_3007 = arith.mulf %get3A_3005, %mul3A_3006 : vector<16xf32>
        %add3A_3008 = arith.addf %add3A_2904, %mul3A_3007 : vector<16xf32>
        %add3A_3009 = arith.constant 176 : i32
        %add3A_3010 = arith.addi %mul3A_2952, %add3A_3009 : i32
        %get3A_3011 = arith.index_cast %add3A_3010 : i32 to index
        %get3A_3012 = tpu.vector_load %arg14[%get3A_3011] {strides = array<i32>} : memref<16384xf32, #tpu.memory_space<vmem>>, vector<16xf32>,
        %get3A_3013 = vector.shape_cast %get3A_3012 : vector<16xf32> to vector<16xf32>
        %mul3A_3014 = vector.broadcast %squeeze3A_2946 : f32 to vector<16xf32>
        %mul3A_3015 = arith.mulf %get3A_3013, %mul3A_3014 : vector<16xf32>
        %add3A_3016 = arith.addf %add3A_2912, %mul3A_3015 : vector<16xf32>
        %add3A_3017 = arith.constant 192 : i32
        %add3A_3018 = arith.addi %mul3A_2952, %add3A_3017 : i32
        %get3A_3019 = arith.index_cast %add3A_3018 : i32 to index
        %get3A_3020 = tpu.vector_load %arg14[%get3A_3019] {strides = array<i32>} : memref<16384xf32, #tpu.memory_space<vmem>>, vector<16xf32>,
        %get3A_3021 = vector.shape_cast %get3A_3020 : vector<16xf32> to vector<16xf32>
        %mul3A_3022 = vector.broadcast %squeeze3A_2946 : f32 to vector<16xf32>
        %mul3A_3023 = arith.mulf %get3A_3021, %mul3A_3022 : vector<16xf32>
        %add3A_3024 = arith.addf %add3A_2920, %mul3A_3023 : vector<16xf32>
        %add3A_3025 = arith.constant 208 : i32
        %add3A_3026 = arith.addi %mul3A_2952, %add3A_3025 : i32
        %get3A_3027 = arith.index_cast %add3A_3026 : i32 to index
        %get3A_3028 = tpu.vector_load %arg14[%get3A_3027] {strides = array<i32>} : memref<16384xf32, #tpu.memory_space<vmem>>, vector<16xf32>,
        %get3A_3029 = vector.shape_cast %get3A_3028 : vector<16xf32> to vector<16xf32>
        %mul3A_3030 = vector.broadcast %squeeze3A_2946 : f32 to vector<16xf32>
        %mul3A_3031 = arith.mulf %get3A_3029, %mul3A_3030 : vector<16xf32>
        %add3A_3032 = arith.addf %add3A_2928, %mul3A_3031 : vector<16xf32>
        %add3A_3033 = arith.constant 224 : i32
        %add3A_3034 = arith.addi %mul3A_2952, %add3A_3033 : i32
        %get3A_3035 = arith.index_cast %add3A_3034 : i32 to index
        %get3A_3036 = tpu.vector_load %arg14[%get3A_3035] {strides = array<i32>} : memref<16384xf32, #tpu.memory_space<vmem>>, vector<16xf32>,
        %get3A_3037 = vector.shape_cast %get3A_3036 : vector<16xf32> to vector<16xf32>
        %mul3A_3038 = vector.broadcast %squeeze3A_2946 : f32 to vector<16xf32>
        %mul3A_3039 = arith.mulf %get3A_3037, %mul3A_3038 : vector<16xf32>
        %add3A_3040 = arith.addf %add3A_2936, %mul3A_3039 : vector<16xf32>
        %add3A_3041 = arith.constant 240 : i32
        %add3A_3042 = arith.addi %mul3A_2952, %add3A_3041 : i32
        %get3A_3043 = arith.index_cast %add3A_3042 : i32 to index
        %get3A_3044 = tpu.vector_load %arg14[%get3A_3043] {strides = array<i32>} : memref<16384xf32, #tpu.memory_space<vmem>>, vector<16xf32>,
        %get3A_3045 = vector.shape_cast %get3A_3044 : vector<16xf32> to vector<16xf32>
        %mul3A_3046 = vector.broadcast %squeeze3A_2946 : f32 to vector<16xf32>
        %mul3A_3047 = arith.mulf %get3A_3045, %mul3A_3046 : vector<16xf32>
        %add3A_3048 = arith.addf %add3A_2944, %mul3A_3047 : vector<16xf32>
        %slice3A_3049 = vector.extract_strided_slice %get3A_1592 {offsets = [14], sizes = [1], strides = [1]} : vector<16xf32> to vector<1xf32>
        %squeeze3A_3050 = vector.extract %slice3A_3049[0] : f32 from vector<1xf32>
        %mul3A_3051 = arith.constant 16 : i32
        %mul3A_3052 = arith.muli %scan3A_1575, %mul3A_3051 : i32
        %add3A_3053 = arith.constant 14 : i32
        %add3A_3054 = arith.addi %mul3A_3052, %add3A_3053 : i32
        %mul3A_3055 = arith.constant 256 : i32
        %mul3A_3056 = arith.muli %add3A_3054, %mul3A_3055 : i32
        %add3A_3057 = arith.constant 0 : i32
        %add3A_3058 = arith.addi %mul3A_3056, %add3A_3057 : i32
        %get3A_3059 = arith.index_cast %add3A_3058 : i32 to index
        %get3A_3060 = tpu.vector_load %arg14[%get3A_3059] {strides = array<i32>} : memref<16384xf32, #tpu.memory_space<vmem>>, vector<16xf32>,
        %get3A_3061 = vector.shape_cast %get3A_3060 : vector<16xf32> to vector<16xf32>
        %mul3A_3062 = vector.broadcast %squeeze3A_3050 : f32 to vector<16xf32>
        %mul3A_3063 = arith.mulf %get3A_3061, %mul3A_3062 : vector<16xf32>
        %add3A_3064 = arith.addf %add3A_2960, %mul3A_3063 : vector<16xf32>
        %add3A_3065 = arith.constant 16 : i32
        %add3A_3066 = arith.addi %mul3A_3056, %add3A_3065 : i32
        %get3A_3067 = arith.index_cast %add3A_3066 : i32 to index
        %get3A_3068 = tpu.vector_load %arg14[%get3A_3067] {strides = array<i32>} : memref<16384xf32, #tpu.memory_space<vmem>>, vector<16xf32>,
        %get3A_3069 = vector.shape_cast %get3A_3068 : vector<16xf32> to vector<16xf32>
        %mul3A_3070 = vector.broadcast %squeeze3A_3050 : f32 to vector<16xf32>
        %mul3A_3071 = arith.mulf %get3A_3069, %mul3A_3070 : vector<16xf32>
        %add3A_3072 = arith.addf %add3A_2968, %mul3A_3071 : vector<16xf32>
        %add3A_3073 = arith.constant 32 : i32
        %add3A_3074 = arith.addi %mul3A_3056, %add3A_3073 : i32
        %get3A_3075 = arith.index_cast %add3A_3074 : i32 to index
        %get3A_3076 = tpu.vector_load %arg14[%get3A_3075] {strides = array<i32>} : memref<16384xf32, #tpu.memory_space<vmem>>, vector<16xf32>,
        %get3A_3077 = vector.shape_cast %get3A_3076 : vector<16xf32> to vector<16xf32>
        %mul3A_3078 = vector.broadcast %squeeze3A_3050 : f32 to vector<16xf32>
        %mul3A_3079 = arith.mulf %get3A_3077, %mul3A_3078 : vector<16xf32>
        %add3A_3080 = arith.addf %add3A_2976, %mul3A_3079 : vector<16xf32>
        %add3A_3081 = arith.constant 48 : i32
        %add3A_3082 = arith.addi %mul3A_3056, %add3A_3081 : i32
        %get3A_3083 = arith.index_cast %add3A_3082 : i32 to index
        %get3A_3084 = tpu.vector_load %arg14[%get3A_3083] {strides = array<i32>} : memref<16384xf32, #tpu.memory_space<vmem>>, vector<16xf32>,
        %get3A_3085 = vector.shape_cast %get3A_3084 : vector<16xf32> to vector<16xf32>
        %mul3A_3086 = vector.broadcast %squeeze3A_3050 : f32 to vector<16xf32>
        %mul3A_3087 = arith.mulf %get3A_3085, %mul3A_3086 : vector<16xf32>
        %add3A_3088 = arith.addf %add3A_2984, %mul3A_3087 : vector<16xf32>
        %add3A_3089 = arith.constant 128 : i32
        %add3A_3090 = arith.addi %mul3A_3056, %add3A_3089 : i32
        %get3A_3091 = arith.index_cast %add3A_3090 : i32 to index
        %get3A_3092 = tpu.vector_load %arg14[%get3A_3091] {strides = array<i32>} : memref<16384xf32, #tpu.memory_space<vmem>>, vector<16xf32>,
        %get3A_3093 = vector.shape_cast %get3A_3092 : vector<16xf32> to vector<16xf32>
        %mul3A_3094 = vector.broadcast %squeeze3A_3050 : f32 to vector<16xf32>
        %mul3A_3095 = arith.mulf %get3A_3093, %mul3A_3094 : vector<16xf32>
        %add3A_3096 = arith.addf %add3A_2992, %mul3A_3095 : vector<16xf32>
        %add3A_3097 = arith.constant 144 : i32
        %add3A_3098 = arith.addi %mul3A_3056, %add3A_3097 : i32
        %get3A_3099 = arith.index_cast %add3A_3098 : i32 to index
        %get3A_3100 = tpu.vector_load %arg14[%get3A_3099] {strides = array<i32>} : memref<16384xf32, #tpu.memory_space<vmem>>, vector<16xf32>,
        %get3A_3101 = vector.shape_cast %get3A_3100 : vector<16xf32> to vector<16xf32>
        %mul3A_3102 = vector.broadcast %squeeze3A_3050 : f32 to vector<16xf32>
        %mul3A_3103 = arith.mulf %get3A_3101, %mul3A_3102 : vector<16xf32>
        %add3A_3104 = arith.addf %add3A_3000, %mul3A_3103 : vector<16xf32>
        %add3A_3105 = arith.constant 160 : i32
        %add3A_3106 = arith.addi %mul3A_3056, %add3A_3105 : i32
        %get3A_3107 = arith.index_cast %add3A_3106 : i32 to index
        %get3A_3108 = tpu.vector_load %arg14[%get3A_3107] {strides = array<i32>} : memref<16384xf32, #tpu.memory_space<vmem>>, vector<16xf32>,
        %get3A_3109 = vector.shape_cast %get3A_3108 : vector<16xf32> to vector<16xf32>
        %mul3A_3110 = vector.broadcast %squeeze3A_3050 : f32 to vector<16xf32>
        %mul3A_3111 = arith.mulf %get3A_3109, %mul3A_3110 : vector<16xf32>
        %add3A_3112 = arith.addf %add3A_3008, %mul3A_3111 : vector<16xf32>
        %add3A_3113 = arith.constant 176 : i32
        %add3A_3114 = arith.addi %mul3A_3056, %add3A_3113 : i32
        %get3A_3115 = arith.index_cast %add3A_3114 : i32 to index
        %get3A_3116 = tpu.vector_load %arg14[%get3A_3115] {strides = array<i32>} : memref<16384xf32, #tpu.memory_space<vmem>>, vector<16xf32>,
        %get3A_3117 = vector.shape_cast %get3A_3116 : vector<16xf32> to vector<16xf32>
        %mul3A_3118 = vector.broadcast %squeeze3A_3050 : f32 to vector<16xf32>
        %mul3A_3119 = arith.mulf %get3A_3117, %mul3A_3118 : vector<16xf32>
        %add3A_3120 = arith.addf %add3A_3016, %mul3A_3119 : vector<16xf32>
        %add3A_3121 = arith.constant 192 : i32
        %add3A_3122 = arith.addi %mul3A_3056, %add3A_3121 : i32
        %get3A_3123 = arith.index_cast %add3A_3122 : i32 to index
        %get3A_3124 = tpu.vector_load %arg14[%get3A_3123] {strides = array<i32>} : memref<16384xf32, #tpu.memory_space<vmem>>, vector<16xf32>,
        %get3A_3125 = vector.shape_cast %get3A_3124 : vector<16xf32> to vector<16xf32>
        %mul3A_3126 = vector.broadcast %squeeze3A_3050 : f32 to vector<16xf32>
        %mul3A_3127 = arith.mulf %get3A_3125, %mul3A_3126 : vector<16xf32>
        %add3A_3128 = arith.addf %add3A_3024, %mul3A_3127 : vector<16xf32>
        %add3A_3129 = arith.constant 208 : i32
        %add3A_3130 = arith.addi %mul3A_3056, %add3A_3129 : i32
        %get3A_3131 = arith.index_cast %add3A_3130 : i32 to index
        %get3A_3132 = tpu.vector_load %arg14[%get3A_3131] {strides = array<i32>} : memref<16384xf32, #tpu.memory_space<vmem>>, vector<16xf32>,
        %get3A_3133 = vector.shape_cast %get3A_3132 : vector<16xf32> to vector<16xf32>
        %mul3A_3134 = vector.broadcast %squeeze3A_3050 : f32 to vector<16xf32>
        %mul3A_3135 = arith.mulf %get3A_3133, %mul3A_3134 : vector<16xf32>
        %add3A_3136 = arith.addf %add3A_3032, %mul3A_3135 : vector<16xf32>
        %add3A_3137 = arith.constant 224 : i32
        %add3A_3138 = arith.addi %mul3A_3056, %add3A_3137 : i32
        %get3A_3139 = arith.index_cast %add3A_3138 : i32 to index
        %get3A_3140 = tpu.vector_load %arg14[%get3A_3139] {strides = array<i32>} : memref<16384xf32, #tpu.memory_space<vmem>>, vector<16xf32>,
        %get3A_3141 = vector.shape_cast %get3A_3140 : vector<16xf32> to vector<16xf32>
        %mul3A_3142 = vector.broadcast %squeeze3A_3050 : f32 to vector<16xf32>
        %mul3A_3143 = arith.mulf %get3A_3141, %mul3A_3142 : vector<16xf32>
        %add3A_3144 = arith.addf %add3A_3040, %mul3A_3143 : vector<16xf32>
        %add3A_3145 = arith.constant 240 : i32
        %add3A_3146 = arith.addi %mul3A_3056, %add3A_3145 : i32
        %get3A_3147 = arith.index_cast %add3A_3146 : i32 to index
        %get3A_3148 = tpu.vector_load %arg14[%get3A_3147] {strides = array<i32>} : memref<16384xf32, #tpu.memory_space<vmem>>, vector<16xf32>,
        %get3A_3149 = vector.shape_cast %get3A_3148 : vector<16xf32> to vector<16xf32>
        %mul3A_3150 = vector.broadcast %squeeze3A_3050 : f32 to vector<16xf32>
        %mul3A_3151 = arith.mulf %get3A_3149, %mul3A_3150 : vector<16xf32>
        %add3A_3152 = arith.addf %add3A_3048, %mul3A_3151 : vector<16xf32>
        %slice3A_3153 = vector.extract_strided_slice %get3A_1592 {offsets = [15], sizes = [1], strides = [1]} : vector<16xf32> to vector<1xf32>
        %squeeze3A_3154 = vector.extract %slice3A_3153[0] : f32 from vector<1xf32>
        %mul3A_3155 = arith.constant 16 : i32
        %mul3A_3156 = arith.muli %scan3A_1575, %mul3A_3155 : i32
        %add3A_3157 = arith.constant 15 : i32
        %add3A_3158 = arith.addi %mul3A_3156, %add3A_3157 : i32
        %mul3A_3159 = arith.constant 256 : i32
        %mul3A_3160 = arith.muli %add3A_3158, %mul3A_3159 : i32
        %add3A_3161 = arith.constant 0 : i32
        %add3A_3162 = arith.addi %mul3A_3160, %add3A_3161 : i32
        %get3A_3163 = arith.index_cast %add3A_3162 : i32 to index
        %get3A_3164 = tpu.vector_load %arg14[%get3A_3163] {strides = array<i32>} : memref<16384xf32, #tpu.memory_space<vmem>>, vector<16xf32>,
        %get3A_3165 = vector.shape_cast %get3A_3164 : vector<16xf32> to vector<16xf32>
        %mul3A_3166 = vector.broadcast %squeeze3A_3154 : f32 to vector<16xf32>
        %mul3A_3167 = arith.mulf %get3A_3165, %mul3A_3166 : vector<16xf32>
        %add3A_3168 = arith.addf %add3A_3064, %mul3A_3167 : vector<16xf32>
        %add3A_3169 = arith.constant 16 : i32
        %add3A_3170 = arith.addi %mul3A_3160, %add3A_3169 : i32
        %get3A_3171 = arith.index_cast %add3A_3170 : i32 to index
        %get3A_3172 = tpu.vector_load %arg14[%get3A_3171] {strides = array<i32>} : memref<16384xf32, #tpu.memory_space<vmem>>, vector<16xf32>,
        %get3A_3173 = vector.shape_cast %get3A_3172 : vector<16xf32> to vector<16xf32>
        %mul3A_3174 = vector.broadcast %squeeze3A_3154 : f32 to vector<16xf32>
        %mul3A_3175 = arith.mulf %get3A_3173, %mul3A_3174 : vector<16xf32>
        %add3A_3176 = arith.addf %add3A_3072, %mul3A_3175 : vector<16xf32>
        %add3A_3177 = arith.constant 32 : i32
        %add3A_3178 = arith.addi %mul3A_3160, %add3A_3177 : i32
        %get3A_3179 = arith.index_cast %add3A_3178 : i32 to index
        %get3A_3180 = tpu.vector_load %arg14[%get3A_3179] {strides = array<i32>} : memref<16384xf32, #tpu.memory_space<vmem>>, vector<16xf32>,
        %get3A_3181 = vector.shape_cast %get3A_3180 : vector<16xf32> to vector<16xf32>
        %mul3A_3182 = vector.broadcast %squeeze3A_3154 : f32 to vector<16xf32>
        %mul3A_3183 = arith.mulf %get3A_3181, %mul3A_3182 : vector<16xf32>
        %add3A_3184 = arith.addf %add3A_3080, %mul3A_3183 : vector<16xf32>
        %add3A_3185 = arith.constant 48 : i32
        %add3A_3186 = arith.addi %mul3A_3160, %add3A_3185 : i32
        %get3A_3187 = arith.index_cast %add3A_3186 : i32 to index
        %get3A_3188 = tpu.vector_load %arg14[%get3A_3187] {strides = array<i32>} : memref<16384xf32, #tpu.memory_space<vmem>>, vector<16xf32>,
        %get3A_3189 = vector.shape_cast %get3A_3188 : vector<16xf32> to vector<16xf32>
        %mul3A_3190 = vector.broadcast %squeeze3A_3154 : f32 to vector<16xf32>
        %mul3A_3191 = arith.mulf %get3A_3189, %mul3A_3190 : vector<16xf32>
        %add3A_3192 = arith.addf %add3A_3088, %mul3A_3191 : vector<16xf32>
        %add3A_3193 = arith.constant 128 : i32
        %add3A_3194 = arith.addi %mul3A_3160, %add3A_3193 : i32
        %get3A_3195 = arith.index_cast %add3A_3194 : i32 to index
        %get3A_3196 = tpu.vector_load %arg14[%get3A_3195] {strides = array<i32>} : memref<16384xf32, #tpu.memory_space<vmem>>, vector<16xf32>,
        %get3A_3197 = vector.shape_cast %get3A_3196 : vector<16xf32> to vector<16xf32>
        %mul3A_3198 = vector.broadcast %squeeze3A_3154 : f32 to vector<16xf32>
        %mul3A_3199 = arith.mulf %get3A_3197, %mul3A_3198 : vector<16xf32>
        %add3A_3200 = arith.addf %add3A_3096, %mul3A_3199 : vector<16xf32>
        %add3A_3201 = arith.constant 144 : i32
        %add3A_3202 = arith.addi %mul3A_3160, %add3A_3201 : i32
        %get3A_3203 = arith.index_cast %add3A_3202 : i32 to index
        %get3A_3204 = tpu.vector_load %arg14[%get3A_3203] {strides = array<i32>} : memref<16384xf32, #tpu.memory_space<vmem>>, vector<16xf32>,
        %get3A_3205 = vector.shape_cast %get3A_3204 : vector<16xf32> to vector<16xf32>
        %mul3A_3206 = vector.broadcast %squeeze3A_3154 : f32 to vector<16xf32>
        %mul3A_3207 = arith.mulf %get3A_3205, %mul3A_3206 : vector<16xf32>
        %add3A_3208 = arith.addf %add3A_3104, %mul3A_3207 : vector<16xf32>
        %add3A_3209 = arith.constant 160 : i32
        %add3A_3210 = arith.addi %mul3A_3160, %add3A_3209 : i32
        %get3A_3211 = arith.index_cast %add3A_3210 : i32 to index
        %get3A_3212 = tpu.vector_load %arg14[%get3A_3211] {strides = array<i32>} : memref<16384xf32, #tpu.memory_space<vmem>>, vector<16xf32>,
        %get3A_3213 = vector.shape_cast %get3A_3212 : vector<16xf32> to vector<16xf32>
        %mul3A_3214 = vector.broadcast %squeeze3A_3154 : f32 to vector<16xf32>
        %mul3A_3215 = arith.mulf %get3A_3213, %mul3A_3214 : vector<16xf32>
        %add3A_3216 = arith.addf %add3A_3112, %mul3A_3215 : vector<16xf32>
        %add3A_3217 = arith.constant 176 : i32
        %add3A_3218 = arith.addi %mul3A_3160, %add3A_3217 : i32
        %get3A_3219 = arith.index_cast %add3A_3218 : i32 to index
        %get3A_3220 = tpu.vector_load %arg14[%get3A_3219] {strides = array<i32>} : memref<16384xf32, #tpu.memory_space<vmem>>, vector<16xf32>,
        %get3A_3221 = vector.shape_cast %get3A_3220 : vector<16xf32> to vector<16xf32>
        %mul3A_3222 = vector.broadcast %squeeze3A_3154 : f32 to vector<16xf32>
        %mul3A_3223 = arith.mulf %get3A_3221, %mul3A_3222 : vector<16xf32>
        %add3A_3224 = arith.addf %add3A_3120, %mul3A_3223 : vector<16xf32>
        %add3A_3225 = arith.constant 192 : i32
        %add3A_3226 = arith.addi %mul3A_3160, %add3A_3225 : i32
        %get3A_3227 = arith.index_cast %add3A_3226 : i32 to index
        %get3A_3228 = tpu.vector_load %arg14[%get3A_3227] {strides = array<i32>} : memref<16384xf32, #tpu.memory_space<vmem>>, vector<16xf32>,
        %get3A_3229 = vector.shape_cast %get3A_3228 : vector<16xf32> to vector<16xf32>
        %mul3A_3230 = vector.broadcast %squeeze3A_3154 : f32 to vector<16xf32>
        %mul3A_3231 = arith.mulf %get3A_3229, %mul3A_3230 : vector<16xf32>
        %add3A_3232 = arith.addf %add3A_3128, %mul3A_3231 : vector<16xf32>
        %add3A_3233 = arith.constant 208 : i32
        %add3A_3234 = arith.addi %mul3A_3160, %add3A_3233 : i32
        %get3A_3235 = arith.index_cast %add3A_3234 : i32 to index
        %get3A_3236 = tpu.vector_load %arg14[%get3A_3235] {strides = array<i32>} : memref<16384xf32, #tpu.memory_space<vmem>>, vector<16xf32>,
        %get3A_3237 = vector.shape_cast %get3A_3236 : vector<16xf32> to vector<16xf32>
        %mul3A_3238 = vector.broadcast %squeeze3A_3154 : f32 to vector<16xf32>
        %mul3A_3239 = arith.mulf %get3A_3237, %mul3A_3238 : vector<16xf32>
        %add3A_3240 = arith.addf %add3A_3136, %mul3A_3239 : vector<16xf32>
        %add3A_3241 = arith.constant 224 : i32
        %add3A_3242 = arith.addi %mul3A_3160, %add3A_3241 : i32
        %get3A_3243 = arith.index_cast %add3A_3242 : i32 to index
        %get3A_3244 = tpu.vector_load %arg14[%get3A_3243] {strides = array<i32>} : memref<16384xf32, #tpu.memory_space<vmem>>, vector<16xf32>,
        %get3A_3245 = vector.shape_cast %get3A_3244 : vector<16xf32> to vector<16xf32>
        %mul3A_3246 = vector.broadcast %squeeze3A_3154 : f32 to vector<16xf32>
        %mul3A_3247 = arith.mulf %get3A_3245, %mul3A_3246 : vector<16xf32>
        %add3A_3248 = arith.addf %add3A_3144, %mul3A_3247 : vector<16xf32>
        %add3A_3249 = arith.constant 240 : i32
        %add3A_3250 = arith.addi %mul3A_3160, %add3A_3249 : i32
        %get3A_3251 = arith.index_cast %add3A_3250 : i32 to index
        %get3A_3252 = tpu.vector_load %arg14[%get3A_3251] {strides = array<i32>} : memref<16384xf32, #tpu.memory_space<vmem>>, vector<16xf32>,
        %get3A_3253 = vector.shape_cast %get3A_3252 : vector<16xf32> to vector<16xf32>
        %mul3A_3254 = vector.broadcast %squeeze3A_3154 : f32 to vector<16xf32>
        %mul3A_3255 = arith.mulf %get3A_3253, %mul3A_3254 : vector<16xf32>
        %add3A_3256 = arith.addf %add3A_3152, %mul3A_3255 : vector<16xf32>
        scf.yield %add3A_3168, %add3A_3176, %add3A_3184, %add3A_3192, %add3A_3200, %add3A_3208, %add3A_3216, %add3A_3224, %add3A_3232, %add3A_3240, %add3A_3248, %add3A_3256 : vector<16xf32>, vector<16xf32>, vector<16xf32>, vector<16xf32>, vector<16xf32>, vector<16xf32>, vector<16xf32>, vector<16xf32>, vector<16xf32>, vector<16xf32>, vector<16xf32>, vector<16xf32>
      }
      %scan3A_711 = arith.constant 4 : i32
      %neg3A = arith.constant 0.000000e+00 : f32
      %neg3A_712 = vector.broadcast %neg3A : f32 to vector<16xf32>
      %neg3A_713 = arith.subf %neg3A_712, %scan3A_710#0 : vector<16xf32>
      %exp3A = math.exp %neg3A_713 : vector<16xf32>
      %add3A_714 = arith.constant 1.000000e+00 : f32
      %add3A_715 = vector.broadcast %add3A_714 : f32 to vector<16xf32>
      %add3A_716 = arith.addf %add3A_715, %exp3A : vector<16xf32>
      %div3A = arith.constant 1.000000e+00 : f32
      %div3A_717 = vector.broadcast %div3A : f32 to vector<16xf32>
      %div3A_718 = arith.divf %div3A_717, %add3A_716 : vector<16xf32>
      %mul3A_719 = arith.constant -2.000000e+00 : f32
      %mul3A_720 = vector.broadcast %mul3A_719 : f32 to vector<16xf32>
      %mul3A_721 = arith.mulf %mul3A_720, %scan3A_710#4 : vector<16xf32>
      %exp3A_722 = math.exp %mul3A_721 : vector<16xf32>
      %add3A_723 = arith.constant 1.000000e+00 : f32
      %add3A_724 = vector.broadcast %add3A_723 : f32 to vector<16xf32>
      %add3A_725 = arith.addf %add3A_724, %exp3A_722 : vector<16xf32>
      %div3A_726 = arith.constant 2.000000e+00 : f32
      %div3A_727 = vector.broadcast %div3A_726 : f32 to vector<16xf32>
      %div3A_728 = arith.divf %div3A_727, %add3A_725 : vector<16xf32>
      %sub3A_729 = arith.constant 1.000000e+00 : f32
      %sub3A_730 = vector.broadcast %sub3A_729 : f32 to vector<16xf32>
      %sub3A_731 = arith.subf %div3A_728, %sub3A_730 : vector<16xf32>
      %mul3A_732 = arith.mulf %div3A_718, %sub3A_731 : vector<16xf32>
      %neg3A_733 = arith.constant 0.000000e+00 : f32
      %neg3A_734 = vector.broadcast %neg3A_733 : f32 to vector<16xf32>
      %neg3A_735 = arith.subf %neg3A_734, %scan3A_710#8 : vector<16xf32>
      %exp3A_736 = math.exp %neg3A_735 : vector<16xf32>
      %add3A_737 = arith.constant 1.000000e+00 : f32
      %add3A_738 = vector.broadcast %add3A_737 : f32 to vector<16xf32>
      %add3A_739 = arith.addf %add3A_738, %exp3A_736 : vector<16xf32>
      %div3A_740 = arith.constant 1.000000e+00 : f32
      %div3A_741 = vector.broadcast %div3A_740 : f32 to vector<16xf32>
      %div3A_742 = arith.divf %div3A_741, %add3A_739 : vector<16xf32>
      %mul3A_743 = arith.constant -2.000000e+00 : f32
      %mul3A_744 = vector.broadcast %mul3A_743 : f32 to vector<16xf32>
      %mul3A_745 = arith.mulf %mul3A_744, %mul3A_732 : vector<16xf32>
      %exp3A_746 = math.exp %mul3A_745 : vector<16xf32>
      %add3A_747 = arith.constant 1.000000e+00 : f32
      %add3A_748 = vector.broadcast %add3A_747 : f32 to vector<16xf32>
      %add3A_749 = arith.addf %add3A_748, %exp3A_746 : vector<16xf32>
      %div3A_750 = arith.constant 2.000000e+00 : f32
      %div3A_751 = vector.broadcast %div3A_750 : f32 to vector<16xf32>
      %div3A_752 = arith.divf %div3A_751, %add3A_749 : vector<16xf32>
      %sub3A_753 = arith.constant 1.000000e+00 : f32
      %sub3A_754 = vector.broadcast %sub3A_753 : f32 to vector<16xf32>
      %sub3A_755 = arith.subf %div3A_752, %sub3A_754 : vector<16xf32>
      %mul3A_756 = arith.mulf %div3A_742, %sub3A_755 : vector<16xf32>
      %swap3A_757 = arith.constant 0 : index
      %swap3A_758 = tpu.vector_load %arg20[%swap3A_757] {strides = array<i32>} : memref<128xf32, #tpu.memory_space<vmem>>, vector<16xf32>,
      %swap3A_759 = vector.shape_cast %swap3A_758 : vector<16xf32> to vector<16xf32>
      %swap3A_760 = vector.shape_cast %mul3A_756 : vector<16xf32> to vector<16xf32>
      tpu.vector_store %arg20[%swap3A_757], %swap3A_760 {strides = array<i32>} : memref<128xf32, #tpu.memory_space<vmem>>, vector<16xf32>,
      %swap3A_761 = arith.constant 64 : index
      %swap3A_762 = tpu.vector_load %arg20[%swap3A_761] {strides = array<i32>} : memref<128xf32, #tpu.memory_space<vmem>>, vector<16xf32>,
      %swap3A_763 = vector.shape_cast %swap3A_762 : vector<16xf32> to vector<16xf32>
      %swap3A_764 = vector.shape_cast %mul3A_732 : vector<16xf32> to vector<16xf32>
      tpu.vector_store %arg20[%swap3A_761], %swap3A_764 {strides = array<i32>} : memref<128xf32, #tpu.memory_space<vmem>>, vector<16xf32>,
      %neg3A_765 = arith.constant 0.000000e+00 : f32
      %neg3A_766 = vector.broadcast %neg3A_765 : f32 to vector<16xf32>
      %neg3A_767 = arith.subf %neg3A_766, %scan3A_710#1 : vector<16xf32>
      %exp3A_768 = math.exp %neg3A_767 : vector<16xf32>
      %add3A_769 = arith.constant 1.000000e+00 : f32
      %add3A_770 = vector.broadcast %add3A_769 : f32 to vector<16xf32>
      %add3A_771 = arith.addf %add3A_770, %exp3A_768 : vector<16xf32>
      %div3A_772 = arith.constant 1.000000e+00 : f32
      %div3A_773 = vector.broadcast %div3A_772 : f32 to vector<16xf32>
      %div3A_774 = arith.divf %div3A_773, %add3A_771 : vector<16xf32>
      %mul3A_775 = arith.constant -2.000000e+00 : f32
      %mul3A_776 = vector.broadcast %mul3A_775 : f32 to vector<16xf32>
      %mul3A_777 = arith.mulf %mul3A_776, %scan3A_710#5 : vector<16xf32>
      %exp3A_778 = math.exp %mul3A_777 : vector<16xf32>
      %add3A_779 = arith.constant 1.000000e+00 : f32
      %add3A_780 = vector.broadcast %add3A_779 : f32 to vector<16xf32>
      %add3A_781 = arith.addf %add3A_780, %exp3A_778 : vector<16xf32>
      %div3A_782 = arith.constant 2.000000e+00 : f32
      %div3A_783 = vector.broadcast %div3A_782 : f32 to vector<16xf32>
      %div3A_784 = arith.divf %div3A_783, %add3A_781 : vector<16xf32>
      %sub3A_785 = arith.constant 1.000000e+00 : f32
      %sub3A_786 = vector.broadcast %sub3A_785 : f32 to vector<16xf32>
      %sub3A_787 = arith.subf %div3A_784, %sub3A_786 : vector<16xf32>
      %mul3A_788 = arith.mulf %div3A_774, %sub3A_787 : vector<16xf32>
      %neg3A_789 = arith.constant 0.000000e+00 : f32
      %neg3A_790 = vector.broadcast %neg3A_789 : f32 to vector<16xf32>
      %neg3A_791 = arith.subf %neg3A_790, %scan3A_710#9 : vector<16xf32>
      %exp3A_792 = math.exp %neg3A_791 : vector<16xf32>
      %add3A_793 = arith.constant 1.000000e+00 : f32
      %add3A_794 = vector.broadcast %add3A_793 : f32 to vector<16xf32>
      %add3A_795 = arith.addf %add3A_794, %exp3A_792 : vector<16xf32>
      %div3A_796 = arith.constant 1.000000e+00 : f32
      %div3A_797 = vector.broadcast %div3A_796 : f32 to vector<16xf32>
      %div3A_798 = arith.divf %div3A_797, %add3A_795 : vector<16xf32>
      %mul3A_799 = arith.constant -2.000000e+00 : f32
      %mul3A_800 = vector.broadcast %mul3A_799 : f32 to vector<16xf32>
      %mul3A_801 = arith.mulf %mul3A_800, %mul3A_788 : vector<16xf32>
      %exp3A_802 = math.exp %mul3A_801 : vector<16xf32>
      %add3A_803 = arith.constant 1.000000e+00 : f32
      %add3A_804 = vector.broadcast %add3A_803 : f32 to vector<16xf32>
      %add3A_805 = arith.addf %add3A_804, %exp3A_802 : vector<16xf32>
      %div3A_806 = arith.constant 2.000000e+00 : f32
      %div3A_807 = vector.broadcast %div3A_806 : f32 to vector<16xf32>
      %div3A_808 = arith.divf %div3A_807, %add3A_805 : vector<16xf32>
      %sub3A_809 = arith.constant 1.000000e+00 : f32
      %sub3A_810 = vector.broadcast %sub3A_809 : f32 to vector<16xf32>
      %sub3A_811 = arith.subf %div3A_808, %sub3A_810 : vector<16xf32>
      %mul3A_812 = arith.mulf %div3A_798, %sub3A_811 : vector<16xf32>
      %swap3A_813 = arith.constant 16 : index
      %swap3A_814 = tpu.vector_load %arg20[%swap3A_813] {strides = array<i32>} : memref<128xf32, #tpu.memory_space<vmem>>, vector<16xf32>,
      %swap3A_815 = vector.shape_cast %swap3A_814 : vector<16xf32> to vector<16xf32>
      %swap3A_816 = vector.shape_cast %mul3A_812 : vector<16xf32> to vector<16xf32>
      tpu.vector_store %arg20[%swap3A_813], %swap3A_816 {strides = array<i32>} : memref<128xf32, #tpu.memory_space<vmem>>, vector<16xf32>,
      %swap3A_817 = arith.constant 80 : index
      %swap3A_818 = tpu.vector_load %arg20[%swap3A_817] {strides = array<i32>} : memref<128xf32, #tpu.memory_space<vmem>>, vector<16xf32>,
      %swap3A_819 = vector.shape_cast %swap3A_818 : vector<16xf32> to vector<16xf32>
      %swap3A_820 = vector.shape_cast %mul3A_788 : vector<16xf32> to vector<16xf32>
      tpu.vector_store %arg20[%swap3A_817], %swap3A_820 {strides = array<i32>} : memref<128xf32, #tpu.memory_space<vmem>>, vector<16xf32>,
      %neg3A_821 = arith.constant 0.000000e+00 : f32
      %neg3A_822 = vector.broadcast %neg3A_821 : f32 to vector<16xf32>
      %neg3A_823 = arith.subf %neg3A_822, %scan3A_710#2 : vector<16xf32>
      %exp3A_824 = math.exp %neg3A_823 : vector<16xf32>
      %add3A_825 = arith.constant 1.000000e+00 : f32
      %add3A_826 = vector.broadcast %add3A_825 : f32 to vector<16xf32>
      %add3A_827 = arith.addf %add3A_826, %exp3A_824 : vector<16xf32>
      %div3A_828 = arith.constant 1.000000e+00 : f32
      %div3A_829 = vector.broadcast %div3A_828 : f32 to vector<16xf32>
      %div3A_830 = arith.divf %div3A_829, %add3A_827 : vector<16xf32>
      %mul3A_831 = arith.constant -2.000000e+00 : f32
      %mul3A_832 = vector.broadcast %mul3A_831 : f32 to vector<16xf32>
      %mul3A_833 = arith.mulf %mul3A_832, %scan3A_710#6 : vector<16xf32>
      %exp3A_834 = math.exp %mul3A_833 : vector<16xf32>
      %add3A_835 = arith.constant 1.000000e+00 : f32
      %add3A_836 = vector.broadcast %add3A_835 : f32 to vector<16xf32>
      %add3A_837 = arith.addf %add3A_836, %exp3A_834 : vector<16xf32>
      %div3A_838 = arith.constant 2.000000e+00 : f32
      %div3A_839 = vector.broadcast %div3A_838 : f32 to vector<16xf32>
      %div3A_840 = arith.divf %div3A_839, %add3A_837 : vector<16xf32>
      %sub3A_841 = arith.constant 1.000000e+00 : f32
      %sub3A_842 = vector.broadcast %sub3A_841 : f32 to vector<16xf32>
      %sub3A_843 = arith.subf %div3A_840, %sub3A_842 : vector<16xf32>
      %mul3A_844 = arith.mulf %div3A_830, %sub3A_843 : vector<16xf32>
      %neg3A_845 = arith.constant 0.000000e+00 : f32
      %neg3A_846 = vector.broadcast %neg3A_845 : f32 to vector<16xf32>
      %neg3A_847 = arith.subf %neg3A_846, %scan3A_710#10 : vector<16xf32>
      %exp3A_848 = math.exp %neg3A_847 : vector<16xf32>
      %add3A_849 = arith.constant 1.000000e+00 : f32
      %add3A_850 = vector.broadcast %add3A_849 : f32 to vector<16xf32>
      %add3A_851 = arith.addf %add3A_850, %exp3A_848 : vector<16xf32>
      %div3A_852 = arith.constant 1.000000e+00 : f32
      %div3A_853 = vector.broadcast %div3A_852 : f32 to vector<16xf32>
      %div3A_854 = arith.divf %div3A_853, %add3A_851 : vector<16xf32>
      %mul3A_855 = arith.constant -2.000000e+00 : f32
      %mul3A_856 = vector.broadcast %mul3A_855 : f32 to vector<16xf32>
      %mul3A_857 = arith.mulf %mul3A_856, %mul3A_844 : vector<16xf32>
      %exp3A_858 = math.exp %mul3A_857 : vector<16xf32>
      %add3A_859 = arith.constant 1.000000e+00 : f32
      %add3A_860 = vector.broadcast %add3A_859 : f32 to vector<16xf32>
      %add3A_861 = arith.addf %add3A_860, %exp3A_858 : vector<16xf32>
      %div3A_862 = arith.constant 2.000000e+00 : f32
      %div3A_863 = vector.broadcast %div3A_862 : f32 to vector<16xf32>
      %div3A_864 = arith.divf %div3A_863, %add3A_861 : vector<16xf32>
      %sub3A_865 = arith.constant 1.000000e+00 : f32
      %sub3A_866 = vector.broadcast %sub3A_865 : f32 to vector<16xf32>
      %sub3A_867 = arith.subf %div3A_864, %sub3A_866 : vector<16xf32>
      %mul3A_868 = arith.mulf %div3A_854, %sub3A_867 : vector<16xf32>
      %swap3A_869 = arith.constant 32 : index
      %swap3A_870 = tpu.vector_load %arg20[%swap3A_869] {strides = array<i32>} : memref<128xf32, #tpu.memory_space<vmem>>, vector<16xf32>,
      %swap3A_871 = vector.shape_cast %swap3A_870 : vector<16xf32> to vector<16xf32>
      %swap3A_872 = vector.shape_cast %mul3A_868 : vector<16xf32> to vector<16xf32>
      tpu.vector_store %arg20[%swap3A_869], %swap3A_872 {strides = array<i32>} : memref<128xf32, #tpu.memory_space<vmem>>, vector<16xf32>,
      %swap3A_873 = arith.constant 96 : index
      %swap3A_874 = tpu.vector_load %arg20[%swap3A_873] {strides = array<i32>} : memref<128xf32, #tpu.memory_space<vmem>>, vector<16xf32>,
      %swap3A_875 = vector.shape_cast %swap3A_874 : vector<16xf32> to vector<16xf32>
      %swap3A_876 = vector.shape_cast %mul3A_844 : vector<16xf32> to vector<16xf32>
      tpu.vector_store %arg20[%swap3A_873], %swap3A_876 {strides = array<i32>} : memref<128xf32, #tpu.memory_space<vmem>>, vector<16xf32>,
      %neg3A_877 = arith.constant 0.000000e+00 : f32
      %neg3A_878 = vector.broadcast %neg3A_877 : f32 to vector<16xf32>
      %neg3A_879 = arith.subf %neg3A_878, %scan3A_710#3 : vector<16xf32>
      %exp3A_880 = math.exp %neg3A_879 : vector<16xf32>
      %add3A_881 = arith.constant 1.000000e+00 : f32
      %add3A_882 = vector.broadcast %add3A_881 : f32 to vector<16xf32>
      %add3A_883 = arith.addf %add3A_882, %exp3A_880 : vector<16xf32>
      %div3A_884 = arith.constant 1.000000e+00 : f32
      %div3A_885 = vector.broadcast %div3A_884 : f32 to vector<16xf32>
      %div3A_886 = arith.divf %div3A_885, %add3A_883 : vector<16xf32>
      %mul3A_887 = arith.constant -2.000000e+00 : f32
      %mul3A_888 = vector.broadcast %mul3A_887 : f32 to vector<16xf32>
      %mul3A_889 = arith.mulf %mul3A_888, %scan3A_710#7 : vector<16xf32>
      %exp3A_890 = math.exp %mul3A_889 : vector<16xf32>
      %add3A_891 = arith.constant 1.000000e+00 : f32
      %add3A_892 = vector.broadcast %add3A_891 : f32 to vector<16xf32>
      %add3A_893 = arith.addf %add3A_892, %exp3A_890 : vector<16xf32>
      %div3A_894 = arith.constant 2.000000e+00 : f32
      %div3A_895 = vector.broadcast %div3A_894 : f32 to vector<16xf32>
      %div3A_896 = arith.divf %div3A_895, %add3A_893 : vector<16xf32>
      %sub3A_897 = arith.constant 1.000000e+00 : f32
      %sub3A_898 = vector.broadcast %sub3A_897 : f32 to vector<16xf32>
      %sub3A_899 = arith.subf %div3A_896, %sub3A_898 : vector<16xf32>
      %mul3A_900 = arith.mulf %div3A_886, %sub3A_899 : vector<16xf32>
      %neg3A_901 = arith.constant 0.000000e+00 : f32
      %neg3A_902 = vector.broadcast %neg3A_901 : f32 to vector<16xf32>
      %neg3A_903 = arith.subf %neg3A_902, %scan3A_710#11 : vector<16xf32>
      %exp3A_904 = math.exp %neg3A_903 : vector<16xf32>
      %add3A_905 = arith.constant 1.000000e+00 : f32
      %add3A_906 = vector.broadcast %add3A_905 : f32 to vector<16xf32>
      %add3A_907 = arith.addf %add3A_906, %exp3A_904 : vector<16xf32>
      %div3A_908 = arith.constant 1.000000e+00 : f32
      %div3A_909 = vector.broadcast %div3A_908 : f32 to vector<16xf32>
      %div3A_910 = arith.divf %div3A_909, %add3A_907 : vector<16xf32>
      %mul3A_911 = arith.constant -2.000000e+00 : f32
      %mul3A_912 = vector.broadcast %mul3A_911 : f32 to vector<16xf32>
      %mul3A_913 = arith.mulf %mul3A_912, %mul3A_900 : vector<16xf32>
      %exp3A_914 = math.exp %mul3A_913 : vector<16xf32>
      %add3A_915 = arith.constant 1.000000e+00 : f32
      %add3A_916 = vector.broadcast %add3A_915 : f32 to vector<16xf32>
      %add3A_917 = arith.addf %add3A_916, %exp3A_914 : vector<16xf32>
      %div3A_918 = arith.constant 2.000000e+00 : f32
      %div3A_919 = vector.broadcast %div3A_918 : f32 to vector<16xf32>
      %div3A_920 = arith.divf %div3A_919, %add3A_917 : vector<16xf32>
      %sub3A_921 = arith.constant 1.000000e+00 : f32
      %sub3A_922 = vector.broadcast %sub3A_921 : f32 to vector<16xf32>
      %sub3A_923 = arith.subf %div3A_920, %sub3A_922 : vector<16xf32>
      %mul3A_924 = arith.mulf %div3A_910, %sub3A_923 : vector<16xf32>
      %swap3A_925 = arith.constant 48 : index
      %swap3A_926 = tpu.vector_load %arg20[%swap3A_925] {strides = array<i32>} : memref<128xf32, #tpu.memory_space<vmem>>, vector<16xf32>,
      %swap3A_927 = vector.shape_cast %swap3A_926 : vector<16xf32> to vector<16xf32>
      %swap3A_928 = vector.shape_cast %mul3A_924 : vector<16xf32> to vector<16xf32>
      tpu.vector_store %arg20[%swap3A_925], %swap3A_928 {strides = array<i32>} : memref<128xf32, #tpu.memory_space<vmem>>, vector<16xf32>,
      %swap3A_929 = arith.constant 112 : index
      %swap3A_930 = tpu.vector_load %arg20[%swap3A_929] {strides = array<i32>} : memref<128xf32, #tpu.memory_space<vmem>>, vector<16xf32>,
      %swap3A_931 = vector.shape_cast %swap3A_930 : vector<16xf32> to vector<16xf32>
      %swap3A_932 = vector.shape_cast %mul3A_900 : vector<16xf32> to vector<16xf32>
      tpu.vector_store %arg20[%swap3A_929], %swap3A_932 {strides = array<i32>} : memref<128xf32, #tpu.memory_space<vmem>>, vector<16xf32>,
      %dma_wait3A_933 = arith.constant 5 : i32
      %dma_wait3A_934 = arith.constant 0 : i32
      %dma_wait3A_935 = tpu.memref_slice %arg7[%add3A, %dma_wait3A_934] : memref<16x1024xf32, #tpu.memory_space<hbm>> -> memref<1x1024xf32, #tpu.memory_space<hbm>>
      %dma_wait3A_936 = tpu.memref_squeeze %dma_wait3A_935 : memref<1x1024xf32, #tpu.memory_space<hbm>> -> memref<1024xf32, #tpu.memory_space<hbm>>
      %dma_wait3A_937 = tpu.memref_slice %arg21[%dma_wait3A_933] : memref<10x!tpu.dma_semaphore, #tpu.memory_space<semaphore_mem>> -> memref<1x!tpu.dma_semaphore, #tpu.memory_space<semaphore_mem>>
      %dma_wait3A_938 = tpu.memref_squeeze %dma_wait3A_937 : memref<1x!tpu.dma_semaphore, #tpu.memory_space<semaphore_mem>> -> memref<!tpu.dma_semaphore, #tpu.memory_space<semaphore_mem>>
      %dma_wait3A_939 = arith.constant 0 : i32
      %dma_wait3A_940 = tpu.memref_slice %arg7[%add3A, %dma_wait3A_939] : memref<16x1024xf32, #tpu.memory_space<hbm>> -> memref<1x1024xf32, #tpu.memory_space<hbm>>
      %dma_wait3A_941 = tpu.memref_squeeze %dma_wait3A_940 : memref<1x1024xf32, #tpu.memory_space<hbm>> -> memref<1024xf32, #tpu.memory_space<hbm>>
      tpu.wait_dma2 semaphore(%dma_wait3A_938 : memref<!tpu.dma_semaphore, #tpu.memory_space<semaphore_mem>>) src(%dma_wait3A_941 : memref<1024xf32, #tpu.memory_space<hbm>>) dst(%arg15 : memref<1024xf32, #tpu.memory_space<vmem>>)
      %slice3A_942 = vector.extract_strided_slice %mul3A_756 {offsets = [0], sizes = [1], strides = [1]} : vector<16xf32> to vector<1xf32>
      %squeeze3A_943 = vector.extract %slice3A_942[0] : f32 from vector<1xf32>
      %get3A_944 = arith.constant 0 : index
      %get3A_945 = tpu.vector_load %arg15[%get3A_944] {strides = array<i32>} : memref<1024xf32, #tpu.memory_space<vmem>>, vector<16xf32>,
      %get3A_946 = vector.shape_cast %get3A_945 : vector<16xf32> to vector<16xf32>
      %mul3A_947 = vector.broadcast %squeeze3A_943 : f32 to vector<16xf32>
      %mul3A_948 = arith.mulf %get3A_946, %mul3A_947 : vector<16xf32>
      %add3A_949 = arith.addf %broadcast_in_dim3A_56, %mul3A_948 : vector<16xf32>
      %slice3A_950 = vector.extract_strided_slice %mul3A_756 {offsets = [1], sizes = [1], strides = [1]} : vector<16xf32> to vector<1xf32>
      %squeeze3A_951 = vector.extract %slice3A_950[0] : f32 from vector<1xf32>
      %get3A_952 = arith.constant 16 : index
      %get3A_953 = tpu.vector_load %arg15[%get3A_952] {strides = array<i32>} : memref<1024xf32, #tpu.memory_space<vmem>>, vector<16xf32>,
      %get3A_954 = vector.shape_cast %get3A_953 : vector<16xf32> to vector<16xf32>
      %mul3A_955 = vector.broadcast %squeeze3A_951 : f32 to vector<16xf32>
      %mul3A_956 = arith.mulf %get3A_954, %mul3A_955 : vector<16xf32>
      %add3A_957 = arith.addf %add3A_949, %mul3A_956 : vector<16xf32>
      %slice3A_958 = vector.extract_strided_slice %mul3A_756 {offsets = [2], sizes = [1], strides = [1]} : vector<16xf32> to vector<1xf32>
      %squeeze3A_959 = vector.extract %slice3A_958[0] : f32 from vector<1xf32>
      %get3A_960 = arith.constant 32 : index
      %get3A_961 = tpu.vector_load %arg15[%get3A_960] {strides = array<i32>} : memref<1024xf32, #tpu.memory_space<vmem>>, vector<16xf32>,
      %get3A_962 = vector.shape_cast %get3A_961 : vector<16xf32> to vector<16xf32>
      %mul3A_963 = vector.broadcast %squeeze3A_959 : f32 to vector<16xf32>
      %mul3A_964 = arith.mulf %get3A_962, %mul3A_963 : vector<16xf32>
      %add3A_965 = arith.addf %add3A_957, %mul3A_964 : vector<16xf32>
      %slice3A_966 = vector.extract_strided_slice %mul3A_756 {offsets = [3], sizes = [1], strides = [1]} : vector<16xf32> to vector<1xf32>
      %squeeze3A_967 = vector.extract %slice3A_966[0] : f32 from vector<1xf32>
      %get3A_968 = arith.constant 48 : index
      %get3A_969 = tpu.vector_load %arg15[%get3A_968] {strides = array<i32>} : memref<1024xf32, #tpu.memory_space<vmem>>, vector<16xf32>,
      %get3A_970 = vector.shape_cast %get3A_969 : vector<16xf32> to vector<16xf32>
      %mul3A_971 = vector.broadcast %squeeze3A_967 : f32 to vector<16xf32>
      %mul3A_972 = arith.mulf %get3A_970, %mul3A_971 : vector<16xf32>
      %add3A_973 = arith.addf %add3A_965, %mul3A_972 : vector<16xf32>
      %slice3A_974 = vector.extract_strided_slice %mul3A_756 {offsets = [4], sizes = [1], strides = [1]} : vector<16xf32> to vector<1xf32>
      %squeeze3A_975 = vector.extract %slice3A_974[0] : f32 from vector<1xf32>
      %get3A_976 = arith.constant 64 : index
      %get3A_977 = tpu.vector_load %arg15[%get3A_976] {strides = array<i32>} : memref<1024xf32, #tpu.memory_space<vmem>>, vector<16xf32>,
      %get3A_978 = vector.shape_cast %get3A_977 : vector<16xf32> to vector<16xf32>
      %mul3A_979 = vector.broadcast %squeeze3A_975 : f32 to vector<16xf32>
      %mul3A_980 = arith.mulf %get3A_978, %mul3A_979 : vector<16xf32>
      %add3A_981 = arith.addf %add3A_973, %mul3A_980 : vector<16xf32>
      %slice3A_982 = vector.extract_strided_slice %mul3A_756 {offsets = [5], sizes = [1], strides = [1]} : vector<16xf32> to vector<1xf32>
      %squeeze3A_983 = vector.extract %slice3A_982[0] : f32 from vector<1xf32>
      %get3A_984 = arith.constant 80 : index
      %get3A_985 = tpu.vector_load %arg15[%get3A_984] {strides = array<i32>} : memref<1024xf32, #tpu.memory_space<vmem>>, vector<16xf32>,
      %get3A_986 = vector.shape_cast %get3A_985 : vector<16xf32> to vector<16xf32>
      %mul3A_987 = vector.broadcast %squeeze3A_983 : f32 to vector<16xf32>
      %mul3A_988 = arith.mulf %get3A_986, %mul3A_987 : vector<16xf32>
      %add3A_989 = arith.addf %add3A_981, %mul3A_988 : vector<16xf32>
      %slice3A_990 = vector.extract_strided_slice %mul3A_756 {offsets = [6], sizes = [1], strides = [1]} : vector<16xf32> to vector<1xf32>
      %squeeze3A_991 = vector.extract %slice3A_990[0] : f32 from vector<1xf32>
      %get3A_992 = arith.constant 96 : index
      %get3A_993 = tpu.vector_load %arg15[%get3A_992] {strides = array<i32>} : memref<1024xf32, #tpu.memory_space<vmem>>, vector<16xf32>,
      %get3A_994 = vector.shape_cast %get3A_993 : vector<16xf32> to vector<16xf32>
      %mul3A_995 = vector.broadcast %squeeze3A_991 : f32 to vector<16xf32>
      %mul3A_996 = arith.mulf %get3A_994, %mul3A_995 : vector<16xf32>
      %add3A_997 = arith.addf %add3A_989, %mul3A_996 : vector<16xf32>
      %slice3A_998 = vector.extract_strided_slice %mul3A_756 {offsets = [7], sizes = [1], strides = [1]} : vector<16xf32> to vector<1xf32>
      %squeeze3A_999 = vector.extract %slice3A_998[0] : f32 from vector<1xf32>
      %get3A_1000 = arith.constant 112 : index
      %get3A_1001 = tpu.vector_load %arg15[%get3A_1000] {strides = array<i32>} : memref<1024xf32, #tpu.memory_space<vmem>>, vector<16xf32>,
      %get3A_1002 = vector.shape_cast %get3A_1001 : vector<16xf32> to vector<16xf32>
      %mul3A_1003 = vector.broadcast %squeeze3A_999 : f32 to vector<16xf32>
      %mul3A_1004 = arith.mulf %get3A_1002, %mul3A_1003 : vector<16xf32>
      %add3A_1005 = arith.addf %add3A_997, %mul3A_1004 : vector<16xf32>
      %slice3A_1006 = vector.extract_strided_slice %mul3A_756 {offsets = [8], sizes = [1], strides = [1]} : vector<16xf32> to vector<1xf32>
      %squeeze3A_1007 = vector.extract %slice3A_1006[0] : f32 from vector<1xf32>
      %get3A_1008 = arith.constant 128 : index
      %get3A_1009 = tpu.vector_load %arg15[%get3A_1008] {strides = array<i32>} : memref<1024xf32, #tpu.memory_space<vmem>>, vector<16xf32>,
      %get3A_1010 = vector.shape_cast %get3A_1009 : vector<16xf32> to vector<16xf32>
      %mul3A_1011 = vector.broadcast %squeeze3A_1007 : f32 to vector<16xf32>
      %mul3A_1012 = arith.mulf %get3A_1010, %mul3A_1011 : vector<16xf32>
      %add3A_1013 = arith.addf %add3A_1005, %mul3A_1012 : vector<16xf32>
      %slice3A_1014 = vector.extract_strided_slice %mul3A_756 {offsets = [9], sizes = [1], strides = [1]} : vector<16xf32> to vector<1xf32>
      %squeeze3A_1015 = vector.extract %slice3A_1014[0] : f32 from vector<1xf32>
      %get3A_1016 = arith.constant 144 : index
      %get3A_1017 = tpu.vector_load %arg15[%get3A_1016] {strides = array<i32>} : memref<1024xf32, #tpu.memory_space<vmem>>, vector<16xf32>,
      %get3A_1018 = vector.shape_cast %get3A_1017 : vector<16xf32> to vector<16xf32>
      %mul3A_1019 = vector.broadcast %squeeze3A_1015 : f32 to vector<16xf32>
      %mul3A_1020 = arith.mulf %get3A_1018, %mul3A_1019 : vector<16xf32>
      %add3A_1021 = arith.addf %add3A_1013, %mul3A_1020 : vector<16xf32>
      %slice3A_1022 = vector.extract_strided_slice %mul3A_756 {offsets = [10], sizes = [1], strides = [1]} : vector<16xf32> to vector<1xf32>
      %squeeze3A_1023 = vector.extract %slice3A_1022[0] : f32 from vector<1xf32>
      %get3A_1024 = arith.constant 160 : index
      %get3A_1025 = tpu.vector_load %arg15[%get3A_1024] {strides = array<i32>} : memref<1024xf32, #tpu.memory_space<vmem>>, vector<16xf32>,
      %get3A_1026 = vector.shape_cast %get3A_1025 : vector<16xf32> to vector<16xf32>
      %mul3A_1027 = vector.broadcast %squeeze3A_1023 : f32 to vector<16xf32>
      %mul3A_1028 = arith.mulf %get3A_1026, %mul3A_1027 : vector<16xf32>
      %add3A_1029 = arith.addf %add3A_1021, %mul3A_1028 : vector<16xf32>
      %slice3A_1030 = vector.extract_strided_slice %mul3A_756 {offsets = [11], sizes = [1], strides = [1]} : vector<16xf32> to vector<1xf32>
      %squeeze3A_1031 = vector.extract %slice3A_1030[0] : f32 from vector<1xf32>
      %get3A_1032 = arith.constant 176 : index
      %get3A_1033 = tpu.vector_load %arg15[%get3A_1032] {strides = array<i32>} : memref<1024xf32, #tpu.memory_space<vmem>>, vector<16xf32>,
      %get3A_1034 = vector.shape_cast %get3A_1033 : vector<16xf32> to vector<16xf32>
      %mul3A_1035 = vector.broadcast %squeeze3A_1031 : f32 to vector<16xf32>
      %mul3A_1036 = arith.mulf %get3A_1034, %mul3A_1035 : vector<16xf32>
      %add3A_1037 = arith.addf %add3A_1029, %mul3A_1036 : vector<16xf32>
      %slice3A_1038 = vector.extract_strided_slice %mul3A_756 {offsets = [12], sizes = [1], strides = [1]} : vector<16xf32> to vector<1xf32>
      %squeeze3A_1039 = vector.extract %slice3A_1038[0] : f32 from vector<1xf32>
      %get3A_1040 = arith.constant 192 : index
      %get3A_1041 = tpu.vector_load %arg15[%get3A_1040] {strides = array<i32>} : memref<1024xf32, #tpu.memory_space<vmem>>, vector<16xf32>,
      %get3A_1042 = vector.shape_cast %get3A_1041 : vector<16xf32> to vector<16xf32>
      %mul3A_1043 = vector.broadcast %squeeze3A_1039 : f32 to vector<16xf32>
      %mul3A_1044 = arith.mulf %get3A_1042, %mul3A_1043 : vector<16xf32>
      %add3A_1045 = arith.addf %add3A_1037, %mul3A_1044 : vector<16xf32>
      %slice3A_1046 = vector.extract_strided_slice %mul3A_756 {offsets = [13], sizes = [1], strides = [1]} : vector<16xf32> to vector<1xf32>
      %squeeze3A_1047 = vector.extract %slice3A_1046[0] : f32 from vector<1xf32>
      %get3A_1048 = arith.constant 208 : index
      %get3A_1049 = tpu.vector_load %arg15[%get3A_1048] {strides = array<i32>} : memref<1024xf32, #tpu.memory_space<vmem>>, vector<16xf32>,
      %get3A_1050 = vector.shape_cast %get3A_1049 : vector<16xf32> to vector<16xf32>
      %mul3A_1051 = vector.broadcast %squeeze3A_1047 : f32 to vector<16xf32>
      %mul3A_1052 = arith.mulf %get3A_1050, %mul3A_1051 : vector<16xf32>
      %add3A_1053 = arith.addf %add3A_1045, %mul3A_1052 : vector<16xf32>
      %slice3A_1054 = vector.extract_strided_slice %mul3A_756 {offsets = [14], sizes = [1], strides = [1]} : vector<16xf32> to vector<1xf32>
      %squeeze3A_1055 = vector.extract %slice3A_1054[0] : f32 from vector<1xf32>
      %get3A_1056 = arith.constant 224 : index
      %get3A_1057 = tpu.vector_load %arg15[%get3A_1056] {strides = array<i32>} : memref<1024xf32, #tpu.memory_space<vmem>>, vector<16xf32>,
      %get3A_1058 = vector.shape_cast %get3A_1057 : vector<16xf32> to vector<16xf32>
      %mul3A_1059 = vector.broadcast %squeeze3A_1055 : f32 to vector<16xf32>
      %mul3A_1060 = arith.mulf %get3A_1058, %mul3A_1059 : vector<16xf32>
      %add3A_1061 = arith.addf %add3A_1053, %mul3A_1060 : vector<16xf32>
      %slice3A_1062 = vector.extract_strided_slice %mul3A_756 {offsets = [15], sizes = [1], strides = [1]} : vector<16xf32> to vector<1xf32>
      %squeeze3A_1063 = vector.extract %slice3A_1062[0] : f32 from vector<1xf32>
      %get3A_1064 = arith.constant 240 : index
      %get3A_1065 = tpu.vector_load %arg15[%get3A_1064] {strides = array<i32>} : memref<1024xf32, #tpu.memory_space<vmem>>, vector<16xf32>,
      %get3A_1066 = vector.shape_cast %get3A_1065 : vector<16xf32> to vector<16xf32>
      %mul3A_1067 = vector.broadcast %squeeze3A_1063 : f32 to vector<16xf32>
      %mul3A_1068 = arith.mulf %get3A_1066, %mul3A_1067 : vector<16xf32>
      %add3A_1069 = arith.addf %add3A_1061, %mul3A_1068 : vector<16xf32>
      %slice3A_1070 = vector.extract_strided_slice %mul3A_812 {offsets = [0], sizes = [1], strides = [1]} : vector<16xf32> to vector<1xf32>
      %squeeze3A_1071 = vector.extract %slice3A_1070[0] : f32 from vector<1xf32>
      %get3A_1072 = arith.constant 256 : index
      %get3A_1073 = tpu.vector_load %arg15[%get3A_1072] {strides = array<i32>} : memref<1024xf32, #tpu.memory_space<vmem>>, vector<16xf32>,
      %get3A_1074 = vector.shape_cast %get3A_1073 : vector<16xf32> to vector<16xf32>
      %mul3A_1075 = vector.broadcast %squeeze3A_1071 : f32 to vector<16xf32>
      %mul3A_1076 = arith.mulf %get3A_1074, %mul3A_1075 : vector<16xf32>
      %add3A_1077 = arith.addf %add3A_1069, %mul3A_1076 : vector<16xf32>
      %slice3A_1078 = vector.extract_strided_slice %mul3A_812 {offsets = [1], sizes = [1], strides = [1]} : vector<16xf32> to vector<1xf32>
      %squeeze3A_1079 = vector.extract %slice3A_1078[0] : f32 from vector<1xf32>
      %get3A_1080 = arith.constant 272 : index
      %get3A_1081 = tpu.vector_load %arg15[%get3A_1080] {strides = array<i32>} : memref<1024xf32, #tpu.memory_space<vmem>>, vector<16xf32>,
      %get3A_1082 = vector.shape_cast %get3A_1081 : vector<16xf32> to vector<16xf32>
      %mul3A_1083 = vector.broadcast %squeeze3A_1079 : f32 to vector<16xf32>
      %mul3A_1084 = arith.mulf %get3A_1082, %mul3A_1083 : vector<16xf32>
      %add3A_1085 = arith.addf %add3A_1077, %mul3A_1084 : vector<16xf32>
      %slice3A_1086 = vector.extract_strided_slice %mul3A_812 {offsets = [2], sizes = [1], strides = [1]} : vector<16xf32> to vector<1xf32>
      %squeeze3A_1087 = vector.extract %slice3A_1086[0] : f32 from vector<1xf32>
      %get3A_1088 = arith.constant 288 : index
      %get3A_1089 = tpu.vector_load %arg15[%get3A_1088] {strides = array<i32>} : memref<1024xf32, #tpu.memory_space<vmem>>, vector<16xf32>,
      %get3A_1090 = vector.shape_cast %get3A_1089 : vector<16xf32> to vector<16xf32>
      %mul3A_1091 = vector.broadcast %squeeze3A_1087 : f32 to vector<16xf32>
      %mul3A_1092 = arith.mulf %get3A_1090, %mul3A_1091 : vector<16xf32>
      %add3A_1093 = arith.addf %add3A_1085, %mul3A_1092 : vector<16xf32>
      %slice3A_1094 = vector.extract_strided_slice %mul3A_812 {offsets = [3], sizes = [1], strides = [1]} : vector<16xf32> to vector<1xf32>
      %squeeze3A_1095 = vector.extract %slice3A_1094[0] : f32 from vector<1xf32>
      %get3A_1096 = arith.constant 304 : index
      %get3A_1097 = tpu.vector_load %arg15[%get3A_1096] {strides = array<i32>} : memref<1024xf32, #tpu.memory_space<vmem>>, vector<16xf32>,
      %get3A_1098 = vector.shape_cast %get3A_1097 : vector<16xf32> to vector<16xf32>
      %mul3A_1099 = vector.broadcast %squeeze3A_1095 : f32 to vector<16xf32>
      %mul3A_1100 = arith.mulf %get3A_1098, %mul3A_1099 : vector<16xf32>
      %add3A_1101 = arith.addf %add3A_1093, %mul3A_1100 : vector<16xf32>
      %slice3A_1102 = vector.extract_strided_slice %mul3A_812 {offsets = [4], sizes = [1], strides = [1]} : vector<16xf32> to vector<1xf32>
      %squeeze3A_1103 = vector.extract %slice3A_1102[0] : f32 from vector<1xf32>
      %get3A_1104 = arith.constant 320 : index
      %get3A_1105 = tpu.vector_load %arg15[%get3A_1104] {strides = array<i32>} : memref<1024xf32, #tpu.memory_space<vmem>>, vector<16xf32>,
      %get3A_1106 = vector.shape_cast %get3A_1105 : vector<16xf32> to vector<16xf32>
      %mul3A_1107 = vector.broadcast %squeeze3A_1103 : f32 to vector<16xf32>
      %mul3A_1108 = arith.mulf %get3A_1106, %mul3A_1107 : vector<16xf32>
      %add3A_1109 = arith.addf %add3A_1101, %mul3A_1108 : vector<16xf32>
      %slice3A_1110 = vector.extract_strided_slice %mul3A_812 {offsets = [5], sizes = [1], strides = [1]} : vector<16xf32> to vector<1xf32>
      %squeeze3A_1111 = vector.extract %slice3A_1110[0] : f32 from vector<1xf32>
      %get3A_1112 = arith.constant 336 : index
      %get3A_1113 = tpu.vector_load %arg15[%get3A_1112] {strides = array<i32>} : memref<1024xf32, #tpu.memory_space<vmem>>, vector<16xf32>,
      %get3A_1114 = vector.shape_cast %get3A_1113 : vector<16xf32> to vector<16xf32>
      %mul3A_1115 = vector.broadcast %squeeze3A_1111 : f32 to vector<16xf32>
      %mul3A_1116 = arith.mulf %get3A_1114, %mul3A_1115 : vector<16xf32>
      %add3A_1117 = arith.addf %add3A_1109, %mul3A_1116 : vector<16xf32>
      %slice3A_1118 = vector.extract_strided_slice %mul3A_812 {offsets = [6], sizes = [1], strides = [1]} : vector<16xf32> to vector<1xf32>
      %squeeze3A_1119 = vector.extract %slice3A_1118[0] : f32 from vector<1xf32>
      %get3A_1120 = arith.constant 352 : index
      %get3A_1121 = tpu.vector_load %arg15[%get3A_1120] {strides = array<i32>} : memref<1024xf32, #tpu.memory_space<vmem>>, vector<16xf32>,
      %get3A_1122 = vector.shape_cast %get3A_1121 : vector<16xf32> to vector<16xf32>
      %mul3A_1123 = vector.broadcast %squeeze3A_1119 : f32 to vector<16xf32>
      %mul3A_1124 = arith.mulf %get3A_1122, %mul3A_1123 : vector<16xf32>
      %add3A_1125 = arith.addf %add3A_1117, %mul3A_1124 : vector<16xf32>
      %slice3A_1126 = vector.extract_strided_slice %mul3A_812 {offsets = [7], sizes = [1], strides = [1]} : vector<16xf32> to vector<1xf32>
      %squeeze3A_1127 = vector.extract %slice3A_1126[0] : f32 from vector<1xf32>
      %get3A_1128 = arith.constant 368 : index
      %get3A_1129 = tpu.vector_load %arg15[%get3A_1128] {strides = array<i32>} : memref<1024xf32, #tpu.memory_space<vmem>>, vector<16xf32>,
      %get3A_1130 = vector.shape_cast %get3A_1129 : vector<16xf32> to vector<16xf32>
      %mul3A_1131 = vector.broadcast %squeeze3A_1127 : f32 to vector<16xf32>
      %mul3A_1132 = arith.mulf %get3A_1130, %mul3A_1131 : vector<16xf32>
      %add3A_1133 = arith.addf %add3A_1125, %mul3A_1132 : vector<16xf32>
      %slice3A_1134 = vector.extract_strided_slice %mul3A_812 {offsets = [8], sizes = [1], strides = [1]} : vector<16xf32> to vector<1xf32>
      %squeeze3A_1135 = vector.extract %slice3A_1134[0] : f32 from vector<1xf32>
      %get3A_1136 = arith.constant 384 : index
      %get3A_1137 = tpu.vector_load %arg15[%get3A_1136] {strides = array<i32>} : memref<1024xf32, #tpu.memory_space<vmem>>, vector<16xf32>,
      %get3A_1138 = vector.shape_cast %get3A_1137 : vector<16xf32> to vector<16xf32>
      %mul3A_1139 = vector.broadcast %squeeze3A_1135 : f32 to vector<16xf32>
      %mul3A_1140 = arith.mulf %get3A_1138, %mul3A_1139 : vector<16xf32>
      %add3A_1141 = arith.addf %add3A_1133, %mul3A_1140 : vector<16xf32>
      %slice3A_1142 = vector.extract_strided_slice %mul3A_812 {offsets = [9], sizes = [1], strides = [1]} : vector<16xf32> to vector<1xf32>
      %squeeze3A_1143 = vector.extract %slice3A_1142[0] : f32 from vector<1xf32>
      %get3A_1144 = arith.constant 400 : index
      %get3A_1145 = tpu.vector_load %arg15[%get3A_1144] {strides = array<i32>} : memref<1024xf32, #tpu.memory_space<vmem>>, vector<16xf32>,
      %get3A_1146 = vector.shape_cast %get3A_1145 : vector<16xf32> to vector<16xf32>
      %mul3A_1147 = vector.broadcast %squeeze3A_1143 : f32 to vector<16xf32>
      %mul3A_1148 = arith.mulf %get3A_1146, %mul3A_1147 : vector<16xf32>
      %add3A_1149 = arith.addf %add3A_1141, %mul3A_1148 : vector<16xf32>
      %slice3A_1150 = vector.extract_strided_slice %mul3A_812 {offsets = [10], sizes = [1], strides = [1]} : vector<16xf32> to vector<1xf32>
      %squeeze3A_1151 = vector.extract %slice3A_1150[0] : f32 from vector<1xf32>
      %get3A_1152 = arith.constant 416 : index
      %get3A_1153 = tpu.vector_load %arg15[%get3A_1152] {strides = array<i32>} : memref<1024xf32, #tpu.memory_space<vmem>>, vector<16xf32>,
      %get3A_1154 = vector.shape_cast %get3A_1153 : vector<16xf32> to vector<16xf32>
      %mul3A_1155 = vector.broadcast %squeeze3A_1151 : f32 to vector<16xf32>
      %mul3A_1156 = arith.mulf %get3A_1154, %mul3A_1155 : vector<16xf32>
      %add3A_1157 = arith.addf %add3A_1149, %mul3A_1156 : vector<16xf32>
      %slice3A_1158 = vector.extract_strided_slice %mul3A_812 {offsets = [11], sizes = [1], strides = [1]} : vector<16xf32> to vector<1xf32>
      %squeeze3A_1159 = vector.extract %slice3A_1158[0] : f32 from vector<1xf32>
      %get3A_1160 = arith.constant 432 : index
      %get3A_1161 = tpu.vector_load %arg15[%get3A_1160] {strides = array<i32>} : memref<1024xf32, #tpu.memory_space<vmem>>, vector<16xf32>,
      %get3A_1162 = vector.shape_cast %get3A_1161 : vector<16xf32> to vector<16xf32>
      %mul3A_1163 = vector.broadcast %squeeze3A_1159 : f32 to vector<16xf32>
      %mul3A_1164 = arith.mulf %get3A_1162, %mul3A_1163 : vector<16xf32>
      %add3A_1165 = arith.addf %add3A_1157, %mul3A_1164 : vector<16xf32>
      %slice3A_1166 = vector.extract_strided_slice %mul3A_812 {offsets = [12], sizes = [1], strides = [1]} : vector<16xf32> to vector<1xf32>
      %squeeze3A_1167 = vector.extract %slice3A_1166[0] : f32 from vector<1xf32>
      %get3A_1168 = arith.constant 448 : index
      %get3A_1169 = tpu.vector_load %arg15[%get3A_1168] {strides = array<i32>} : memref<1024xf32, #tpu.memory_space<vmem>>, vector<16xf32>,
      %get3A_1170 = vector.shape_cast %get3A_1169 : vector<16xf32> to vector<16xf32>
      %mul3A_1171 = vector.broadcast %squeeze3A_1167 : f32 to vector<16xf32>
      %mul3A_1172 = arith.mulf %get3A_1170, %mul3A_1171 : vector<16xf32>
      %add3A_1173 = arith.addf %add3A_1165, %mul3A_1172 : vector<16xf32>
      %slice3A_1174 = vector.extract_strided_slice %mul3A_812 {offsets = [13], sizes = [1], strides = [1]} : vector<16xf32> to vector<1xf32>
      %squeeze3A_1175 = vector.extract %slice3A_1174[0] : f32 from vector<1xf32>
      %get3A_1176 = arith.constant 464 : index
      %get3A_1177 = tpu.vector_load %arg15[%get3A_1176] {strides = array<i32>} : memref<1024xf32, #tpu.memory_space<vmem>>, vector<16xf32>,
      %get3A_1178 = vector.shape_cast %get3A_1177 : vector<16xf32> to vector<16xf32>
      %mul3A_1179 = vector.broadcast %squeeze3A_1175 : f32 to vector<16xf32>
      %mul3A_1180 = arith.mulf %get3A_1178, %mul3A_1179 : vector<16xf32>
      %add3A_1181 = arith.addf %add3A_1173, %mul3A_1180 : vector<16xf32>
      %slice3A_1182 = vector.extract_strided_slice %mul3A_812 {offsets = [14], sizes = [1], strides = [1]} : vector<16xf32> to vector<1xf32>
      %squeeze3A_1183 = vector.extract %slice3A_1182[0] : f32 from vector<1xf32>
      %get3A_1184 = arith.constant 480 : index
      %get3A_1185 = tpu.vector_load %arg15[%get3A_1184] {strides = array<i32>} : memref<1024xf32, #tpu.memory_space<vmem>>, vector<16xf32>,
      %get3A_1186 = vector.shape_cast %get3A_1185 : vector<16xf32> to vector<16xf32>
      %mul3A_1187 = vector.broadcast %squeeze3A_1183 : f32 to vector<16xf32>
      %mul3A_1188 = arith.mulf %get3A_1186, %mul3A_1187 : vector<16xf32>
      %add3A_1189 = arith.addf %add3A_1181, %mul3A_1188 : vector<16xf32>
      %slice3A_1190 = vector.extract_strided_slice %mul3A_812 {offsets = [15], sizes = [1], strides = [1]} : vector<16xf32> to vector<1xf32>
      %squeeze3A_1191 = vector.extract %slice3A_1190[0] : f32 from vector<1xf32>
      %get3A_1192 = arith.constant 496 : index
      %get3A_1193 = tpu.vector_load %arg15[%get3A_1192] {strides = array<i32>} : memref<1024xf32, #tpu.memory_space<vmem>>, vector<16xf32>,
      %get3A_1194 = vector.shape_cast %get3A_1193 : vector<16xf32> to vector<16xf32>
      %mul3A_1195 = vector.broadcast %squeeze3A_1191 : f32 to vector<16xf32>
      %mul3A_1196 = arith.mulf %get3A_1194, %mul3A_1195 : vector<16xf32>
      %add3A_1197 = arith.addf %add3A_1189, %mul3A_1196 : vector<16xf32>
      %slice3A_1198 = vector.extract_strided_slice %mul3A_868 {offsets = [0], sizes = [1], strides = [1]} : vector<16xf32> to vector<1xf32>
      %squeeze3A_1199 = vector.extract %slice3A_1198[0] : f32 from vector<1xf32>
      %get3A_1200 = arith.constant 512 : index
      %get3A_1201 = tpu.vector_load %arg15[%get3A_1200] {strides = array<i32>} : memref<1024xf32, #tpu.memory_space<vmem>>, vector<16xf32>,
      %get3A_1202 = vector.shape_cast %get3A_1201 : vector<16xf32> to vector<16xf32>
      %mul3A_1203 = vector.broadcast %squeeze3A_1199 : f32 to vector<16xf32>
      %mul3A_1204 = arith.mulf %get3A_1202, %mul3A_1203 : vector<16xf32>
      %add3A_1205 = arith.addf %add3A_1197, %mul3A_1204 : vector<16xf32>
      %slice3A_1206 = vector.extract_strided_slice %mul3A_868 {offsets = [1], sizes = [1], strides = [1]} : vector<16xf32> to vector<1xf32>
      %squeeze3A_1207 = vector.extract %slice3A_1206[0] : f32 from vector<1xf32>
      %get3A_1208 = arith.constant 528 : index
      %get3A_1209 = tpu.vector_load %arg15[%get3A_1208] {strides = array<i32>} : memref<1024xf32, #tpu.memory_space<vmem>>, vector<16xf32>,
      %get3A_1210 = vector.shape_cast %get3A_1209 : vector<16xf32> to vector<16xf32>
      %mul3A_1211 = vector.broadcast %squeeze3A_1207 : f32 to vector<16xf32>
      %mul3A_1212 = arith.mulf %get3A_1210, %mul3A_1211 : vector<16xf32>
      %add3A_1213 = arith.addf %add3A_1205, %mul3A_1212 : vector<16xf32>
      %slice3A_1214 = vector.extract_strided_slice %mul3A_868 {offsets = [2], sizes = [1], strides = [1]} : vector<16xf32> to vector<1xf32>
      %squeeze3A_1215 = vector.extract %slice3A_1214[0] : f32 from vector<1xf32>
      %get3A_1216 = arith.constant 544 : index
      %get3A_1217 = tpu.vector_load %arg15[%get3A_1216] {strides = array<i32>} : memref<1024xf32, #tpu.memory_space<vmem>>, vector<16xf32>,
      %get3A_1218 = vector.shape_cast %get3A_1217 : vector<16xf32> to vector<16xf32>
      %mul3A_1219 = vector.broadcast %squeeze3A_1215 : f32 to vector<16xf32>
      %mul3A_1220 = arith.mulf %get3A_1218, %mul3A_1219 : vector<16xf32>
      %add3A_1221 = arith.addf %add3A_1213, %mul3A_1220 : vector<16xf32>
      %slice3A_1222 = vector.extract_strided_slice %mul3A_868 {offsets = [3], sizes = [1], strides = [1]} : vector<16xf32> to vector<1xf32>
      %squeeze3A_1223 = vector.extract %slice3A_1222[0] : f32 from vector<1xf32>
      %get3A_1224 = arith.constant 560 : index
      %get3A_1225 = tpu.vector_load %arg15[%get3A_1224] {strides = array<i32>} : memref<1024xf32, #tpu.memory_space<vmem>>, vector<16xf32>,
      %get3A_1226 = vector.shape_cast %get3A_1225 : vector<16xf32> to vector<16xf32>
      %mul3A_1227 = vector.broadcast %squeeze3A_1223 : f32 to vector<16xf32>
      %mul3A_1228 = arith.mulf %get3A_1226, %mul3A_1227 : vector<16xf32>
      %add3A_1229 = arith.addf %add3A_1221, %mul3A_1228 : vector<16xf32>
      %slice3A_1230 = vector.extract_strided_slice %mul3A_868 {offsets = [4], sizes = [1], strides = [1]} : vector<16xf32> to vector<1xf32>
      %squeeze3A_1231 = vector.extract %slice3A_1230[0] : f32 from vector<1xf32>
      %get3A_1232 = arith.constant 576 : index
      %get3A_1233 = tpu.vector_load %arg15[%get3A_1232] {strides = array<i32>} : memref<1024xf32, #tpu.memory_space<vmem>>, vector<16xf32>,
      %get3A_1234 = vector.shape_cast %get3A_1233 : vector<16xf32> to vector<16xf32>
      %mul3A_1235 = vector.broadcast %squeeze3A_1231 : f32 to vector<16xf32>
      %mul3A_1236 = arith.mulf %get3A_1234, %mul3A_1235 : vector<16xf32>
      %add3A_1237 = arith.addf %add3A_1229, %mul3A_1236 : vector<16xf32>
      %slice3A_1238 = vector.extract_strided_slice %mul3A_868 {offsets = [5], sizes = [1], strides = [1]} : vector<16xf32> to vector<1xf32>
      %squeeze3A_1239 = vector.extract %slice3A_1238[0] : f32 from vector<1xf32>
      %get3A_1240 = arith.constant 592 : index
      %get3A_1241 = tpu.vector_load %arg15[%get3A_1240] {strides = array<i32>} : memref<1024xf32, #tpu.memory_space<vmem>>, vector<16xf32>,
      %get3A_1242 = vector.shape_cast %get3A_1241 : vector<16xf32> to vector<16xf32>
      %mul3A_1243 = vector.broadcast %squeeze3A_1239 : f32 to vector<16xf32>
      %mul3A_1244 = arith.mulf %get3A_1242, %mul3A_1243 : vector<16xf32>
      %add3A_1245 = arith.addf %add3A_1237, %mul3A_1244 : vector<16xf32>
      %slice3A_1246 = vector.extract_strided_slice %mul3A_868 {offsets = [6], sizes = [1], strides = [1]} : vector<16xf32> to vector<1xf32>
      %squeeze3A_1247 = vector.extract %slice3A_1246[0] : f32 from vector<1xf32>
      %get3A_1248 = arith.constant 608 : index
      %get3A_1249 = tpu.vector_load %arg15[%get3A_1248] {strides = array<i32>} : memref<1024xf32, #tpu.memory_space<vmem>>, vector<16xf32>,
      %get3A_1250 = vector.shape_cast %get3A_1249 : vector<16xf32> to vector<16xf32>
      %mul3A_1251 = vector.broadcast %squeeze3A_1247 : f32 to vector<16xf32>
      %mul3A_1252 = arith.mulf %get3A_1250, %mul3A_1251 : vector<16xf32>
      %add3A_1253 = arith.addf %add3A_1245, %mul3A_1252 : vector<16xf32>
      %slice3A_1254 = vector.extract_strided_slice %mul3A_868 {offsets = [7], sizes = [1], strides = [1]} : vector<16xf32> to vector<1xf32>
      %squeeze3A_1255 = vector.extract %slice3A_1254[0] : f32 from vector<1xf32>
      %get3A_1256 = arith.constant 624 : index
      %get3A_1257 = tpu.vector_load %arg15[%get3A_1256] {strides = array<i32>} : memref<1024xf32, #tpu.memory_space<vmem>>, vector<16xf32>,
      %get3A_1258 = vector.shape_cast %get3A_1257 : vector<16xf32> to vector<16xf32>
      %mul3A_1259 = vector.broadcast %squeeze3A_1255 : f32 to vector<16xf32>
      %mul3A_1260 = arith.mulf %get3A_1258, %mul3A_1259 : vector<16xf32>
      %add3A_1261 = arith.addf %add3A_1253, %mul3A_1260 : vector<16xf32>
      %slice3A_1262 = vector.extract_strided_slice %mul3A_868 {offsets = [8], sizes = [1], strides = [1]} : vector<16xf32> to vector<1xf32>
      %squeeze3A_1263 = vector.extract %slice3A_1262[0] : f32 from vector<1xf32>
      %get3A_1264 = arith.constant 640 : index
      %get3A_1265 = tpu.vector_load %arg15[%get3A_1264] {strides = array<i32>} : memref<1024xf32, #tpu.memory_space<vmem>>, vector<16xf32>,
      %get3A_1266 = vector.shape_cast %get3A_1265 : vector<16xf32> to vector<16xf32>
      %mul3A_1267 = vector.broadcast %squeeze3A_1263 : f32 to vector<16xf32>
      %mul3A_1268 = arith.mulf %get3A_1266, %mul3A_1267 : vector<16xf32>
      %add3A_1269 = arith.addf %add3A_1261, %mul3A_1268 : vector<16xf32>
      %slice3A_1270 = vector.extract_strided_slice %mul3A_868 {offsets = [9], sizes = [1], strides = [1]} : vector<16xf32> to vector<1xf32>
      %squeeze3A_1271 = vector.extract %slice3A_1270[0] : f32 from vector<1xf32>
      %get3A_1272 = arith.constant 656 : index
      %get3A_1273 = tpu.vector_load %arg15[%get3A_1272] {strides = array<i32>} : memref<1024xf32, #tpu.memory_space<vmem>>, vector<16xf32>,
      %get3A_1274 = vector.shape_cast %get3A_1273 : vector<16xf32> to vector<16xf32>
      %mul3A_1275 = vector.broadcast %squeeze3A_1271 : f32 to vector<16xf32>
      %mul3A_1276 = arith.mulf %get3A_1274, %mul3A_1275 : vector<16xf32>
      %add3A_1277 = arith.addf %add3A_1269, %mul3A_1276 : vector<16xf32>
      %slice3A_1278 = vector.extract_strided_slice %mul3A_868 {offsets = [10], sizes = [1], strides = [1]} : vector<16xf32> to vector<1xf32>
      %squeeze3A_1279 = vector.extract %slice3A_1278[0] : f32 from vector<1xf32>
      %get3A_1280 = arith.constant 672 : index
      %get3A_1281 = tpu.vector_load %arg15[%get3A_1280] {strides = array<i32>} : memref<1024xf32, #tpu.memory_space<vmem>>, vector<16xf32>,
      %get3A_1282 = vector.shape_cast %get3A_1281 : vector<16xf32> to vector<16xf32>
      %mul3A_1283 = vector.broadcast %squeeze3A_1279 : f32 to vector<16xf32>
      %mul3A_1284 = arith.mulf %get3A_1282, %mul3A_1283 : vector<16xf32>
      %add3A_1285 = arith.addf %add3A_1277, %mul3A_1284 : vector<16xf32>
      %slice3A_1286 = vector.extract_strided_slice %mul3A_868 {offsets = [11], sizes = [1], strides = [1]} : vector<16xf32> to vector<1xf32>
      %squeeze3A_1287 = vector.extract %slice3A_1286[0] : f32 from vector<1xf32>
      %get3A_1288 = arith.constant 688 : index
      %get3A_1289 = tpu.vector_load %arg15[%get3A_1288] {strides = array<i32>} : memref<1024xf32, #tpu.memory_space<vmem>>, vector<16xf32>,
      %get3A_1290 = vector.shape_cast %get3A_1289 : vector<16xf32> to vector<16xf32>
      %mul3A_1291 = vector.broadcast %squeeze3A_1287 : f32 to vector<16xf32>
      %mul3A_1292 = arith.mulf %get3A_1290, %mul3A_1291 : vector<16xf32>
      %add3A_1293 = arith.addf %add3A_1285, %mul3A_1292 : vector<16xf32>
      %slice3A_1294 = vector.extract_strided_slice %mul3A_868 {offsets = [12], sizes = [1], strides = [1]} : vector<16xf32> to vector<1xf32>
      %squeeze3A_1295 = vector.extract %slice3A_1294[0] : f32 from vector<1xf32>
      %get3A_1296 = arith.constant 704 : index
      %get3A_1297 = tpu.vector_load %arg15[%get3A_1296] {strides = array<i32>} : memref<1024xf32, #tpu.memory_space<vmem>>, vector<16xf32>,
      %get3A_1298 = vector.shape_cast %get3A_1297 : vector<16xf32> to vector<16xf32>
      %mul3A_1299 = vector.broadcast %squeeze3A_1295 : f32 to vector<16xf32>
      %mul3A_1300 = arith.mulf %get3A_1298, %mul3A_1299 : vector<16xf32>
      %add3A_1301 = arith.addf %add3A_1293, %mul3A_1300 : vector<16xf32>
      %slice3A_1302 = vector.extract_strided_slice %mul3A_868 {offsets = [13], sizes = [1], strides = [1]} : vector<16xf32> to vector<1xf32>
      %squeeze3A_1303 = vector.extract %slice3A_1302[0] : f32 from vector<1xf32>
      %get3A_1304 = arith.constant 720 : index
      %get3A_1305 = tpu.vector_load %arg15[%get3A_1304] {strides = array<i32>} : memref<1024xf32, #tpu.memory_space<vmem>>, vector<16xf32>,
      %get3A_1306 = vector.shape_cast %get3A_1305 : vector<16xf32> to vector<16xf32>
      %mul3A_1307 = vector.broadcast %squeeze3A_1303 : f32 to vector<16xf32>
      %mul3A_1308 = arith.mulf %get3A_1306, %mul3A_1307 : vector<16xf32>
      %add3A_1309 = arith.addf %add3A_1301, %mul3A_1308 : vector<16xf32>
      %slice3A_1310 = vector.extract_strided_slice %mul3A_868 {offsets = [14], sizes = [1], strides = [1]} : vector<16xf32> to vector<1xf32>
      %squeeze3A_1311 = vector.extract %slice3A_1310[0] : f32 from vector<1xf32>
      %get3A_1312 = arith.constant 736 : index
      %get3A_1313 = tpu.vector_load %arg15[%get3A_1312] {strides = array<i32>} : memref<1024xf32, #tpu.memory_space<vmem>>, vector<16xf32>,
      %get3A_1314 = vector.shape_cast %get3A_1313 : vector<16xf32> to vector<16xf32>
      %mul3A_1315 = vector.broadcast %squeeze3A_1311 : f32 to vector<16xf32>
      %mul3A_1316 = arith.mulf %get3A_1314, %mul3A_1315 : vector<16xf32>
      %add3A_1317 = arith.addf %add3A_1309, %mul3A_1316 : vector<16xf32>
      %slice3A_1318 = vector.extract_strided_slice %mul3A_868 {offsets = [15], sizes = [1], strides = [1]} : vector<16xf32> to vector<1xf32>
      %squeeze3A_1319 = vector.extract %slice3A_1318[0] : f32 from vector<1xf32>
      %get3A_1320 = arith.constant 752 : index
      %get3A_1321 = tpu.vector_load %arg15[%get3A_1320] {strides = array<i32>} : memref<1024xf32, #tpu.memory_space<vmem>>, vector<16xf32>,
      %get3A_1322 = vector.shape_cast %get3A_1321 : vector<16xf32> to vector<16xf32>
      %mul3A_1323 = vector.broadcast %squeeze3A_1319 : f32 to vector<16xf32>
      %mul3A_1324 = arith.mulf %get3A_1322, %mul3A_1323 : vector<16xf32>
      %add3A_1325 = arith.addf %add3A_1317, %mul3A_1324 : vector<16xf32>
      %slice3A_1326 = vector.extract_strided_slice %mul3A_924 {offsets = [0], sizes = [1], strides = [1]} : vector<16xf32> to vector<1xf32>
      %squeeze3A_1327 = vector.extract %slice3A_1326[0] : f32 from vector<1xf32>
      %get3A_1328 = arith.constant 768 : index
      %get3A_1329 = tpu.vector_load %arg15[%get3A_1328] {strides = array<i32>} : memref<1024xf32, #tpu.memory_space<vmem>>, vector<16xf32>,
      %get3A_1330 = vector.shape_cast %get3A_1329 : vector<16xf32> to vector<16xf32>
      %mul3A_1331 = vector.broadcast %squeeze3A_1327 : f32 to vector<16xf32>
      %mul3A_1332 = arith.mulf %get3A_1330, %mul3A_1331 : vector<16xf32>
      %add3A_1333 = arith.addf %add3A_1325, %mul3A_1332 : vector<16xf32>
      %slice3A_1334 = vector.extract_strided_slice %mul3A_924 {offsets = [1], sizes = [1], strides = [1]} : vector<16xf32> to vector<1xf32>
      %squeeze3A_1335 = vector.extract %slice3A_1334[0] : f32 from vector<1xf32>
      %get3A_1336 = arith.constant 784 : index
      %get3A_1337 = tpu.vector_load %arg15[%get3A_1336] {strides = array<i32>} : memref<1024xf32, #tpu.memory_space<vmem>>, vector<16xf32>,
      %get3A_1338 = vector.shape_cast %get3A_1337 : vector<16xf32> to vector<16xf32>
      %mul3A_1339 = vector.broadcast %squeeze3A_1335 : f32 to vector<16xf32>
      %mul3A_1340 = arith.mulf %get3A_1338, %mul3A_1339 : vector<16xf32>
      %add3A_1341 = arith.addf %add3A_1333, %mul3A_1340 : vector<16xf32>
      %slice3A_1342 = vector.extract_strided_slice %mul3A_924 {offsets = [2], sizes = [1], strides = [1]} : vector<16xf32> to vector<1xf32>
      %squeeze3A_1343 = vector.extract %slice3A_1342[0] : f32 from vector<1xf32>
      %get3A_1344 = arith.constant 800 : index
      %get3A_1345 = tpu.vector_load %arg15[%get3A_1344] {strides = array<i32>} : memref<1024xf32, #tpu.memory_space<vmem>>, vector<16xf32>,
      %get3A_1346 = vector.shape_cast %get3A_1345 : vector<16xf32> to vector<16xf32>
      %mul3A_1347 = vector.broadcast %squeeze3A_1343 : f32 to vector<16xf32>
      %mul3A_1348 = arith.mulf %get3A_1346, %mul3A_1347 : vector<16xf32>
      %add3A_1349 = arith.addf %add3A_1341, %mul3A_1348 : vector<16xf32>
      %slice3A_1350 = vector.extract_strided_slice %mul3A_924 {offsets = [3], sizes = [1], strides = [1]} : vector<16xf32> to vector<1xf32>
      %squeeze3A_1351 = vector.extract %slice3A_1350[0] : f32 from vector<1xf32>
      %get3A_1352 = arith.constant 816 : index
      %get3A_1353 = tpu.vector_load %arg15[%get3A_1352] {strides = array<i32>} : memref<1024xf32, #tpu.memory_space<vmem>>, vector<16xf32>,
      %get3A_1354 = vector.shape_cast %get3A_1353 : vector<16xf32> to vector<16xf32>
      %mul3A_1355 = vector.broadcast %squeeze3A_1351 : f32 to vector<16xf32>
      %mul3A_1356 = arith.mulf %get3A_1354, %mul3A_1355 : vector<16xf32>
      %add3A_1357 = arith.addf %add3A_1349, %mul3A_1356 : vector<16xf32>
      %slice3A_1358 = vector.extract_strided_slice %mul3A_924 {offsets = [4], sizes = [1], strides = [1]} : vector<16xf32> to vector<1xf32>
      %squeeze3A_1359 = vector.extract %slice3A_1358[0] : f32 from vector<1xf32>
      %get3A_1360 = arith.constant 832 : index
      %get3A_1361 = tpu.vector_load %arg15[%get3A_1360] {strides = array<i32>} : memref<1024xf32, #tpu.memory_space<vmem>>, vector<16xf32>,
      %get3A_1362 = vector.shape_cast %get3A_1361 : vector<16xf32> to vector<16xf32>
      %mul3A_1363 = vector.broadcast %squeeze3A_1359 : f32 to vector<16xf32>
      %mul3A_1364 = arith.mulf %get3A_1362, %mul3A_1363 : vector<16xf32>
      %add3A_1365 = arith.addf %add3A_1357, %mul3A_1364 : vector<16xf32>
      %slice3A_1366 = vector.extract_strided_slice %mul3A_924 {offsets = [5], sizes = [1], strides = [1]} : vector<16xf32> to vector<1xf32>
      %squeeze3A_1367 = vector.extract %slice3A_1366[0] : f32 from vector<1xf32>
      %get3A_1368 = arith.constant 848 : index
      %get3A_1369 = tpu.vector_load %arg15[%get3A_1368] {strides = array<i32>} : memref<1024xf32, #tpu.memory_space<vmem>>, vector<16xf32>,
      %get3A_1370 = vector.shape_cast %get3A_1369 : vector<16xf32> to vector<16xf32>
      %mul3A_1371 = vector.broadcast %squeeze3A_1367 : f32 to vector<16xf32>
      %mul3A_1372 = arith.mulf %get3A_1370, %mul3A_1371 : vector<16xf32>
      %add3A_1373 = arith.addf %add3A_1365, %mul3A_1372 : vector<16xf32>
      %slice3A_1374 = vector.extract_strided_slice %mul3A_924 {offsets = [6], sizes = [1], strides = [1]} : vector<16xf32> to vector<1xf32>
      %squeeze3A_1375 = vector.extract %slice3A_1374[0] : f32 from vector<1xf32>
      %get3A_1376 = arith.constant 864 : index
      %get3A_1377 = tpu.vector_load %arg15[%get3A_1376] {strides = array<i32>} : memref<1024xf32, #tpu.memory_space<vmem>>, vector<16xf32>,
      %get3A_1378 = vector.shape_cast %get3A_1377 : vector<16xf32> to vector<16xf32>
      %mul3A_1379 = vector.broadcast %squeeze3A_1375 : f32 to vector<16xf32>
      %mul3A_1380 = arith.mulf %get3A_1378, %mul3A_1379 : vector<16xf32>
      %add3A_1381 = arith.addf %add3A_1373, %mul3A_1380 : vector<16xf32>
      %slice3A_1382 = vector.extract_strided_slice %mul3A_924 {offsets = [7], sizes = [1], strides = [1]} : vector<16xf32> to vector<1xf32>
      %squeeze3A_1383 = vector.extract %slice3A_1382[0] : f32 from vector<1xf32>
      %get3A_1384 = arith.constant 880 : index
      %get3A_1385 = tpu.vector_load %arg15[%get3A_1384] {strides = array<i32>} : memref<1024xf32, #tpu.memory_space<vmem>>, vector<16xf32>,
      %get3A_1386 = vector.shape_cast %get3A_1385 : vector<16xf32> to vector<16xf32>
      %mul3A_1387 = vector.broadcast %squeeze3A_1383 : f32 to vector<16xf32>
      %mul3A_1388 = arith.mulf %get3A_1386, %mul3A_1387 : vector<16xf32>
      %add3A_1389 = arith.addf %add3A_1381, %mul3A_1388 : vector<16xf32>
      %slice3A_1390 = vector.extract_strided_slice %mul3A_924 {offsets = [8], sizes = [1], strides = [1]} : vector<16xf32> to vector<1xf32>
      %squeeze3A_1391 = vector.extract %slice3A_1390[0] : f32 from vector<1xf32>
      %get3A_1392 = arith.constant 896 : index
      %get3A_1393 = tpu.vector_load %arg15[%get3A_1392] {strides = array<i32>} : memref<1024xf32, #tpu.memory_space<vmem>>, vector<16xf32>,
      %get3A_1394 = vector.shape_cast %get3A_1393 : vector<16xf32> to vector<16xf32>
      %mul3A_1395 = vector.broadcast %squeeze3A_1391 : f32 to vector<16xf32>
      %mul3A_1396 = arith.mulf %get3A_1394, %mul3A_1395 : vector<16xf32>
      %add3A_1397 = arith.addf %add3A_1389, %mul3A_1396 : vector<16xf32>
      %slice3A_1398 = vector.extract_strided_slice %mul3A_924 {offsets = [9], sizes = [1], strides = [1]} : vector<16xf32> to vector<1xf32>
      %squeeze3A_1399 = vector.extract %slice3A_1398[0] : f32 from vector<1xf32>
      %get3A_1400 = arith.constant 912 : index
      %get3A_1401 = tpu.vector_load %arg15[%get3A_1400] {strides = array<i32>} : memref<1024xf32, #tpu.memory_space<vmem>>, vector<16xf32>,
      %get3A_1402 = vector.shape_cast %get3A_1401 : vector<16xf32> to vector<16xf32>
      %mul3A_1403 = vector.broadcast %squeeze3A_1399 : f32 to vector<16xf32>
      %mul3A_1404 = arith.mulf %get3A_1402, %mul3A_1403 : vector<16xf32>
      %add3A_1405 = arith.addf %add3A_1397, %mul3A_1404 : vector<16xf32>
      %slice3A_1406 = vector.extract_strided_slice %mul3A_924 {offsets = [10], sizes = [1], strides = [1]} : vector<16xf32> to vector<1xf32>
      %squeeze3A_1407 = vector.extract %slice3A_1406[0] : f32 from vector<1xf32>
      %get3A_1408 = arith.constant 928 : index
      %get3A_1409 = tpu.vector_load %arg15[%get3A_1408] {strides = array<i32>} : memref<1024xf32, #tpu.memory_space<vmem>>, vector<16xf32>,
      %get3A_1410 = vector.shape_cast %get3A_1409 : vector<16xf32> to vector<16xf32>
      %mul3A_1411 = vector.broadcast %squeeze3A_1407 : f32 to vector<16xf32>
      %mul3A_1412 = arith.mulf %get3A_1410, %mul3A_1411 : vector<16xf32>
      %add3A_1413 = arith.addf %add3A_1405, %mul3A_1412 : vector<16xf32>
      %slice3A_1414 = vector.extract_strided_slice %mul3A_924 {offsets = [11], sizes = [1], strides = [1]} : vector<16xf32> to vector<1xf32>
      %squeeze3A_1415 = vector.extract %slice3A_1414[0] : f32 from vector<1xf32>
      %get3A_1416 = arith.constant 944 : index
      %get3A_1417 = tpu.vector_load %arg15[%get3A_1416] {strides = array<i32>} : memref<1024xf32, #tpu.memory_space<vmem>>, vector<16xf32>,
      %get3A_1418 = vector.shape_cast %get3A_1417 : vector<16xf32> to vector<16xf32>
      %mul3A_1419 = vector.broadcast %squeeze3A_1415 : f32 to vector<16xf32>
      %mul3A_1420 = arith.mulf %get3A_1418, %mul3A_1419 : vector<16xf32>
      %add3A_1421 = arith.addf %add3A_1413, %mul3A_1420 : vector<16xf32>
      %slice3A_1422 = vector.extract_strided_slice %mul3A_924 {offsets = [12], sizes = [1], strides = [1]} : vector<16xf32> to vector<1xf32>
      %squeeze3A_1423 = vector.extract %slice3A_1422[0] : f32 from vector<1xf32>
      %get3A_1424 = arith.constant 960 : index
      %get3A_1425 = tpu.vector_load %arg15[%get3A_1424] {strides = array<i32>} : memref<1024xf32, #tpu.memory_space<vmem>>, vector<16xf32>,
      %get3A_1426 = vector.shape_cast %get3A_1425 : vector<16xf32> to vector<16xf32>
      %mul3A_1427 = vector.broadcast %squeeze3A_1423 : f32 to vector<16xf32>
      %mul3A_1428 = arith.mulf %get3A_1426, %mul3A_1427 : vector<16xf32>
      %add3A_1429 = arith.addf %add3A_1421, %mul3A_1428 : vector<16xf32>
      %slice3A_1430 = vector.extract_strided_slice %mul3A_924 {offsets = [13], sizes = [1], strides = [1]} : vector<16xf32> to vector<1xf32>
      %squeeze3A_1431 = vector.extract %slice3A_1430[0] : f32 from vector<1xf32>
      %get3A_1432 = arith.constant 976 : index
      %get3A_1433 = tpu.vector_load %arg15[%get3A_1432] {strides = array<i32>} : memref<1024xf32, #tpu.memory_space<vmem>>, vector<16xf32>,
      %get3A_1434 = vector.shape_cast %get3A_1433 : vector<16xf32> to vector<16xf32>
      %mul3A_1435 = vector.broadcast %squeeze3A_1431 : f32 to vector<16xf32>
      %mul3A_1436 = arith.mulf %get3A_1434, %mul3A_1435 : vector<16xf32>
      %add3A_1437 = arith.addf %add3A_1429, %mul3A_1436 : vector<16xf32>
      %slice3A_1438 = vector.extract_strided_slice %mul3A_924 {offsets = [14], sizes = [1], strides = [1]} : vector<16xf32> to vector<1xf32>
      %squeeze3A_1439 = vector.extract %slice3A_1438[0] : f32 from vector<1xf32>
      %get3A_1440 = arith.constant 992 : index
      %get3A_1441 = tpu.vector_load %arg15[%get3A_1440] {strides = array<i32>} : memref<1024xf32, #tpu.memory_space<vmem>>, vector<16xf32>,
      %get3A_1442 = vector.shape_cast %get3A_1441 : vector<16xf32> to vector<16xf32>
      %mul3A_1443 = vector.broadcast %squeeze3A_1439 : f32 to vector<16xf32>
      %mul3A_1444 = arith.mulf %get3A_1442, %mul3A_1443 : vector<16xf32>
      %add3A_1445 = arith.addf %add3A_1437, %mul3A_1444 : vector<16xf32>
      %slice3A_1446 = vector.extract_strided_slice %mul3A_924 {offsets = [15], sizes = [1], strides = [1]} : vector<16xf32> to vector<1xf32>
      %squeeze3A_1447 = vector.extract %slice3A_1446[0] : f32 from vector<1xf32>
      %get3A_1448 = arith.constant 1008 : index
      %get3A_1449 = tpu.vector_load %arg15[%get3A_1448] {strides = array<i32>} : memref<1024xf32, #tpu.memory_space<vmem>>, vector<16xf32>,
      %get3A_1450 = vector.shape_cast %get3A_1449 : vector<16xf32> to vector<16xf32>
      %mul3A_1451 = vector.broadcast %squeeze3A_1447 : f32 to vector<16xf32>
      %mul3A_1452 = arith.mulf %get3A_1450, %mul3A_1451 : vector<16xf32>
      %add3A_1453 = arith.addf %add3A_1445, %mul3A_1452 : vector<16xf32>
      %slice3A_1454 = vector.extract_strided_slice %add3A_1453 {offsets = [0], sizes = [1], strides = [1]} : vector<16xf32> to vector<1xf32>
      %squeeze3A_1455 = vector.extract %slice3A_1454[0] : f32 from vector<1xf32>
      %slice3A_1456 = vector.extract_strided_slice %add3A_1453 {offsets = [1], sizes = [1], strides = [1]} : vector<16xf32> to vector<1xf32>
      %squeeze3A_1457 = vector.extract %slice3A_1456[0] : f32 from vector<1xf32>
      %slice3A_1458 = vector.extract_strided_slice %add3A_1453 {offsets = [2], sizes = [1], strides = [1]} : vector<16xf32> to vector<1xf32>
      %squeeze3A_1459 = vector.extract %slice3A_1458[0] : f32 from vector<1xf32>
      %slice3A_1460 = vector.extract_strided_slice %add3A_1453 {offsets = [3], sizes = [1], strides = [1]} : vector<16xf32> to vector<1xf32>
      %squeeze3A_1461 = vector.extract %slice3A_1460[0] : f32 from vector<1xf32>
      %slice3A_1462 = vector.extract_strided_slice %add3A_1453 {offsets = [4], sizes = [1], strides = [1]} : vector<16xf32> to vector<1xf32>
      %squeeze3A_1463 = vector.extract %slice3A_1462[0] : f32 from vector<1xf32>
      %slice3A_1464 = vector.extract_strided_slice %add3A_1453 {offsets = [5], sizes = [1], strides = [1]} : vector<16xf32> to vector<1xf32>
      %squeeze3A_1465 = vector.extract %slice3A_1464[0] : f32 from vector<1xf32>
      %slice3A_1466 = vector.extract_strided_slice %add3A_1453 {offsets = [6], sizes = [1], strides = [1]} : vector<16xf32> to vector<1xf32>
      %squeeze3A_1467 = vector.extract %slice3A_1466[0] : f32 from vector<1xf32>
      %slice3A_1468 = vector.extract_strided_slice %add3A_1453 {offsets = [7], sizes = [1], strides = [1]} : vector<16xf32> to vector<1xf32>
      %squeeze3A_1469 = vector.extract %slice3A_1468[0] : f32 from vector<1xf32>
      %max3A_1470 = arith.maximumf %squeeze3A_1455, %squeeze3A_1457 : f32
      %max3A_1471 = arith.maximumf %max3A_1470, %squeeze3A_1459 : f32
      %max3A_1472 = arith.maximumf %max3A_1471, %squeeze3A_1461 : f32
      %max3A_1473 = arith.maximumf %max3A_1472, %squeeze3A_1463 : f32
      %max3A_1474 = arith.maximumf %max3A_1473, %squeeze3A_1465 : f32
      %max3A_1475 = arith.maximumf %max3A_1474, %squeeze3A_1467 : f32
      %max3A_1476 = arith.maximumf %max3A_1475, %squeeze3A_1469 : f32
      %sub3A_1477 = vector.broadcast %max3A_1476 : f32 to vector<16xf32>
      %sub3A_1478 = arith.subf %add3A_1453, %sub3A_1477 : vector<16xf32>
      %exp3A_1479 = math.exp %sub3A_1478 : vector<16xf32>
      %slice3A_1480 = vector.extract_strided_slice %exp3A_1479 {offsets = [0], sizes = [1], strides = [1]} : vector<16xf32> to vector<1xf32>
      %squeeze3A_1481 = vector.extract %slice3A_1480[0] : f32 from vector<1xf32>
      %slice3A_1482 = vector.extract_strided_slice %exp3A_1479 {offsets = [1], sizes = [1], strides = [1]} : vector<16xf32> to vector<1xf32>
      %squeeze3A_1483 = vector.extract %slice3A_1482[0] : f32 from vector<1xf32>
      %add3A_1484 = arith.addf %squeeze3A_1481, %squeeze3A_1483 : f32
      %slice3A_1485 = vector.extract_strided_slice %exp3A_1479 {offsets = [2], sizes = [1], strides = [1]} : vector<16xf32> to vector<1xf32>
      %squeeze3A_1486 = vector.extract %slice3A_1485[0] : f32 from vector<1xf32>
      %add3A_1487 = arith.addf %add3A_1484, %squeeze3A_1486 : f32
      %slice3A_1488 = vector.extract_strided_slice %exp3A_1479 {offsets = [3], sizes = [1], strides = [1]} : vector<16xf32> to vector<1xf32>
      %squeeze3A_1489 = vector.extract %slice3A_1488[0] : f32 from vector<1xf32>
      %add3A_1490 = arith.addf %add3A_1487, %squeeze3A_1489 : f32
      %slice3A_1491 = vector.extract_strided_slice %exp3A_1479 {offsets = [4], sizes = [1], strides = [1]} : vector<16xf32> to vector<1xf32>
      %squeeze3A_1492 = vector.extract %slice3A_1491[0] : f32 from vector<1xf32>
      %add3A_1493 = arith.addf %add3A_1490, %squeeze3A_1492 : f32
      %slice3A_1494 = vector.extract_strided_slice %exp3A_1479 {offsets = [5], sizes = [1], strides = [1]} : vector<16xf32> to vector<1xf32>
      %squeeze3A_1495 = vector.extract %slice3A_1494[0] : f32 from vector<1xf32>
      %add3A_1496 = arith.addf %add3A_1493, %squeeze3A_1495 : f32
      %slice3A_1497 = vector.extract_strided_slice %exp3A_1479 {offsets = [6], sizes = [1], strides = [1]} : vector<16xf32> to vector<1xf32>
      %squeeze3A_1498 = vector.extract %slice3A_1497[0] : f32 from vector<1xf32>
      %add3A_1499 = arith.addf %add3A_1496, %squeeze3A_1498 : f32
      %slice3A_1500 = vector.extract_strided_slice %exp3A_1479 {offsets = [7], sizes = [1], strides = [1]} : vector<16xf32> to vector<1xf32>
      %squeeze3A_1501 = vector.extract %slice3A_1500[0] : f32 from vector<1xf32>
      %add3A_1502 = arith.addf %add3A_1499, %squeeze3A_1501 : f32
      %div3A_1503 = vector.broadcast %add3A_1502 : f32 to vector<16xf32>
      %div3A_1504 = arith.divf %exp3A_1479, %div3A_1503 : vector<16xf32>
      %slice3A_1505 = vector.extract_strided_slice %add3A_1453 {offsets = [8], sizes = [1], strides = [1]} : vector<16xf32> to vector<1xf32>
      %squeeze3A_1506 = vector.extract %slice3A_1505[0] : f32 from vector<1xf32>
      %swap3A_1507 = arith.constant 0 : index
      %swap3A_1508 = tpu.vector_load %arg19[%swap3A_1507] {strides = array<i32>} : memref<128xf32, #tpu.memory_space<vmem>>, vector<16xf32>,
      %swap3A_1509 = vector.shape_cast %swap3A_1508 : vector<16xf32> to vector<16xf32>
      %swap3A_1510 = vector.shape_cast %add3A_1453 : vector<16xf32> to vector<16xf32>
      tpu.vector_store %arg19[%swap3A_1507], %swap3A_1510 {strides = array<i32>} : memref<128xf32, #tpu.memory_space<vmem>>, vector<16xf32>,
      %swap3A_1511 = arith.constant 16 : index
      %swap3A_1512 = tpu.vector_load %arg19[%swap3A_1511] {strides = array<i32>} : memref<128xf32, #tpu.memory_space<vmem>>, vector<16xf32>,
      %swap3A_1513 = vector.shape_cast %swap3A_1512 : vector<16xf32> to vector<16xf32>
      %swap3A_1514 = vector.shape_cast %div3A_1504 : vector<16xf32> to vector<16xf32>
      tpu.vector_store %arg19[%swap3A_1511], %swap3A_1514 {strides = array<i32>} : memref<128xf32, #tpu.memory_space<vmem>>, vector<16xf32>,
      %swap3A_1515 = arith.constant 32 : index
      %swap3A_1516 = tpu.vector_load %arg19[%swap3A_1515] {strides = array<i32>} : memref<128xf32, #tpu.memory_space<vmem>>, vector<16xf32>,
      %swap3A_1517 = vector.shape_cast %swap3A_1516 : vector<16xf32> to vector<16xf32>
      %swap3A_1518 = vector.shape_cast %broadcast_in_dim3A_56 : vector<16xf32> to vector<16xf32>
      tpu.vector_store %arg19[%swap3A_1515], %swap3A_1518 {strides = array<i32>} : memref<128xf32, #tpu.memory_space<vmem>>, vector<16xf32>,
      %swap3A_1519 = arith.constant 48 : index
      %swap3A_1520 = tpu.vector_load %arg19[%swap3A_1519] {strides = array<i32>} : memref<128xf32, #tpu.memory_space<vmem>>, vector<16xf32>,
      %swap3A_1521 = vector.shape_cast %swap3A_1520 : vector<16xf32> to vector<16xf32>
      %swap3A_1522 = vector.shape_cast %broadcast_in_dim3A_56 : vector<16xf32> to vector<16xf32>
      tpu.vector_store %arg19[%swap3A_1519], %swap3A_1522 {strides = array<i32>} : memref<128xf32, #tpu.memory_space<vmem>>, vector<16xf32>,
      %swap3A_1523 = arith.constant 64 : index
      %swap3A_1524 = tpu.vector_load %arg19[%swap3A_1523] {strides = array<i32>} : memref<128xf32, #tpu.memory_space<vmem>>, vector<16xf32>,
      %swap3A_1525 = vector.shape_cast %swap3A_1524 : vector<16xf32> to vector<16xf32>
      %swap3A_1526 = vector.shape_cast %broadcast_in_dim3A_56 : vector<16xf32> to vector<16xf32>
      tpu.vector_store %arg19[%swap3A_1523], %swap3A_1526 {strides = array<i32>} : memref<128xf32, #tpu.memory_space<vmem>>, vector<16xf32>,
      %swap3A_1527 = arith.constant 80 : index
      %swap3A_1528 = tpu.vector_load %arg19[%swap3A_1527] {strides = array<i32>} : memref<128xf32, #tpu.memory_space<vmem>>, vector<16xf32>,
      %swap3A_1529 = vector.shape_cast %swap3A_1528 : vector<16xf32> to vector<16xf32>
      %swap3A_1530 = vector.shape_cast %broadcast_in_dim3A_56 : vector<16xf32> to vector<16xf32>
      tpu.vector_store %arg19[%swap3A_1527], %swap3A_1530 {strides = array<i32>} : memref<128xf32, #tpu.memory_space<vmem>>, vector<16xf32>,
      %swap3A_1531 = arith.constant 96 : index
      %swap3A_1532 = tpu.vector_load %arg19[%swap3A_1531] {strides = array<i32>} : memref<128xf32, #tpu.memory_space<vmem>>, vector<16xf32>,
      %swap3A_1533 = vector.shape_cast %swap3A_1532 : vector<16xf32> to vector<16xf32>
      %swap3A_1534 = vector.shape_cast %broadcast_in_dim3A_56 : vector<16xf32> to vector<16xf32>
      tpu.vector_store %arg19[%swap3A_1531], %swap3A_1534 {strides = array<i32>} : memref<128xf32, #tpu.memory_space<vmem>>, vector<16xf32>,
      %swap3A_1535 = arith.constant 112 : index
      %swap3A_1536 = tpu.vector_load %arg19[%swap3A_1535] {strides = array<i32>} : memref<128xf32, #tpu.memory_space<vmem>>, vector<16xf32>,
      %swap3A_1537 = vector.shape_cast %swap3A_1536 : vector<16xf32> to vector<16xf32>
      %swap3A_1538 = vector.shape_cast %broadcast_in_dim3A_56 : vector<16xf32> to vector<16xf32>
      tpu.vector_store %arg19[%swap3A_1535], %swap3A_1538 {strides = array<i32>} : memref<128xf32, #tpu.memory_space<vmem>>, vector<16xf32>,
      %dma_start3A_1539 = arith.constant 6 : i32
      %dma_start3A_1540 = arith.constant 0 : i32
      %dma_start3A_1541 = tpu.memref_slice %arg8[%add3A, %dma_start3A_1540] : memref<16x128xf32, #tpu.memory_space<hbm>> -> memref<1x128xf32, #tpu.memory_space<hbm>>
      %dma_start3A_1542 = tpu.memref_squeeze %dma_start3A_1541 : memref<1x128xf32, #tpu.memory_space<hbm>> -> memref<128xf32, #tpu.memory_space<hbm>>
      %dma_start3A_1543 = tpu.memref_slice %arg21[%dma_start3A_1539] : memref<10x!tpu.dma_semaphore, #tpu.memory_space<semaphore_mem>> -> memref<1x!tpu.dma_semaphore, #tpu.memory_space<semaphore_mem>>
      %dma_start3A_1544 = tpu.memref_squeeze %dma_start3A_1543 : memref<1x!tpu.dma_semaphore, #tpu.memory_space<semaphore_mem>> -> memref<!tpu.dma_semaphore, #tpu.memory_space<semaphore_mem>>
      %dma_start3A_1545 = arith.constant 0 : i32
      %dma_start3A_1546 = tpu.memref_slice %arg8[%add3A, %dma_start3A_1545] : memref<16x128xf32, #tpu.memory_space<hbm>> -> memref<1x128xf32, #tpu.memory_space<hbm>>
      %dma_start3A_1547 = tpu.memref_squeeze %dma_start3A_1546 : memref<1x128xf32, #tpu.memory_space<hbm>> -> memref<128xf32, #tpu.memory_space<hbm>>
      tpu.enqueue_dma source(%arg19 : memref<128xf32, #tpu.memory_space<vmem>>) target(%dma_start3A_1547 : memref<128xf32, #tpu.memory_space<hbm>>) target_semaphore(%dma_start3A_1544 : memref<!tpu.dma_semaphore, #tpu.memory_space<semaphore_mem>>)
      %dma_start3A_1548 = arith.constant 7 : i32
      %dma_start3A_1549 = arith.constant 0 : i32
      %dma_start3A_1550 = tpu.memref_slice %arg9[%add3A, %dma_start3A_1549] : memref<16x128xf32, #tpu.memory_space<hbm>> -> memref<1x128xf32, #tpu.memory_space<hbm>>
      %dma_start3A_1551 = tpu.memref_squeeze %dma_start3A_1550 : memref<1x128xf32, #tpu.memory_space<hbm>> -> memref<128xf32, #tpu.memory_space<hbm>>
      %dma_start3A_1552 = tpu.memref_slice %arg21[%dma_start3A_1548] : memref<10x!tpu.dma_semaphore, #tpu.memory_space<semaphore_mem>> -> memref<1x!tpu.dma_semaphore, #tpu.memory_space<semaphore_mem>>
      %dma_start3A_1553 = tpu.memref_squeeze %dma_start3A_1552 : memref<1x!tpu.dma_semaphore, #tpu.memory_space<semaphore_mem>> -> memref<!tpu.dma_semaphore, #tpu.memory_space<semaphore_mem>>
      %dma_start3A_1554 = arith.constant 0 : i32
      %dma_start3A_1555 = tpu.memref_slice %arg9[%add3A, %dma_start3A_1554] : memref<16x128xf32, #tpu.memory_space<hbm>> -> memref<1x128xf32, #tpu.memory_space<hbm>>
      %dma_start3A_1556 = tpu.memref_squeeze %dma_start3A_1555 : memref<1x128xf32, #tpu.memory_space<hbm>> -> memref<128xf32, #tpu.memory_space<hbm>>
      tpu.enqueue_dma source(%arg20 : memref<128xf32, #tpu.memory_space<vmem>>) target(%dma_start3A_1556 : memref<128xf32, #tpu.memory_space<hbm>>) target_semaphore(%dma_start3A_1553 : memref<!tpu.dma_semaphore, #tpu.memory_space<semaphore_mem>>)
      %dma_wait3A_1557 = arith.constant 6 : i32
      %dma_wait3A_1558 = arith.constant 0 : i32
      %dma_wait3A_1559 = tpu.memref_slice %arg8[%add3A, %dma_wait3A_1558] : memref<16x128xf32, #tpu.memory_space<hbm>> -> memref<1x128xf32, #tpu.memory_space<hbm>>
      %dma_wait3A_1560 = tpu.memref_squeeze %dma_wait3A_1559 : memref<1x128xf32, #tpu.memory_space<hbm>> -> memref<128xf32, #tpu.memory_space<hbm>>
      %dma_wait3A_1561 = tpu.memref_slice %arg21[%dma_wait3A_1557] : memref<10x!tpu.dma_semaphore, #tpu.memory_space<semaphore_mem>> -> memref<1x!tpu.dma_semaphore, #tpu.memory_space<semaphore_mem>>
      %dma_wait3A_1562 = tpu.memref_squeeze %dma_wait3A_1561 : memref<1x!tpu.dma_semaphore, #tpu.memory_space<semaphore_mem>> -> memref<!tpu.dma_semaphore, #tpu.memory_space<semaphore_mem>>
      %dma_wait3A_1563 = arith.constant 0 : i32
      %dma_wait3A_1564 = tpu.memref_slice %arg8[%add3A, %dma_wait3A_1563] : memref<16x128xf32, #tpu.memory_space<hbm>> -> memref<1x128xf32, #tpu.memory_space<hbm>>
      %dma_wait3A_1565 = tpu.memref_squeeze %dma_wait3A_1564 : memref<1x128xf32, #tpu.memory_space<hbm>> -> memref<128xf32, #tpu.memory_space<hbm>>
      tpu.wait_dma2 semaphore(%dma_wait3A_1562 : memref<!tpu.dma_semaphore, #tpu.memory_space<semaphore_mem>>) src(%arg19 : memref<128xf32, #tpu.memory_space<vmem>>) dst(%dma_wait3A_1565 : memref<128xf32, #tpu.memory_space<hbm>>)
      %dma_wait3A_1566 = arith.constant 7 : i32
      %dma_wait3A_1567 = arith.constant 0 : i32
      %dma_wait3A_1568 = tpu.memref_slice %arg9[%add3A, %dma_wait3A_1567] : memref<16x128xf32, #tpu.memory_space<hbm>> -> memref<1x128xf32, #tpu.memory_space<hbm>>
      %dma_wait3A_1569 = tpu.memref_squeeze %dma_wait3A_1568 : memref<1x128xf32, #tpu.memory_space<hbm>> -> memref<128xf32, #tpu.memory_space<hbm>>
      %dma_wait3A_1570 = tpu.memref_slice %arg21[%dma_wait3A_1566] : memref<10x!tpu.dma_semaphore, #tpu.memory_space<semaphore_mem>> -> memref<1x!tpu.dma_semaphore, #tpu.memory_space<semaphore_mem>>
      %dma_wait3A_1571 = tpu.memref_squeeze %dma_wait3A_1570 : memref<1x!tpu.dma_semaphore, #tpu.memory_space<semaphore_mem>> -> memref<!tpu.dma_semaphore, #tpu.memory_space<semaphore_mem>>
      %dma_wait3A_1572 = arith.constant 0 : i32
      %dma_wait3A_1573 = tpu.memref_slice %arg9[%add3A, %dma_wait3A_1572] : memref<16x128xf32, #tpu.memory_space<hbm>> -> memref<1x128xf32, #tpu.memory_space<hbm>>
      %dma_wait3A_1574 = tpu.memref_squeeze %dma_wait3A_1573 : memref<1x128xf32, #tpu.memory_space<hbm>> -> memref<128xf32, #tpu.memory_space<hbm>>
      tpu.wait_dma2 semaphore(%dma_wait3A_1571 : memref<!tpu.dma_semaphore, #tpu.memory_space<semaphore_mem>>) src(%arg20 : memref<128xf32, #tpu.memory_space<vmem>>) dst(%dma_wait3A_1574 : memref<128xf32, #tpu.memory_space<hbm>>)
    } else {
    }
    return
  }
}

</mosaic_0001>

<sc_bundles>
// kernel: kernel.3.cloned.1.call-start
scs
__scs_entry_jumppad:
0x0: {  	(pc) =	sbr.rel $0x88, $3  }
0x1: {  	(tag) =	ssettag $0x0;
	lr =	simm.s32 $0x1  }
0x2: {  	[smem:$0x3F9A] =	sst lr;
	_ =	strace $0xD0000000  }
0x3: {  	_ = 	snop  }
0x4: {  	_ = 	snop  }
0x5: {  	_ = 	snop  }
0x6: {  	_ = 	snop  }
0x7: {  	_ = 	snop  }
__scs_overlays_trampoline_lowered:
0x8: {  	[smem:$0x3FA9] =	sst s0  }
0x9: {  	[smem:$0x3FAA] =	sst s1  }
0xa: {  	[smem:$0x3FAB] =	sst s2  }
0xb: {  	[smem:$0x3FAC] =	sst s3  }
0xc: {  	[smem:$0x3FAD] =	sst s4  }
0xd: {  	[smem:$0x3FAE] =	sst s5  }
0xe: {  	[smem:$0x3FAF] =	sst s6  }
0xf: {  	[smem:$0x3FB0] =	sst s7  }
0x10: {  	[smem:$0x3FB1] =	sst s8  }
0x11: {  	[smem:$0x3FB2] =	sst s9;
	s0 =	simm.s32 @!p0 $0x0  }
0x12: {  	s1 =	sld [smem:$0x3F98];
	s0 =	simm.s32 @p0 $0x1  }
0x13: {  	[smem:$0x3FB3] =	sst s0;
	s0 =	simm.s32 @!p1 $0x0  }
0x14: {  	s2 =	sld [smem:$0x3F97];
	s0 =	simm.s32 @p1 $0x1  }
0x15: {  	[smem:$0x3FB4] =	sst s0;
	s0 =	simm.s32 @!p2 $0x0  }
0x16: {  	s3 =	sld [smem:$0x3FDB];
	s0 =	simm.s32 @p2 $0x1  }
0x17: {  	s4 =	simm.s32 $0x1BF5;
	[smem:$0x3FB6] =	sst s0  }
0x18: {  	s0 =	sld [smem:$0x3F99];
	_ =	swait.ge [sflag:s4], $0x0  }
0x19: {  	s7 =	sld [smem:$0x3F9A]  }
0x1a: {  	s8 =	sadd.s32 $0xFFFFE003, lr  }
0x1b: {  	s9 =	sadd.s32 $0xFFFFFEF7, lr;
	s5 =	simm.s32 $0xFFFFFFFF;
	p2 =	slt.u32 s8, $0xFFFFF086  }
0x1c: {  	p1 =	slt.u32 s9, $0xF7A;
	s5 =	simm.s32 @!p2 $0x0  }
0x1d: {  	s5 =	simm.s32 @p1 $0x1;
	p0 =	seq.s32 s7, s2  }
0x1e: {  	s7 =	smul.u32 @!p0 $0xF7A, s2;
	p2 =	seq.s32 @!p0 s5, $0x0  }
0x1f: {  	s9 =	smul.u32 $0xF7A, s1;
	s8 =	simm.s32 @!p0 $0x1BF5;
	p2 =	por !p2, p0  }
0x20: {  	[sflag:s8] =	ssyncset.s32 @!p0 $0xFFFFF086;
	s6 =	sadd.s32 @!p0 s3, s7;
	s7 =	simm.s32 @!p0 $0x108  }
0x21: {  	s3 =	sadd.s32 s3, s9;
	s6 =	sadd.s32 @!p0 $0x88, s6;
	s7 =	simm.s32 @p2 $0x1082  }
0x22: {  	[simem:s7], [sflag:s8] =	dma.local @!p0 [hbm:s6], $0xF7A  }
0x23: {  	s9 =	sor.u32 $0xD0000000, s2;
	s6 =	simm.s32 $0x108;
	_ =	swait.ge @!p0 [sflag:s8], $0x0  }
0x24: {  	s3 =	sadd.s32 $0x88, s3;
	s6 =	simm.s32 @!p1 $0x1082;
	[sflag:s4] =	ssyncset.s32 $0xFFFFF086  }
0x25: {  	[simem:s6], [sflag:s4] =	dma.local [hbm:s3], $0xF7A  }
0x26: {  	[smem:$0x3F9A] =	sst s1;
	(tag) =	ssettag s2;
	_ =	strace s9  }
0x27: {  	s1 =	sld [smem:$0x3FAA]  }
0x28: {  	s2 =	sld [smem:$0x3FAB]  }
0x29: {  	s4 =	sld [smem:$0x3FAD]  }
0x2a: {  	p0 =	seq.s32 s5, $0x0;
	s5 =	sld [smem:$0x3FAE]  }
0x2b: {  	s6 =	sld [smem:$0x3FAF]  }
0x2c: {  	s7 =	sld [smem:$0x3FB0]  }
0x2d: {  	s3 =	simm.s32 $0x108;
	s8 =	sld [smem:$0x3FB1]  }
0x2e: {  	s3 =	simm.s32 @!p0 $0x1082;
	s9 =	sld [smem:$0x3FB2]  }
0x2f: {  	lr =	sadd.s32 s0, s3;
	s0 =	sld [smem:$0x3FA9]  }
0x30: {  	s3 =	sld [smem:$0x3FAC]  }
0x31: {  	[smem:$0x3FB5] =	sst s10  }
0x32: {  	s10 =	sld [smem:$0x3FB3];
	_ =	sdelay $0x3  }
0x33: {  	p0 =	seq.s32 s10, $0x1;
	s10 =	sld [smem:$0x3FB5];
	_ =	sdelay $0x3  }
0x34: {  	[smem:$0x3FB5] =	sst s10  }
0x35: {  	s10 =	sld [smem:$0x3FB4];
	_ =	sdelay $0x3  }
0x36: {  	p1 =	seq.s32 s10, $0x1;
	s10 =	sld [smem:$0x3FB5];
	_ =	sdelay $0x3  }
0x37: {  	[smem:$0x3FB5] =	sst s10  }
0x38: {  	s10 =	sld [smem:$0x3FB6]  }
0x39: {  	_ = 	snop;
	(pc) =	sbr.ind lr, $3  }
0x3a: {  	_ = 	snop  }
0x3b: {  	_ = 	snop  }
0x3c: {  	p2 =	seq.s32 s10, $0x1;
	s10 =	sld [smem:$0x3FB5]  }
0x3d: {  	_ =	shalt  }
0x3e: {  	_ =	shalt  }
0x3f: {  	_ =	shalt  }
0x40: {  	_ =	shalt  }
0x41: {  	_ =	shalt  }
0x42: {  	_ =	shalt  }
0x43: {  	_ =	shalt  }
0x44: {  	_ =	shalt  }
0x45: {  	_ =	shalt  }
0x46: {  	_ =	shalt  }
0x47: {  	_ =	shalt  }
0x48: {  	_ =	shalt  }
0x49: {  	_ =	shalt  }
0x4a: {  	_ =	shalt  }
0x4b: {  	_ =	shalt  }
0x4c: {  	_ =	shalt  }
0x4d: {  	_ =	shalt  }
0x4e: {  	_ =	shalt  }
0x4f: {  	_ =	shalt  }
0x50: {  	_ =	shalt  }
0x51: {  	_ =	shalt  }
0x52: {  	_ =	shalt  }
0x53: {  	_ =	shalt  }
0x54: {  	_ =	shalt  }
0x55: {  	_ =	shalt  }
0x56: {  	_ =	shalt  }
0x57: {  	_ =	shalt  }
0x58: {  	_ =	shalt  }
0x59: {  	_ =	shalt  }
0x5a: {  	_ =	shalt  }
0x5b: {  	_ =	shalt  }
0x5c: {  	_ =	shalt  }
0x5d: {  	_ =	shalt  }
0x5e: {  	_ =	shalt  }
0x5f: {  	_ =	shalt  }
0x60: {  	_ =	shalt  }
0x61: {  	_ =	shalt  }
0x62: {  	_ =	shalt  }
0x63: {  	_ =	shalt  }
0x64: {  	_ =	shalt  }
0x65: {  	_ =	shalt  }
0x66: {  	_ =	shalt  }
0x67: {  	_ =	shalt  }
0x68: {  	_ =	shalt  }
0x69: {  	_ =	shalt  }
0x6a: {  	_ =	shalt  }
0x6b: {  	_ =	shalt  }
0x6c: {  	_ =	shalt  }
0x6d: {  	_ =	shalt  }
0x6e: {  	_ =	shalt  }
0x6f: {  	_ =	shalt  }
0x70: {  	_ =	shalt  }
0x71: {  	_ =	shalt  }
0x72: {  	_ =	shalt  }
0x73: {  	_ =	shalt  }
0x74: {  	_ =	shalt  }
0x75: {  	_ =	shalt  }
0x76: {  	_ =	shalt  }
0x77: {  	_ =	shalt  }
0x78: {  	_ =	shalt  }
0x79: {  	_ =	shalt  }
0x7a: {  	_ =	shalt  }
0x7b: {  	_ =	shalt  }
0x7c: {  	_ =	shalt  }
0x7d: {  	_ =	shalt  }
0x7e: {  	_ =	shalt  }
0x7f: {  	_ =	shalt  }
0x80: {  	_ =	shalt  }
0x81: {  	_ =	shalt  }
0x82: {  	_ =	shalt  }
0x83: {  	_ =	shalt  }
0x84: {  	_ =	shalt  }
0x85: {  	_ =	shalt  }
0x86: {  	_ =	shalt  }
0x87: {  	_ =	shalt  }
.Lfunc_end0:
.L_simem_size_0:
called_computation_lowered:
.L_overlay_start_0:
0x88: {  	s2 =	sld [smem:$0x3FD9]  }
0x89: {  	s3 =	sld [smem:$0x3FFE];
	_ =	sdelay $0x1  }
0x8a: {  	s1 =	srdreg.scid  }
0x8b: {  	s0 =	sand.u32 $0x1, s1  }
0x8c: {  	s14 =	sshll.u32 s0, $0xA;
	s2 =	sadd.s32 s3, s2  }
0x8d: {  	s2 =	sadd.s32 s2, s14  }
0x8e: {  	[smem:$0x3FC1] =	sst s2  }
0x8f: {  	_ = 	snop  }
0x90: {  	s2 =	sld [smem:$0x3FD0];
	_ =	sdelay $0x2  }
0x91: {  	s15 =	simm.s32 $0xA;
	s4 =	simm.s32 $0x10  }
0x92: {  	[smem:s4], [sflag:s15] =	dma.local [hbm:s2], $0x1  }
0x93: {  	_ =	swait.eq [sflag:s15], $0x1  }
0x94: {  	s16 =	sld [smem:$0x11];
	[sflag:s15] =	ssyncset.done $0x0  }
0x95: {  	s17 =	sld [smem:$0x12];
	[sflag:s15] =	ssyncadd.s32 $0xFFFFFFFF  }
0x96: {  	s18 =	sld [smem:$0x13];
	(tm) =	ssettm $0x1  }
0x97: {  	s5 =	sld [smem:$0x3FFB];
	_ =	sdelay $0x3  }
0x98: {  	_ =	strace s5  }
0x99: {  	s5 =	sld [smem:$0x3FFC];
	_ =	sdelay $0x3  }
0x9a: {  	_ =	strace s5  }
0x9b: {  	s5 =	sld [smem:$0x3FFD];
	_ =	sdelay $0x3  }
0x9c: {  	_ =	strace s5  }
0x9d: {  	_ =	strace $0x8FFFFFFF  }
0x9e: {  	s19 =	sld [smem:$0x3FDB];
	_ =	sdelay $0x1  }
0x9f: {  	s6 =	simm.s32 $_scs_section_size  }
0xa0: {  	s7 =	simm.s32 $_size__tile_overlayer_lowered;
	s8 =	simm.s32 $_tile_overlayer_lowered  }
0xa1: {  	s22 =	simm.s32 $0x1BFF;
	s21 =	sshll.u32 s8, $0x1;
	s5 =	sadd.s32 s6, s19  }
0xa2: {  	s9 =	simm.s32 $0x0;
	s20 =	sshll.u32 s7, $0x1;
	s7 =	sadd.s32 s21, s5  }
0xa3: {  	[timem:s9], [sflag:s22] =	dma.local [hbm:s7], s20  }
0xa4: {  	_ =	swait.ge [sflag:s22], s20  }
0xa5: {  	s6 =	ssub.s32 $0x0, s20;
	[sflag:s22] =	ssyncset.done $0x0  }
0xa6: {  	[sflag:s22] =	ssyncadd.s32 s6;
	_ =	sdelay $0x1  }
0xa7: {  	s23 =	simm.s32 $0x1B8B  }
0xa8: {  	_ =	swait.ge [sflag:s23], $0x1  }
0xa9: {  	[sflag:s23] =	ssyncset.done $0x0  }
0xaa: {  	s25 =	simm.s32 $0x1B8E;
	s24 =	sld [smem:$0x3FFE];
	[sflag:s23] =	ssyncadd.s32 $0xFFFFFFFF  }
0xab: {  	s26 =	simm.s32 $execute0_lowered;
	[smem:$0x3FD2] =	sst s25  }
0xac: {  	s7 =	sshll.u32 s26, $0x1;
	_ =	strace $0x80000046;
	[dreg:$0x1] =	wrdreg $0xFFFFFFFF  }
0xad: {  	s28 =	simm.s32 $_size_execute0_lowered;
	s5 =	sadd.s32 s5, s7;
	[dreg:$0x0] =	wrdreg $0x0  }
0xae: {  	s7 =	sshll.u32 s28, $0x1;
	[dreg:$0x2] =	wrdreg s5  }
0xaf: {  	[dreg:$0x3] =	wrdreg s7  }
0xb0: {  	[dreg:$0x4] =	wrdreg $0xC0  }
0xb1: {  	_ =	task [dreg:s9], $0x5FFFF  }
0xb2: {  	[dreg:$0x1] =	wrdreg $0xFFFFFFFF  }
0xb3: {  	[dreg:$0x0] =	wrdreg $0x60  }
0xb4: {  	[dreg:$0x2] =	wrdreg s17  }
0xb5: {  	[dreg:$0x3] =	wrdreg s16  }
0xb6: {  	[dreg:$0x4] =	wrdreg s24  }
0xb7: {  	[dreg:$0x5] =	wrdreg s18  }
0xb8: {  	[dreg:$0x6] =	wrdreg $0x9  }
0xb9: {  	_ =	task.clear_ibuf [dreg:s9], $0x7FFFF;
	_ =	strace $0x90000046  }
0xba: {  	s29 =	simm.s32 $0x9;
	_ =	strace $0x80000048  }
0xbb: {  	_ =	swait.ge [sflag:s29], $0x1  }
0xbc: {  	[sflag:s29] =	ssyncadd.s32 $0xFFFFFFFF  }
0xbd: {  	_ =	strace $0x90000048  }
0xbe: {  	_ =	sfence  }
0xbf: {  	s30 =	sld [smem:$0x0];
	_ =	sdelay $0x2  }
0xc0: {  	s31 =	sshll.u32 s1, $0xD;
	s1 =	sshrl.u32 s1, $0x2  }
0xc1: {  	s3 =	sand.u32 $0x4000, s31;
	s1 =	sadd.s32 s1, s30  }
0xc2: {  	s0 =	sor.u32 s3, s0;
	s1 =	sshll.u32 s1, $0x11  }
0xc3: {  	s0 =	sor.u32 s1, s0  }
0xc4: {  	s0 =	sadd.s32 $0x8F2B, s0  }
0xc5: {  	[sflag:s0] =	ssyncadd.remote.s32 $0x1  }
0xc6: {  	_ =	sfence.sel $0xFFFF  }
0xc7: {  	[dreg:$0x0] =	wrdreg $0xFFFFFFFF;
	(pc) =	sbr.abs _section_cstart, $3  }
0xc8: {  	[dreg:$0x1] =	wrdreg $0xFFFFFFFF  }
0xc9: {  	_ =	task.clear_ibuf [dreg:s9], $0x2FFFF;
	_ =	strace $0x9FFFFFFF  }
0xca: {  	(tm) =	ssettm $0x7FFFFFFF  }
0xcb: {  	_ =	shalt  }
tec
execute0_lowered:
.L_overlay_start_1:
0x0: {  	(tag) =	ssettag $0x1  }
0x1: {  	s5 =	stileid.u32  }
0x2: {  	p0 =	sgt.u32 s5, $0x7  }
.Ltmp0:
0x3: {  	s1 =	rddreg [dreg:$0x0];
	(pc) =	sbr.rel @p0 .LBB2_7-.Ltmp0, $4  }
0x4: {  	s2 =	rddreg [dreg:$0x1]  }
0x5: {  	s3 =	rddreg [dreg:$0x2];
	s4 =	simm.s32 $0x0  }
0x6: {  	[smem:$0x7FF] =	sst s4  }
0x7: {  	s0 =	rddreg [dreg:$0x3];
	_ =	strace $0x80000047  }
0x8: {  	s5 =	srdreg.scid;
	s6 =	stileid.u32  }
0x9: {  	s13 =	sadd.s32 $0x1200, s3;
	s12 =	sadd.s32 $0xFA00, s3;
	s14 =	sadd.s32 $0x7200, s3  }
0xa: {  	s15 =	sadd.s32 $0xF200, s3;
	s28 =	simm.s32 $0x5;
	s29 =	simm.s32 $0x6  }
0xb: {  	s30 =	simm.s32 $0x7F00;
	s9 =	sand.u32 $0x1, s5;
	s20 =	sshll.u32 s6, $0x1  }
0xc: {  	s31 =	simm.s32 $0x7F80;
	s10 =	sshrl.u32 s6, $0x2;
	s5 =	sor.u32 s9, s20  }
0xd: {  	s22 =	sshll.u32 s10, $0xA;
	s25 =	ssub.s32 $0x2, s9;
	s19 =	sshll.u32 s10, $0x11  }
0xe: {  	s20 =	smul.u32 $0x18000, s10;
	s21 =	sshll.u32 s5, $0x7;
	s24 =	sadd.s32 $0xFFFFFFFF, s5  }
0xf: {  	s7 =	sadd.s32 $0x1, s5;
	s5 =	sshll.u32 s5, $0x6;
	s26 =	sshrl.u32 s25, $0x1  }
0x10: {  	s11 =	sand.u32 $0x380, s21;
	s8 =	sand.u32 $0xF, s24;
	s17 =	sand.u32 $0xF, s7  }
0x11: {  	s21 =	sshll.u32 s10, $0xD;
	s6 =	sor.u32 s22, s11;
	s7 =	sshll.u32 s17, $0x6  }
0x12: {  	s18 =	sshll.u32 s8, $0x5;
	s17 =	sshll.u32 s17, $0x5;
	s16 =	sshrl.u32 s6, $0x3  }
0x13: {  	s6 =	sshll.u32 s8, $0x6;
	s23 =	sadd.s32 s16, s3;
	s9 =	sadd.s32 s0, s16  }
0x14: {  	s16 =	sor.u32 s21, s11;
	s0 =	ssub.s32 s25, s26;
	s25 =	sor.u32 s20, s11  }
0x15: {  	s21 =	simm.s32 $0x1;
	s3 =	simm.s32 $0x8;
	s8 =	sadd.s32 $0x10200, s23  }
0x16: {  	s22 =	sshrl.u32 s16, $0x3;
	s23 =	sor.u32 s19, s11;
	s26 =	sshrl.u32 s25, $0x3  }
0x17: {  	s16 =	simm.s32 $0x80;
	s25 =	simm.s32 $0x3;
	s10 =	sadd.s32 s15, s22  }
0x18: {  	s24 =	sshrl.u32 s23, $0x3;
	s12 =	sadd.s32 s12, s22;
	s13 =	sadd.s32 s13, s26  }
0x19: {  	s15 =	simm.s32 $0x400;
	s22 =	simm.s32 $0x2;
	s23 =	sshrl.u32 s18, $0x2  }
0x1a: {  	s26 =	simm.s32 $0x4;
	s11 =	sadd.s32 s14, s24;
	s14 =	smax.u32 s0, $0x1  }
0x1b: {  	s24 =	sshrl.u32 s17, $0x2;
	s0 =	simm.s32 $0x7;
	s17 =	simm.s32 $0x0  }
.LBB2_2:
0x1c: {  	s18 =	simm.s32 $0x0  }
0x1d: {  	[tilespmem:s18], [sflag:$0x1] =	stream.linear.gather [hbm4b:s1+s18], $0x400, $0x38;
	[tilespmem:$0x8000] =	vst v63  }
0x1e: {  	_ = 	snop  }
0x1f: {  	[tilespmem:s15], [sflag:$0x2] =	stream.linear.gather [hbm4b:s2+s18], $0x80, $0x38;
	[tilespmem:$0x8000] =	vst v63  }
0x20: {  	s19 =	simm.s32 $0x500  }
0x21: {  	[tilespmem:s19], [sflag:$0x3] =	stream.strided.gather [hbm4b:s13+s16], $0x3000, s15, s16, $0x38;
	[tilespmem:$0x8000] =	vst v63  }
0x22: {  	s20 =	simm.s32 $0x3500  }
0x23: {  	[tilespmem:s20], [sflag:$0x4] =	stream.strided.gather [hbm4b:s12+s16], $0x400, s15, s16, $0x38;
	[tilespmem:$0x8000] =	vst v63  }
0x24: {  	s19 =	simm.s32 $0x3900  }
0x25: {  	[tilespmem:s19], [sflag:$0x5] =	stream.strided.gather [hbm4b:s11+s16], $0x4000, s15, s16, $0x38;
	[tilespmem:$0x8000] =	vst v63  }
0x26: {  	s20 =	simm.s32 $0x7900  }
0x27: {  	[tilespmem:s20], [sflag:$0x6] =	stream.strided.gather [hbm4b:s10+s16], $0x400, s15, s16, $0x38;
	[tilespmem:$0x8000] =	vst v63  }
0x28: {  	_ =	swait.ge [sflag:s21], $0x400  }
0x29: {  	[sflag:s21] =	ssyncset.done $0x0  }
0x2a: {  	[sflag:s21] =	ssyncadd.s32 $0xFFFFFC00  }
0x2b: {  	_ =	swait.ge [sflag:s22], $0x80  }
0x2c: {  	[sflag:s22] =	ssyncset.done $0x0  }
0x2d: {  	[sflag:s22] =	ssyncadd.s32 $0xFFFFFF80  }
0x2e: {  	v0 =	vld [tilespmem:s5+$0x0];
	_ =	sdelay $0x4  }
0x2f: {  	[tilespmem:$0x7D00] =	vst v0  }
0x30: {  	v0 =	vld [tilespmem:s6+$0x0];
	_ =	sdelay $0x4  }
0x31: {  	[tilespmem:$0x7D40] =	vst v0  }
0x32: {  	v0 =	vld [tilespmem:s7+$0x0];
	_ =	sdelay $0x4  }
0x33: {  	[tilespmem:$0x7D80] =	vst v0  }
0x34: {  	v0 =	vld [tilespmem:s5+$0x10];
	_ =	sdelay $0x4  }
0x35: {  	[tilespmem:$0x7D10] =	vst v0  }
0x36: {  	v0 =	vld [tilespmem:s6+$0x10];
	_ =	sdelay $0x4  }
0x37: {  	[tilespmem:$0x7D50] =	vst v0  }
0x38: {  	v0 =	vld [tilespmem:s7+$0x10];
	_ =	sdelay $0x4  }
0x39: {  	[tilespmem:$0x7D90] =	vst v0  }
0x3a: {  	v0 =	vld [tilespmem:s5+$0x20];
	_ =	sdelay $0x4  }
0x3b: {  	[tilespmem:$0x7D20] =	vst v0  }
0x3c: {  	v0 =	vld [tilespmem:s6+$0x20];
	_ =	sdelay $0x4  }
0x3d: {  	[tilespmem:$0x7D60] =	vst v0  }
0x3e: {  	v0 =	vld [tilespmem:s7+$0x20];
	_ =	sdelay $0x4  }
0x3f: {  	[tilespmem:$0x7DA0] =	vst v0  }
0x40: {  	v0 =	vld [tilespmem:s5+$0x30];
	_ =	sdelay $0x4  }
0x41: {  	[tilespmem:$0x7D30] =	vst v0  }
0x42: {  	v0 =	vld [tilespmem:s6+$0x30];
	_ =	sdelay $0x4  }
0x43: {  	[tilespmem:$0x7D70] =	vst v0  }
0x44: {  	v0 =	vld [tilespmem:s7+$0x30];
	_ =	sdelay $0x4  }
0x45: {  	[tilespmem:$0x7DB0] =	vst v0  }
0x46: {  	v0 =	vld [tilespmem:s23+$0x400];
	_ =	sdelay $0x4  }
0x47: {  	[tilespmem:$0x7E00] =	vst v0  }
0x48: {  	v0 =	vld [tilespmem:s24+$0x400];
	_ =	sdelay $0x4  }
0x49: {  	[tilespmem:$0x7E08] =	vst v0  }
0x4a: {  	v1 =	vld [tilespmem:$0x7E00];
	_ =	swait.ge [sflag:s25], $0x3000  }
0x4b: {  	[sflag:s25] =	ssyncset.done $0x0  }
0x4c: {  	s18 =	simm.s32 $0x700;
	[sflag:s25] =	ssyncadd.s32 $0xFFFFD000  }
0x4d: {  	v0 =	vld [tilespmem:s18+$0x1C0]  }
0x4e: {  	v6 =	vld [tilespmem:s18+$0x1D0]  }
0x4f: {  	v8 =	vld [tilespmem:s18+$0x180]  }
0x50: {  	v11 =	vld [tilespmem:s18+$0x190]  }
0x51: {  	v13 =	vld [tilespmem:s18+$0x140]  }
0x52: {  	v14 =	vld [tilespmem:s18+$0x150]  }
0x53: {  	v17 =	vld [tilespmem:s18+$0x100]  }
0x54: {  	v18 =	vld [tilespmem:s18+$0x110]  }
0x55: {  	s19 =	simm.s32 $0x0;
	v20 =	vld [tilespmem:s18+$0xC0]  }
0x56: {  	v5 =	vld [tilespmem:s19+$0x7D00]  }
0x57: {  	v21 =	vld [tilespmem:s18+$0xD0]  }
0x58: {  	v23 =	vld [tilespmem:s18+$0x80]  }
0x59: {  	v24 =	vld [tilespmem:s18+$0x90]  }
0x5a: {  	v26 =	vld [tilespmem:s18+$0x40]  }
0x5b: {  	v27 =	vld [tilespmem:s18+$0x50];
	v3 =	vbroadcast v5, $0xE  }
0x5c: {  	v29 =	vld [tilespmem:s18+$0x0];
	v2 =	vbroadcast v5, $0xF;
	v7 =	vbroadcast v5, $0xC  }
0x5d: {  	v30 =	vld [tilespmem:s18+$0x10];
	v4 =	vbroadcast v5, $0xD;
	v12 =	vbroadcast v5, $0xA  }
0x5e: {  	v34 =	vld [tilespmem:s18+$0xFFFFFFC0];
	v10 =	vbroadcast v5, $0xB;
	v16 =	vbroadcast v5, $0x8  }
0x5f: {  	v35 =	vld [tilespmem:s18+$0xFFFFFFD0];
	v15 =	vbroadcast v5, $0x9;
	v22 =	vbroadcast v5, $0x6  }
0x60: {  	v33 =	vld [tilespmem:s18+$0xFFFFFF80];
	v19 =	vbroadcast v5, $0x7;
	v28 =	vbroadcast v5, $0x4  }
0x61: {  	v36 =	vld [tilespmem:s18+$0xFFFFFF90];
	v25 =	vbroadcast v5, $0x5;
	v32 =	vbroadcast v5, $0x2  }
0x62: {  	v38 =	vld [tilespmem:s18+$0xFFFFFF40];
	v31 =	vbroadcast v5, $0x3;
	v44 =	vbroadcast v5, $0x0  }
0x63: {  	v40 =	vld [tilespmem:s18+$0xFFFFFF50];
	v41 =	vbroadcast v5, $0x1;
	v5 =	vmul.f32 v0, v2  }
0x64: {  	v42 =	vld [tilespmem:s18+$0xFFFFFF00];
	v6 =	vmul.f32 v6, v2;
	v9 =	vmul.f32 v8, v3  }
0x65: {  	v43 =	vld [tilespmem:s18+$0xFFFFFF10];
	v8 =	vmul.f32 v11, v3;
	v11 =	vmul.f32 v13, v4  }
0x66: {  	v45 =	vld [tilespmem:s18+$0xFFFFFEC0];
	v0 =	vmul.f32 v14, v4;
	v14 =	vmul.f32 v17, v7  }
0x67: {  	v46 =	vld [tilespmem:s18+$0xFFFFFED0];
	v13 =	vmul.f32 v18, v7;
	v18 =	vmul.f32 v20, v10  }
0x68: {  	v47 =	vld [tilespmem:s18+$0xFFFFFE80];
	v17 =	vmul.f32 v21, v10;
	v21 =	vmul.f32 v23, v12  }
0x69: {  	v48 =	vld [tilespmem:s18+$0xFFFFFE90];
	v20 =	vmul.f32 v24, v12;
	v24 =	vmul.f32 v26, v15  }
0x6a: {  	v37 =	vimm.f32 $0.0e+00;
	v49 =	vld [tilespmem:s18+$0xFFFFFE40];
	v23 =	vmul.f32 v27, v15;
	v27 =	vmul.f32 v29, v16  }
0x6b: {  	v39 =	vimm.f32 $0.0e+00;
	v50 =	vld [tilespmem:s18+$0xFFFFFE50];
	v26 =	vmul.f32 v30, v16;
	v30 =	vmul.f32 v34, v19  }
0x6c: {  	v51 =	vld [tilespmem:s18+$0xFFFFFE00];
	s19 =	simm.s32 $0x40;
	v29 =	vmul.f32 v35, v19;
	v34 =	vimm.f32 $0.0e+00;
	v35 =	vimm.f32 $0.0e+00  }
.LBB2_3:
0x6d: {  	p0 =	sne.s32 s19, $0x2C0;
	v52 =	vld [tilespmem:s18+$0xFFFFFE10];
	v33 =	vmul.f32 v33, v22;
	v36 =	vmul.f32 v36, v22  }
0x6e: {  	v38 =	vmul.f32 v38, v25;
	v40 =	vmul.f32 v40, v25;
	v53 =	vld [tilespmem:s18+$0xFFFFFE20]  }
0x6f: {  	v42 =	vmul.f32 v42, v28;
	v43 =	vmul.f32 v43, v28;
	v54 =	vld [tilespmem:s18+$0xFFFFFE30]  }
0x70: {  	v45 =	vmul.f32 v45, v31;
	v46 =	vmul.f32 v46, v31;
	v55 =	vld [tilespmem:s18+$0xFFFFFE60]  }
0x71: {  	v47 =	vmul.f32 v47, v32;
	v48 =	vmul.f32 v48, v32;
	v56 =	vld [tilespmem:s18+$0xFFFFFE70]  }
0x72: {  	v49 =	vmul.f32 v49, v41;
	v50 =	vmul.f32 v50, v41;
	v57 =	vld [tilespmem:s18+$0xFFFFFEA0]  }
0x73: {  	v51 =	vmul.f32 v44, v51;
	v52 =	vmul.f32 v52, v44;
	v58 =	vld [tilespmem:s18+$0xFFFFFEB0]  }
0x74: {  	v53 =	vmul.f32 v53, v44;
	v44 =	vmul.f32 v54, v44;
	v54 =	vld [tilespmem:s18+$0xFFFFFEE0]  }
0x75: {  	v37 =	vadd.f32 v51, v37;
	v39 =	vadd.f32 v52, v39;
	v51 =	vmul.f32 v55, v41;
	v52 =	vld [tilespmem:s18+$0xFFFFFEF0]  }
0x76: {  	v34 =	vadd.f32 v53, v34;
	v35 =	vadd.f32 v44, v35;
	v41 =	vmul.f32 v56, v41;
	v44 =	vld [tilespmem:s18+$0xFFFFFF20]  }
0x77: {  	v37 =	vadd.f32 v49, v37;
	v39 =	vadd.f32 v50, v39;
	v49 =	vmul.f32 v57, v32;
	v50 =	vld [tilespmem:s18+$0xFFFFFF30]  }
0x78: {  	v34 =	vadd.f32 v51, v34;
	v35 =	vadd.f32 v41, v35;
	v32 =	vmul.f32 v58, v32;
	v41 =	vld [tilespmem:s18+$0xFFFFFF60]  }
0x79: {  	v37 =	vadd.f32 v47, v37;
	v39 =	vadd.f32 v48, v39;
	v47 =	vmul.f32 v54, v31;
	v48 =	vld [tilespmem:s18+$0xFFFFFF70]  }
0x7a: {  	v34 =	vadd.f32 v49, v34;
	v32 =	vadd.f32 v32, v35;
	v31 =	vmul.f32 v52, v31;
	v35 =	vld [tilespmem:s18+$0xFFFFFFA0]  }
0x7b: {  	v37 =	vadd.f32 v45, v37;
	v39 =	vadd.f32 v46, v39;
	v44 =	vmul.f32 v44, v28;
	v45 =	vld [tilespmem:s18+$0xFFFFFFB0]  }
0x7c: {  	v34 =	vadd.f32 v47, v34;
	v31 =	vadd.f32 v31, v32;
	v28 =	vmul.f32 v50, v28;
	v32 =	vld [tilespmem:s18+$0xFFFFFFE0]  }
0x7d: {  	v37 =	vadd.f32 v42, v37;
	v39 =	vadd.f32 v43, v39;
	v41 =	vmul.f32 v41, v25;
	v42 =	vld [tilespmem:s18+$0xFFFFFFF0]  }
0x7e: {  	v34 =	vadd.f32 v44, v34;
	v28 =	vadd.f32 v28, v31;
	v25 =	vmul.f32 v48, v25;
	v31 =	vld [tilespmem:s18+$0x20]  }
0x7f: {  	v37 =	vadd.f32 v38, v37;
	v38 =	vadd.f32 v40, v39;
	v35 =	vmul.f32 v35, v22;
	v39 =	vld [tilespmem:s18+$0x30]  }
0x80: {  	v34 =	vadd.f32 v41, v34;
	v25 =	vadd.f32 v25, v28;
	v22 =	vmul.f32 v45, v22;
	v28 =	vld [tilespmem:s18+$0x60]  }
0x81: {  	v33 =	vadd.f32 v33, v37;
	v36 =	vadd.f32 v36, v38;
	v32 =	vmul.f32 v32, v19;
	v37 =	vld [tilespmem:s18+$0x70]  }
0x82: {  	v34 =	vadd.f32 v35, v34;
	v22 =	vadd.f32 v22, v25;
	v19 =	vmul.f32 v42, v19;
	v25 =	vld [tilespmem:s18+$0xA0]  }
0x83: {  	v30 =	vadd.f32 v30, v33;
	v29 =	vadd.f32 v29, v36;
	v31 =	vmul.f32 v31, v16;
	v33 =	vld [tilespmem:s18+$0xB0]  }
0x84: {  	v32 =	vadd.f32 v32, v34;
	v19 =	vadd.f32 v19, v22;
	v16 =	vmul.f32 v39, v16;
	v22 =	vld [tilespmem:s18+$0xE0]  }
0x85: {  	v27 =	vadd.f32 v27, v30;
	v26 =	vadd.f32 v26, v29;
	v28 =	vmul.f32 v28, v15;
	v29 =	vld [tilespmem:s18+$0xF0]  }
0x86: {  	v30 =	vadd.f32 v31, v32;
	v16 =	vadd.f32 v16, v19;
	v15 =	vmul.f32 v37, v15;
	v19 =	vld [tilespmem:s18+$0x120]  }
0x87: {  	v24 =	vadd.f32 v24, v27;
	v23 =	vadd.f32 v23, v26;
	v25 =	vmul.f32 v25, v12;
	v26 =	vld [tilespmem:s18+$0x130]  }
0x88: {  	v27 =	vadd.f32 v28, v30;
	v15 =	vadd.f32 v15, v16;
	v12 =	vmul.f32 v33, v12;
	v16 =	vld [tilespmem:s18+$0x160]  }
0x89: {  	v21 =	vadd.f32 v21, v24;
	v20 =	vadd.f32 v20, v23;
	v22 =	vmul.f32 v22, v10;
	v23 =	vld [tilespmem:s18+$0x170]  }
0x8a: {  	v24 =	vadd.f32 v25, v27;
	v12 =	vadd.f32 v12, v15;
	v10 =	vmul.f32 v29, v10;
	v15 =	vld [tilespmem:s18+$0x1A0]  }
0x8b: {  	v18 =	vadd.f32 v18, v21;
	v17 =	vadd.f32 v17, v20;
	v19 =	vmul.f32 v19, v7;
	v20 =	vld [tilespmem:s18+$0x1B0]  }
0x8c: {  	v21 =	vadd.f32 v22, v24;
	v10 =	vadd.f32 v10, v12;
	v7 =	vmul.f32 v26, v7;
	v12 =	vld [tilespmem:s18+$0x1E0]  }
0x8d: {  	v14 =	vadd.f32 v14, v18;
	v13 =	vadd.f32 v13, v17;
	v16 =	vmul.f32 v16, v4;
	v17 =	vld [tilespmem:s18+$0x1F0];
	s18 =	sadd.s32 $0x400, s18  }
0x8e: {  	v19 =	vadd.f32 v19, v21;
	v18 =	vld [tilespmem:s18+$0x1C0];
	v7 =	vadd.f32 v7, v10;
	v4 =	vmul.f32 v23, v4  }
0x8f: {  	v10 =	vadd.f32 v11, v14;
	v0 =	vadd.f32 v0, v13;
	v21 =	vld [tilespmem:s18+$0x1D0];
	v11 =	vmul.f32 v15, v3  }
0x90: {  	v14 =	vadd.f32 v16, v19;
	v13 =	vld [tilespmem:s18+$0x180];
	v4 =	vadd.f32 v4, v7;
	v3 =	vmul.f32 v20, v3  }
0x91: {  	v7 =	vadd.f32 v9, v10;
	v0 =	vadd.f32 v8, v0;
	v20 =	vld [tilespmem:s18+$0x190];
	v8 =	vmul.f32 v12, v2  }
0x92: {  	v9 =	vadd.f32 v11, v14;
	v23 =	vld [tilespmem:s18+$0x140];
	v3 =	vadd.f32 v3, v4;
	v2 =	vmul.f32 v17, v2  }
0x93: {  	v37 =	vadd.f32 v5, v7;
	v39 =	vadd.f32 v6, v0;
	v14 =	vld [tilespmem:s18+$0x150]  }
0x94: {  	v34 =	vadd.f32 v8, v9;
	v17 =	vld [tilespmem:s18+$0x100];
	v35 =	vadd.f32 v2, v3  }
0x95: {  	v24 =	vld [tilespmem:s18+$0x110]  }
0x96: {  	v26 =	vld [tilespmem:s18+$0xC0]  }
0x97: {  	s20 =	sshra.s32 s19, $0x2;
	v27 =	vld [tilespmem:s18+$0xD0]  }
0x98: {  	v0 =	vld [tilespmem:s20+$0x7D00]  }
0x99: {  	v29 =	vld [tilespmem:s18+$0x80]  }
0x9a: {  	v30 =	vld [tilespmem:s18+$0x90]  }
0x9b: {  	v50 =	vld [tilespmem:s18+$0x40]  }
0x9c: {  	v51 =	vld [tilespmem:s18+$0x50]  }
0x9d: {  	v52 =	vld [tilespmem:s18+$0x0];
	v3 =	vbroadcast v0, $0xE;
	v2 =	vbroadcast v0, $0xF  }
0x9e: {  	v7 =	vbroadcast v0, $0xC;
	v4 =	vbroadcast v0, $0xD;
	v53 =	vld [tilespmem:s18+$0x10]  }
0x9f: {  	v12 =	vbroadcast v0, $0xA;
	v10 =	vbroadcast v0, $0xB;
	v54 =	vld [tilespmem:s18+$0xFFFFFFC0]  }
0xa0: {  	v16 =	vbroadcast v0, $0x8;
	v15 =	vbroadcast v0, $0x9;
	v55 =	vld [tilespmem:s18+$0xFFFFFFD0]  }
0xa1: {  	v22 =	vbroadcast v0, $0x6;
	v19 =	vbroadcast v0, $0x7;
	v33 =	vld [tilespmem:s18+$0xFFFFFF80]  }
0xa2: {  	v28 =	vbroadcast v0, $0x4;
	v25 =	vbroadcast v0, $0x5;
	v36 =	vld [tilespmem:s18+$0xFFFFFF90]  }
0xa3: {  	v32 =	vbroadcast v0, $0x2;
	v31 =	vbroadcast v0, $0x3;
	v38 =	vld [tilespmem:s18+$0xFFFFFF40]  }
0xa4: {  	v44 =	vbroadcast v0, $0x0;
	v41 =	vbroadcast v0, $0x1;
	v40 =	vld [tilespmem:s18+$0xFFFFFF50]  }
0xa5: {  	v5 =	vmul.f32 v18, v2;
	v6 =	vmul.f32 v21, v2;
	v42 =	vld [tilespmem:s18+$0xFFFFFF00]  }
0xa6: {  	v9 =	vmul.f32 v13, v3;
	v8 =	vmul.f32 v20, v3;
	v43 =	vld [tilespmem:s18+$0xFFFFFF10]  }
0xa7: {  	v11 =	vmul.f32 v23, v4;
	v0 =	vmul.f32 v14, v4;
	v45 =	vld [tilespmem:s18+$0xFFFFFEC0]  }
0xa8: {  	v14 =	vmul.f32 v17, v7;
	v13 =	vmul.f32 v24, v7;
	v46 =	vld [tilespmem:s18+$0xFFFFFED0]  }
.Ltmp1:
0xa9: {  	v18 =	vmul.f32 v26, v10;
	v17 =	vmul.f32 v27, v10;
	v47 =	vld [tilespmem:s18+$0xFFFFFE80];
	(pc) =	sbr.rel @p0 .LBB2_3-.Ltmp1, $4  }
0xaa: {  	v21 =	vmul.f32 v29, v12;
	v20 =	vmul.f32 v30, v12;
	v48 =	vld [tilespmem:s18+$0xFFFFFE90]  }
0xab: {  	v24 =	vmul.f32 v50, v15;
	v23 =	vmul.f32 v51, v15;
	v49 =	vld [tilespmem:s18+$0xFFFFFE40]  }
0xac: {  	v27 =	vmul.f32 v52, v16;
	v26 =	vmul.f32 v53, v16;
	v50 =	vld [tilespmem:s18+$0xFFFFFE50]  }
0xad: {  	s19 =	sadd.s32 $0x40, s19;
	v30 =	vmul.f32 v54, v19;
	v29 =	vmul.f32 v55, v19;
	v51 =	vld [tilespmem:s18+$0xFFFFFE00]  }
0xae: {  	v63 =	vld [tilespmem:s18+$0xFFFFFF60];
	_ =	sdelay $0x4  }
0xaf: {  	[tilespmem:$0x1FD50] =	vst v63;
	v63 =	vld [tilespmem:s18+$0xFFFFFF70];
	_ =	sdelay $0x4  }
0xb0: {  	[tilespmem:$0x1FD60] =	vst v63;
	v63 =	vld [tilespmem:s18+$0xFFFFFFA0];
	_ =	sdelay $0x4  }
0xb1: {  	[tilespmem:$0x1FD70] =	vst v63;
	v63 =	vld [tilespmem:s18+$0xFFFFFFB0];
	_ =	sdelay $0x4  }
0xb2: {  	[tilespmem:$0x1FD80] =	vst v63;
	v63 =	vld [tilespmem:s18+$0xFFFFFFE0];
	_ =	sdelay $0x4  }
0xb3: {  	[tilespmem:$0x1FD90] =	vst v63;
	v63 =	vld [tilespmem:s18+$0xFFFFFFF0];
	_ =	sdelay $0x4  }
0xb4: {  	[tilespmem:$0x1FDA0] =	vst v63;
	v63 =	vld [tilespmem:s18+$0x20];
	_ =	sdelay $0x4  }
0xb5: {  	[tilespmem:$0x1FDB0] =	vst v63;
	v63 =	vld [tilespmem:s18+$0x30];
	_ =	sdelay $0x4  }
0xb6: {  	[tilespmem:$0x1FDC0] =	vst v63;
	v63 =	vld [tilespmem:s18+$0x60]  }
0xb7: {  	v52 =	vld [tilespmem:s18+$0xFFFFFE10]  }
0xb8: {  	v53 =	vld [tilespmem:s18+$0xFFFFFE20]  }
0xb9: {  	v54 =	vld [tilespmem:s18+$0xFFFFFE30]  }
0xba: {  	v55 =	vld [tilespmem:s18+$0xFFFFFE60]  }
0xbb: {  	[tilespmem:$0x1FDD0] =	vst v63;
	v63 =	vld [tilespmem:s18+$0x70]  }
0xbc: {  	v56 =	vld [tilespmem:s18+$0xFFFFFE70]  }
0xbd: {  	v57 =	vld [tilespmem:s18+$0xFFFFFEA0]  }
0xbe: {  	v58 =	vld [tilespmem:s18+$0xFFFFFEB0]  }
0xbf: {  	v59 =	vld [tilespmem:s18+$0xFFFFFEE0]  }
0xc0: {  	[tilespmem:$0x1FDE0] =	vst v63;
	v63 =	vld [tilespmem:s18+$0xA0]  }
0xc1: {  	v60 =	vld [tilespmem:s18+$0xFFFFFEF0]  }
0xc2: {  	v61 =	vld [tilespmem:s18+$0xFFFFFF20];
	v51 =	vmul.f32 v44, v51  }
0xc3: {  	v62 =	vld [tilespmem:s18+$0xFFFFFF30];
	v52 =	vmul.f32 v52, v44  }
0xc4: {  	v49 =	vmul.f32 v49, v41;
	v53 =	vmul.f32 v53, v44;
	v37 =	vadd.f32 v51, v37;
	v51 =	vld [tilespmem:s18+$0xB0]  }
0xc5: {  	v50 =	vmul.f32 v50, v41;
	v39 =	vadd.f32 v52, v39;
	v52 =	vld [tilespmem:s18+$0xE0];
	[tilespmem:$0x1FDF0] =	vst v63;
	v63 =	vmul.f32 v54, v44  }
0xc6: {  	v34 =	vadd.f32 v53, v34;
	v53 =	vld [tilespmem:s18+$0xF0];
	v37 =	vadd.f32 v49, v37;
	v54 =	vmul.f32 v57, v32  }
0xc7: {  	v49 =	vld [tilespmem:s18+$0x120];
	v35 =	vadd.f32 v63, v35;
	v63 =	vmul.f32 v55, v41;
	v55 =	vmul.f32 v56, v41  }
0xc8: {  	v39 =	vadd.f32 v50, v39;
	v50 =	vld [tilespmem:s18+$0x160];
	v57 =	vmul.f32 v46, v31;
	v56 =	vmul.f32 v47, v32  }
0xc9: {  	v44 =	vld [tilespmem:s18+$0x1B0];
	v34 =	vadd.f32 v63, v34;
	v63 =	vmul.f32 v48, v32;
	v35 =	vadd.f32 v55, v35  }
0xca: {  	v41 =	vld [tilespmem:s18+$0x1A0];
	v55 =	vmul.f32 v58, v32;
	v37 =	vadd.f32 v56, v37;
	v56 =	vmul.f32 v45, v31  }
0xcb: {  	v48 =	vld [tilespmem:s18+$0x130];
	v58 =	vmul.f32 v59, v31;
	v31 =	vmul.f32 v60, v31  }
0xcc: {  	v45 =	vld [tilespmem:s18+$0x170];
	v59 =	vmul.f32 v42, v28;
	v39 =	vadd.f32 v63, v39;
	v32 =	vadd.f32 v55, v35  }
0xcd: {  	v60 =	vmul.f32 v43, v28;
	v43 =	vld [tilespmem:s18+$0x1E0];
	v34 =	vadd.f32 v54, v34;
	v37 =	vadd.f32 v56, v37  }
0xce: {  	v63 =	vmul.f32 v61, v28;
	v28 =	vmul.f32 v62, v28;
	v54 =	vld [tilespmem:s18+$0x1F0];
	_ =	swait.ge [sflag:s26], $0x400;
	v31 =	vadd.f32 v31, v32  }
0xcf: {  	v37 =	vadd.f32 v59, v37;
	v59 =	vld [tilespmem:$0x1FD50]  }
0xd0: {  	v28 =	vadd.f32 v28, v31;
	v31 =	vld [tilespmem:$0x1FD60];
	_ =	sdelay $0x2  }
0xd1: {  	v35 =	vadd.f32 v57, v39  }
0xd2: {  	v34 =	vadd.f32 v58, v34;
	v57 =	vmul.f32 v38, v25;
	v58 =	vmul.f32 v40, v25  }
0xd3: {  	v39 =	vmul.f32 v59, v25;
	v25 =	vmul.f32 v31, v25  }
0xd4: {  	v61 =	vld [tilespmem:$0x1FD70]  }
0xd5: {  	v25 =	vadd.f32 v25, v28;
	v28 =	vld [tilespmem:$0x1FD80];
	_ =	sdelay $0x2  }
0xd6: {  	v55 =	vmul.f32 v33, v22  }
0xd7: {  	v56 =	vmul.f32 v36, v22;
	v35 =	vadd.f32 v60, v35;
	v34 =	vadd.f32 v63, v34  }
0xd8: {  	v31 =	vadd.f32 v57, v37;
	v37 =	vmul.f32 v61, v22;
	v22 =	vmul.f32 v28, v22  }
0xd9: {  	v34 =	vadd.f32 v39, v34;
	v39 =	vld [tilespmem:$0x1FD90]  }
0xda: {  	v35 =	vadd.f32 v58, v35;
	v22 =	vadd.f32 v22, v25;
	v25 =	vld [tilespmem:$0x1FDA0];
	_ =	sdelay $0x1  }
0xdb: {  	v63 =	vadd.f32 v56, v35;
	_ =	sdelay $0x1  }
0xdc: {  	v29 =	vadd.f32 v29, v63;
	v28 =	vadd.f32 v55, v31  }
0xdd: {  	v33 =	vmul.f32 v39, v19;
	v19 =	vmul.f32 v25, v19  }
0xde: {  	v26 =	vadd.f32 v26, v29;
	v25 =	vadd.f32 v30, v28;
	v30 =	vld [tilespmem:$0x1FDB0]  }
0xdf: {  	v19 =	vadd.f32 v19, v22;
	v22 =	vld [tilespmem:$0x1FDC0]  }
0xe0: {  	v23 =	vadd.f32 v23, v26;
	_ =	sdelay $0x1  }
0xe1: {  	[sflag:s26] =	ssyncset.done $0x0;
	v20 =	vadd.f32 v20, v23  }
0xe2: {  	[sflag:s26] =	ssyncadd.s32 $0xFFFFFC00  }
0xe3: {  	v62 =	vld [tilespmem:$0x3510];
	v17 =	vadd.f32 v17, v20;
	v30 =	vmul.f32 v30, v16;
	v16 =	vmul.f32 v22, v16  }
0xe4: {  	v22 =	vadd.f32 v27, v25;
	v27 =	vld [tilespmem:$0x1FDD0]  }
0xe5: {  	v13 =	vadd.f32 v13, v17;
	v16 =	vadd.f32 v16, v19;
	v19 =	vld [tilespmem:$0x1FDE0]  }
0xe6: {  	v40 =	vld [tilespmem:$0x3530]  }
0xe7: {  	v46 =	vld [tilespmem:$0x3550];
	v34 =	vadd.f32 v37, v34;
	v0 =	vadd.f32 v0, v13  }
0xe8: {  	v60 =	vld [tilespmem:$0x3500]  }
0xe9: {  	v31 =	vld [tilespmem:$0x3520];
	v42 =	vadd.f32 v33, v34;
	v0 =	vadd.f32 v8, v0  }
0xea: {  	v27 =	vmul.f32 v27, v15;
	v15 =	vmul.f32 v19, v15;
	v19 =	vadd.f32 v24, v22;
	v24 =	vld [tilespmem:$0x1FDF0]  }
0xeb: {  	v28 =	vld [tilespmem:$0x3540]  }
0xec: {  	v0 =	vadd.f32 v6, v0;
	v6 =	vld [tilespmem:$0x3650];
	v29 =	vadd.f32 v30, v42  }
0xed: {  	v25 =	vld [tilespmem:$0x3560]  }
0xee: {  	v30 =	vld [tilespmem:$0x3570];
	v26 =	vadd.f32 v27, v29  }
0xef: {  	v22 =	vld [tilespmem:$0x3580];
	v15 =	vadd.f32 v15, v16;
	v24 =	vmul.f32 v24, v12;
	v12 =	vmul.f32 v51, v12  }
0xf0: {  	v27 =	vld [tilespmem:$0x3590];
	v16 =	vadd.f32 v21, v19;
	v21 =	vmul.f32 v52, v10  }
0xf1: {  	v19 =	vld [tilespmem:$0x35A0];
	v10 =	vmul.f32 v53, v10;
	v23 =	vadd.f32 v24, v26;
	v12 =	vadd.f32 v12, v15  }
0xf2: {  	v24 =	vld [tilespmem:$0x35B0];
	v15 =	vadd.f32 v18, v16;
	v18 =	vmul.f32 v49, v7  }
0xf3: {  	v16 =	vld [tilespmem:$0x35C0];
	v7 =	vmul.f32 v48, v7;
	v20 =	vadd.f32 v21, v23;
	v10 =	vadd.f32 v10, v12  }
0xf4: {  	v48 =	vld [tilespmem:$0x3690];
	v12 =	vadd.f32 v14, v15;
	v15 =	vmul.f32 v50, v4  }
0xf5: {  	v21 =	vld [tilespmem:$0x35D0];
	v4 =	vmul.f32 v45, v4;
	v17 =	vadd.f32 v18, v20;
	v7 =	vadd.f32 v7, v10  }
0xf6: {  	v14 =	vld [tilespmem:$0x35E0];
	v10 =	vadd.f32 v11, v12;
	v12 =	vmul.f32 v41, v3  }
0xf7: {  	v23 =	vld [tilespmem:$0x3670];
	v3 =	vmul.f32 v44, v3;
	v13 =	vadd.f32 v15, v17;
	v4 =	vadd.f32 v4, v7  }
0xf8: {  	v18 =	vld [tilespmem:$0x35F0];
	v7 =	vadd.f32 v9, v10;
	v10 =	vbroadcast v1, $0x0  }
0xf9: {  	v8 =	vmul.f32 v43, v2;
	v11 =	vld [tilespmem:$0x3600];
	v12 =	vadd.f32 v12, v13;
	v3 =	vadd.f32 v3, v4  }
0xfa: {  	v20 =	vld [tilespmem:$0x3640];
	v13 =	vmul.f32 v54, v2;
	v4 =	vadd.f32 v5, v7;
	v5 =	vmul.f32 v60, v10  }
0xfb: {  	v15 =	vld [tilespmem:$0x3610];
	v7 =	vmul.f32 v62, v10;
	v2 =	vadd.f32 v8, v12;
	v8 =	vbroadcast v1, $0x1  }
0xfc: {  	v9 =	vld [tilespmem:$0x3620];
	v3 =	vadd.f32 v13, v3;
	v5 =	vadd.f32 $0.0e+00, v5;
	v13 =	vmul.f32 v31, v10  }
0xfd: {  	v17 =	vld [tilespmem:$0x3630];
	v7 =	vadd.f32 $0.0e+00, v7;
	v10 =	vmul.f32 v40, v10;
	v31 =	vbroadcast v1, $0x2  }
0xfe: {  	v12 =	vld [tilespmem:$0x3660];
	v26 =	vmul.f32 v28, v8;
	v13 =	vadd.f32 $0.0e+00, v13;
	v29 =	vmul.f32 v46, v8  }
0xff: {  	v28 =	vld [tilespmem:$0x3680];
	v10 =	vadd.f32 $0.0e+00, v10;
	v25 =	vmul.f32 v25, v8;
	v8 =	vmul.f32 v30, v8  }
0x100: {  	v22 =	vmul.f32 v22, v31;
	v30 =	vld [tilespmem:$0x36C0];
	v5 =	vadd.f32 v26, v5;
	v7 =	vadd.f32 v29, v7  }
0x101: {  	v26 =	vld [tilespmem:$0x36A0];
	v13 =	vadd.f32 v25, v13;
	v25 =	vmul.f32 v27, v31;
	v27 =	vbroadcast v1, $0x3  }
0x102: {  	v29 =	vld [tilespmem:$0x36B0];
	v8 =	vadd.f32 v8, v10;
	v10 =	vmul.f32 v19, v31;
	v5 =	vadd.f32 v22, v5  }
0x103: {  	v19 =	vld [tilespmem:$0x36D0];
	v7 =	vadd.f32 v25, v7;
	v22 =	vmul.f32 v24, v31;
	v16 =	vmul.f32 v16, v27  }
0x104: {  	v24 =	vld [tilespmem:$0x36E0];
	v10 =	vadd.f32 v10, v13;
	v13 =	vmul.f32 v21, v27;
	v21 =	vbroadcast v1, $0x4  }
0x105: {  	v25 =	vld [tilespmem:$0x36F0];
	v14 =	vmul.f32 v14, v27;
	v8 =	vadd.f32 v22, v8;
	v5 =	vadd.f32 v16, v5  }
0x106: {  	v16 =	vld [tilespmem:$0x3700];
	v7 =	vadd.f32 v13, v7;
	v13 =	vmul.f32 v18, v27;
	v11 =	vmul.f32 v11, v21  }
0x107: {  	v18 =	vld [tilespmem:$0x3710];
	v10 =	vadd.f32 v14, v10;
	v14 =	vmul.f32 v15, v21;
	v15 =	vbroadcast v1, $0x5  }
0x108: {  	v22 =	vld [tilespmem:$0x3720];
	v9 =	vmul.f32 v9, v21;
	v8 =	vadd.f32 v13, v8;
	v5 =	vadd.f32 v11, v5  }
0x109: {  	v27 =	vld [tilespmem:$0x37B0];
	v7 =	vadd.f32 v14, v7;
	v13 =	vmul.f32 v17, v21;
	v14 =	vmul.f32 v20, v15  }
0x10a: {  	v11 =	vld [tilespmem:$0x3730];
	v9 =	vadd.f32 v9, v10;
	v6 =	vmul.f32 v6, v15;
	v10 =	vbroadcast v1, $0x6  }
0x10b: {  	v17 =	vld [tilespmem:$0x3740];
	v12 =	vmul.f32 v12, v15;
	v8 =	vadd.f32 v13, v8;
	v5 =	vadd.f32 v14, v5  }
0x10c: {  	v20 =	vld [tilespmem:$0x3750];
	v6 =	vadd.f32 v6, v7;
	v7 =	vmul.f32 v23, v15;
	v14 =	vmul.f32 v28, v10  }
0x10d: {  	v21 =	vbroadcast v1, $0x7;
	v13 =	vld [tilespmem:$0x3760];
	v9 =	vadd.f32 v12, v9;
	v12 =	vmul.f32 v48, v10  }
0x10e: {  	v15 =	vld [tilespmem:$0x3770];
	v7 =	vadd.f32 v7, v8;
	v5 =	vadd.f32 v14, v5;
	v8 =	vmul.f32 v26, v10  }
0x10f: {  	v23 =	vld [tilespmem:$0x3780];
	v6 =	vadd.f32 v12, v6;
	v10 =	vmul.f32 v29, v10;
	v12 =	vmul.f32 v30, v21  }
0x110: {  	v14 =	vld [tilespmem:$0x3790];
	v8 =	vadd.f32 v8, v9;
	v9 =	vmul.f32 v19, v21;
	v19 =	vbroadcast v1, $0x8  }
0x111: {  	v26 =	vld [tilespmem:$0x37A0];
	v7 =	vadd.f32 v10, v7;
	v5 =	vadd.f32 v12, v5;
	v10 =	vmul.f32 v24, v21  }
0x112: {  	v12 =	vld [tilespmem:$0x37C0];
	v6 =	vadd.f32 v9, v6;
	v9 =	vmul.f32 v25, v21;
	v16 =	vmul.f32 v16, v19  }
0x113: {  	v24 =	vld [tilespmem:$0x37E0];
	v8 =	vadd.f32 v10, v8;
	v10 =	vmul.f32 v18, v19;
	v18 =	vbroadcast v1, $0x9  }
0x114: {  	v21 =	vld [tilespmem:$0x37D0];
	v7 =	vadd.f32 v9, v7;
	v5 =	vadd.f32 v16, v5;
	v9 =	vmul.f32 v22, v19  }
0x115: {  	v16 =	vld [tilespmem:$0x37F0];
	v6 =	vadd.f32 v10, v6;
	v10 =	vmul.f32 v11, v19;
	v11 =	vmul.f32 v17, v18  }
0x116: {  	v17 =	vld [tilespmem:$0x3800];
	v19 =	vbroadcast v1, $0xA;
	v8 =	vadd.f32 v9, v8;
	v9 =	vmul.f32 v20, v18  }
0x117: {  	v22 =	vld [tilespmem:$0x3870];
	v7 =	vadd.f32 v10, v7;
	v5 =	vadd.f32 v11, v5;
	v10 =	vmul.f32 v13, v18  }
0x118: {  	v20 =	vld [tilespmem:$0x3810];
	v13 =	vmul.f32 v23, v19;
	v6 =	vadd.f32 v9, v6;
	v9 =	vmul.f32 v15, v18  }
0x119: {  	v11 =	vld [tilespmem:$0x3820];
	v8 =	vadd.f32 v10, v8;
	v10 =	vmul.f32 v14, v19;
	v14 =	vbroadcast v1, $0xB  }
0x11a: {  	v15 =	vld [tilespmem:$0x3830];
	v5 =	vadd.f32 v13, v5;
	v7 =	vadd.f32 v9, v7;
	v9 =	vmul.f32 v26, v19  }
0x11b: {  	v18 =	vld [tilespmem:$0x3840];
	v6 =	vadd.f32 v10, v6;
	v10 =	vmul.f32 v27, v19;
	v12 =	vmul.f32 v12, v14  }
0x11c: {  	v13 =	vld [tilespmem:$0x3850];
	v8 =	vadd.f32 v9, v8;
	v9 =	vmul.f32 v21, v14;
	v21 =	vbroadcast v1, $0xC  }
0x11d: {  	v19 =	vld [tilespmem:$0x3860];
	v7 =	vadd.f32 v10, v7;
	v5 =	vadd.f32 v12, v5;
	v10 =	vmul.f32 v24, v14  }
0x11e: {  	v12 =	vld [tilespmem:$0x3880];
	v6 =	vadd.f32 v9, v6;
	v9 =	vmul.f32 v16, v14;
	v14 =	vmul.f32 v17, v21  }
0x11f: {  	v16 =	vld [tilespmem:$0x3890];
	v8 =	vadd.f32 v10, v8;
	v10 =	vmul.f32 v20, v21;
	v17 =	vbroadcast v1, $0xD  }
0x120: {  	v20 =	vld [tilespmem:$0x38A0];
	v7 =	vadd.f32 v9, v7;
	v5 =	vadd.f32 v14, v5;
	v9 =	vmul.f32 v11, v21  }
0x121: {  	v11 =	vld [tilespmem:$0x38B0];
	v6 =	vadd.f32 v10, v6;
	v10 =	vmul.f32 v15, v21;
	v14 =	vmul.f32 v18, v17  }
0x122: {  	v15 =	vld [tilespmem:$0x38C0];
	v8 =	vadd.f32 v9, v8;
	v9 =	vmul.f32 v13, v17;
	v13 =	vbroadcast v1, $0xE  }
0x123: {  	v18 =	vld [tilespmem:$0x38D0];
	v7 =	vadd.f32 v10, v7;
	v5 =	vadd.f32 v14, v5;
	v10 =	vmul.f32 v19, v17  }
0x124: {  	v14 =	vld [tilespmem:$0x38E0];
	v6 =	vadd.f32 v9, v6;
	v9 =	vmul.f32 v22, v17;
	v12 =	vmul.f32 v12, v13  }
0x125: {  	v1 =	vbroadcast v1, $0xF;
	v17 =	vld [tilespmem:$0x38F0];
	v8 =	vadd.f32 v10, v8;
	v10 =	vmul.f32 v16, v13  }
0x126: {  	v7 =	vadd.f32 v9, v7;
	v5 =	vadd.f32 v12, v5;
	v9 =	vmul.f32 v20, v13  }
0x127: {  	v6 =	vadd.f32 v10, v6;
	v10 =	vmul.f32 v11, v13;
	v11 =	vmul.f32 v15, v1  }
0x128: {  	v8 =	vadd.f32 v9, v8;
	v9 =	vmul.f32 v18, v1  }
0x129: {  	v0 =	vmax.f32 v0, $0.0e+00;
	v12 =	vmul.f32 v14, v1;
	v5 =	vadd.f32 v11, v5  }
0x12a: {  	v7 =	vadd.f32 v10, v7;
	v1 =	vmul.f32 v17, v1;
	v6 =	vadd.f32 v9, v6  }
0x12b: {  	v4 =	vmax.f32 v4, $0.0e+00;
	v8 =	vadd.f32 v12, v8;
	v5 =	vmax.f32 v5, $0.0e+00  }
0x12c: {  	v1 =	vadd.f32 v1, v7;
	v4 =	vadd.f32 v5, v4;
	v5 =	vmax.f32 v6, $0.0e+00  }
0x12d: {  	v2 =	vmax.f32 v2, $0.0e+00;
	v0 =	vadd.f32 v5, v0;
	v5 =	vmax.f32 v8, $0.0e+00  }
0x12e: {  	v3 =	vmax.f32 v3, $0.0e+00;
	[tilespmem:$0x7E80] =	vst v4;
	v1 =	vmax.f32 v1, $0.0e+00;
	v2 =	vadd.f32 v5, v2  }
0x12f: {  	[tilespmem:$0x7E90] =	vst v0;
	v0 =	vadd.f32 v1, v3  }
0x130: {  	[tilespmem:$0x7EA0] =	vst v2  }
0x131: {  	[tilespmem:$0x7EB0] =	vst v0  }
0x132: {  	_ =	swait.ge [sflag:s28], $0x4000  }
0x133: {  	[sflag:s28] =	ssyncset.done $0x0  }
0x134: {  	s18 =	simm.s32 $0x4100;
	[sflag:s28] =	ssyncadd.s32 $0xFFFFC000  }
0x135: {  	v0 =	vld [tilespmem:s18+$0x5C0];
	_ =	sdelay $0x4  }
0x136: {  	[tilespmem:$0x1FEB0] =	vst v0;
	v0 =	vld [tilespmem:s18+$0x5D0];
	_ =	sdelay $0x4  }
0x137: {  	[tilespmem:$0x1FED0] =	vst v0;
	v0 =	vld [tilespmem:s18+$0x480];
	_ =	sdelay $0x4  }
0x138: {  	[tilespmem:$0x1FEE0] =	vst v0;
	v0 =	vld [tilespmem:s18+$0x490];
	_ =	sdelay $0x4  }
0x139: {  	[tilespmem:$0x1FF00] =	vst v0;
	v0 =	vld [tilespmem:s18+$0x4A0];
	_ =	sdelay $0x4  }
0x13a: {  	[tilespmem:$0x1FF10] =	vst v0;
	v0 =	vld [tilespmem:s18+$0x4B0];
	_ =	sdelay $0x4  }
0x13b: {  	[tilespmem:$0x1FF30] =	vst v0;
	v0 =	vld [tilespmem:s18+$0x4C0];
	_ =	sdelay $0x4  }
0x13c: {  	[tilespmem:$0x1FF50] =	vst v0;
	v0 =	vld [tilespmem:s18+$0x4D0]  }
0x13d: {  	v48 =	vld [tilespmem:s18+$0x700]  }
0x13e: {  	v45 =	vld [tilespmem:s18+$0x710]  }
0x13f: {  	v43 =	vld [tilespmem:s18+$0x600]  }
0x140: {  	v56 =	vld [tilespmem:s18+$0x500]  }
0x141: {  	[tilespmem:$0x1FF70] =	vst v0;
	v0 =	vld [tilespmem:s18+$0x380]  }
0x142: {  	v21 =	vld [tilespmem:s18+$0x400]  }
0x143: {  	s19 =	simm.s32 $0x0;
	v60 =	vld [tilespmem:s18+$0x300]  }
0x144: {  	v59 =	vld [tilespmem:s19+$0x7E80]  }
0x145: {  	v6 =	vld [tilespmem:s18+$0x200]  }
0x146: {  	[tilespmem:$0x1FF90] =	vst v0;
	v0 =	vld [tilespmem:s18+$0x390]  }
0x147: {  	v5 =	vld [tilespmem:s18+$0x100]  }
0x148: {  	v7 =	vld [tilespmem:s18+$0x0]  }
0x149: {  	v8 =	vld [tilespmem:s18+$0xFFFFFF00]  }
0x14a: {  	v9 =	vld [tilespmem:s18+$0xFFFFFE00]  }
0x14b: {  	[tilespmem:$0x1FFA0] =	vst v0;
	v0 =	vld [tilespmem:s18+$0x3A0]  }
0x14c: {  	v10 =	vld [tilespmem:s18+$0xFFFFFD00]  }
0x14d: {  	v11 =	vld [tilespmem:s18+$0xFFFFFC00]  }
0x14e: {  	v12 =	vld [tilespmem:s18+$0xFFFFFB00]  }
0x14f: {  	v14 =	vld [tilespmem:s18+$0xFFFFF900]  }
0x150: {  	[tilespmem:$0x1FFB0] =	vst v0;
	v0 =	vld [tilespmem:s18+$0x3B0]  }
0x151: {  	v15 =	vld [tilespmem:s18+$0xFFFFF800]  }
0x152: {  	v28 =	vld [tilespmem:s18+$0xFFFFF810]  }
0x153: {  	v53 =	vld [tilespmem:s18+$0xFFFFF910]  }
0x154: {  	v55 =	vld [tilespmem:s18+$0xFFFFF820]  }
0x155: {  	[tilespmem:$0x1FFC0] =	vst v0;
	v0 =	vld [tilespmem:s18+$0x3C0]  }
0x156: {  	v57 =	vld [tilespmem:s18+$0xFFFFF830]  }
0x157: {  	v37 =	vld [tilespmem:s18+$0xFFFFF920];
	v16 =	vbroadcast v59, $0x0  }
0x158: {  	v62 =	vld [tilespmem:s18+$0xFFFFF930]  }
0x159: {  	v13 =	vld [tilespmem:s18+$0xFFFFFA10];
	v49 =	vmul.f32 v16, v15;
	v15 =	vbroadcast v59, $0x1  }
0x15a: {  	v3 =	vimm.f32 $0.0e+00;
	v28 =	vmul.f32 v28, v16;
	[tilespmem:$0x1FFD0] =	vst v0;
	v0 =	vld [tilespmem:s18+$0xFFFFFA00]  }
0x15b: {  	v1 =	vld [tilespmem:s18+$0xFFFFFA20];
	v55 =	vmul.f32 v55, v16;
	v14 =	vmul.f32 v14, v15;
	v58 =	vadd.f32 v49, v3  }
0x15c: {  	v2 =	vld [tilespmem:s18+$0xFFFFFA30];
	v57 =	vmul.f32 v57, v16;
	v53 =	vmul.f32 v53, v15  }
0x15d: {  	v4 =	vld [tilespmem:s18+$0xFFFFFB30];
	v28 =	vadd.f32 v28, v3;
	v58 =	vadd.f32 v14, v58;
	v14 =	vbroadcast v59, $0x2  }
0x15e: {  	v49 =	vmul.f32 v37, v15;
	v55 =	vadd.f32 v55, v3;
	v37 =	vld [tilespmem:s18+$0xFFFFFB10];
	v57 =	vadd.f32 v57, v3  }
0x15f: {  	v62 =	vmul.f32 v62, v15;
	v3 =	vld [tilespmem:s18+$0xFFFFFB20];
	v28 =	vadd.f32 v53, v28;
	v0 =	vmul.f32 v0, v14  }
0x160: {  	v61 =	vld [tilespmem:s18+$0xFFFFFC30];
	v53 =	vadd.f32 v49, v55;
	v49 =	vmul.f32 v13, v14;
	v13 =	vbroadcast v59, $0x3  }
0x161: {  	v57 =	vadd.f32 v62, v57;
	v1 =	vmul.f32 v1, v14;
	v0 =	vadd.f32 v0, v58;
	v58 =	vld [tilespmem:s18+$0xFFFFFC10]  }
0x162: {  	v62 =	vld [tilespmem:s18+$0xFFFFFC20];
	v2 =	vmul.f32 v2, v14;
	v28 =	vadd.f32 v49, v28;
	v55 =	vmul.f32 v12, v13  }
0x163: {  	v17 =	vld [tilespmem:s18+$0x230];
	v1 =	vadd.f32 v1, v53;
	v37 =	vmul.f32 v37, v13;
	v49 =	vbroadcast v59, $0x4  }
0x164: {  	v2 =	vadd.f32 v2, v57;
	v3 =	vmul.f32 v3, v13;
	v0 =	vadd.f32 v55, v0;
	v55 =	vld [tilespmem:s18+$0xFFFFFD10]  }
0x165: {  	v4 =	vmul.f32 v4, v13;
	v28 =	vadd.f32 v37, v28;
	v53 =	vmul.f32 v11, v49;
	v37 =	vld [tilespmem:s18+$0xFFFFFD20]  }
0x166: {  	v1 =	vadd.f32 v3, v1;
	v11 =	vbroadcast v59, $0x5;
	v3 =	vmul.f32 v58, v49;
	v58 =	vld [tilespmem:s18+$0xFFFFFD30]  }
0x167: {  	v2 =	vadd.f32 v4, v2;
	v4 =	vmul.f32 v62, v49;
	v0 =	vadd.f32 v53, v0;
	v53 =	vld [tilespmem:s18+$0xFFFFFE10]  }
0x168: {  	v61 =	vmul.f32 v61, v49;
	v62 =	vld [tilespmem:s18+$0xFFFFFE20];
	v3 =	vadd.f32 v3, v28;
	v28 =	vmul.f32 v10, v11  }
0x169: {  	v1 =	vadd.f32 v4, v1;
	v4 =	vmul.f32 v55, v11;
	v10 =	vbroadcast v59, $0x6;
	v55 =	vld [tilespmem:s18+$0xFFFFFE30]  }
0x16a: {  	v2 =	vadd.f32 v61, v2;
	v0 =	vadd.f32 v28, v0;
	v28 =	vmul.f32 v37, v11;
	v37 =	vld [tilespmem:s18+$0xFFFFFF10]  }
0x16b: {  	v61 =	vld [tilespmem:s18+$0xFFFFFF20];
	v3 =	vadd.f32 v4, v3;
	v4 =	vmul.f32 v9, v10;
	v58 =	vmul.f32 v58, v11  }
0x16c: {  	v9 =	vbroadcast v59, $0x7;
	v1 =	vadd.f32 v28, v1;
	v28 =	vmul.f32 v53, v10;
	v53 =	vld [tilespmem:s18+$0xFFFFFF30]  }
0x16d: {  	v0 =	vadd.f32 v4, v0;
	v4 =	vmul.f32 v62, v10;
	v2 =	vadd.f32 v58, v2;
	v58 =	vld [tilespmem:s18+$0x10]  }
0x16e: {  	v62 =	vld [tilespmem:s18+$0x20];
	v55 =	vmul.f32 v55, v10;
	v3 =	vadd.f32 v28, v3;
	v28 =	vmul.f32 v8, v9  }
0x16f: {  	v1 =	vadd.f32 v4, v1;
	v8 =	vbroadcast v59, $0x8;
	v4 =	vmul.f32 v37, v9;
	v37 =	vld [tilespmem:s18+$0x30]  }
0x170: {  	v2 =	vadd.f32 v55, v2;
	v55 =	vld [tilespmem:s18+$0x110];
	v0 =	vadd.f32 v28, v0;
	v28 =	vmul.f32 v61, v9  }
0x171: {  	v61 =	vld [tilespmem:s18+$0x120];
	v3 =	vadd.f32 v4, v3;
	v4 =	vmul.f32 v7, v8;
	v53 =	vmul.f32 v53, v9  }
0x172: {  	v57 =	vld [tilespmem:s18+$0x220];
	v7 =	vbroadcast v59, $0x9;
	v1 =	vadd.f32 v28, v1;
	v28 =	vmul.f32 v58, v8  }
0x173: {  	v58 =	vld [tilespmem:s18+$0x130];
	v2 =	vadd.f32 v53, v2;
	v0 =	vadd.f32 v4, v0;
	v4 =	vmul.f32 v62, v8  }
0x174: {  	v62 =	vld [tilespmem:s18+$0x210];
	v3 =	vadd.f32 v28, v3;
	v28 =	vmul.f32 v5, v7;
	v37 =	vmul.f32 v37, v8  }
0x175: {  	v18 =	vld [tilespmem:s18+$0x310];
	v5 =	vbroadcast v59, $0xA;
	v1 =	vadd.f32 v4, v1;
	v4 =	vmul.f32 v55, v7  }
0x176: {  	v20 =	vld [tilespmem:s18+$0x330];
	v2 =	vadd.f32 v37, v2;
	v0 =	vadd.f32 v28, v0;
	v28 =	vmul.f32 v61, v7  }
0x177: {  	v19 =	vld [tilespmem:s18+$0x320];
	v17 =	vmul.f32 v17, v5;
	v3 =	vadd.f32 v4, v3;
	v4 =	vmul.f32 v6, v5  }
0x178: {  	v22 =	vld [tilespmem:s18+$0x410];
	v58 =	vmul.f32 v58, v7;
	v6 =	vbroadcast v59, $0xB;
	v1 =	vadd.f32 v28, v1  }
0x179: {  	v63 =	vld [tilespmem:s18+$0x420];
	v61 =	vmul.f32 v62, v5;
	v0 =	vadd.f32 v4, v0;
	v4 =	vmul.f32 v57, v5  }
0x17a: {  	v23 =	vld [tilespmem:s18+$0x430];
	v2 =	vadd.f32 v58, v2;
	v57 =	vmul.f32 v60, v6;
	v18 =	vmul.f32 v18, v6  }
0x17b: {  	v24 =	vld [tilespmem:s18+$0x510];
	v20 =	vmul.f32 v20, v6;
	v3 =	vadd.f32 v61, v3;
	v1 =	vadd.f32 v4, v1  }
0x17c: {  	v25 =	vld [tilespmem:s18+$0x520];
	v4 =	vbroadcast v59, $0xC;
	v2 =	vadd.f32 v17, v2;
	v17 =	vmul.f32 v19, v6  }
0x17d: {  	v54 =	vld [tilespmem:s18+$0x530];
	v57 =	vadd.f32 v57, v0;
	v18 =	vadd.f32 v18, v3;
	v3 =	vbroadcast v59, $0xD  }
0x17e: {  	v52 =	vld [tilespmem:s18+$0x610];
	v19 =	vmul.f32 v21, v4;
	v1 =	vadd.f32 v17, v1;
	v21 =	vmul.f32 v22, v4  }
0x17f: {  	v47 =	vld [tilespmem:s18+$0x620];
	v2 =	vadd.f32 v20, v2;
	v20 =	vmul.f32 v63, v4;
	v22 =	vmul.f32 v23, v4  }
0x180: {  	v50 =	vld [tilespmem:s18+$0x630];
	v63 =	vbroadcast v59, $0xE;
	v23 =	vmul.f32 v56, v3;
	v19 =	vadd.f32 v19, v57  }
0x181: {  	v26 =	vld [tilespmem:s18+$0x720];
	v21 =	vadd.f32 v21, v18;
	v20 =	vadd.f32 v20, v1;
	v1 =	vmul.f32 v24, v3  }
0x182: {  	v46 =	vld [tilespmem:s18+$0x730];
	v54 =	vmul.f32 v54, v3;
	v19 =	vadd.f32 v23, v19;
	v23 =	vmul.f32 v25, v3  }
0x183: {  	v22 =	vadd.f32 v22, v2;
	v24 =	vld [tilespmem:s18+$0xFFFFF980];
	v57 =	vbroadcast v59, $0xF;
	v21 =	vadd.f32 v1, v21  }
0x184: {  	v25 =	vld [tilespmem:s18+$0xFFFFF990];
	v1 =	vmul.f32 v52, v63;
	v20 =	vadd.f32 v23, v20;
	v23 =	vmul.f32 v43, v63  }
0x185: {  	v56 =	vld [tilespmem:s18+$0xFFFFF880];
	v2 =	vmul.f32 v47, v63;
	v50 =	vmul.f32 v50, v63;
	v22 =	vadd.f32 v54, v22  }
0x186: {  	v21 =	vadd.f32 v1, v21;
	v1 =	vld [tilespmem:s18+$0xFFFFF8B0];
	v19 =	vadd.f32 v23, v19;
	v23 =	vmul.f32 v48, v57  }
0x187: {  	v22 =	vadd.f32 v50, v22;
	v20 =	vadd.f32 v2, v20;
	v2 =	vmul.f32 v45, v57  }
0x188: {  	v43 =	vmovc v4;
	v4 =	vadd.f32 v23, v19;
	v19 =	vmul.f32 v26, v57;
	v23 =	vmul.f32 v46, v57  }
0x189: {  	v2 =	vadd.f32 v2, v21;
	v21 =	vmul.f32 v24, v15;
	v24 =	vmul.f32 v25, v15;
	v25 =	vld [tilespmem:s18+$0xFFFFFA80]  }
0x18a: {  	v40 =	vld [tilespmem:s18+$0x680];
	v59 =	vadd.f32 v19, v20;
	v19 =	vmul.f32 v56, v16  }
0x18b: {  	v45 =	vmovc v6;
	v6 =	vimm.f32 $0.0e+00;
	v56 =	vadd.f32 v23, v22;
	v23 =	vmul.f32 v1, v16;
	v1 =	vld [tilespmem:s18+$0xFFFFFAA0]  }
0x18c: {  	v19 =	vadd.f32 v19, v6  }
0x18d: {  	v31 =	vld [tilespmem:s18+$0x690]  }
0x18e: {  	v39 =	vld [tilespmem:s18+$0x780];
	v19 =	vadd.f32 v21, v19;
	v21 =	vmul.f32 v25, v14  }
0x18f: {  	v29 =	vld [tilespmem:s18+$0x6A0]  }
0x190: {  	v44 =	vld [tilespmem:s18+$0x7A0];
	v19 =	vadd.f32 v21, v19;
	v21 =	vmul.f32 v1, v14;
	v1 =	vmul.f32 v40, v63  }
0x191: {  	v32 =	vld [tilespmem:s18+$0x6C0]  }
0x192: {  	v36 =	vld [tilespmem:s18+$0x6D0];
	[tilespmem:$0x1FE30] =	vst v1;
	v1 =	vmul.f32 v31, v63  }
0x193: {  	v35 =	vld [tilespmem:s18+$0x580]  }
0x194: {  	v52 =	vld [tilespmem:s18+$0xFFFFF890];
	[tilespmem:$0x1FE40] =	vst v1;
	v1 =	vmul.f32 v29, v63  }
0x195: {  	v54 =	vld [tilespmem:s18+$0xFFFFF8A0]  }
0x196: {  	v38 =	vld [tilespmem:s18+$0x590];
	[tilespmem:$0x1FE50] =	vst v1;
	v1 =	vmul.f32 v32, v63  }
0x197: {  	v48 =	vld [tilespmem:s18+$0xFFFFF9A0]  }
0x198: {  	v26 =	vld [tilespmem:s18+$0xFFFFF9B0];
	[tilespmem:$0x1FE60] =	vst v1;
	v1 =	vmul.f32 v36, v63  }
0x199: {  	v42 =	vld [tilespmem:s18+$0x5A0];
	[tilespmem:$0x1FE00] =	vst v4;
	v20 =	vmul.f32 v52, v16  }
0x19a: {  	v46 =	vld [tilespmem:s18+$0xFFFFFA90];
	v22 =	vmul.f32 v54, v16;
	[tilespmem:$0x1FE70] =	vst v1;
	v1 =	vmul.f32 v35, v3  }
0x19b: {  	[tilespmem:$0x1FE10] =	vst v2;
	v54 =	vld [tilespmem:s18+$0xFFFFFAB0];
	v20 =	vadd.f32 v20, v6  }
0x19c: {  	v4 =	vld [tilespmem:s18+$0xFFFFFB80];
	v2 =	vmul.f32 v48, v15;
	v22 =	vadd.f32 v22, v6;
	[tilespmem:$0x1FE80] =	vst v1;
	v1 =	vmul.f32 v38, v3  }
0x19d: {  	v23 =	vadd.f32 v23, v6;
	v26 =	vmul.f32 v26, v15;
	v20 =	vadd.f32 v24, v20;
	v24 =	vld [tilespmem:s18+$0xFFFFFB90]  }
0x19e: {  	v22 =	vadd.f32 v2, v22;
	v2 =	vmul.f32 v39, v57;
	v39 =	vld [tilespmem:s18+$0xFFFFFBB0];
	[tilespmem:$0x1FE90] =	vst v1;
	v1 =	vmul.f32 v42, v3  }
0x19f: {  	v25 =	vmul.f32 v46, v14;
	v23 =	vadd.f32 v26, v23;
	v26 =	vld [tilespmem:s18+$0xFFFFFBA0]  }
0x1a0: {  	[tilespmem:$0x1FEA0] =	vst v1;
	v1 =	vld [tilespmem:$0x1FEB0]  }
0x1a1: {  	v41 =	vld [tilespmem:s18+$0x7C0];
	v12 =	vmul.f32 v44, v57;
	v20 =	vadd.f32 v25, v20  }
0x1a2: {  	v44 =	vld [tilespmem:s18+$0xFFFFFC90];
	v25 =	vmul.f32 v54, v14;
	v21 =	vadd.f32 v21, v22;
	v22 =	vmul.f32 v4, v13  }
0x1a3: {  	v24 =	vmul.f32 v24, v13  }
0x1a4: {  	v23 =	vadd.f32 v25, v23;
	v19 =	vadd.f32 v22, v19;
	v22 =	vmul.f32 v26, v13;
	v26 =	vld [tilespmem:s18+$0xFFFFFCB0]  }
0x1a5: {  	v51 =	vld [tilespmem:s18+$0x5B0];
	v20 =	vadd.f32 v24, v20;
	v24 =	vmul.f32 v39, v13;
	v1 =	vmul.f32 v1, v3  }
0x1a6: {  	v54 =	vmul.f32 v41, v57;
	v41 =	vld [tilespmem:s18+$0xFFFFFD90]  }
0x1a7: {  	v23 =	vadd.f32 v24, v23;
	v24 =	vmul.f32 v44, v49;
	[tilespmem:$0x1FEC0] =	vst v1;
	v1 =	vld [tilespmem:$0x1FED0];
	_ =	sdelay $0x1  }
0x1a8: {  	v20 =	vadd.f32 v24, v20;
	v24 =	vmul.f32 v26, v49;
	_ =	sdelay $0x1  }
0x1a9: {  	v23 =	vadd.f32 v24, v23;
	v24 =	vmul.f32 v41, v11  }
0x1aa: {  	v41 =	vmul.f32 v51, v3;
	v51 =	vmul.f32 v1, v3;
	v1 =	vld [tilespmem:$0x1FEE0];
	_ =	sdelay $0x4  }
0x1ab: {  	v1 =	vmul.f32 v1, v43;
	_ =	sdelay $0x1  }
0x1ac: {  	[tilespmem:$0x1FEF0] =	vst v1;
	v1 =	vld [tilespmem:$0x1FF00];
	_ =	sdelay $0x4  }
0x1ad: {  	v36 =	vmul.f32 v1, v43;
	v1 =	vld [tilespmem:$0x1FF10];
	_ =	sdelay $0x1  }
0x1ae: {  	v34 =	vld [tilespmem:s18+$0x790]  }
0x1af: {  	v27 =	vld [tilespmem:s18+$0x7B0]  }
0x1b0: {  	v33 =	vld [tilespmem:s18+$0x7D0]  }
0x1b1: {  	v30 =	vld [tilespmem:s18+$0x6B0];
	v1 =	vmul.f32 v1, v43  }
0x1b2: {  	v53 =	vld [tilespmem:s18+$0x3D0]  }
0x1b3: {  	[tilespmem:$0x1FF20] =	vst v1;
	v1 =	vld [tilespmem:$0x1FF30]  }
0x1b4: {  	v55 =	vld [tilespmem:s18+$0x280]  }
0x1b5: {  	v37 =	vld [tilespmem:s18+$0x290]  }
0x1b6: {  	v46 =	vmov v7;
	v7 =	vmul.f32 v34, v57;
	v34 =	vld [tilespmem:s18+$0xFFFFFC80]  }
0x1b7: {  	v62 =	vld [tilespmem:s18+$0x2D0]  }
0x1b8: {  	v25 =	vld [tilespmem:s18+$0xFFFFFCA0];
	v1 =	vmul.f32 v1, v43  }
0x1b9: {  	v39 =	vld [tilespmem:s18+$0xFFFFFD80]  }
0x1ba: {  	[tilespmem:$0x1FF40] =	vst v1;
	v1 =	vld [tilespmem:$0x1FF50]  }
0x1bb: {  	v52 =	vmovc v16;
	v16 =	vmul.f32 v30, v63;
	v30 =	vld [tilespmem:s18+$0xFFFFFEB0];
	v21 =	vadd.f32 v22, v21;
	v22 =	vmul.f32 v34, v49  }
0x1bc: {  	v31 =	vld [tilespmem:s18+$0xFFFFFDA0]  }
0x1bd: {  	v19 =	vadd.f32 v22, v19;
	v22 =	vmul.f32 v25, v49;
	v25 =	vld [tilespmem:s18+$0xFFFFFDB0]  }
0x1be: {  	v50 =	vmov v14;
	v14 =	vmul.f32 v27, v57;
	v26 =	vld [tilespmem:s18+$0xFFFFFE80]  }
0x1bf: {  	v27 =	vld [tilespmem:s18+$0xFFFFFE90];
	v21 =	vadd.f32 v22, v21;
	v22 =	vmul.f32 v39, v11;
	v1 =	vmul.f32 v1, v43  }
0x1c0: {  	v29 =	vld [tilespmem:s18+$0xFFFFFEA0]  }
0x1c1: {  	v19 =	vadd.f32 v22, v19;
	v22 =	vmul.f32 v31, v11;
	[tilespmem:$0x1FF60] =	vst v1;
	v1 =	vld [tilespmem:$0x1FF70]  }
0x1c2: {  	v20 =	vadd.f32 v24, v20;
	v24 =	vmul.f32 v25, v11;
	v25 =	vld [tilespmem:s18+$0xFFFFFF80]  }
0x1c3: {  	v28 =	vld [tilespmem:s18+$0x1A0];
	v21 =	vadd.f32 v22, v21;
	v22 =	vmul.f32 v26, v10  }
0x1c4: {  	v23 =	vadd.f32 v24, v23;
	v24 =	vmul.f32 v27, v10;
	v27 =	vld [tilespmem:s18+$0xFFFFFFA0]  }
0x1c5: {  	v58 =	vld [tilespmem:s18+$0x2A0];
	v19 =	vadd.f32 v22, v19;
	v22 =	vmul.f32 v29, v10  }
0x1c6: {  	v20 =	vadd.f32 v24, v20;
	v24 =	vmul.f32 v30, v10;
	v30 =	vld [tilespmem:s18+$0x80];
	v1 =	vmul.f32 v1, v43  }
0x1c7: {  	v26 =	vld [tilespmem:s18+$0xFFFFFF90];
	v21 =	vadd.f32 v22, v21;
	v22 =	vmul.f32 v25, v9  }
0x1c8: {  	[tilespmem:$0x1FF80] =	vst v1;
	v1 =	vld [tilespmem:$0x1FF90]  }
0x1c9: {  	v29 =	vld [tilespmem:s18+$0xFFFFFFB0];
	v19 =	vadd.f32 v22, v19;
	v22 =	vmul.f32 v27, v9  }
0x1ca: {  	v60 =	vld [tilespmem:s18+$0x2B0]  }
0x1cb: {  	v25 =	vld [tilespmem:s18+$0x90];
	v21 =	vadd.f32 v22, v21;
	v22 =	vmul.f32 v30, v8  }
0x1cc: {  	v61 =	vld [tilespmem:s18+$0x2C0];
	v23 =	vadd.f32 v24, v23;
	v24 =	vmul.f32 v26, v9  }
0x1cd: {  	v19 =	vadd.f32 v22, v19;
	v22 =	vmul.f32 v1, v45;
	v1 =	vld [tilespmem:$0x1FFA0]  }
0x1ce: {  	v0 =	vld [tilespmem:s18+$0x180];
	v20 =	vadd.f32 v24, v20;
	v24 =	vmul.f32 v29, v9  }
0x1cf: {  	v17 =	vld [tilespmem:s18+$0x190]  }
0x1d0: {  	v26 =	vld [tilespmem:s18+$0xA0];
	v23 =	vadd.f32 v24, v23;
	v24 =	vmul.f32 v25, v8  }
0x1d1: {  	v18 =	vld [tilespmem:s18+$0x1B0]  }
0x1d2: {  	v20 =	vadd.f32 v24, v20;
	v24 =	vmul.f32 v1, v45;
	v1 =	vld [tilespmem:$0x1FFB0]  }
0x1d3: {  	v48 =	vmul.f32 v33, v57;
	v33 =	vld [tilespmem:s18+$0xFFFFFFD0]  }
0x1d4: {  	v40 =	vld [tilespmem:s18+$0xFFFFFBD0]  }
0x1d5: {  	v32 =	vld [tilespmem:s18+$0xFFFFFFC0];
	v26 =	vmul.f32 v26, v8  }
0x1d6: {  	v27 =	vld [tilespmem:s18+$0xB0]  }
0x1d7: {  	v21 =	vadd.f32 v26, v21;
	v26 =	vmul.f32 v1, v45;
	v1 =	vld [tilespmem:$0x1FFC0]  }
0x1d8: {  	v35 =	vld [tilespmem:s18+$0xFFFFFED0]  }
0x1d9: {  	v61 =	vmul.f32 v61, v5;
	v31 =	vld [tilespmem:s18+$0xD0]  }
0x1da: {  	v53 =	vmul.f32 v53, v45;
	v0 =	vmul.f32 v0, v46;
	v29 =	vld [tilespmem:s18+$0x1C0]  }
0x1db: {  	v17 =	vmul.f32 v17, v46;
	v18 =	vmul.f32 v18, v46;
	v30 =	vld [tilespmem:s18+$0x1D0]  }
0x1dc: {  	v27 =	vmul.f32 v27, v8;
	v0 =	vadd.f32 v0, v19;
	v34 =	vmul.f32 v1, v45;
	v1 =	vld [tilespmem:$0x1FFD0]  }
0x1dd: {  	v25 =	vld [tilespmem:s18+$0xC0];
	v19 =	vmul.f32 v28, v46;
	v17 =	vadd.f32 v17, v20;
	v20 =	vmul.f32 v55, v5  }
0x1de: {  	v39 =	vld [tilespmem:s18+$0xFFFFFCD0];
	v23 =	vadd.f32 v27, v23;
	v55 =	vmul.f32 v62, v5;
	v62 =	vmul.f32 v31, v8  }
0x1df: {  	v28 =	vld [tilespmem:s18+$0xFFFFFDD0];
	v19 =	vadd.f32 v19, v21;
	v21 =	vmul.f32 v37, v5;
	v37 =	vmul.f32 v60, v5  }
0x1e0: {  	v27 =	vld [tilespmem:s18+$0xFFFFFEC0];
	v60 =	vmul.f32 v29, v46;
	v18 =	vadd.f32 v18, v23;
	v23 =	vmul.f32 v58, v5  }
0x1e1: {  	v4 =	vimm.f32 $0.0e+00;
	v58 =	vmul.f32 v30, v46;
	v30 =	vld [tilespmem:s18+$0xFFFFFBC0];
	v1 =	vmul.f32 v1, v45  }
0x1e2: {  	[tilespmem:$0x1FE20] =	vst v2;
	v38 =	vld [tilespmem:s18+$0xFFFFFCC0];
	v2 =	vmul.f32 v25, v8;
	v0 =	vadd.f32 v20, v0;
	v20 =	vmul.f32 v35, v10  }
0x1e3: {  	v44 =	vmovc v5;
	v5 =	vimm.f32 $0.0e+00;
	v21 =	vadd.f32 v21, v17;
	v17 =	vmul.f32 v32, v9;
	[tilespmem:$0x1FFE0] =	vst v1;
	v1 =	vld [tilespmem:s18+$0xFFFFFDC0]  }
0x1e4: {  	v31 =	vld [tilespmem:s18+$0xFFFFFAC0];
	v19 =	vadd.f32 v23, v19;
	v37 =	vadd.f32 v37, v18;
	v18 =	vmul.f32 v33, v9  }
0x1e5: {  	v47 =	vmovc v9;
	v23 =	vmul.f32 v28, v11;
	v33 =	vld [tilespmem:s18+$0xFFFFF9C0];
	v9 =	vimm.f32 $0.0e+00;
	v25 =	vmul.f32 v27, v10  }
0x1e6: {  	v27 =	vld [tilespmem:s18+$0xFFFFFAD0];
	v28 =	vmul.f32 v30, v13;
	v32 =	vadd.f32 v22, v0;
	v29 =	vadd.f32 v24, v21  }
0x1e7: {  	v42 =	vmovc v3;
	v30 =	vld [tilespmem:s18+$0xFFFFF9D0];
	v24 =	vmul.f32 v38, v49;
	v21 =	vmul.f32 v39, v49;
	v22 =	vadd.f32 v26, v19  }
0x1e8: {  	s19 =	simm.s32 $0x40;
	[tilespmem:$0x1FFF0] =	vst v2;
	v26 =	vmul.f32 v40, v13;
	v19 =	vadd.f32 v34, v37;
	v34 =	vld [tilespmem:s18+$0xFFFFF8C0];
	v0 =	vmul.f32 v1, v11  }
.LBB2_5:
0x1e9: {  	v1 =	vld [tilespmem:$0x1FEF0];
	_ =	sdelay $0x4  }
0x1ea: {  	v32 =	vadd.f32 v1, v32;
	v1 =	vld [tilespmem:$0x1FF20];
	_ =	sdelay $0x4  }
0x1eb: {  	v22 =	vadd.f32 v1, v22;
	v1 =	vld [tilespmem:$0x1FF40];
	_ =	sdelay $0x4  }
0x1ec: {  	v19 =	vadd.f32 v1, v19;
	v1 =	vld [tilespmem:$0x1FE80];
	_ =	sdelay $0x4  }
0x1ed: {  	v32 =	vadd.f32 v1, v32;
	v1 =	vld [tilespmem:$0x1FE90];
	_ =	sdelay $0x2  }
0x1ee: {  	v29 =	vadd.f32 v36, v29;
	_ =	sdelay $0x1  }
0x1ef: {  	v29 =	vadd.f32 v1, v29;
	v1 =	vld [tilespmem:$0x1FEA0];
	_ =	sdelay $0x4  }
0x1f0: {  	v22 =	vadd.f32 v1, v22;
	v1 =	vld [tilespmem:$0x1FE30];
	_ =	sdelay $0x4  }
0x1f1: {  	v32 =	vadd.f32 v1, v32;
	v1 =	vld [tilespmem:$0x1FE40];
	_ =	sdelay $0x4  }
0x1f2: {  	v29 =	vadd.f32 v1, v29;
	v1 =	vld [tilespmem:$0x1FE50];
	_ =	sdelay $0x4  }
0x1f3: {  	v22 =	vadd.f32 v1, v22;
	v1 =	vld [tilespmem:$0x1FE20];
	_ =	sdelay $0x4  }
0x1f4: {  	v1 =	vadd.f32 v1, v32  }
0x1f5: {  	[tilespmem:$0x1FA40] =	vst v56;
	v35 =	vld [tilespmem:s18+$0xFFFFF8D0]  }
0x1f6: {  	v56 =	vld [tilespmem:s18+$0xFFFFF8E0];
	v19 =	vadd.f32 v41, v19;
	[tilespmem:$0x1FBB0] =	vst v1;
	v1 =	vadd.f32 v7, v29  }
0x1f7: {  	v37 =	vld [tilespmem:s18+$0xFFFFF8F0]  }
0x1f8: {  	v38 =	vld [tilespmem:s18+$0xFFFFF9E0];
	v34 =	vmul.f32 v34, v52;
	v19 =	vadd.f32 v16, v19;
	[tilespmem:$0x1FBC0] =	vst v1;
	v1 =	vadd.f32 v12, v22  }
0x1f9: {  	v39 =	vld [tilespmem:s18+$0xFFFFF9F0];
	v31 =	vmul.f32 v31, v50;
	v27 =	vmul.f32 v27, v50  }
0x1fa: {  	v40 =	vld [tilespmem:s18+$0xFFFFFAE0];
	v33 =	vmul.f32 v33, v15;
	[tilespmem:$0x1FBD0] =	vst v1;
	v1 =	vadd.f32 v14, v19;
	v19 =	vadd.f32 v34, v6  }
0x1fb: {  	v35 =	vmul.f32 v35, v52;
	v36 =	vmul.f32 v56, v52;
	v41 =	vld [tilespmem:s18+$0xFFFFFAF0]  }
0x1fc: {  	v30 =	vmul.f32 v30, v15;
	v16 =	vmul.f32 v37, v52;
	v29 =	vld [tilespmem:s18+$0xFFFFFBE0];
	v19 =	vadd.f32 v33, v19  }
0x1fd: {  	[tilespmem:$0x1FA30] =	vst v59;
	v56 =	vld [tilespmem:s18+$0xFFFFFCF0];
	v59 =	vadd.f32 v36, v5;
	v32 =	vmul.f32 v38, v15;
	v22 =	vadd.f32 v35, v4  }
0x1fe: {  	v16 =	vadd.f32 v16, v9;
	v15 =	vmul.f32 v39, v15;
	v34 =	vld [tilespmem:s18+$0xFFFFFBF0];
	v19 =	vadd.f32 v31, v19  }
0x1ff: {  	v52 =	vld [tilespmem:s18+$0xFFFFFCE0];
	v32 =	vadd.f32 v32, v59;
	v22 =	vadd.f32 v30, v22;
	v30 =	vmul.f32 v40, v50  }
0x200: {  	v15 =	vadd.f32 v15, v16;
	v16 =	vld [tilespmem:s18+$0xFFFFFDE0];
	v14 =	vmul.f32 v41, v50;
	v19 =	vadd.f32 v28, v19  }
0x201: {  	v22 =	vadd.f32 v27, v22;
	v27 =	vmul.f32 v29, v13;
	v29 =	vld [tilespmem:s18+$0xFFFFFDF0];
	v30 =	vadd.f32 v30, v32  }
0x202: {  	v14 =	vadd.f32 v14, v15;
	v15 =	vld [tilespmem:s18+$0xFFFFFEE0];
	v19 =	vadd.f32 v24, v19  }
0x203: {  	[tilespmem:$0x1FBE0] =	vst v1;
	v1 =	vld [tilespmem:$0x1FFF0];
	v22 =	vadd.f32 v26, v22;
	v13 =	vmul.f32 v34, v13  }
0x204: {  	v12 =	vmul.f32 v56, v49;
	v27 =	vadd.f32 v27, v30;
	v28 =	vld [tilespmem:s18+$0xFFFFFEF0];
	v0 =	vadd.f32 v0, v19  }
0x205: {  	v26 =	vmul.f32 v52, v49;
	v21 =	vadd.f32 v21, v22;
	v22 =	vld [tilespmem:s18+$0xFFFFFFF0];
	v13 =	vadd.f32 v13, v14  }
0x206: {  	v16 =	vmul.f32 v16, v11;
	v14 =	vld [tilespmem:s18+$0xFFFFFFE0];
	v0 =	vadd.f32 v25, v0  }
0x207: {  	v11 =	vmul.f32 v29, v11;
	v24 =	vadd.f32 v26, v27;
	v12 =	vadd.f32 v12, v13;
	v13 =	vld [tilespmem:s18+$0xE0]  }
0x208: {  	v19 =	vadd.f32 v23, v21;
	v21 =	vld [tilespmem:s18+$0xF0];
	v0 =	vadd.f32 v17, v0  }
0x209: {  	v15 =	vmul.f32 v15, v10;
	v16 =	vadd.f32 v16, v24;
	v11 =	vadd.f32 v11, v12;
	v12 =	vld [tilespmem:s18+$0x1E0]  }
0x20a: {  	v10 =	vmul.f32 v28, v10;
	v19 =	vadd.f32 v20, v19;
	v20 =	vld [tilespmem:s18+$0x1F0];
	v0 =	vadd.f32 v1, v0  }
0x20b: {  	v14 =	vmul.f32 v14, v47;
	v15 =	vadd.f32 v15, v16;
	v1 =	vld [tilespmem:$0x1FFE0]  }
0x20c: {  	v9 =	vmul.f32 v22, v47;
	v10 =	vadd.f32 v10, v11;
	v11 =	vld [tilespmem:s18+$0x2E0];
	v0 =	vadd.f32 v60, v0  }
0x20d: {  	v16 =	vadd.f32 v18, v19;
	v13 =	vmul.f32 v13, v8;
	v17 =	vld [tilespmem:s18+$0x2F0];
	v14 =	vadd.f32 v14, v15  }
0x20e: {  	v9 =	vadd.f32 v9, v10;
	v8 =	vmul.f32 v21, v8;
	v10 =	vld [tilespmem:s18+$0x3E0];
	v0 =	vadd.f32 v61, v0  }
0x20f: {  	v15 =	vadd.f32 v62, v16;
	v12 =	vmul.f32 v12, v46;
	v16 =	vld [tilespmem:s18+$0x3F0];
	v13 =	vadd.f32 v13, v14  }
0x210: {  	v8 =	vadd.f32 v8, v9;
	v0 =	vadd.f32 v1, v0;
	v1 =	vld [tilespmem:$0x1FF60]  }
0x211: {  	v7 =	vmul.f32 v20, v46;
	v9 =	vld [tilespmem:s18+$0x4E0];
	v11 =	vmul.f32 v11, v44;
	v12 =	vadd.f32 v12, v13  }
0x212: {  	v14 =	vadd.f32 v58, v15;
	v15 =	vld [tilespmem:s18+$0x4F0]  }
0x213: {  	v7 =	vadd.f32 v7, v8;
	v8 =	vld [tilespmem:s18+$0x5E0];
	v10 =	vmul.f32 v10, v45;
	v11 =	vadd.f32 v11, v12  }
0x214: {  	v5 =	vmul.f32 v17, v44;
	v13 =	vadd.f32 v55, v14;
	v14 =	vld [tilespmem:s18+$0x5F0]  }
0x215: {  	v10 =	vadd.f32 v10, v11;
	v11 =	vadd.f32 v1, v0;
	v0 =	vld [tilespmem:$0x1FF80]  }
0x216: {  	v5 =	vadd.f32 v5, v7;
	v6 =	vmul.f32 v16, v45;
	v7 =	vld [tilespmem:s18+$0x6E0]  }
0x217: {  	v12 =	vadd.f32 v53, v13;
	v13 =	vld [tilespmem:s18+$0x6F0]  }
0x218: {  	v5 =	vadd.f32 v6, v5;
	v6 =	vld [tilespmem:s18+$0x7E0]  }
0x219: {  	v4 =	vmul.f32 v15, v43;
	v15 =	vld [tilespmem:s18+$0x7F0];
	s18 =	sadd.s32 $0x1000, s18  }
0x21a: {  	v12 =	vadd.f32 v0, v12;
	v0 =	vld [tilespmem:s18+$0x710];
	_ =	sdelay $0x3  }
0x21b: {  	v22 =	vld [tilespmem:s18+$0x700]  }
0x21c: {  	[tilespmem:$0x1F9B0] =	vst v0;
	v0 =	vld [tilespmem:$0x1FEC0]  }
0x21d: {  	v23 =	vld [tilespmem:s18+$0x7A0]  }
0x21e: {  	v24 =	vld [tilespmem:s18+$0x7B0]  }
0x21f: {  	v26 =	vld [tilespmem:s18+$0x7D0]  }
0x220: {  	v27 =	vld [tilespmem:s18+$0x600]  }
0x221: {  	v4 =	vadd.f32 v4, v5;
	v5 =	vadd.f32 v0, v11;
	v0 =	vld [tilespmem:s18+$0x720]  }
0x222: {  	v28 =	vld [tilespmem:s18+$0x610]  }
0x223: {  	v29 =	vld [tilespmem:s18+$0x620]  }
0x224: {  	v30 =	vld [tilespmem:s18+$0x630]  }
0x225: {  	v31 =	vld [tilespmem:s18+$0x680]  }
0x226: {  	[tilespmem:$0x1F9C0] =	vst v0;
	v0 =	vld [tilespmem:$0x1FE60]  }
0x227: {  	v32 =	vld [tilespmem:s18+$0x690]  }
0x228: {  	v33 =	vld [tilespmem:s18+$0x6A0]  }
0x229: {  	v34 =	vld [tilespmem:s18+$0x6B0];
	v3 =	vmul.f32 v14, v42  }
0x22a: {  	v35 =	vld [tilespmem:s18+$0x6C0]  }
0x22b: {  	v3 =	vadd.f32 v3, v4;
	v4 =	vadd.f32 v0, v5;
	v0 =	vld [tilespmem:$0x1FE70]  }
0x22c: {  	v9 =	vmul.f32 v9, v43;
	v36 =	vld [tilespmem:s18+$0x6D0]  }
0x22d: {  	v37 =	vld [tilespmem:s18+$0x500]  }
0x22e: {  	v9 =	vadd.f32 v9, v10;
	v38 =	vld [tilespmem:s18+$0x510];
	v10 =	vadd.f32 v51, v12  }
0x22f: {  	v39 =	vld [tilespmem:s18+$0x520]  }
0x230: {  	v5 =	vadd.f32 v0, v10;
	v0 =	vld [tilespmem:s18+$0x780]  }
0x231: {  	v40 =	vld [tilespmem:s18+$0x530]  }
0x232: {  	v41 =	vld [tilespmem:s18+$0x580]  }
0x233: {  	v20 =	vld [tilespmem:s18+$0x590]  }
0x234: {  	v21 =	vld [tilespmem:s18+$0x5B0]  }
0x235: {  	[tilespmem:$0x1F9D0] =	vst v0;
	v0 =	vld [tilespmem:s18+$0x790]  }
0x236: {  	v25 =	vld [tilespmem:s18+$0x5D0]  }
0x237: {  	v50 =	vld [tilespmem:s18+$0x430]  }
0x238: {  	v8 =	vmul.f32 v8, v42;
	v52 =	vld [tilespmem:s18+$0x490]  }
0x239: {  	s20 =	sshra.s32 s19, $0x2;
	v53 =	vld [tilespmem:s18+$0x4A0];
	v7 =	vmul.f32 v7, v63  }
0x23a: {  	v8 =	vadd.f32 v8, v9;
	v1 =	vmul.f32 v15, v57;
	v15 =	vld [tilespmem:s20+$0x7E80];
	[tilespmem:$0x1F9E0] =	vst v0;
	v0 =	vadd.f32 v54, v4  }
0x23b: {  	v55 =	vld [tilespmem:s18+$0x4B0];
	v2 =	vmul.f32 v13, v63  }
0x23c: {  	v58 =	vld [tilespmem:s18+$0x4D0];
	v6 =	vmul.f32 v6, v57;
	v7 =	vadd.f32 v7, v8;
	[tilespmem:$0x1FC80] =	vst v0;
	v0 =	vadd.f32 v48, v5  }
0x23d: {  	v60 =	vld [tilespmem:s18+$0x300]  }
0x23e: {  	v19 =	vld [tilespmem:s18+$0x3B0];
	v2 =	vadd.f32 v2, v3;
	[tilespmem:$0x1FD40] =	vst v0;
	v0 =	vadd.f32 v6, v7  }
0x23f: {  	v61 =	vld [tilespmem:s18+$0x310];
	v12 =	vbroadcast v15, $0xF  }
0x240: {  	v62 =	vld [tilespmem:s18+$0x320];
	v42 =	vbroadcast v15, $0xD;
	[tilespmem:$0x1FCE0] =	vst v0;
	v0 =	vadd.f32 v1, v2  }
0x241: {  	v9 =	vld [tilespmem:s18+$0x730];
	v45 =	vbroadcast v15, $0xB;
	v8 =	vmul.f32 v22, v12  }
0x242: {  	v20 =	vmul.f32 v20, v42;
	[tilespmem:$0x1FD10] =	vst v0;
	v0 =	vld [tilespmem:s18+$0x5A0]  }
0x243: {  	v19 =	vmul.f32 v19, v45;
	[tilespmem:$0x1FB70] =	vst v8;
	v8 =	vld [tilespmem:$0x1F9B0]  }
0x244: {  	v23 =	vmul.f32 v23, v12;
	[tilespmem:$0x1FE90] =	vst v20;
	v10 =	vld [tilespmem:s18+$0x7C0]  }
0x245: {  	[tilespmem:$0x1FD30] =	vst v19;
	v22 =	vld [tilespmem:$0x1F9C0]  }
0x246: {  	v56 =	vld [tilespmem:s18+$0x390];
	v9 =	vmul.f32 v9, v12;
	[tilespmem:$0x1FBF0] =	vst v23  }
0x247: {  	v59 =	vld [tilespmem:s18+$0x3A0];
	v23 =	vmul.f32 v24, v12;
	[tilespmem:$0x1F9F0] =	vst v0  }
0x248: {  	[tilespmem:$0x1FBA0] =	vst v9;
	v8 =	vmul.f32 v8, v12;
	v20 =	vld [tilespmem:$0x1F9F0]  }
0x249: {  	[tilespmem:$0x1FC00] =	vst v23;
	v10 =	vmul.f32 v10, v12;
	v0 =	vld [tilespmem:s18+$0x5C0]  }
0x24a: {  	v18 =	vld [tilespmem:s18+$0x3C0];
	[tilespmem:$0x1FB80] =	vst v8;
	v22 =	vmul.f32 v22, v12  }
0x24b: {  	v17 =	vld [tilespmem:s18+$0x3D0];
	[tilespmem:$0x1FA50] =	vst v10;
	v10 =	vmul.f32 v26, v12  }
0x24c: {  	v47 =	vbroadcast v15, $0xE;
	[tilespmem:$0x1FB90] =	vst v22;
	v22 =	vld [tilespmem:$0x1F9D0]  }
0x24d: {  	v63 =	vld [tilespmem:s18+$0x380];
	[tilespmem:$0x1FC10] =	vst v10;
	v20 =	vmul.f32 v20, v42  }
0x24e: {  	v57 =	vld [tilespmem:s18+$0x4C0];
	v26 =	vmul.f32 v35, v47;
	[tilespmem:$0x1FA00] =	vst v0  }
0x24f: {  	v10 =	vmul.f32 v27, v47;
	[tilespmem:$0x1FEA0] =	vst v20;
	v20 =	vld [tilespmem:$0x1FA00]  }
0x250: {  	[tilespmem:$0x1FE60] =	vst v26;
	v26 =	vmul.f32 v36, v47;
	v0 =	vld [tilespmem:s18+$0x400]  }
0x251: {  	v3 =	vld [tilespmem:s18+$0x210];
	v22 =	vmul.f32 v22, v12;
	[tilespmem:$0x1FB30] =	vst v10  }
0x252: {  	v51 =	vld [tilespmem:s18+$0x480];
	v10 =	vmul.f32 v28, v47;
	[tilespmem:$0x1FE70] =	vst v26  }
0x253: {  	v9 =	vld [tilespmem:s18+$0x2A0];
	[tilespmem:$0x1FE20] =	vst v22  }
0x254: {  	v24 =	vld [tilespmem:s18+$0x2D0];
	[tilespmem:$0x1FB40] =	vst v10;
	v20 =	vmul.f32 v20, v42  }
0x255: {  	v23 =	vld [tilespmem:s18+$0x2C0];
	v26 =	vmul.f32 v37, v42;
	[tilespmem:$0x1FA10] =	vst v0  }
0x256: {  	v10 =	vmul.f32 v29, v47;
	[tilespmem:$0x1FEC0] =	vst v20;
	v20 =	vld [tilespmem:$0x1FA10]  }
0x257: {  	v8 =	vld [tilespmem:s18+$0x290];
	[tilespmem:$0x1FAE0] =	vst v26;
	v26 =	vmul.f32 v38, v42  }
0x258: {  	v43 =	vbroadcast v15, $0xC;
	v48 =	vld [tilespmem:s18+$0x410];
	[tilespmem:$0x1FB50] =	vst v10;
	v10 =	vmul.f32 v30, v47  }
0x259: {  	v44 =	vbroadcast v15, $0xA;
	[tilespmem:$0x1FAF0] =	vst v26;
	v26 =	vmul.f32 v39, v42;
	v0 =	vld [tilespmem:s18+$0x420]  }
0x25a: {  	v19 =	vmul.f32 v17, v45;
	v22 =	vld [tilespmem:$0x1F9E0];
	[tilespmem:$0x1FB60] =	vst v10;
	v10 =	vmul.f32 v31, v47  }
0x25b: {  	v17 =	vmul.f32 v23, v44;
	v23 =	vld [tilespmem:s18+$0xFFFFFD10];
	[tilespmem:$0x1FB00] =	vst v26;
	v20 =	vmul.f32 v20, v43  }
0x25c: {  	v27 =	vld [tilespmem:s18+$0x100];
	[tilespmem:$0x1FE30] =	vst v10  }
0x25d: {  	v7 =	vld [tilespmem:s18+$0x280];
	[tilespmem:$0x1FAA0] =	vst v20;
	v20 =	vmul.f32 v48, v43  }
0x25e: {  	v1 =	vld [tilespmem:s18+$0x220];
	v26 =	vmul.f32 v40, v42;
	[tilespmem:$0x1FA20] =	vst v0  }
0x25f: {  	v22 =	vmul.f32 v22, v12;
	[tilespmem:$0x1FAB0] =	vst v20;
	v20 =	vld [tilespmem:$0x1FA20]  }
0x260: {  	v36 =	vld [tilespmem:s18+$0x180];
	v10 =	vmul.f32 v32, v47;
	[tilespmem:$0x1FB10] =	vst v26  }
0x261: {  	v54 =	vld [tilespmem:s18+$0x330];
	v26 =	vmul.f32 v41, v42;
	[tilespmem:$0x1FCD0] =	vst v22  }
0x262: {  	v28 =	vld [tilespmem:s18+$0x110];
	[tilespmem:$0x1FE40] =	vst v10;
	v10 =	vmul.f32 v33, v47  }
0x263: {  	v37 =	vld [tilespmem:s18+$0x190];
	[tilespmem:$0x1FE80] =	vst v26;
	v33 =	vmul.f32 v1, v44;
	v1 =	vmul.f32 v7, v44  }
0x264: {  	v29 =	vld [tilespmem:s18+$0x120];
	[tilespmem:$0x1FE50] =	vst v10;
	v20 =	vmul.f32 v20, v43  }
0x265: {  	v38 =	vld [tilespmem:s18+$0x1A0];
	v10 =	vmul.f32 v34, v47;
	[tilespmem:$0x1FC90] =	vst v1  }
0x266: {  	v22 =	vld [tilespmem:s18+$0x2B0];
	[tilespmem:$0x1FAC0] =	vst v20;
	v20 =	vmul.f32 v50, v43  }
0x267: {  	v6 =	vld [tilespmem:s18+$0x230];
	v1 =	vmul.f32 v8, v44;
	[tilespmem:$0x1FC50] =	vst v10  }
0x268: {  	v41 =	vld [tilespmem:s18+$0x1D0];
	[tilespmem:$0x1FAD0] =	vst v20;
	v20 =	vmul.f32 v51, v43  }
0x269: {  	v39 =	vld [tilespmem:s18+$0x1B0];
	[tilespmem:$0x1FCA0] =	vst v1;
	v1 =	vmul.f32 v9, v44  }
0x26a: {  	v40 =	vld [tilespmem:s18+$0x1C0];
	[tilespmem:$0x1FEF0] =	vst v20;
	v20 =	vmul.f32 v52, v43  }
0x26b: {  	v46 =	vbroadcast v15, $0x9;
	v7 =	vld [tilespmem:s18+$0xFFFFFE00];
	[tilespmem:$0x1FCB0] =	vst v1;
	v1 =	vmul.f32 v22, v44  }
0x26c: {  	v30 =	vmul.f32 v3, v44;
	v8 =	vld [tilespmem:s18+$0xFFFFFC10];
	[tilespmem:$0x1FB20] =	vst v20;
	v20 =	vmul.f32 v53, v43  }
0x26d: {  	v3 =	vmul.f32 v41, v46;
	v41 =	vld [tilespmem:s18+$0xFFFFFA00];
	[tilespmem:$0x1FCC0] =	vst v1;
	v1 =	vmul.f32 v36, v46  }
0x26e: {  	v10 =	vld [tilespmem:s18+$0x130];
	[tilespmem:$0x1FF20] =	vst v20;
	v20 =	vmul.f32 v55, v43  }
0x26f: {  	v9 =	vmul.f32 v24, v44;
	v24 =	vld [tilespmem:s18+$0xFFFFFD00];
	[tilespmem:$0x1FC30] =	vst v1;
	v1 =	vmul.f32 v37, v46  }
0x270: {  	v22 =	vld [tilespmem:s18+$0xFFFFFE10];
	[tilespmem:$0x1FF40] =	vst v20;
	v20 =	vmul.f32 v57, v43  }
0x271: {  	v36 =	vld [tilespmem:$0x1FA30];
	[tilespmem:$0x1FC40] =	vst v1;
	v1 =	vmul.f32 v38, v46  }
0x272: {  	v0 =	vld [tilespmem:s18+$0x200];
	[tilespmem:$0x1FF60] =	vst v20;
	v20 =	vmul.f32 v58, v43  }
0x273: {  	[tilespmem:$0x1FC60] =	vst v1;
	v1 =	vmul.f32 v39, v46;
	v48 =	vld [tilespmem:s18+$0x0]  }
0x274: {  	v26 =	vmul.f32 v10, v46;
	v10 =	vld [tilespmem:s18+$0xFFFFFC00];
	[tilespmem:$0x1FF80] =	vst v20;
	v20 =	vmul.f32 v60, v45  }
0x275: {  	v49 =	vbroadcast v15, $0x8;
	v18 =	vmul.f32 v18, v45;
	v39 =	vld [tilespmem:s18+$0xFFFFFB00];
	[tilespmem:$0x1FC70] =	vst v1  }
0x276: {  	v1 =	vmul.f32 v40, v46;
	v40 =	vld [tilespmem:s18+$0xFFFFFB10];
	[tilespmem:$0x1FA60] =	vst v20;
	v20 =	vmul.f32 v61, v45  }
0x277: {  	[tilespmem:$0x1FFE0] =	vst v18;
	v31 =	vmul.f32 v0, v44;
	v0 =	vld [tilespmem:s18+$0xFFFFFF00]  }
0x278: {  	v18 =	vmul.f32 v48, v49;
	v48 =	vld [tilespmem:s18+$0xFFFFFA10];
	[tilespmem:$0x1FA70] =	vst v20;
	v20 =	vmul.f32 v62, v45  }
0x279: {  	v50 =	vld [tilespmem:s18+$0x10]  }
0x27a: {  	[tilespmem:$0x1FA80] =	vst v20;
	v20 =	vmul.f32 v54, v45;
	v54 =	vld [tilespmem:s18+$0xA0]  }
0x27b: {  	v14 =	vbroadcast v15, $0x6;
	v11 =	vbroadcast v15, $0x5;
	v51 =	vld [tilespmem:$0x1FE00]  }
0x27c: {  	v16 =	vbroadcast v15, $0x4;
	v52 =	vld [tilespmem:s18+$0x20];
	[tilespmem:$0x1FA90] =	vst v20;
	v20 =	vmul.f32 v63, v45  }
0x27d: {  	v13 =	vbroadcast v15, $0x3;
	v23 =	vmul.f32 v23, v11;
	v53 =	vld [tilespmem:s18+$0x30]  }
0x27e: {  	v35 =	vmul.f32 v21, v42;
	v60 =	vld [tilespmem:s18+$0x90];
	[tilespmem:$0x1FCF0] =	vst v20;
	v20 =	vmul.f32 v56, v45  }
0x27f: {  	v4 =	vbroadcast v15, $0x0;
	v38 =	vmul.f32 v54, v49;
	v54 =	vld [tilespmem:s18+$0xFFFFF800]  }
0x280: {  	v5 =	vbroadcast v15, $0x7;
	[tilespmem:$0x1FD00] =	vst v20;
	v20 =	vmul.f32 v59, v45;
	v59 =	vld [tilespmem:s18+$0xD0]  }
0x281: {  	v21 =	vmul.f32 v27, v46;
	v27 =	vmul.f32 v52, v49;
	v52 =	vld [tilespmem:s18+$0xFFFFF900]  }
0x282: {  	v2 =	vbroadcast v15, $0x2;
	v15 =	vbroadcast v15, $0x1;
	v61 =	vld [tilespmem:s18+$0xFFFFF820]  }
0x283: {  	v32 =	vmul.f32 v6, v44;
	v34 =	vmul.f32 v25, v42;
	v63 =	vld [tilespmem:s18+$0xB0]  }
0x284: {  	v25 =	vmul.f32 v29, v46;
	v37 =	vmul.f32 v60, v49;
	v56 =	vld [tilespmem:s18+$0xC0]  }
0x285: {  	v54 =	vmul.f32 v4, v54;
	v60 =	vmul.f32 v59, v49;
	v59 =	vld [tilespmem:s18+$0xFFFFF810]  }
0x286: {  	[tilespmem:$0x1FD20] =	vst v20;
	v20 =	vmul.f32 v28, v46;
	v28 =	vmul.f32 v53, v49;
	v53 =	vld [tilespmem:s18+$0xFFFFF910]  }
0x287: {  	v7 =	vmul.f32 v7, v14;
	v52 =	vmul.f32 v52, v15;
	v54 =	vadd.f32 v54, v51;
	v51 =	vld [tilespmem:$0x1FE10]  }
0x288: {  	v8 =	vmul.f32 v8, v16;
	v57 =	vld [tilespmem:s18+$0x80];
	v6 =	vmul.f32 v63, v49  }
0x289: {  	v41 =	vmul.f32 v41, v2;
	v24 =	vmul.f32 v24, v11;
	v58 =	vld [tilespmem:s18+$0xFFFFFF10];
	v52 =	vadd.f32 v52, v54  }
0x28a: {  	v62 =	vld [tilespmem:s18+$0xFFFFF930];
	[tilespmem:$0x1FC20] =	vst v6;
	v6 =	vmul.f32 v56, v49;
	v59 =	vmul.f32 v59, v4  }
0x28b: {  	v39 =	vmul.f32 v39, v13;
	v61 =	vmul.f32 v61, v4;
	v63 =	vld [tilespmem:s18+$0xFFFFF830];
	v41 =	vadd.f32 v41, v52  }
0x28c: {  	v22 =	vmul.f32 v22, v14;
	[tilespmem:$0x1FFF0] =	vst v6;
	v6 =	vld [tilespmem:s18+$0xFFFFF920];
	v53 =	vmul.f32 v53, v15;
	v59 =	vadd.f32 v59, v51  }
0x28d: {  	v10 =	vmul.f32 v10, v16;
	v61 =	vadd.f32 v61, v36;
	v36 =	vld [tilespmem:$0x1FA40];
	v39 =	vadd.f32 v39, v41  }
0x28e: {  	v40 =	vmul.f32 v40, v13;
	v48 =	vmul.f32 v48, v2;
	v55 =	vld [tilespmem:s18+$0xFFFFFA20];
	v53 =	vadd.f32 v53, v59  }
0x28f: {  	v0 =	vmul.f32 v0, v5;
	v29 =	vmul.f32 v57, v49;
	v57 =	vld [tilespmem:s18+$0xFFFFFA30];
	v10 =	vadd.f32 v10, v39  }
0x290: {  	v56 =	vmul.f32 v58, v5;
	v58 =	vld [tilespmem:s18+$0xFFFFFB20];
	v63 =	vmul.f32 v63, v4;
	v48 =	vadd.f32 v48, v53  }
0x291: {  	v50 =	vmul.f32 v50, v49;
	v6 =	vmul.f32 v6, v15;
	v51 =	vld [tilespmem:s18+$0xFFFFFB30];
	v10 =	vadd.f32 v24, v10  }
0x292: {  	v62 =	vmul.f32 v62, v15;
	v63 =	vadd.f32 v63, v36;
	v36 =	vld [tilespmem:s18+$0xFFFFFC20];
	v40 =	vadd.f32 v40, v48  }
0x293: {  	v54 =	vmul.f32 v55, v2;
	v55 =	vld [tilespmem:s18+$0xFFFFFC30];
	v6 =	vadd.f32 v6, v61;
	v7 =	vadd.f32 v7, v10  }
0x294: {  	v57 =	vmul.f32 v57, v2;
	v61 =	vld [tilespmem:s18+$0xFFFFFD20];
	v59 =	vadd.f32 v62, v63;
	v8 =	vadd.f32 v8, v40  }
0x295: {  	v52 =	vmul.f32 v58, v13;
	v6 =	vadd.f32 v54, v6;
	v53 =	vld [tilespmem:s18+$0xFFFFFD30];
	v0 =	vadd.f32 v0, v7  }
0x296: {  	v54 =	vadd.f32 v57, v59;
	v57 =	vld [tilespmem:s18+$0xFFFFFE20];
	v51 =	vmul.f32 v51, v13;
	v8 =	vadd.f32 v23, v8  }
0x297: {  	v36 =	vmul.f32 v36, v16;
	v6 =	vadd.f32 v52, v6;
	v52 =	vld [tilespmem:s18+$0xFFFFFF20];
	v0 =	vadd.f32 v18, v0  }
0x298: {  	v59 =	vmul.f32 v55, v16;
	v55 =	vmovc v9;
	v9 =	vld [tilespmem:$0x1FA60];
	v48 =	vadd.f32 v51, v54;
	v8 =	vadd.f32 v22, v8  }
0x299: {  	v39 =	vmul.f32 v61, v11;
	v6 =	vadd.f32 v36, v6;
	v0 =	vadd.f32 v21, v0  }
0x29a: {  	v36 =	vadd.f32 v59, v48;
	v48 =	vmul.f32 v53, v11;
	v7 =	vadd.f32 v56, v8  }
0x29b: {  	v41 =	vld [tilespmem:s18+$0xFFFFFE30];
	v6 =	vadd.f32 v39, v6;
	v23 =	vmul.f32 v57, v14;
	v0 =	vadd.f32 v31, v0  }
0x29c: {  	v40 =	vld [tilespmem:s18+$0xFFFFFF30];
	v36 =	vadd.f32 v48, v36;
	v7 =	vadd.f32 v50, v7  }
0x29d: {  	v48 =	vmul.f32 v52, v5;
	v6 =	vadd.f32 v23, v6;
	v0 =	vadd.f32 v9, v0;
	v9 =	vld [tilespmem:$0x1FA70]  }
0x29e: {  	v52 =	vld [tilespmem:s18+$0xFFFFFD80];
	v7 =	vadd.f32 v20, v7  }
0x29f: {  	v6 =	vadd.f32 v48, v6  }
0x2a0: {  	v24 =	vld [tilespmem:s18+$0xFFFFFF90];
	v59 =	vmul.f32 v41, v14;
	v50 =	vmov v2;
	v2 =	vadd.f32 v30, v7  }
0x2a1: {  	v10 =	vld [tilespmem:s18+$0xFFFFFE90];
	v6 =	vadd.f32 v27, v6  }
0x2a2: {  	v23 =	vadd.f32 v59, v36;
	v36 =	vmul.f32 v40, v5;
	v2 =	vadd.f32 v9, v2;
	v9 =	vld [tilespmem:$0x1FA80]  }
0x2a3: {  	v51 =	vld [tilespmem:s18+$0xFFFFFF80];
	v27 =	vmul.f32 v52, v11;
	v52 =	vmov v4;
	v4 =	vadd.f32 v25, v6  }
0x2a4: {  	v23 =	vadd.f32 v36, v23  }
0x2a5: {  	v4 =	vadd.f32 v33, v4  }
0x2a6: {  	v57 =	vmov v12;
	v12 =	vmul.f32 v10, v14;
	v10 =	vadd.f32 v28, v23  }
0x2a7: {  	v63 =	vmov v47;
	v4 =	vadd.f32 v9, v4;
	v9 =	vld [tilespmem:$0x1FA90]  }
0x2a8: {  	v47 =	vmovc v5;
	v22 =	vmul.f32 v51, v5;
	v48 =	vmul.f32 v24, v5;
	v5 =	vadd.f32 v26, v10;
	_ =	sdelay $0x1  }
0x2a9: {  	v62 =	vmov v60;
	v60 =	vmov v1;
	v1 =	vadd.f32 v32, v5;
	_ =	sdelay $0x1  }
0x2aa: {  	v1 =	vadd.f32 v9, v1;
	v9 =	vld [tilespmem:$0x1FAA0];
	_ =	sdelay $0x4  }
0x2ab: {  	v0 =	vadd.f32 v9, v0;
	v9 =	vld [tilespmem:$0x1FAB0];
	_ =	sdelay $0x4  }
0x2ac: {  	v2 =	vadd.f32 v9, v2;
	v9 =	vld [tilespmem:$0x1FAC0];
	_ =	sdelay $0x4  }
0x2ad: {  	v4 =	vadd.f32 v9, v4;
	v9 =	vld [tilespmem:$0x1FAD0];
	_ =	sdelay $0x4  }
0x2ae: {  	v1 =	vadd.f32 v9, v1;
	v9 =	vld [tilespmem:$0x1FAE0];
	_ =	sdelay $0x4  }
0x2af: {  	v0 =	vadd.f32 v9, v0;
	v9 =	vld [tilespmem:$0x1FAF0];
	_ =	sdelay $0x4  }
0x2b0: {  	v2 =	vadd.f32 v9, v2;
	v9 =	vld [tilespmem:$0x1FB00];
	_ =	sdelay $0x4  }
0x2b1: {  	v4 =	vadd.f32 v9, v4;
	v9 =	vld [tilespmem:$0x1FB10];
	_ =	sdelay $0x4  }
0x2b2: {  	v1 =	vadd.f32 v9, v1;
	v9 =	vld [tilespmem:$0x1FB30];
	_ =	sdelay $0x4  }
0x2b3: {  	v0 =	vadd.f32 v9, v0;
	v9 =	vld [tilespmem:$0x1FB40];
	_ =	sdelay $0x4  }
0x2b4: {  	v2 =	vadd.f32 v9, v2;
	v9 =	vld [tilespmem:$0x1FB50];
	_ =	sdelay $0x4  }
0x2b5: {  	v4 =	vadd.f32 v9, v4;
	v9 =	vld [tilespmem:$0x1FB60];
	_ =	sdelay $0x3  }
0x2b6: {  	v58 =	vmov v3;
	v3 =	vld [tilespmem:s18+$0xFFFFF980]  }
0x2b7: {  	v1 =	vadd.f32 v9, v1;
	v9 =	vld [tilespmem:$0x1FB70]  }
0x2b8: {  	v61 =	vmov v17;
	v17 =	vld [tilespmem:s18+$0xFFFFF890]  }
0x2b9: {  	v41 =	vld [tilespmem:s18+$0xFFFFFE80]  }
0x2ba: {  	v59 =	vld [tilespmem:s18+$0xFFFFFD90]  }
0x2bb: {  	v53 =	vmov v19;
	v19 =	vld [tilespmem:s18+$0xFFFFFAA0]  }
0x2bc: {  	v18 =	vld [tilespmem:s18+$0xFFFFF8A0];
	v0 =	vadd.f32 v9, v0  }
0x2bd: {  	v51 =	vmov v34;
	v34 =	vld [tilespmem:s18+$0xFFFFFC90]  }
0x2be: {  	[tilespmem:$0x1FE00] =	vst v0;
	v0 =	vld [tilespmem:$0x1FB80]  }
0x2bf: {  	v39 =	vmul.f32 v59, v11;
	v59 =	vld [tilespmem:s18+$0xFFFFF8B0]  }
0x2c0: {  	v9 =	vld [tilespmem:$0x1FB90]  }
0x2c1: {  	v8 =	vld [tilespmem:s18+$0xFFFFFC80]  }
0x2c2: {  	v24 =	vmul.f32 v41, v14;
	v41 =	vmov v35;
	v35 =	vld [tilespmem:s18+$0xFFFFFB80]  }
0x2c3: {  	v56 =	vld [tilespmem:s18+$0xFFFFF880];
	v0 =	vadd.f32 v0, v2  }
0x2c4: {  	v31 =	vld [tilespmem:s18+$0xFFFFF9A0]  }
0x2c5: {  	[tilespmem:$0x1FE10] =	vst v0;
	v0 =	vmul.f32 v59, v52;
	v59 =	vadd.f32 v9, v4;
	v4 =	vld [tilespmem:$0x1FBA0]  }
0x2c6: {  	v23 =	vld [tilespmem:s18+$0xFFFFFB90]  }
0x2c7: {  	v28 =	vld [tilespmem:s18+$0xFFFFFA80]  }
0x2c8: {  	v5 =	vld [tilespmem:s18+$0xFFFFF990]  }
0x2c9: {  	v9 =	vld [tilespmem:$0x1FBD0]  }
0x2ca: {  	v21 =	vmul.f32 v56, v52;
	v56 =	vadd.f32 v4, v1;
	v1 =	vld [tilespmem:$0x1FBB0]  }
0x2cb: {  	v4 =	vld [tilespmem:$0x1FBC0]  }
0x2cc: {  	v18 =	vmul.f32 v18, v52;
	v6 =	vld [tilespmem:s18+$0xFFFFFA90]  }
0x2cd: {  	v3 =	vmul.f32 v3, v15;
	v17 =	vmul.f32 v17, v52;
	v30 =	vld [tilespmem:s18+$0xFFFFF9B0]  }
0x2ce: {  	v8 =	vmul.f32 v8, v16;
	v10 =	vmul.f32 v35, v13;
	v18 =	vadd.f32 v18, v9;
	v9 =	vld [tilespmem:$0x1FBE0]  }
0x2cf: {  	v20 =	vld [tilespmem:s18+$0xFFFFFAB0];
	v7 =	vmul.f32 v34, v16;
	v28 =	vmul.f32 v28, v50  }
0x2d0: {  	v26 =	vld [tilespmem:s18+$0xFFFFFCA0];
	v5 =	vmul.f32 v5, v15;
	v1 =	vadd.f32 v21, v1;
	v4 =	vadd.f32 v17, v4  }
0x2d1: {  	v6 =	vmul.f32 v6, v50;
	v2 =	vld [tilespmem:s18+$0xFFFFFBA0];
	v17 =	vmul.f32 v31, v15  }
0x2d2: {  	v25 =	vmul.f32 v30, v15;
	v21 =	vld [tilespmem:s18+$0xFFFFFBB0];
	v1 =	vadd.f32 v3, v1;
	v3 =	vadd.f32 v5, v4  }
0x2d3: {  	v0 =	vadd.f32 v0, v9;
	v4 =	vmul.f32 v19, v50;
	v17 =	vadd.f32 v17, v18;
	v19 =	vld [tilespmem:s18+$0xFFFFFDA0]  }
0x2d4: {  	v23 =	vmul.f32 v23, v13;
	v5 =	vld [tilespmem:s18+$0xFFFFFCB0];
	v1 =	vadd.f32 v28, v1;
	v3 =	vadd.f32 v6, v3  }
0x2d5: {  	v0 =	vadd.f32 v25, v0;
	v18 =	vmul.f32 v20, v50;
	v4 =	vadd.f32 v4, v17  }
0x2d6: {  	v2 =	vmul.f32 v2, v13;
	v6 =	vld [tilespmem:s18+$0xFFFFFDB0];
	v1 =	vadd.f32 v10, v1;
	v3 =	vadd.f32 v23, v3  }
0x2d7: {  	v20 =	vld [tilespmem:s18+$0xFFFFFEB0];
	v0 =	vadd.f32 v18, v0;
	v17 =	vmul.f32 v21, v13;
	v10 =	vmul.f32 v26, v16  }
0x2d8: {  	v1 =	vadd.f32 v8, v1;
	v3 =	vadd.f32 v7, v3;
	v7 =	vmul.f32 v19, v11;
	v19 =	vld [tilespmem:s18+$0xFFFFFED0]  }
0x2d9: {  	v2 =	vadd.f32 v2, v4;
	v0 =	vadd.f32 v17, v0;
	v4 =	vmul.f32 v5, v16  }
0x2da: {  	v1 =	vadd.f32 v27, v1  }
0x2db: {  	v0 =	vadd.f32 v4, v0;
	v4 =	vmul.f32 v6, v11  }
0x2dc: {  	v2 =	vadd.f32 v10, v2;
	v10 =	vmov v14;
	v1 =	vadd.f32 v24, v1  }
0x2dd: {  	v0 =	vadd.f32 v4, v0;
	v4 =	vmul.f32 v20, v14;
	v20 =	vmul.f32 v19, v10;
	v19 =	vld [tilespmem:$0x1FC30]  }
0x2de: {  	v1 =	vadd.f32 v22, v1  }
0x2df: {  	v18 =	vld [tilespmem:s18+$0xFFFFFEA0];
	v3 =	vadd.f32 v39, v3  }
0x2e0: {  	v1 =	vadd.f32 v29, v1  }
0x2e1: {  	v5 =	vld [tilespmem:s18+$0xFFFFFFA0];
	v3 =	vadd.f32 v12, v3  }
0x2e2: {  	v1 =	vadd.f32 v19, v1;
	v19 =	vld [tilespmem:$0x1FC40]  }
0x2e3: {  	v3 =	vadd.f32 v48, v3  }
0x2e4: {  	v9 =	vmul.f32 v18, v14;
	v2 =	vadd.f32 v7, v2  }
0x2e5: {  	v7 =	vld [tilespmem:s18+$0xFFFFFEC0];
	v3 =	vadd.f32 v37, v3  }
0x2e6: {  	v8 =	vld [tilespmem:s18+$0xFFFFFFB0];
	v5 =	vmul.f32 v5, v47;
	v2 =	vadd.f32 v9, v2  }
0x2e7: {  	v3 =	vadd.f32 v19, v3;
	v19 =	vld [tilespmem:$0x1FC60]  }
0x2e8: {  	v2 =	vadd.f32 v5, v2;
	_ =	sdelay $0x1  }
0x2e9: {  	v25 =	vmul.f32 v7, v10;
	v7 =	vld [tilespmem:$0x1FC20];
	v2 =	vadd.f32 v38, v2  }
0x2ea: {  	v0 =	vadd.f32 v4, v0;
	v4 =	vmul.f32 v8, v47  }
0x2eb: {  	v2 =	vadd.f32 v19, v2;
	v19 =	vld [tilespmem:$0x1FC70]  }
0x2ec: {  	v0 =	vadd.f32 v4, v0;
	_ =	sdelay $0x1  }
0x2ed: {  	v7 =	vadd.f32 v7, v0  }
0x2ee: {  	v54 =	vld [tilespmem:$0x1FA50]  }
0x2ef: {  	v7 =	vadd.f32 v19, v7;
	v19 =	vld [tilespmem:$0x1FC90]  }
0x2f0: {  	v36 =	vld [tilespmem:$0x1FB20]  }
0x2f1: {  	v33 =	vld [tilespmem:s18+$0xFFFFF9C0]  }
0x2f2: {  	v34 =	vld [tilespmem:s18+$0xFFFFF8C0]  }
0x2f3: {  	v30 =	vld [tilespmem:s18+$0xFFFFF9D0]  }
0x2f4: {  	v1 =	vadd.f32 v19, v1;
	v19 =	vld [tilespmem:$0x1FCA0]  }
0x2f5: {  	v31 =	vld [tilespmem:s18+$0xFFFFFAC0]  }
0x2f6: {  	v21 =	vld [tilespmem:s18+$0xFFFFFDC0]  }
0x2f7: {  	v6 =	vld [tilespmem:s18+$0xFFFFFFC0]  }
0x2f8: {  	v18 =	vld [tilespmem:s18+$0xFFFFFFD0]  }
0x2f9: {  	v3 =	vadd.f32 v19, v3;
	v19 =	vld [tilespmem:$0x1FCF0]  }
0x2fa: {  	v27 =	vld [tilespmem:s18+$0xFFFFFAD0]  }
0x2fb: {  	v8 =	vld [tilespmem:s18+$0xFFFFFDD0]  }
0x2fc: {  	v4 =	vld [tilespmem:s18+$0xFFFFFCD0]  }
0x2fd: {  	v14 =	vld [tilespmem:$0x1FC00]  }
0x2fe: {  	v32 =	vadd.f32 v19, v1;
	v1 =	vld [tilespmem:$0x1FD00]  }
0x2ff: {  	v12 =	vld [tilespmem:$0x1FBF0]  }
0x300: {  	v9 =	vld [tilespmem:s18+$0xFFFFFBD0];
	v23 =	vmul.f32 v8, v11;
	v8 =	vmov v49;
	v49 =	vmov v16  }
0x301: {  	v0 =	vmul.f32 v21, v11;
	v21 =	vmul.f32 v4, v49;
	v4 =	vld [tilespmem:$0x1FCB0]  }
0x302: {  	v48 =	vld [tilespmem:$0x1FC10]  }
0x303: {  	v29 =	vadd.f32 v1, v3;
	v1 =	vld [tilespmem:$0x1FD20]  }
0x304: {  	v17 =	vmul.f32 v6, v47;
	v6 =	vld [tilespmem:s18+$0xFFFFFCC0]  }
0x305: {  	v5 =	vld [tilespmem:s18+$0xFFFFFBC0]  }
0x306: {  	v2 =	vadd.f32 v4, v2;
	v4 =	vld [tilespmem:$0x1FCC0]  }
0x307: {  	v26 =	vmul.f32 v9, v13;
	v9 =	vld [tilespmem:$0x1FD10]  }
0x308: {  	p0 =	sne.s32 s19, $0xC0;
	v22 =	vadd.f32 v1, v2;
	v1 =	vld [tilespmem:$0x1FD30]  }
.Ltmp2:
0x309: {  	v16 =	vld [tilespmem:$0x1FC50];
	(pc) =	sbr.rel @p0 .LBB2_5-.Ltmp2, $4  }
0x30a: {  	v24 =	vmul.f32 v6, v49;
	v6 =	vld [tilespmem:$0x1FC80]  }
0x30b: {  	v28 =	vmul.f32 v5, v13;
	v5 =	vld [tilespmem:$0x1FCE0];
	v4 =	vadd.f32 v4, v7  }
0x30c: {  	v7 =	vld [tilespmem:$0x1FCD0]  }
0x30d: {  	s19 =	sadd.s32 $0x40, s19;
	v18 =	vmul.f32 v18, v47;
	v19 =	vadd.f32 v1, v4;
	v4 =	vld [tilespmem:$0x1FD40]  }
0x30e: {  	v1 =	vmul.f32 v34, v52;
	v3 =	vld [tilespmem:$0x1FE00];
	_ =	sdelay $0x1  }
0x30f: {  	v1 =	vadd.f32 v1, v6;
	v6 =	vmul.f32 v31, v50;
	v31 =	vld [tilespmem:$0x1FEF0];
	_ =	sdelay $0x2  }
0x310: {  	v2 =	vmul.f32 v33, v15;
	v3 =	vsub.f32 $0.0e+00, v3;
	_ =	sdelay $0x1  }
0x311: {  	v1 =	vadd.f32 v2, v1;
	v3 =	vmul.f32 $1.442695020e+00, v3;
	v2 =	vadd.f32 v31, v32;
	v32 =	vld [tilespmem:$0x1FE80];
	_ =	sdelay $0x1  }
0x312: {  	v33 =	vld [tilespmem:$0x1FE30];
	v1 =	vadd.f32 v6, v1;
	(erf) = vpow2.f32 v3;
	_ =	sdelay $0x1  }
0x313: {  	v34 =	vld [tilespmem:$0x1FE20];
	v1 =	vadd.f32 v28, v1  }
0x314: {  	v2 =	vadd.f32 v32, v2  }
0x315: {  	v1 =	vadd.f32 v24, v1  }
0x316: {  	v2 =	vadd.f32 v33, v2  }
0x317: {  	v0 =	vadd.f32 v0, v1  }
0x318: {  	v37 =	vld [tilespmem:$0x1FFF0];
	v1 =	vadd.f32 v34, v2  }
0x319: {  	v0 =	vadd.f32 v25, v0  }
0x31a: {  	v35 =	vpop (erf);
	v1 =	vmul.f32 $-2.000000000e+00, v1  }
0x31b: {  	v0 =	vadd.f32 v17, v0;
	v2 =	vadd.f32 $1.000000000e+00, v35  }
0x31c: {  	v1 =	vmul.f32 $1.442695020e+00, v1  }
0x31d: {  	v0 =	vadd.f32 v37, v0;
	(erf) = vrcp.f32 v2  }
0x31e: {  	v38 =	vld [tilespmem:$0x1FFE0];
	(erf) = vpow2.f32 v1  }
0x31f: {  	v0 =	vadd.f32 v60, v0  }
0x320: {  	v39 =	vld [tilespmem:$0x1FF60]  }
0x321: {  	v0 =	vadd.f32 v61, v0  }
0x322: {  	v60 =	vld [tilespmem:$0x1FEC0]  }
0x323: {  	v0 =	vadd.f32 v38, v0  }
0x324: {  	v6 =	vld [tilespmem:$0x1FE60]  }
0x325: {  	v0 =	vadd.f32 v39, v0  }
0x326: {  	v40 =	vpop (erf)  }
0x327: {  	v0 =	vadd.f32 v60, v0;
	v61 =	vpop (erf)  }
0x328: {  	v2 =	vadd.f32 $1.000000000e+00, v61  }
0x329: {  	v0 =	vadd.f32 v6, v0  }
0x32a: {  	(erf) = vrcp.f32 v2  }
0x32b: {  	v0 =	vadd.f32 v54, v0;
	_ =	sdelay $0x1  }
0x32c: {  	v0 =	vsub.f32 $0.0e+00, v0;
	_ =	sdelay $0x1  }
0x32d: {  	v0 =	vmul.f32 $1.442695020e+00, v0;
	_ =	sdelay $0x1  }
0x32e: {  	(erf) = vpow2.f32 v0;
	_ =	sdelay $0x1  }
0x32f: {  	v17 =	vpop (erf)  }
0x330: {  	v0 =	vadd.f32 v17, v17;
	_ =	sdelay $0x1  }
0x331: {  	v0 =	vadd.f32 $-1.000000000e+00, v0;
	_ =	sdelay $0x1  }
0x332: {  	v0 =	vmul.f32 v0, v40;
	_ =	sdelay $0x1  }
0x333: {  	v24 =	vpop (erf);
	v25 =	vmul.f32 $-2.000000000e+00, v0  }
0x334: {  	v1 =	vadd.f32 $1.000000000e+00, v24  }
0x335: {  	v2 =	vmul.f32 $1.442695020e+00, v25  }
0x336: {  	(erf) = vrcp.f32 v1  }
0x337: {  	(erf) = vpow2.f32 v2;
	_ =	sdelay $0x1  }
0x338: {  	v28 =	vld [tilespmem:s18+$0xFFFFF8D0];
	_ =	sdelay $0x1  }
0x339: {  	v33 =	vld [tilespmem:$0x1FE10];
	_ =	sdelay $0x2  }
0x33a: {  	v1 =	vmul.f32 v28, v52  }
0x33b: {  	v17 =	vpop (erf)  }
0x33c: {  	v31 =	vmul.f32 v30, v15;
	v1 =	vadd.f32 v1, v4;
	v4 =	vsub.f32 $0.0e+00, v33;
	v32 =	vpop (erf)  }
0x33d: {  	v34 =	vmul.f32 v27, v50;
	v3 =	vadd.f32 $1.000000000e+00, v32  }
0x33e: {  	v35 =	vadd.f32 v36, v29;
	v36 =	vld [tilespmem:$0x1FE90];
	v1 =	vadd.f32 v31, v1;
	v4 =	vmul.f32 $1.442695020e+00, v4  }
0x33f: {  	(erf) = vrcp.f32 v3  }
0x340: {  	v37 =	vld [tilespmem:$0x1FE40];
	v1 =	vadd.f32 v34, v1;
	(erf) = vpow2.f32 v4;
	_ =	sdelay $0x1  }
0x341: {  	v1 =	vadd.f32 v26, v1  }
0x342: {  	v2 =	vadd.f32 v36, v35  }
0x343: {  	v1 =	vadd.f32 v21, v1  }
0x344: {  	v2 =	vadd.f32 v37, v2  }
0x345: {  	v1 =	vadd.f32 v23, v1  }
0x346: {  	v2 =	vadd.f32 v7, v2  }
0x347: {  	v1 =	vadd.f32 v20, v1;
	v20 =	vpop (erf)  }
0x348: {  	v2 =	vmul.f32 $-2.000000000e+00, v2;
	v38 =	vpop (erf)  }
0x349: {  	v1 =	vadd.f32 v18, v1;
	v3 =	vadd.f32 $1.000000000e+00, v38  }
0x34a: {  	v2 =	vmul.f32 $1.442695020e+00, v2  }
0x34b: {  	v1 =	vadd.f32 v62, v1;
	(erf) = vrcp.f32 v3  }
0x34c: {  	(erf) = vpow2.f32 v2  }
0x34d: {  	v1 =	vadd.f32 v58, v1  }
0x34e: {  	v39 =	vld [tilespmem:$0x1FF80]  }
0x34f: {  	v1 =	vadd.f32 v55, v1;
	_ =	sdelay $0x1  }
0x350: {  	v1 =	vadd.f32 v53, v1  }
0x351: {  	v54 =	vld [tilespmem:$0x1FE70]  }
0x352: {  	v1 =	vadd.f32 v39, v1  }
0x353: {  	v40 =	vpop (erf)  }
0x354: {  	v1 =	vadd.f32 v51, v1;
	v53 =	vpop (erf)  }
0x355: {  	v3 =	vadd.f32 $1.000000000e+00, v53  }
0x356: {  	v1 =	vadd.f32 v54, v1  }
0x357: {  	(erf) = vrcp.f32 v3  }
0x358: {  	v1 =	vadd.f32 v48, v1;
	_ =	sdelay $0x1  }
0x359: {  	v1 =	vsub.f32 $0.0e+00, v1;
	_ =	sdelay $0x1  }
0x35a: {  	v1 =	vmul.f32 $1.442695020e+00, v1;
	_ =	sdelay $0x1  }
0x35b: {  	(erf) = vpow2.f32 v1;
	_ =	sdelay $0x1  }
0x35c: {  	v55 =	vpop (erf)  }
0x35d: {  	v1 =	vadd.f32 v55, v55;
	_ =	sdelay $0x1  }
0x35e: {  	v1 =	vadd.f32 $-1.000000000e+00, v1;
	_ =	sdelay $0x1  }
0x35f: {  	v18 =	vmul.f32 v1, v40;
	_ =	sdelay $0x1  }
0x360: {  	v58 =	vpop (erf);
	v2 =	vmul.f32 $-2.000000000e+00, v18  }
0x361: {  	v1 =	vadd.f32 $1.000000000e+00, v58  }
0x362: {  	v2 =	vmul.f32 $1.442695020e+00, v2  }
0x363: {  	(erf) = vrcp.f32 v1  }
0x364: {  	(erf) = vpow2.f32 v2;
	_ =	sdelay $0x1  }
0x365: {  	v60 =	vld [tilespmem:s18+$0xFFFFF8E0];
	_ =	sdelay $0x1  }
0x366: {  	v61 =	vld [tilespmem:s18+$0xFFFFF9E0];
	_ =	sdelay $0x1  }
0x367: {  	v62 =	vld [tilespmem:s18+$0xFFFFFAE0]  }
0x368: {  	v1 =	vmul.f32 v60, v52  }
0x369: {  	v24 =	vld [tilespmem:s18+$0xFFFFFBE0];
	v21 =	vpop (erf)  }
0x36a: {  	v26 =	vsub.f32 $0.0e+00, v59;
	v32 =	vld [tilespmem:$0x1FF20];
	v1 =	vadd.f32 v1, v5;
	v2 =	vmul.f32 v61, v15;
	v25 =	vpop (erf)  }
0x36b: {  	v27 =	vld [tilespmem:s18+$0xFFFFFCE0];
	v5 =	vadd.f32 $1.000000000e+00, v25  }
0x36c: {  	v35 =	vld [tilespmem:$0x1FEA0];
	v29 =	vmul.f32 $1.442695020e+00, v26;
	v28 =	vmul.f32 v62, v50;
	v1 =	vadd.f32 v2, v1  }
0x36d: {  	v30 =	vld [tilespmem:s18+$0xFFFFFDE0];
	(erf) = vrcp.f32 v5  }
0x36e: {  	v31 =	vmul.f32 v24, v13;
	v37 =	vld [tilespmem:$0x1FE50];
	v1 =	vadd.f32 v28, v1;
	(erf) = vpow2.f32 v29  }
0x36f: {  	v33 =	vld [tilespmem:s18+$0xFFFFFEE0];
	v3 =	vadd.f32 v32, v22  }
0x370: {  	v34 =	vmul.f32 v27, v49;
	v1 =	vadd.f32 v31, v1  }
0x371: {  	v36 =	vld [tilespmem:s18+$0xFFFFFFE0];
	v3 =	vadd.f32 v35, v3  }
0x372: {  	v1 =	vadd.f32 v34, v1;
	v5 =	vmul.f32 v30, v11  }
0x373: {  	v38 =	vld [tilespmem:s18+$0xE0];
	v2 =	vadd.f32 v37, v3  }
0x374: {  	v4 =	vmul.f32 v33, v10;
	v1 =	vadd.f32 v5, v1  }
0x375: {  	v39 =	vld [tilespmem:s18+$0x1E0];
	v2 =	vadd.f32 v12, v2  }
0x376: {  	v6 =	vmul.f32 v36, v47;
	v1 =	vadd.f32 v4, v1;
	v22 =	vpop (erf)  }
0x377: {  	v40 =	vld [tilespmem:s18+$0x2E0];
	v2 =	vmul.f32 $-2.000000000e+00, v2;
	v48 =	vpop (erf)  }
0x378: {  	v3 =	vmul.f32 v38, v8;
	v1 =	vadd.f32 v6, v1;
	v51 =	vadd.f32 $1.000000000e+00, v48  }
0x379: {  	v53 =	vld [tilespmem:s18+$0x3E0];
	v2 =	vmul.f32 $1.442695020e+00, v2  }
0x37a: {  	v54 =	vmul.f32 v39, v46;
	v1 =	vadd.f32 v3, v1;
	(erf) = vrcp.f32 v51  }
0x37b: {  	v55 =	vld [tilespmem:s18+$0x4E0];
	(erf) = vpow2.f32 v2  }
0x37c: {  	v4 =	vmul.f32 v40, v44;
	v1 =	vadd.f32 v54, v1  }
0x37d: {  	v58 =	vld [tilespmem:s18+$0x5E0]  }
0x37e: {  	v59 =	vmul.f32 v53, v45;
	v1 =	vadd.f32 v4, v1  }
0x37f: {  	v60 =	vld [tilespmem:s18+$0x6E0]  }
0x380: {  	v2 =	vmul.f32 v55, v43;
	v1 =	vadd.f32 v59, v1  }
0x381: {  	v61 =	vld [tilespmem:s18+$0x7E0]  }
0x382: {  	v3 =	vmul.f32 v58, v42;
	v1 =	vadd.f32 v2, v1  }
0x383: {  	v62 =	vpop (erf)  }
0x384: {  	v4 =	vmul.f32 v60, v63;
	v1 =	vadd.f32 v3, v1;
	v12 =	vpop (erf)  }
0x385: {  	v3 =	vadd.f32 $1.000000000e+00, v12  }
0x386: {  	v5 =	vmul.f32 v61, v57;
	v1 =	vadd.f32 v4, v1  }
0x387: {  	(erf) = vrcp.f32 v3  }
0x388: {  	v1 =	vadd.f32 v5, v1;
	_ =	sdelay $0x1  }
0x389: {  	v1 =	vsub.f32 $0.0e+00, v1;
	_ =	sdelay $0x1  }
0x38a: {  	v1 =	vmul.f32 $1.442695020e+00, v1;
	_ =	sdelay $0x1  }
0x38b: {  	(erf) = vpow2.f32 v1;
	_ =	sdelay $0x1  }
0x38c: {  	v23 =	vpop (erf)  }
0x38d: {  	v1 =	vadd.f32 v23, v23;
	_ =	sdelay $0x1  }
0x38e: {  	v1 =	vadd.f32 $-1.000000000e+00, v1;
	_ =	sdelay $0x1  }
0x38f: {  	v3 =	vmul.f32 v1, v62;
	_ =	sdelay $0x1  }
0x390: {  	v24 =	vpop (erf);
	v2 =	vmul.f32 $-2.000000000e+00, v3  }
0x391: {  	v1 =	vadd.f32 $1.000000000e+00, v24  }
0x392: {  	v2 =	vmul.f32 $1.442695020e+00, v2  }
0x393: {  	(erf) = vrcp.f32 v1  }
0x394: {  	(erf) = vpow2.f32 v2;
	_ =	sdelay $0x1  }
0x395: {  	v25 =	vld [tilespmem:s18+$0xFFFFF8F0];
	_ =	sdelay $0x1  }
0x396: {  	v26 =	vld [tilespmem:s18+$0xFFFFF9F0];
	_ =	sdelay $0x1  }
0x397: {  	v27 =	vld [tilespmem:s18+$0xFFFFFAF0]  }
0x398: {  	v1 =	vmul.f32 v25, v52  }
0x399: {  	v28 =	vld [tilespmem:s18+$0xFFFFFBF0];
	v6 =	vpop (erf)  }
0x39a: {  	v32 =	vsub.f32 $0.0e+00, v56;
	v38 =	vld [tilespmem:$0x1FF40];
	v1 =	vadd.f32 v1, v9;
	v2 =	vmul.f32 v26, v15;
	v29 =	vpop (erf)  }
0x39b: {  	v33 =	vld [tilespmem:s18+$0xFFFFFCF0];
	v7 =	vadd.f32 $1.000000000e+00, v29  }
0x39c: {  	v35 =	vmul.f32 $1.442695020e+00, v32;
	v34 =	vmul.f32 v27, v50;
	v1 =	vadd.f32 v2, v1  }
0x39d: {  	v36 =	vld [tilespmem:s18+$0xFFFFFDF0];
	(erf) = vrcp.f32 v7  }
0x39e: {  	v37 =	vmul.f32 v28, v13;
	v1 =	vadd.f32 v34, v1;
	(erf) = vpow2.f32 v35  }
0x39f: {  	v39 =	vld [tilespmem:s18+$0xFFFFFEF0];
	v4 =	vadd.f32 v38, v19  }
0x3a0: {  	v40 =	vmul.f32 v33, v49;
	v1 =	vadd.f32 v37, v1  }
0x3a1: {  	v30 =	vmov v11;
	v4 =	vadd.f32 v41, v4;
	v41 =	vld [tilespmem:s18+$0xFFFFFFF0]  }
0x3a2: {  	v48 =	vmul.f32 v36, v30;
	v1 =	vadd.f32 v40, v1  }
0x3a3: {  	v49 =	vld [tilespmem:s18+$0xF0];
	v4 =	vadd.f32 v16, v4  }
0x3a4: {  	v50 =	vmul.f32 v39, v10;
	v1 =	vadd.f32 v48, v1  }
0x3a5: {  	v51 =	vld [tilespmem:s18+$0x1F0];
	v4 =	vadd.f32 v14, v4  }
0x3a6: {  	v52 =	vmul.f32 v41, v47;
	v1 =	vadd.f32 v50, v1;
	v53 =	vpop (erf)  }
0x3a7: {  	v31 =	vmov v8;
	v54 =	vld [tilespmem:s18+$0x2F0];
	v4 =	vmul.f32 $-2.000000000e+00, v4;
	v55 =	vpop (erf)  }
0x3a8: {  	v56 =	vmul.f32 v49, v31;
	v1 =	vadd.f32 v52, v1;
	v58 =	vadd.f32 $1.000000000e+00, v55  }
0x3a9: {  	v59 =	vld [tilespmem:s18+$0x3F0];
	v4 =	vmul.f32 $1.442695020e+00, v4  }
0x3aa: {  	v60 =	vmul.f32 v51, v46;
	v1 =	vadd.f32 v56, v1;
	(erf) = vrcp.f32 v58  }
0x3ab: {  	v61 =	vld [tilespmem:s18+$0x4F0];
	(erf) = vpow2.f32 v4  }
0x3ac: {  	v62 =	vmul.f32 v54, v44;
	v1 =	vadd.f32 v60, v1  }
0x3ad: {  	v9 =	vld [tilespmem:s18+$0x5F0]  }
0x3ae: {  	v10 =	vmul.f32 v59, v45;
	v1 =	vadd.f32 v62, v1  }
0x3af: {  	v11 =	vld [tilespmem:s18+$0x6F0]  }
0x3b0: {  	v12 =	vmul.f32 v61, v43;
	v1 =	vadd.f32 v10, v1  }
0x3b1: {  	v13 =	vld [tilespmem:s18+$0x7F0]  }
0x3b2: {  	v14 =	vmul.f32 v9, v42;
	v1 =	vadd.f32 v12, v1  }
0x3b3: {  	v15 =	vpop (erf)  }
0x3b4: {  	v16 =	vmul.f32 v11, v63;
	v1 =	vadd.f32 v14, v1;
	v19 =	vpop (erf)  }
0x3b5: {  	v7 =	vadd.f32 $1.000000000e+00, v19  }
0x3b6: {  	v23 =	vmul.f32 v13, v57;
	v1 =	vadd.f32 v16, v1  }
0x3b7: {  	(erf) = vrcp.f32 v7  }
0x3b8: {  	v1 =	vadd.f32 v23, v1;
	_ =	sdelay $0x1  }
0x3b9: {  	v1 =	vsub.f32 $0.0e+00, v1;
	_ =	sdelay $0x1  }
0x3ba: {  	v1 =	vmul.f32 $1.442695020e+00, v1;
	_ =	sdelay $0x1  }
0x3bb: {  	(erf) = vpow2.f32 v1;
	_ =	sdelay $0x1  }
0x3bc: {  	v24 =	vpop (erf)  }
0x3bd: {  	v1 =	vadd.f32 v24, v24;
	_ =	sdelay $0x1  }
0x3be: {  	v1 =	vadd.f32 $-1.000000000e+00, v1;
	_ =	sdelay $0x1  }
0x3bf: {  	v25 =	vmul.f32 v1, v15;
	_ =	sdelay $0x1  }
0x3c0: {  	v26 =	vpop (erf);
	v27 =	vmul.f32 $-2.000000000e+00, v25  }
0x3c1: {  	v1 =	vadd.f32 $1.000000000e+00, v26  }
0x3c2: {  	v2 =	vmul.f32 $1.442695020e+00, v27  }
0x3c3: {  	(erf) = vrcp.f32 v1  }
0x3c4: {  	(erf) = vpow2.f32 v2;
	_ =	sdelay $0x7  }
0x3c5: {  	v28 =	vpop (erf)  }
0x3c6: {  	v29 =	vpop (erf)  }
0x3c7: {  	v1 =	vadd.f32 $1.000000000e+00, v29;
	_ =	sdelay $0x1  }
0x3c8: {  	(erf) = vrcp.f32 v1;
	_ =	sdelay $0x6  }
0x3c9: {  	v31 =	vadd.f32 v22, v22  }
0x3ca: {  	v30 =	vadd.f32 v20, v20  }
0x3cb: {  	v33 =	vadd.f32 $-1.000000000e+00, v31;
	[tilespmem:$0x7FC0] =	vst v0;
	v8 =	vadd.f32 v53, v53;
	v34 =	vpop (erf)  }
0x3cc: {  	[tilespmem:$0x7FD0] =	vst v18;
	v1 =	vadd.f32 $-1.000000000e+00, v30;
	v36 =	vadd.f32 v34, v34  }
0x3cd: {  	[tilespmem:$0x7FE0] =	vst v3;
	v35 =	vadd.f32 $-1.000000000e+00, v8;
	v2 =	vmul.f32 v33, v21  }
0x3ce: {  	[tilespmem:$0x7FF0] =	vst v25;
	v32 =	vmul.f32 v1, v17;
	v37 =	vadd.f32 $-1.000000000e+00, v36  }
0x3cf: {  	[tilespmem:$0x7F90] =	vst v2;
	v1 =	vmul.f32 v35, v6  }
0x3d0: {  	[tilespmem:$0x7F80] =	vst v32;
	v0 =	vmul.f32 v37, v28  }
0x3d1: {  	[tilespmem:$0x7FA0] =	vst v1  }
0x3d2: {  	[tilespmem:$0x7FB0] =	vst v0  }
0x3d3: {  	_ =	swait.ge [sflag:s29], $0x400  }
0x3d4: {  	[sflag:s29] =	ssyncset.done $0x0  }
0x3d5: {  	[sflag:s29] =	ssyncadd.s32 $0xFFFFFC00  }
0x3d6: {  	v38 =	vld [tilespmem:$0x7900];
	_ =	sdelay $0x1  }
0x3d7: {  	v39 =	vld [tilespmem:$0x7910]  }
0x3d8: {  	v40 =	vbroadcast v32, $0x0  }
0x3d9: {  	v41 =	vld [tilespmem:$0x7920]  }
0x3da: {  	v42 =	vbroadcast v32, $0x1;
	v3 =	vmul.f32 v38, v40  }
0x3db: {  	v43 =	vld [tilespmem:$0x7930]  }
0x3dc: {  	v44 =	vbroadcast v32, $0x2;
	v4 =	vmul.f32 v39, v42;
	v3 =	vadd.f32 $0.0e+00, v3  }
0x3dd: {  	v45 =	vld [tilespmem:$0x7940]  }
0x3de: {  	v47 =	vbroadcast v32, $0x3;
	v46 =	vmul.f32 v41, v44;
	v3 =	vadd.f32 v4, v3  }
0x3df: {  	v48 =	vld [tilespmem:$0x7950]  }
0x3e0: {  	v50 =	vbroadcast v32, $0x4;
	v49 =	vmul.f32 v43, v47;
	v3 =	vadd.f32 v46, v3  }
0x3e1: {  	v51 =	vld [tilespmem:$0x7960]  }
0x3e2: {  	v53 =	vbroadcast v32, $0x5;
	v52 =	vmul.f32 v45, v50;
	v3 =	vadd.f32 v49, v3  }
0x3e3: {  	v54 =	vld [tilespmem:$0x7970]  }
0x3e4: {  	v56 =	vbroadcast v32, $0x6;
	v55 =	vmul.f32 v48, v53;
	v3 =	vadd.f32 v52, v3  }
0x3e5: {  	v57 =	vld [tilespmem:$0x7980]  }
0x3e6: {  	v59 =	vbroadcast v32, $0x7;
	v58 =	vmul.f32 v51, v56;
	v3 =	vadd.f32 v55, v3  }
0x3e7: {  	v60 =	vld [tilespmem:$0x7990]  }
0x3e8: {  	v62 =	vbroadcast v32, $0x8;
	v61 =	vmul.f32 v54, v59;
	v3 =	vadd.f32 v58, v3  }
0x3e9: {  	v63 =	vld [tilespmem:$0x79A0]  }
0x3ea: {  	v11 =	vbroadcast v32, $0x9;
	v10 =	vmul.f32 v57, v62;
	v3 =	vadd.f32 v61, v3  }
0x3eb: {  	v12 =	vld [tilespmem:$0x79B0]  }
0x3ec: {  	v14 =	vbroadcast v32, $0xA;
	v13 =	vmul.f32 v60, v11;
	v3 =	vadd.f32 v10, v3  }
0x3ed: {  	v15 =	vld [tilespmem:$0x79C0]  }
0x3ee: {  	v17 =	vbroadcast v32, $0xB;
	v16 =	vmul.f32 v63, v14;
	v3 =	vadd.f32 v13, v3  }
0x3ef: {  	v18 =	vld [tilespmem:$0x79D0]  }
0x3f0: {  	v20 =	vbroadcast v32, $0xC;
	v19 =	vmul.f32 v12, v17;
	v3 =	vadd.f32 v16, v3  }
0x3f1: {  	v21 =	vld [tilespmem:$0x79E0]  }
0x3f2: {  	v23 =	vbroadcast v32, $0xD;
	v22 =	vmul.f32 v15, v20;
	v3 =	vadd.f32 v19, v3  }
0x3f3: {  	v24 =	vld [tilespmem:$0x79F0]  }
0x3f4: {  	v26 =	vbroadcast v32, $0xE;
	v25 =	vmul.f32 v18, v23;
	v3 =	vadd.f32 v22, v3  }
0x3f5: {  	v27 =	vld [tilespmem:$0x7A00]  }
0x3f6: {  	v29 =	vbroadcast v32, $0xF;
	v28 =	vmul.f32 v21, v26;
	v3 =	vadd.f32 v25, v3  }
0x3f7: {  	v30 =	vld [tilespmem:$0x7A10]  }
0x3f8: {  	v32 =	vbroadcast v2, $0x0;
	v31 =	vmul.f32 v24, v29;
	v3 =	vadd.f32 v28, v3  }
0x3f9: {  	v33 =	vld [tilespmem:$0x7A20]  }
0x3fa: {  	v35 =	vbroadcast v2, $0x1;
	v34 =	vmul.f32 v27, v32;
	v3 =	vadd.f32 v31, v3  }
0x3fb: {  	v36 =	vld [tilespmem:$0x7A30]  }
0x3fc: {  	v37 =	vmul.f32 v30, v35;
	v38 =	vbroadcast v2, $0x2;
	v3 =	vadd.f32 v34, v3  }
0x3fd: {  	v39 =	vld [tilespmem:$0x7A40]  }
0x3fe: {  	v41 =	vbroadcast v2, $0x3;
	v40 =	vmul.f32 v33, v38;
	v3 =	vadd.f32 v37, v3  }
0x3ff: {  	v42 =	vld [tilespmem:$0x7A50]  }
0x400: {  	v44 =	vbroadcast v2, $0x4;
	v43 =	vmul.f32 v36, v41;
	v3 =	vadd.f32 v40, v3  }
0x401: {  	v45 =	vld [tilespmem:$0x7A60]  }
0x402: {  	v47 =	vbroadcast v2, $0x5;
	v46 =	vmul.f32 v39, v44;
	v3 =	vadd.f32 v43, v3  }
0x403: {  	v48 =	vld [tilespmem:$0x7A70]  }
0x404: {  	v50 =	vbroadcast v2, $0x6;
	v49 =	vmul.f32 v42, v47;
	v3 =	vadd.f32 v46, v3  }
0x405: {  	v51 =	vld [tilespmem:$0x7A80]  }
0x406: {  	v53 =	vbroadcast v2, $0x7;
	v52 =	vmul.f32 v45, v50;
	v3 =	vadd.f32 v49, v3  }
0x407: {  	v54 =	vld [tilespmem:$0x7A90]  }
0x408: {  	v56 =	vbroadcast v2, $0x8;
	v55 =	vmul.f32 v48, v53;
	v3 =	vadd.f32 v52, v3  }
0x409: {  	v57 =	vld [tilespmem:$0x7AA0]  }
0x40a: {  	v59 =	vbroadcast v2, $0x9;
	v58 =	vmul.f32 v51, v56;
	v3 =	vadd.f32 v55, v3  }
0x40b: {  	v60 =	vld [tilespmem:$0x7AB0]  }
0x40c: {  	v62 =	vbroadcast v2, $0xA;
	v61 =	vmul.f32 v54, v59;
	v3 =	vadd.f32 v58, v3  }
0x40d: {  	v63 =	vld [tilespmem:$0x7AC0]  }
0x40e: {  	v12 =	vmul.f32 v57, v62;
	v13 =	vbroadcast v2, $0xB;
	v3 =	vadd.f32 v61, v3  }
0x40f: {  	v14 =	vld [tilespmem:$0x7AD0]  }
0x410: {  	v15 =	vmul.f32 v60, v13;
	v16 =	vbroadcast v2, $0xC;
	v3 =	vadd.f32 v12, v3  }
0x411: {  	v17 =	vld [tilespmem:$0x7AE0]  }
0x412: {  	v18 =	vmul.f32 v63, v16;
	v19 =	vbroadcast v2, $0xD;
	v3 =	vadd.f32 v15, v3  }
0x413: {  	v20 =	vld [tilespmem:$0x7AF0]  }
0x414: {  	v21 =	vmul.f32 v14, v19;
	v22 =	vbroadcast v2, $0xE;
	v3 =	vadd.f32 v18, v3  }
0x415: {  	v23 =	vld [tilespmem:$0x7B00]  }
0x416: {  	v2 =	vbroadcast v2, $0xF;
	v24 =	vmul.f32 v17, v22;
	v3 =	vadd.f32 v21, v3  }
0x417: {  	v25 =	vld [tilespmem:$0x7B10]  }
0x418: {  	v26 =	vbroadcast v1, $0x0;
	v2 =	vmul.f32 v20, v2;
	v3 =	vadd.f32 v24, v3  }
0x419: {  	v27 =	vld [tilespmem:$0x7B20]  }
0x41a: {  	v29 =	vbroadcast v1, $0x1;
	v28 =	vmul.f32 v23, v26;
	v2 =	vadd.f32 v2, v3  }
0x41b: {  	v30 =	vld [tilespmem:$0x7B30]  }
0x41c: {  	v32 =	vbroadcast v1, $0x2;
	v31 =	vmul.f32 v25, v29;
	v2 =	vadd.f32 v28, v2  }
0x41d: {  	v33 =	vld [tilespmem:$0x7B40]  }
0x41e: {  	v35 =	vbroadcast v1, $0x3;
	v34 =	vmul.f32 v27, v32;
	v2 =	vadd.f32 v31, v2  }
0x41f: {  	v36 =	vld [tilespmem:$0x7B50]  }
0x420: {  	v38 =	vbroadcast v1, $0x4;
	v37 =	vmul.f32 v30, v35;
	v2 =	vadd.f32 v34, v2  }
0x421: {  	v39 =	vld [tilespmem:$0x7B60]  }
0x422: {  	v41 =	vbroadcast v1, $0x5;
	v40 =	vmul.f32 v33, v38;
	v2 =	vadd.f32 v37, v2  }
0x423: {  	v42 =	vld [tilespmem:$0x7B70]  }
0x424: {  	v44 =	vbroadcast v1, $0x6;
	v43 =	vmul.f32 v36, v41;
	v2 =	vadd.f32 v40, v2  }
0x425: {  	v45 =	vld [tilespmem:$0x7B80]  }
0x426: {  	v47 =	vbroadcast v1, $0x7;
	v46 =	vmul.f32 v39, v44;
	v2 =	vadd.f32 v43, v2  }
0x427: {  	v48 =	vld [tilespmem:$0x7B90]  }
0x428: {  	v50 =	vbroadcast v1, $0x8;
	v49 =	vmul.f32 v42, v47;
	v2 =	vadd.f32 v46, v2  }
0x429: {  	v51 =	vld [tilespmem:$0x7BA0]  }
0x42a: {  	v53 =	vbroadcast v1, $0x9;
	v52 =	vmul.f32 v45, v50;
	v2 =	vadd.f32 v49, v2  }
0x42b: {  	v54 =	vld [tilespmem:$0x7BB0]  }
0x42c: {  	v56 =	vbroadcast v1, $0xA;
	v55 =	vmul.f32 v48, v53;
	v2 =	vadd.f32 v52, v2  }
0x42d: {  	v57 =	vld [tilespmem:$0x7BC0]  }
0x42e: {  	v59 =	vbroadcast v1, $0xB;
	v58 =	vmul.f32 v51, v56;
	v2 =	vadd.f32 v55, v2  }
0x42f: {  	v60 =	vld [tilespmem:$0x7BD0]  }
0x430: {  	v62 =	vbroadcast v1, $0xC;
	v61 =	vmul.f32 v54, v59;
	v2 =	vadd.f32 v58, v2  }
0x431: {  	v63 =	vld [tilespmem:$0x7BE0]  }
0x432: {  	v9 =	vmul.f32 v57, v62;
	v10 =	vbroadcast v1, $0xD;
	v2 =	vadd.f32 v61, v2  }
0x433: {  	v11 =	vld [tilespmem:$0x7BF0]  }
0x434: {  	v13 =	vbroadcast v1, $0xE;
	v12 =	vmul.f32 v60, v10;
	v2 =	vadd.f32 v9, v2  }
0x435: {  	v14 =	vld [tilespmem:$0x7C00]  }
0x436: {  	v1 =	vbroadcast v1, $0xF;
	v15 =	vmul.f32 v63, v13;
	v2 =	vadd.f32 v12, v2  }
0x437: {  	v16 =	vld [tilespmem:$0x7C10]  }
0x438: {  	v1 =	vmul.f32 v11, v1;
	v17 =	vbroadcast v0, $0x0;
	v2 =	vadd.f32 v15, v2  }
0x439: {  	v18 =	vld [tilespmem:$0x7C20]  }
0x43a: {  	v20 =	vbroadcast v0, $0x1;
	v19 =	vmul.f32 v14, v17;
	v1 =	vadd.f32 v1, v2  }
0x43b: {  	v21 =	vld [tilespmem:$0x7C30]  }
0x43c: {  	v22 =	vmul.f32 v16, v20;
	v23 =	vbroadcast v0, $0x2;
	v1 =	vadd.f32 v19, v1  }
0x43d: {  	v24 =	vld [tilespmem:$0x7C40]  }
0x43e: {  	v26 =	vbroadcast v0, $0x3;
	v25 =	vmul.f32 v18, v23;
	v1 =	vadd.f32 v22, v1  }
0x43f: {  	v27 =	vld [tilespmem:$0x7C50]  }
0x440: {  	v29 =	vbroadcast v0, $0x4;
	v28 =	vmul.f32 v21, v26;
	v1 =	vadd.f32 v25, v1  }
0x441: {  	v30 =	vld [tilespmem:$0x7C60]  }
0x442: {  	v32 =	vbroadcast v0, $0x5;
	v31 =	vmul.f32 v24, v29;
	v1 =	vadd.f32 v28, v1  }
0x443: {  	v33 =	vld [tilespmem:$0x7C70]  }
0x444: {  	v35 =	vbroadcast v0, $0x6;
	v34 =	vmul.f32 v27, v32;
	v1 =	vadd.f32 v31, v1  }
0x445: {  	v36 =	vld [tilespmem:$0x7C80]  }
0x446: {  	v38 =	vbroadcast v0, $0x7;
	v37 =	vmul.f32 v30, v35;
	v1 =	vadd.f32 v34, v1  }
0x447: {  	v39 =	vld [tilespmem:$0x7C90]  }
0x448: {  	v41 =	vbroadcast v0, $0x8;
	v40 =	vmul.f32 v33, v38;
	v1 =	vadd.f32 v37, v1  }
0x449: {  	v42 =	vld [tilespmem:$0x7CA0]  }
0x44a: {  	v44 =	vbroadcast v0, $0x9;
	v43 =	vmul.f32 v36, v41;
	v1 =	vadd.f32 v40, v1  }
0x44b: {  	v45 =	vld [tilespmem:$0x7CB0]  }
0x44c: {  	v47 =	vbroadcast v0, $0xA;
	v46 =	vmul.f32 v39, v44;
	v1 =	vadd.f32 v43, v1  }
0x44d: {  	v48 =	vld [tilespmem:$0x7CC0]  }
0x44e: {  	v50 =	vbroadcast v0, $0xB;
	v49 =	vmul.f32 v42, v47;
	v1 =	vadd.f32 v46, v1  }
0x44f: {  	v51 =	vld [tilespmem:$0x7CD0]  }
0x450: {  	v53 =	vbroadcast v0, $0xC;
	v52 =	vmul.f32 v45, v50;
	v1 =	vadd.f32 v49, v1  }
0x451: {  	v54 =	vld [tilespmem:$0x7CE0]  }
0x452: {  	v56 =	vbroadcast v0, $0xD;
	v55 =	vmul.f32 v48, v53;
	v1 =	vadd.f32 v52, v1  }
0x453: {  	v57 =	vld [tilespmem:$0x7CF0]  }
0x454: {  	v59 =	vbroadcast v0, $0xE;
	v58 =	vmul.f32 v51, v56;
	v1 =	vadd.f32 v55, v1;
	_ =	sdelay $0x1  }
0x455: {  	v0 =	vbroadcast v0, $0xF;
	v60 =	vmul.f32 v54, v59;
	v1 =	vadd.f32 v58, v1;
	_ =	sdelay $0x1  }
0x456: {  	v0 =	vmul.f32 v57, v0;
	v1 =	vadd.f32 v60, v1;
	_ =	sdelay $0x1  }
0x457: {  	v0 =	vadd.f32 v0, v1;
	_ =	sdelay $0x1  }
0x458: {  	(v2sf) =	vpush v0, $0x0  }
0x459: {  	(v2sf) =	vpush v0, $0x1  }
0x45a: {  	(v2sf) =	vpush v0, $0x2  }
0x45b: {  	(v2sf) =	vpush v0, $0x3  }
0x45c: {  	(v2sf) =	vpush v0, $0x4  }
0x45d: {  	(v2sf) =	vpush v0, $0x5  }
0x45e: {  	(v2sf) =	vpush v0, $0x6  }
0x45f: {  	(v2sf) =	vpush v0, $0x7;
	_ =	sdelay $0x7  }
0x460: {  	s18 =	spop (v2sf)  }
0x461: {  	s19 =	spop (v2sf)  }
0x462: {  	s20 =	spop (v2sf);
	s18 =	smax.f32 s18, s19  }
0x463: {  	s19 =	spop (v2sf);
	s18 =	smax.f32 s18, s20  }
0x464: {  	s20 =	spop (v2sf);
	s18 =	smax.f32 s18, s19  }
0x465: {  	s19 =	spop (v2sf);
	s18 =	smax.f32 s18, s20  }
0x466: {  	s20 =	spop (v2sf);
	s18 =	smax.f32 s18, s19  }
0x467: {  	s19 =	spop (v2sf);
	s18 =	smax.f32 s18, s20  }
0x468: {  	s18 =	smax.f32 s18, s19  }
0x469: {  	v61 =	vmov s18  }
0x46a: {  	v1 =	vsub.f32 v0, v61;
	_ =	sdelay $0x1  }
0x46b: {  	v1 =	vmul.f32 $1.442695020e+00, v1;
	_ =	sdelay $0x1  }
0x46c: {  	(erf) = vpow2.f32 v1;
	_ =	sdelay $0x8  }
0x46d: {  	v1 =	vpop (erf)  }
0x46e: {  	(v2sf) =	vpush v1, $0x0  }
0x46f: {  	(v2sf) =	vpush v1, $0x1;
	_ =	sdelay $0x1  }
0x470: {  	(v2sf) =	vpush v1, $0x2;
	_ =	sdelay $0x1  }
0x471: {  	(v2sf) =	vpush v1, $0x3;
	_ =	sdelay $0x1  }
0x472: {  	(v2sf) =	vpush v1, $0x4;
	_ =	sdelay $0x1  }
0x473: {  	(v2sf) =	vpush v1, $0x5;
	_ =	sdelay $0x1  }
0x474: {  	(v2sf) =	vpush v1, $0x6;
	_ =	sdelay $0x1  }
0x475: {  	(v2sf) =	vpush v1, $0x7;
	_ =	sdelay $0x1  }
0x476: {  	s19 =	spop (v2sf)  }
0x477: {  	s20 =	spop (v2sf)  }
0x478: {  	s18 =	sadd.f32 s20, s19  }
0x479: {  	s20 =	spop (v2sf)  }
0x47a: {  	s18 =	sadd.f32 s18, s20  }
0x47b: {  	s20 =	spop (v2sf)  }
0x47c: {  	s18 =	sadd.f32 s18, s20  }
0x47d: {  	s20 =	spop (v2sf)  }
0x47e: {  	s18 =	sadd.f32 s18, s20  }
0x47f: {  	s20 =	spop (v2sf)  }
0x480: {  	s18 =	sadd.f32 s18, s20  }
0x481: {  	s20 =	spop (v2sf)  }
0x482: {  	s18 =	sadd.f32 s18, s20  }
0x483: {  	s20 =	spop (v2sf)  }
0x484: {  	s18 =	sadd.f32 s18, s20;
	_ =	sdelay $0x1  }
0x485: {  	v62 =	vmov s18  }
0x486: {  	(erf) = vrcp.f32 v62;
	_ =	sdelay $0x3  }
0x487: {  	v63 =	vimm.f32 $0.0e+00  }
0x488: {  	[tilespmem:$0x7F20] =	vst v63  }
0x489: {  	[tilespmem:$0x7F30] =	vst v63  }
0x48a: {  	[tilespmem:$0x7F40] =	vst v63  }
0x48b: {  	[tilespmem:$0x7F50] =	vst v63  }
0x48c: {  	[tilespmem:$0x7F60] =	vst v63;
	v2 =	vpop (erf)  }
0x48d: {  	[tilespmem:$0x7F70] =	vst v63;
	v1 =	vmul.f32 v2, v1  }
0x48e: {  	[tilespmem:$0x7F00] =	vst v0  }
0x48f: {  	[tilespmem:$0x7F10] =	vst v1  }
0x490: {  	[hbm4b:s8+s4] =	stream.linear.scatter [tilespmem:s30], [sflag:$0x7], $0x80, $0x38;
	[tilespmem:$0x8000] =	vst v63  }
0x491: {  	s17 =	sadd.s32 $0x1, s17  }
0x492: {  	[hbm4b:s9+s4] =	stream.linear.scatter [tilespmem:s31], [sflag:$0x8], $0x80, $0x38;
	[tilespmem:$0x8000] =	vst v63  }
0x493: {  	p0 =	sne.s32 s17, s14;
	_ =	swait.ge [sflag:s0], $0x80  }
.Ltmp3:
0x494: {  	[sflag:s0] =	ssyncset.done $0x0;
	(pc) =	sbr.rel @p0 .LBB2_2-.Ltmp3, $4  }
0x495: {  	[sflag:s0] =	ssyncadd.s32 $0xFFFFFF80  }
0x496: {  	_ =	swait.ge [sflag:s3], $0x80  }
0x497: {  	[sflag:s3] =	ssyncset.done $0x0  }
0x498: {  	[sflag:s3] =	ssyncadd.s32 $0xFFFFFF80  }
.LBB2_7:
0x499: {  	_ =	sfence.sel $0x180000  }
0x49a: {  	[bflag:$0x0] =	sbarrier.arrive $0xFFFF  }
0x49b: {  	_ =	strace $0x90000047  }
0x49c: {  	s0 =	stileid.u32;
	[bflag:$0x2] =	sbarrier.arrive $0xFFFF  }
0x49d: {  	p0 =	sne.s32 s0, $0x0;
	s0 =	rddreg [dreg:$0x4]  }
0x49e: {  	s0 =	sadd.s32 @!p0 $0x100000, s0  }
0x49f: {  	[sflag:s0] =	ssyncadd.tile.s32 @!p0 $0x1;
	_ =	shalt  }
.Lfunc_end2:
_tile_overlayer_lowered:
.L_overlay_start_2:
0x4a0: {  	(tag) =	ssettag $0x2  }
0x4a1: {  	s0 =	rddreg [dreg:$0x0];
	s2 =	stileid.u32  }
0x4a2: {  	s1 =	rddreg [dreg:$0x1];
	p0 =	sne.s32 s2, $0x0  }
0x4a3: {  	s3 =	rddreg [dreg:$0x2];
	[bflag:$0x3] =	sbarrier.arrive $0xFFFF;
	s2 =	simm.s32 @!p0 $0x1C0B  }
0x4a4: {  	[timem:s3], [sflag:s2] =	dma.local @!p0 [hbm:s0], s1  }
0x4a5: {  	s0 =	simm.s32 @!p0 $0xB  }
0x4a6: {  	_ =	swait.ge @!p0 [sflag:s0], s1  }
0x4a7: {  	s1 =	ssub.s32 @!p0 $0x0, s1;
	[sflag:s0] =	ssyncset.done @!p0 $0x0  }
0x4a8: {  	[sflag:s0] =	ssyncadd.s32 @!p0 s1  }
0x4a9: {  	[bflag:$0x3] =	sbarrier.arrive $0xFFFF  }
0x4aa: {  	_ =	shalt  }

</sc_bundles>
